<compile_context>
chip_gen: v7x
topology: tpu7x:2x2x1
jax: 0.10.2.dev20260603
libtpu: 0.0.44.dev20260713+nightly
codegen_flags: <defaults>
</compile_context>

<pallas_src>
import jax
import jax.numpy as jnp
from jax import lax
from jax.experimental import pallas as pl
from jax.experimental.pallas import tpu as pltpu
from jax.experimental.pallas import tpu_sc as plsc

SEQ = 200
DIM = 32
NUM_CORES = 2
NUM_SUBCORES = 16
NUM_WORKERS = NUM_CORES * NUM_SUBCORES
BCHUNK = 128
NBUF = 4


def _pe_table():
    pos = jnp.arange(SEQ, dtype=jnp.float32)[:, None]
    j = jnp.arange(DIM, dtype=jnp.float32)[None, :]
    angle = pos / (10000.0 ** (j / float(DIM)))
    even = (jnp.arange(DIM)[None, :] % 2) == 0
    return jnp.where(even, jnp.sin(angle), jnp.cos(angle)).astype(jnp.float32)


def _sc_body(x_hbm, pe_hbm, table_hbm, out_hbm, idx_v, pe_v, rows_g,
             *rest):
    rows_o = rest[:NBUF]
    sem_g = rest[NBUF:2 * NBUF]
    sem_s = rest[2 * NBUF:]
    wid = lax.axis_index("s") * NUM_CORES + lax.axis_index("c")
    n_outer = SEQ // NBUF
    i16 = lax.iota(jnp.int32, 16)
    tr_lo = i16 // 8
    tr_hi = tr_lo + 2
    r_j = i16 % 8

    pltpu.sync_copy(x_hbm.at[pl.ds(0, SEQ // 8), wid], idx_v)
    pltpu.sync_copy(pe_hbm, pe_v)

    def gather_copy(s, b):
        return pltpu.make_async_copy(
            table_hbm.at[idx_v.at[s // 8, s % 8]], rows_g.at[b], sem_g[b])

    def store_copies(s, b):
        return [
            pltpu.make_async_copy(
                rows_o[b].at[tr, pl.ds(0, 8), pl.ds(0, BCHUNK)],
                out_hbm.at[s, tr, wid], sem_s[b])
            for tr in range(4)
        ]

    for b in range(NBUF):
        gather_copy(b, b).start()

    def outer_body(k, carry):
        for b in range(NBUF):
            s = k * NBUF + b
            gather_copy(s, b).wait()

            @pl.when(k > 0)
            def _wait_store():
                for c in store_copies(s, b):
                    c.wait()

            def col_body(c, c_vec):
                lo = rows_g[b, c, 0:16] + pe_v[s, 0:16]
                hi = rows_g[b, c, 16:32] + pe_v[s, 16:32]
                plsc.store_scatter(rows_o[b], [tr_lo, r_j, c_vec], lo)
                plsc.store_scatter(rows_o[b], [tr_hi, r_j, c_vec], hi)
                return c_vec + 1

            lax.fori_loop(0, BCHUNK, col_body, i16 * 0, unroll=8)

            for c in store_copies(s, b):
                c.start()

            @pl.when(k < n_outer - 1)
            def _next_gather():
                gather_copy(s + NBUF, b).start()
        return carry

    lax.fori_loop(0, n_outer, outer_body, 0)

    for b in range(NBUF):
        s = (n_outer - 1) * NBUF + b
        for c in store_copies(s, b):
            c.wait()


@jax.jit
def kernel(x, table):
    batch, seq = x.shape
    pe = _pe_table()
    x5d = (x.T.reshape(seq // 8, 8, batch // 128, 128)
           .transpose(0, 2, 1, 3))
    mesh = plsc.VectorSubcoreMesh(
        core_axis_name="c", subcore_axis_name="s",
        num_cores=NUM_CORES, num_subcores=NUM_SUBCORES)
    run = pl.kernel(
        _sc_body,
        out_type=jax.ShapeDtypeStruct((seq, DIM // 8, batch // 128, 8, 128),
                                      jnp.float32),
        mesh=mesh,
        scratch_types=[
            pltpu.VMEM((seq // 8, 8, BCHUNK), jnp.int32),
            pltpu.VMEM((SEQ, DIM), jnp.float32),
            pltpu.VMEM((NBUF, BCHUNK, DIM), jnp.float32),
        ] + [pltpu.VMEM((DIM // 8, 8, BCHUNK + 1), jnp.float32)] * NBUF
          + [pltpu.SemaphoreType.DMA] * (2 * NBUF),
        compiler_params=pltpu.CompilerParams(use_tc_tiling_on_sc=False,
                                             needs_layout_passes=False),
    )
    out5d = run(x5d, pe, table)
    return out5d.transpose(2, 4, 0, 1, 3).reshape(batch, seq, DIM)

# --- scband reference (transcript-rebuilt; emitter-appended) ---
"""Pipeline reference for scband-position-embedding-2482491097808 (READ-ONLY COPY).

The authoritative reference and input builder live on the scoring server;
editing this copy changes nothing except your own understanding.
"""

import jax, jax.numpy as jnp
import numpy as np

SEQ_LEN = 200
NUM_EMB = 1000000
EMB_DIM = 32
BATCH = 4096

def _make_pe():
    # Faithful to the torch double loop: pe[pos, j] = sin(pos / 10000**(j/d)) if j even else cos(pos / 10000**(j/d))
    pos = jnp.arange(SEQ_LEN, dtype=jnp.float32)[:, None]
    j = jnp.arange(EMB_DIM, dtype=jnp.float32)[None, :]
    angle = pos / (10000.0 ** (j / float(EMB_DIM)))
    even = (jnp.arange(EMB_DIM)[None, :] % 2) == 0
    pe = jnp.where(even, jnp.sin(angle), jnp.cos(angle))
    return pe[None, :, :]  # [1, seq_len, d]

def setup_inputs(seed: int = 0) -> dict:
    key = jax.random.key(seed)
    k1, k2 = jax.random.split(key)
    x = jax.random.randint(k1, (BATCH, SEQ_LEN), 0, NUM_EMB, dtype=jnp.int32)
    table = jax.random.normal(k2, (NUM_EMB, EMB_DIM), dtype=jnp.float32) * 0.1
    return {"x": x, "table": table}

def reference(x, table):
    pe = _make_pe()
    embed = jnp.take(table, x, axis=0)  # [B, seq_len, d] gather
    return embed + pe

if __name__ == "__main__":
    import jax
    _d = setup_inputs()
    print(jax.jit(kernel)(*tuple(_d.values())))

</pallas_src>

<mosaic_0001>
#map = affine_map<(d0, d1) -> (0, 0, 0, 0)>
#map1 = affine_map<(d0, d1) -> (0, 0)>
#map2 = affine_map<(d0, d1) -> (0, 0, 0, 0, 0)>
module attributes {stable_mosaic.version = 14 : i64} {
  func.func @_sc_body(%arg0: i32, %arg1: i32, %arg2: memref<25x32x8x128xi32, #tpu.memory_space<hbm>>, %arg3: memref<200x32xf32, #tpu.memory_space<hbm>>, %arg4: memref<1000000x32xf32, #tpu.memory_space<hbm>>, %arg5: memref<200x4x32x8x128xf32, #tpu.memory_space<hbm>>, %arg6: memref<25x8x128xi32, #tpu.memory_space<vmem>>, %arg7: memref<200x32xf32, #tpu.memory_space<vmem>>, %arg8: memref<4x128x32xf32, #tpu.memory_space<vmem>>, %arg9: memref<4x8x129xf32, #tpu.memory_space<vmem>>, %arg10: memref<4x8x129xf32, #tpu.memory_space<vmem>>, %arg11: memref<4x8x129xf32, #tpu.memory_space<vmem>>, %arg12: memref<4x8x129xf32, #tpu.memory_space<vmem>>, %arg13: memref<!tpu.dma_semaphore, #tpu.memory_space<semaphore_mem>>, %arg14: memref<!tpu.dma_semaphore, #tpu.memory_space<semaphore_mem>>, %arg15: memref<!tpu.dma_semaphore, #tpu.memory_space<semaphore_mem>>, %arg16: memref<!tpu.dma_semaphore, #tpu.memory_space<semaphore_mem>>, %arg17: memref<!tpu.dma_semaphore, #tpu.memory_space<semaphore_mem>>, %arg18: memref<!tpu.dma_semaphore, #tpu.memory_space<semaphore_mem>>, %arg19: memref<!tpu.dma_semaphore, #tpu.memory_space<semaphore_mem>>, %arg20: memref<!tpu.dma_semaphore, #tpu.memory_space<semaphore_mem>>) attributes {dimension_semantics = [#tpu.dimension_semantics<core_parallel>, #tpu.dimension_semantics<subcore_parallel>], iteration_bounds = array<i64: 2, 16>, scalar_prefetch = 0 : i64, scratch_operands = 15 : i64, tpu.core_type = #tpu.core_type<sc_vector_subcore>, window_params = [{transform_indices = #map}, {transform_indices = #map1}, {transform_indices = #map1}, {transform_indices = #map2}]} {
    %mul3A = arith.constant 2 : i32
    %mul3A_0 = arith.muli %arg1, %mul3A : i32
    %add3A = arith.addi %mul3A_0, %arg0 : i32
    %iota3A = tpu.iota {dimensions = array<i32: 0>} : vector<16xi32>
    %jit3A = arith.constant 8 : i32
    %div3A = vector.broadcast %jit3A : i32 to vector<16xi32>
    %div3A_1 = arith.divsi %iota3A, %div3A : vector<16xi32>
    %sign3A = arith.constant 0 : i32
    %sign3A_2 = vector.broadcast %sign3A : i32 to vector<16xi32>
    %sign3A_3 = arith.cmpi sgt, %iota3A, %sign3A_2 : vector<16xi32>
    %sign3A_4 = arith.extui %sign3A_3 : vector<16xi1> to vector<16xi32>
    %sign3A_5 = arith.constant 0 : i32
    %sign3A_6 = vector.broadcast %sign3A_5 : i32 to vector<16xi32>
    %sign3A_7 = arith.cmpi slt, %iota3A, %sign3A_6 : vector<16xi32>
    %sign3A_8 = arith.extui %sign3A_7 : vector<16xi1> to vector<16xi32>
    %sign3A_9 = arith.subi %sign3A_4, %sign3A_8 : vector<16xi32>
    %sign3A_10 = arith.constant 0 : i32
    %sign3A_11 = arith.cmpi sgt, %jit3A, %sign3A_10 : i32
    %sign3A_12 = arith.extui %sign3A_11 : i1 to i32
    %sign3A_13 = arith.constant 0 : i32
    %sign3A_14 = arith.cmpi slt, %jit3A, %sign3A_13 : i32
    %sign3A_15 = arith.extui %sign3A_14 : i1 to i32
    %sign3A_16 = arith.subi %sign3A_12, %sign3A_15 : i32
    %ne3A = vector.broadcast %sign3A_16 : i32 to vector<16xi32>
    %ne3A_17 = arith.cmpi ne, %sign3A_9, %ne3A : vector<16xi32>
    %rem3A = vector.broadcast %jit3A : i32 to vector<16xi32>
    %rem3A_18 = arith.remsi %iota3A, %rem3A : vector<16xi32>
    %ne3A_19 = arith.constant 0 : i32
    %ne3A_20 = vector.broadcast %ne3A_19 : i32 to vector<16xi32>
    %ne3A_21 = arith.cmpi ne, %rem3A_18, %ne3A_20 : vector<16xi32>
    %and3A = arith.andi %ne3A_17, %ne3A_21 : vector<16xi1>
    %sub3A = arith.constant 1 : i32
    %sub3A_22 = vector.broadcast %sub3A : i32 to vector<16xi32>
    %sub3A_23 = arith.subi %div3A_1, %sub3A_22 : vector<16xi32>
    %select_n3A = arith.select %and3A, %sub3A_23, %div3A_1 : vector<16xi1>, vector<16xi32>
    %add3A_24 = arith.constant 2 : i32
    %add3A_25 = vector.broadcast %add3A_24 : i32 to vector<16xi32>
    %add3A_26 = arith.addi %select_n3A, %add3A_25 : vector<16xi32>
    %jit3A_27 = arith.constant 8 : i32
    %eq3A = arith.constant 0 : i32
    %eq3A_28 = arith.cmpi eq, %jit3A_27, %eq3A : i32
    %jit3A_29 = arith.constant 1 : i32
    %select_n3A_30 = arith.select %eq3A_28, %jit3A_29, %jit3A_27 : i32
    %rem3A_31 = vector.broadcast %select_n3A_30 : i32 to vector<16xi32>
    %rem3A_32 = arith.remsi %iota3A, %rem3A_31 : vector<16xi32>
    %ne3A_33 = arith.constant 0 : i32
    %ne3A_34 = vector.broadcast %ne3A_33 : i32 to vector<16xi32>
    %ne3A_35 = arith.cmpi ne, %rem3A_32, %ne3A_34 : vector<16xi32>
    %lt3A = arith.constant 0 : i32
    %lt3A_36 = vector.broadcast %lt3A : i32 to vector<16xi32>
    %lt3A_37 = arith.cmpi slt, %rem3A_32, %lt3A_36 : vector<16xi32>
    %lt3A_38 = arith.constant 0 : i32
    %lt3A_39 = arith.cmpi slt, %select_n3A_30, %lt3A_38 : i32
    %ne3A_40 = vector.broadcast %lt3A_39 : i1 to vector<16xi1>
    %ne3A_41 = vector.broadcast %ne3A_40 : vector<16xi1> to vector<16xi1>
    %ne3A_42 = arith.xori %lt3A_37, %ne3A_41 : vector<16xi1>
    %and3A_43 = arith.andi %ne3A_42, %ne3A_35 : vector<16xi1>
    %add3A_44 = vector.broadcast %select_n3A_30 : i32 to vector<16xi32>
    %add3A_45 = arith.addi %rem3A_32, %add3A_44 : vector<16xi32>
    %select_n3A_46 = arith.select %and3A_43, %add3A_45, %rem3A_32 : vector<16xi1>, vector<16xi32>
    "tpu.region"() ({
      %run_scoped3A = tpu.sem_alloc : memref<!tpu.dma_semaphore, #tpu.memory_space<semaphore_mem>>
      %dma_start3A_406 = arith.constant 0 : i32
      %dma_start3A_407 = arith.constant 0 : i32
      %dma_start3A_408 = arith.constant 0 : i32
      %dma_start3A_409 = tpu.memref_slice %arg2[%dma_start3A_406, %add3A, %dma_start3A_407, %dma_start3A_408] : memref<25x32x8x128xi32, #tpu.memory_space<hbm>> -> memref<25x1x8x128xi32, #tpu.memory_space<hbm>>
      %dma_start3A_410 = tpu.memref_squeeze %dma_start3A_409 : memref<25x1x8x128xi32, #tpu.memory_space<hbm>> -> memref<25x8x128xi32, #tpu.memory_space<hbm>>
      %dma_start3A_411 = arith.constant 0 : i32
      %dma_start3A_412 = arith.constant 0 : i32
      %dma_start3A_413 = arith.constant 0 : i32
      %dma_start3A_414 = tpu.memref_slice %arg2[%dma_start3A_411, %add3A, %dma_start3A_412, %dma_start3A_413] : memref<25x32x8x128xi32, #tpu.memory_space<hbm>> -> memref<25x1x8x128xi32, #tpu.memory_space<hbm>>
      %dma_start3A_415 = tpu.memref_squeeze %dma_start3A_414 : memref<25x1x8x128xi32, #tpu.memory_space<hbm>> -> memref<25x8x128xi32, #tpu.memory_space<hbm>>
      tpu.enqueue_dma source(%dma_start3A_415 : memref<25x8x128xi32, #tpu.memory_space<hbm>>) target(%arg6 : memref<25x8x128xi32, #tpu.memory_space<vmem>>) target_semaphore(%run_scoped3A : memref<!tpu.dma_semaphore, #tpu.memory_space<semaphore_mem>>)
      %dma_wait3A_416 = arith.constant 0 : i32
      %dma_wait3A_417 = arith.constant 0 : i32
      %dma_wait3A_418 = arith.constant 0 : i32
      %dma_wait3A_419 = tpu.memref_slice %arg2[%dma_wait3A_416, %add3A, %dma_wait3A_417, %dma_wait3A_418] : memref<25x32x8x128xi32, #tpu.memory_space<hbm>> -> memref<25x1x8x128xi32, #tpu.memory_space<hbm>>
      %dma_wait3A_420 = tpu.memref_squeeze %dma_wait3A_419 : memref<25x1x8x128xi32, #tpu.memory_space<hbm>> -> memref<25x8x128xi32, #tpu.memory_space<hbm>>
      %dma_wait3A_421 = arith.constant 0 : i32
      %dma_wait3A_422 = arith.constant 0 : i32
      %dma_wait3A_423 = arith.constant 0 : i32
      %dma_wait3A_424 = tpu.memref_slice %arg2[%dma_wait3A_421, %add3A, %dma_wait3A_422, %dma_wait3A_423] : memref<25x32x8x128xi32, #tpu.memory_space<hbm>> -> memref<25x1x8x128xi32, #tpu.memory_space<hbm>>
      %dma_wait3A_425 = tpu.memref_squeeze %dma_wait3A_424 : memref<25x1x8x128xi32, #tpu.memory_space<hbm>> -> memref<25x8x128xi32, #tpu.memory_space<hbm>>
      tpu.wait_dma2 semaphore(%run_scoped3A : memref<!tpu.dma_semaphore, #tpu.memory_space<semaphore_mem>>) src(%dma_wait3A_425 : memref<25x8x128xi32, #tpu.memory_space<hbm>>) dst(%arg6 : memref<25x8x128xi32, #tpu.memory_space<vmem>>)
      tpu.yield
    }) : () -> ()
    "tpu.region"() ({
      %run_scoped3A = tpu.sem_alloc : memref<!tpu.dma_semaphore, #tpu.memory_space<semaphore_mem>>
      tpu.enqueue_dma source(%arg3 : memref<200x32xf32, #tpu.memory_space<hbm>>) target(%arg7 : memref<200x32xf32, #tpu.memory_space<vmem>>) target_semaphore(%run_scoped3A : memref<!tpu.dma_semaphore, #tpu.memory_space<semaphore_mem>>)
      tpu.wait_dma2 semaphore(%run_scoped3A : memref<!tpu.dma_semaphore, #tpu.memory_space<semaphore_mem>>) src(%arg3 : memref<200x32xf32, #tpu.memory_space<hbm>>) dst(%arg7 : memref<200x32xf32, #tpu.memory_space<vmem>>)
      tpu.yield
    }) : () -> ()
    %dma_start3A = arith.constant 0 : i32
    %dma_start3A_47 = arith.constant 0 : i32
    %dma_start3A_48 = arith.constant 0 : i32
    %dma_start3A_49 = arith.constant 0 : i32
    %dma_start3A_50 = arith.constant 0 : i32
    %dma_start3A_51 = tpu.memref_slice %arg8[%dma_start3A_48, %dma_start3A_49, %dma_start3A_50] : memref<4x128x32xf32, #tpu.memory_space<vmem>> -> memref<1x128x32xf32, #tpu.memory_space<vmem>>
    %dma_start3A_52 = tpu.memref_squeeze %dma_start3A_51 : memref<1x128x32xf32, #tpu.memory_space<vmem>> -> memref<128x32xf32, #tpu.memory_space<vmem>>
    %dma_start3A_53 = arith.constant 0 : i32
    %dma_start3A_54 = tpu.memref_slice %arg6[%dma_start3A, %dma_start3A_47, %dma_start3A_53] : memref<25x8x128xi32, #tpu.memory_space<vmem>> -> memref<1x1x128xi32, #tpu.memory_space<vmem>>
    %dma_start3A_55 = tpu.memref_squeeze %dma_start3A_54 : memref<1x1x128xi32, #tpu.memory_space<vmem>> -> memref<128xi32, #tpu.memory_space<vmem>>
    %dma_start3A_56 = arith.constant 0 : i32
    %dma_start3A_57 = arith.constant 0 : i32
    %dma_start3A_58 = tpu.memref_slice %arg4[%dma_start3A_56, %dma_start3A_57] : memref<1000000x32xf32, #tpu.memory_space<hbm>> -> memref<1000000x32xf32, #tpu.memory_space<hbm>>
    tpu.enqueue_indirect_dma source(%dma_start3A_58 : memref<1000000x32xf32, #tpu.memory_space<hbm>>) target(%dma_start3A_52 : memref<128x32xf32, #tpu.memory_space<vmem>>) offsets(%dma_start3A_55 : memref<128xi32, #tpu.memory_space<vmem>>) semaphore(%arg13 : memref<!tpu.dma_semaphore, #tpu.memory_space<semaphore_mem>>)
    %dma_start3A_59 = arith.constant 0 : i32
    %dma_start3A_60 = arith.constant 1 : i32
    %dma_start3A_61 = arith.constant 1 : i32
    %dma_start3A_62 = arith.constant 0 : i32
    %dma_start3A_63 = arith.constant 0 : i32
    %dma_start3A_64 = tpu.memref_slice %arg8[%dma_start3A_61, %dma_start3A_62, %dma_start3A_63] : memref<4x128x32xf32, #tpu.memory_space<vmem>> -> memref<1x128x32xf32, #tpu.memory_space<vmem>>
    %dma_start3A_65 = tpu.memref_squeeze %dma_start3A_64 : memref<1x128x32xf32, #tpu.memory_space<vmem>> -> memref<128x32xf32, #tpu.memory_space<vmem>>
    %dma_start3A_66 = arith.constant 0 : i32
    %dma_start3A_67 = tpu.memref_slice %arg6[%dma_start3A_59, %dma_start3A_60, %dma_start3A_66] : memref<25x8x128xi32, #tpu.memory_space<vmem>> -> memref<1x1x128xi32, #tpu.memory_space<vmem>>
    %dma_start3A_68 = tpu.memref_squeeze %dma_start3A_67 : memref<1x1x128xi32, #tpu.memory_space<vmem>> -> memref<128xi32, #tpu.memory_space<vmem>>
    %dma_start3A_69 = arith.constant 0 : i32
    %dma_start3A_70 = arith.constant 0 : i32
    %dma_start3A_71 = tpu.memref_slice %arg4[%dma_start3A_69, %dma_start3A_70] : memref<1000000x32xf32, #tpu.memory_space<hbm>> -> memref<1000000x32xf32, #tpu.memory_space<hbm>>
    tpu.enqueue_indirect_dma source(%dma_start3A_71 : memref<1000000x32xf32, #tpu.memory_space<hbm>>) target(%dma_start3A_65 : memref<128x32xf32, #tpu.memory_space<vmem>>) offsets(%dma_start3A_68 : memref<128xi32, #tpu.memory_space<vmem>>) semaphore(%arg14 : memref<!tpu.dma_semaphore, #tpu.memory_space<semaphore_mem>>)
    %dma_start3A_72 = arith.constant 0 : i32
    %dma_start3A_73 = arith.constant 2 : i32
    %dma_start3A_74 = arith.constant 2 : i32
    %dma_start3A_75 = arith.constant 0 : i32
    %dma_start3A_76 = arith.constant 0 : i32
    %dma_start3A_77 = tpu.memref_slice %arg8[%dma_start3A_74, %dma_start3A_75, %dma_start3A_76] : memref<4x128x32xf32, #tpu.memory_space<vmem>> -> memref<1x128x32xf32, #tpu.memory_space<vmem>>
    %dma_start3A_78 = tpu.memref_squeeze %dma_start3A_77 : memref<1x128x32xf32, #tpu.memory_space<vmem>> -> memref<128x32xf32, #tpu.memory_space<vmem>>
    %dma_start3A_79 = arith.constant 0 : i32
    %dma_start3A_80 = tpu.memref_slice %arg6[%dma_start3A_72, %dma_start3A_73, %dma_start3A_79] : memref<25x8x128xi32, #tpu.memory_space<vmem>> -> memref<1x1x128xi32, #tpu.memory_space<vmem>>
    %dma_start3A_81 = tpu.memref_squeeze %dma_start3A_80 : memref<1x1x128xi32, #tpu.memory_space<vmem>> -> memref<128xi32, #tpu.memory_space<vmem>>
    %dma_start3A_82 = arith.constant 0 : i32
    %dma_start3A_83 = arith.constant 0 : i32
    %dma_start3A_84 = tpu.memref_slice %arg4[%dma_start3A_82, %dma_start3A_83] : memref<1000000x32xf32, #tpu.memory_space<hbm>> -> memref<1000000x32xf32, #tpu.memory_space<hbm>>
    tpu.enqueue_indirect_dma source(%dma_start3A_84 : memref<1000000x32xf32, #tpu.memory_space<hbm>>) target(%dma_start3A_78 : memref<128x32xf32, #tpu.memory_space<vmem>>) offsets(%dma_start3A_81 : memref<128xi32, #tpu.memory_space<vmem>>) semaphore(%arg15 : memref<!tpu.dma_semaphore, #tpu.memory_space<semaphore_mem>>)
    %dma_start3A_85 = arith.constant 0 : i32
    %dma_start3A_86 = arith.constant 3 : i32
    %dma_start3A_87 = arith.constant 3 : i32
    %dma_start3A_88 = arith.constant 0 : i32
    %dma_start3A_89 = arith.constant 0 : i32
    %dma_start3A_90 = tpu.memref_slice %arg8[%dma_start3A_87, %dma_start3A_88, %dma_start3A_89] : memref<4x128x32xf32, #tpu.memory_space<vmem>> -> memref<1x128x32xf32, #tpu.memory_space<vmem>>
    %dma_start3A_91 = tpu.memref_squeeze %dma_start3A_90 : memref<1x128x32xf32, #tpu.memory_space<vmem>> -> memref<128x32xf32, #tpu.memory_space<vmem>>
    %dma_start3A_92 = arith.constant 0 : i32
    %dma_start3A_93 = tpu.memref_slice %arg6[%dma_start3A_85, %dma_start3A_86, %dma_start3A_92] : memref<25x8x128xi32, #tpu.memory_space<vmem>> -> memref<1x1x128xi32, #tpu.memory_space<vmem>>
    %dma_start3A_94 = tpu.memref_squeeze %dma_start3A_93 : memref<1x1x128xi32, #tpu.memory_space<vmem>> -> memref<128xi32, #tpu.memory_space<vmem>>
    %dma_start3A_95 = arith.constant 0 : i32
    %dma_start3A_96 = arith.constant 0 : i32
    %dma_start3A_97 = tpu.memref_slice %arg4[%dma_start3A_95, %dma_start3A_96] : memref<1000000x32xf32, #tpu.memory_space<hbm>> -> memref<1000000x32xf32, #tpu.memory_space<hbm>>
    tpu.enqueue_indirect_dma source(%dma_start3A_97 : memref<1000000x32xf32, #tpu.memory_space<hbm>>) target(%dma_start3A_91 : memref<128x32xf32, #tpu.memory_space<vmem>>) offsets(%dma_start3A_94 : memref<128xi32, #tpu.memory_space<vmem>>) semaphore(%arg16 : memref<!tpu.dma_semaphore, #tpu.memory_space<semaphore_mem>>)
    %scan3A = arith.constant 0 : i32
    %scan3A_98 = arith.constant 0 : i32
    %scan3A_99 = arith.constant 50 : i32
    %scan3A_100 = arith.addi %scan3A_98, %scan3A_99 : i32
    %scan3A_101 = arith.constant 1 : i32
    scf.for %scan3A_406 = %scan3A_98 to %scan3A_100 step %scan3A_101  : i32 {
      %mul3A_407 = arith.constant 4 : i32
      %mul3A_408 = arith.muli %scan3A_406, %mul3A_407 : i32
      %add3A_409 = arith.constant 0 : i32
      %add3A_410 = arith.addi %mul3A_408, %add3A_409 : i32
      %jit3A_411 = arith.constant 8 : i32
      %div3A_412 = arith.divsi %add3A_410, %jit3A_411 : i32
      %sign3A_413 = arith.constant 0 : i32
      %sign3A_414 = arith.cmpi sgt, %add3A_410, %sign3A_413 : i32
      %sign3A_415 = arith.extui %sign3A_414 : i1 to i32
      %sign3A_416 = arith.constant 0 : i32
      %sign3A_417 = arith.cmpi slt, %add3A_410, %sign3A_416 : i32
      %sign3A_418 = arith.extui %sign3A_417 : i1 to i32
      %sign3A_419 = arith.subi %sign3A_415, %sign3A_418 : i32
      %sign3A_420 = arith.constant 0 : i32
      %sign3A_421 = arith.cmpi sgt, %jit3A_411, %sign3A_420 : i32
      %sign3A_422 = arith.extui %sign3A_421 : i1 to i32
      %sign3A_423 = arith.constant 0 : i32
      %sign3A_424 = arith.cmpi slt, %jit3A_411, %sign3A_423 : i32
      %sign3A_425 = arith.extui %sign3A_424 : i1 to i32
      %sign3A_426 = arith.subi %sign3A_422, %sign3A_425 : i32
      %ne3A_427 = arith.cmpi ne, %sign3A_419, %sign3A_426 : i32
      %rem3A_428 = arith.remsi %add3A_410, %jit3A_411 : i32
      %ne3A_429 = arith.constant 0 : i32
      %ne3A_430 = arith.cmpi ne, %rem3A_428, %ne3A_429 : i32
      %and3A_431 = arith.andi %ne3A_427, %ne3A_430 : i1
      %sub3A_432 = arith.constant 1 : i32
      %sub3A_433 = arith.subi %div3A_412, %sub3A_432 : i32
      %select_n3A_434 = arith.select %and3A_431, %sub3A_433, %div3A_412 : i32
      %jit3A_435 = arith.constant 8 : i32
      %eq3A_436 = arith.constant 0 : i32
      %eq3A_437 = arith.cmpi eq, %jit3A_435, %eq3A_436 : i32
      %jit3A_438 = arith.constant 1 : i32
      %select_n3A_439 = arith.select %eq3A_437, %jit3A_438, %jit3A_435 : i32
      %rem3A_440 = arith.remsi %add3A_410, %select_n3A_439 : i32
      %ne3A_441 = arith.constant 0 : i32
      %ne3A_442 = arith.cmpi ne, %rem3A_440, %ne3A_441 : i32
      %lt3A_443 = arith.constant 0 : i32
      %lt3A_444 = arith.cmpi slt, %rem3A_440, %lt3A_443 : i32
      %lt3A_445 = arith.constant 0 : i32
      %lt3A_446 = arith.cmpi slt, %select_n3A_439, %lt3A_445 : i32
      %ne3A_447 = arith.xori %lt3A_444, %lt3A_446 : i1
      %and3A_448 = arith.andi %ne3A_447, %ne3A_442 : i1
      %add3A_449 = arith.addi %rem3A_440, %select_n3A_439 : i32
      %select_n3A_450 = arith.select %and3A_448, %add3A_449, %rem3A_440 : i32
      %dma_wait3A_451 = arith.constant 0 : i32
      %dma_wait3A_452 = arith.constant 0 : i32
      %dma_wait3A_453 = arith.constant 0 : i32
      %dma_wait3A_454 = tpu.memref_slice %arg8[%dma_wait3A_451, %dma_wait3A_452, %dma_wait3A_453] : memref<4x128x32xf32, #tpu.memory_space<vmem>> -> memref<1x128x32xf32, #tpu.memory_space<vmem>>
      %dma_wait3A_455 = tpu.memref_squeeze %dma_wait3A_454 : memref<1x128x32xf32, #tpu.memory_space<vmem>> -> memref<128x32xf32, #tpu.memory_space<vmem>>
      %dma_wait3A_456 = arith.constant 0 : i32
      %dma_wait3A_457 = tpu.memref_slice %arg6[%select_n3A_434, %select_n3A_450, %dma_wait3A_456] : memref<25x8x128xi32, #tpu.memory_space<vmem>> -> memref<1x1x128xi32, #tpu.memory_space<vmem>>
      %dma_wait3A_458 = tpu.memref_squeeze %dma_wait3A_457 : memref<1x1x128xi32, #tpu.memory_space<vmem>> -> memref<128xi32, #tpu.memory_space<vmem>>
      %dma_wait3A_459 = arith.constant 0 : i32
      %dma_wait3A_460 = arith.constant 0 : i32
      %dma_wait3A_461 = tpu.memref_slice %arg4[%dma_wait3A_459, %dma_wait3A_460] : memref<1000000x32xf32, #tpu.memory_space<hbm>> -> memref<1000000x32xf32, #tpu.memory_space<hbm>>
      tpu.wait_indirect_dma semaphore(%arg13 : memref<!tpu.dma_semaphore, #tpu.memory_space<semaphore_mem>>) src(%dma_wait3A_461 : memref<1000000x32xf32, #tpu.memory_space<hbm>>) dst(%dma_wait3A_455 : memref<128x32xf32, #tpu.memory_space<vmem>>)
      %gt3A = arith.constant 0 : i32
      %gt3A_462 = arith.cmpi sgt, %scan3A_406, %gt3A : i32
      %convert_element_type3A = arith.extui %gt3A_462 : i1 to i32
      %cond3A = arith.constant 0 : i32
      %cond3A_463 = arith.cmpi ne, %convert_element_type3A, %cond3A : i32
      scf.if %cond3A_463 {
        %dma_wait3A_988 = arith.constant 0 : i32
        %dma_wait3A_989 = arith.constant 0 : i32
        %dma_wait3A_990 = arith.constant 0 : i32
        %dma_wait3A_991 = arith.constant 0 : i32
        %dma_wait3A_992 = tpu.memref_slice %arg9[%dma_wait3A_988, %dma_wait3A_990, %dma_wait3A_991] : memref<4x8x129xf32, #tpu.memory_space<vmem>> -> memref<1x8x128xf32, #tpu.memory_space<vmem>>
        %dma_wait3A_993 = tpu.memref_squeeze %dma_wait3A_992 : memref<1x8x128xf32, #tpu.memory_space<vmem>> -> memref<8x128xf32, #tpu.memory_space<vmem>>
        %dma_wait3A_994 = arith.constant 0 : i32
        %dma_wait3A_995 = arith.constant 0 : i32
        %dma_wait3A_996 = tpu.memref_slice %arg5[%add3A_410, %dma_wait3A_989, %add3A, %dma_wait3A_994, %dma_wait3A_995] : memref<200x4x32x8x128xf32, #tpu.memory_space<hbm>> -> memref<1x1x1x8x128xf32, #tpu.memory_space<hbm>>
        %dma_wait3A_997 = tpu.memref_squeeze %dma_wait3A_996 : memref<1x1x1x8x128xf32, #tpu.memory_space<hbm>> -> memref<8x128xf32, #tpu.memory_space<hbm>>
        %dma_wait3A_998 = arith.constant 0 : i32
        %dma_wait3A_999 = arith.constant 0 : i32
        %dma_wait3A_1000 = tpu.memref_slice %arg5[%add3A_410, %dma_wait3A_989, %add3A, %dma_wait3A_998, %dma_wait3A_999] : memref<200x4x32x8x128xf32, #tpu.memory_space<hbm>> -> memref<1x1x1x8x128xf32, #tpu.memory_space<hbm>>
        %dma_wait3A_1001 = tpu.memref_squeeze %dma_wait3A_1000 : memref<1x1x1x8x128xf32, #tpu.memory_space<hbm>> -> memref<8x128xf32, #tpu.memory_space<hbm>>
        %dma_wait3A_1002 = arith.constant 0 : i32
        %dma_wait3A_1003 = arith.constant 0 : i32
        %dma_wait3A_1004 = tpu.memref_slice %arg9[%dma_wait3A_988, %dma_wait3A_1002, %dma_wait3A_1003] : memref<4x8x129xf32, #tpu.memory_space<vmem>> -> memref<1x8x128xf32, #tpu.memory_space<vmem>>
        %dma_wait3A_1005 = tpu.memref_squeeze %dma_wait3A_1004 : memref<1x8x128xf32, #tpu.memory_space<vmem>> -> memref<8x128xf32, #tpu.memory_space<vmem>>
        tpu.wait_dma2 semaphore(%arg17 : memref<!tpu.dma_semaphore, #tpu.memory_space<semaphore_mem>>) src(%dma_wait3A_1005 : memref<8x128xf32, #tpu.memory_space<vmem>>) dst(%dma_wait3A_1001 : memref<8x128xf32, #tpu.memory_space<hbm>>)
        %dma_wait3A_1006 = arith.constant 1 : i32
        %dma_wait3A_1007 = arith.constant 1 : i32
        %dma_wait3A_1008 = arith.constant 0 : i32
        %dma_wait3A_1009 = arith.constant 0 : i32
        %dma_wait3A_1010 = tpu.memref_slice %arg9[%dma_wait3A_1006, %dma_wait3A_1008, %dma_wait3A_1009] : memref<4x8x129xf32, #tpu.memory_space<vmem>> -> memref<1x8x128xf32, #tpu.memory_space<vmem>>
        %dma_wait3A_1011 = tpu.memref_squeeze %dma_wait3A_1010 : memref<1x8x128xf32, #tpu.memory_space<vmem>> -> memref<8x128xf32, #tpu.memory_space<vmem>>
        %dma_wait3A_1012 = arith.constant 0 : i32
        %dma_wait3A_1013 = arith.constant 0 : i32
        %dma_wait3A_1014 = tpu.memref_slice %arg5[%add3A_410, %dma_wait3A_1007, %add3A, %dma_wait3A_1012, %dma_wait3A_1013] : memref<200x4x32x8x128xf32, #tpu.memory_space<hbm>> -> memref<1x1x1x8x128xf32, #tpu.memory_space<hbm>>
        %dma_wait3A_1015 = tpu.memref_squeeze %dma_wait3A_1014 : memref<1x1x1x8x128xf32, #tpu.memory_space<hbm>> -> memref<8x128xf32, #tpu.memory_space<hbm>>
        %dma_wait3A_1016 = arith.constant 0 : i32
        %dma_wait3A_1017 = arith.constant 0 : i32
        %dma_wait3A_1018 = tpu.memref_slice %arg5[%add3A_410, %dma_wait3A_1007, %add3A, %dma_wait3A_1016, %dma_wait3A_1017] : memref<200x4x32x8x128xf32, #tpu.memory_space<hbm>> -> memref<1x1x1x8x128xf32, #tpu.memory_space<hbm>>
        %dma_wait3A_1019 = tpu.memref_squeeze %dma_wait3A_1018 : memref<1x1x1x8x128xf32, #tpu.memory_space<hbm>> -> memref<8x128xf32, #tpu.memory_space<hbm>>
        %dma_wait3A_1020 = arith.constant 0 : i32
        %dma_wait3A_1021 = arith.constant 0 : i32
        %dma_wait3A_1022 = tpu.memref_slice %arg9[%dma_wait3A_1006, %dma_wait3A_1020, %dma_wait3A_1021] : memref<4x8x129xf32, #tpu.memory_space<vmem>> -> memref<1x8x128xf32, #tpu.memory_space<vmem>>
        %dma_wait3A_1023 = tpu.memref_squeeze %dma_wait3A_1022 : memref<1x8x128xf32, #tpu.memory_space<vmem>> -> memref<8x128xf32, #tpu.memory_space<vmem>>
        tpu.wait_dma2 semaphore(%arg17 : memref<!tpu.dma_semaphore, #tpu.memory_space<semaphore_mem>>) src(%dma_wait3A_1023 : memref<8x128xf32, #tpu.memory_space<vmem>>) dst(%dma_wait3A_1019 : memref<8x128xf32, #tpu.memory_space<hbm>>)
        %dma_wait3A_1024 = arith.constant 2 : i32
        %dma_wait3A_1025 = arith.constant 2 : i32
        %dma_wait3A_1026 = arith.constant 0 : i32
        %dma_wait3A_1027 = arith.constant 0 : i32
        %dma_wait3A_1028 = tpu.memref_slice %arg9[%dma_wait3A_1024, %dma_wait3A_1026, %dma_wait3A_1027] : memref<4x8x129xf32, #tpu.memory_space<vmem>> -> memref<1x8x128xf32, #tpu.memory_space<vmem>>
        %dma_wait3A_1029 = tpu.memref_squeeze %dma_wait3A_1028 : memref<1x8x128xf32, #tpu.memory_space<vmem>> -> memref<8x128xf32, #tpu.memory_space<vmem>>
        %dma_wait3A_1030 = arith.constant 0 : i32
        %dma_wait3A_1031 = arith.constant 0 : i32
        %dma_wait3A_1032 = tpu.memref_slice %arg5[%add3A_410, %dma_wait3A_1025, %add3A, %dma_wait3A_1030, %dma_wait3A_1031] : memref<200x4x32x8x128xf32, #tpu.memory_space<hbm>> -> memref<1x1x1x8x128xf32, #tpu.memory_space<hbm>>
        %dma_wait3A_1033 = tpu.memref_squeeze %dma_wait3A_1032 : memref<1x1x1x8x128xf32, #tpu.memory_space<hbm>> -> memref<8x128xf32, #tpu.memory_space<hbm>>
        %dma_wait3A_1034 = arith.constant 0 : i32
        %dma_wait3A_1035 = arith.constant 0 : i32
        %dma_wait3A_1036 = tpu.memref_slice %arg5[%add3A_410, %dma_wait3A_1025, %add3A, %dma_wait3A_1034, %dma_wait3A_1035] : memref<200x4x32x8x128xf32, #tpu.memory_space<hbm>> -> memref<1x1x1x8x128xf32, #tpu.memory_space<hbm>>
        %dma_wait3A_1037 = tpu.memref_squeeze %dma_wait3A_1036 : memref<1x1x1x8x128xf32, #tpu.memory_space<hbm>> -> memref<8x128xf32, #tpu.memory_space<hbm>>
        %dma_wait3A_1038 = arith.constant 0 : i32
        %dma_wait3A_1039 = arith.constant 0 : i32
        %dma_wait3A_1040 = tpu.memref_slice %arg9[%dma_wait3A_1024, %dma_wait3A_1038, %dma_wait3A_1039] : memref<4x8x129xf32, #tpu.memory_space<vmem>> -> memref<1x8x128xf32, #tpu.memory_space<vmem>>
        %dma_wait3A_1041 = tpu.memref_squeeze %dma_wait3A_1040 : memref<1x8x128xf32, #tpu.memory_space<vmem>> -> memref<8x128xf32, #tpu.memory_space<vmem>>
        tpu.wait_dma2 semaphore(%arg17 : memref<!tpu.dma_semaphore, #tpu.memory_space<semaphore_mem>>) src(%dma_wait3A_1041 : memref<8x128xf32, #tpu.memory_space<vmem>>) dst(%dma_wait3A_1037 : memref<8x128xf32, #tpu.memory_space<hbm>>)
        %dma_wait3A_1042 = arith.constant 3 : i32
        %dma_wait3A_1043 = arith.constant 3 : i32
        %dma_wait3A_1044 = arith.constant 0 : i32
        %dma_wait3A_1045 = arith.constant 0 : i32
        %dma_wait3A_1046 = tpu.memref_slice %arg9[%dma_wait3A_1042, %dma_wait3A_1044, %dma_wait3A_1045] : memref<4x8x129xf32, #tpu.memory_space<vmem>> -> memref<1x8x128xf32, #tpu.memory_space<vmem>>
        %dma_wait3A_1047 = tpu.memref_squeeze %dma_wait3A_1046 : memref<1x8x128xf32, #tpu.memory_space<vmem>> -> memref<8x128xf32, #tpu.memory_space<vmem>>
        %dma_wait3A_1048 = arith.constant 0 : i32
        %dma_wait3A_1049 = arith.constant 0 : i32
        %dma_wait3A_1050 = tpu.memref_slice %arg5[%add3A_410, %dma_wait3A_1043, %add3A, %dma_wait3A_1048, %dma_wait3A_1049] : memref<200x4x32x8x128xf32, #tpu.memory_space<hbm>> -> memref<1x1x1x8x128xf32, #tpu.memory_space<hbm>>
        %dma_wait3A_1051 = tpu.memref_squeeze %dma_wait3A_1050 : memref<1x1x1x8x128xf32, #tpu.memory_space<hbm>> -> memref<8x128xf32, #tpu.memory_space<hbm>>
        %dma_wait3A_1052 = arith.constant 0 : i32
        %dma_wait3A_1053 = arith.constant 0 : i32
        %dma_wait3A_1054 = tpu.memref_slice %arg5[%add3A_410, %dma_wait3A_1043, %add3A, %dma_wait3A_1052, %dma_wait3A_1053] : memref<200x4x32x8x128xf32, #tpu.memory_space<hbm>> -> memref<1x1x1x8x128xf32, #tpu.memory_space<hbm>>
        %dma_wait3A_1055 = tpu.memref_squeeze %dma_wait3A_1054 : memref<1x1x1x8x128xf32, #tpu.memory_space<hbm>> -> memref<8x128xf32, #tpu.memory_space<hbm>>
        %dma_wait3A_1056 = arith.constant 0 : i32
        %dma_wait3A_1057 = arith.constant 0 : i32
        %dma_wait3A_1058 = tpu.memref_slice %arg9[%dma_wait3A_1042, %dma_wait3A_1056, %dma_wait3A_1057] : memref<4x8x129xf32, #tpu.memory_space<vmem>> -> memref<1x8x128xf32, #tpu.memory_space<vmem>>
        %dma_wait3A_1059 = tpu.memref_squeeze %dma_wait3A_1058 : memref<1x8x128xf32, #tpu.memory_space<vmem>> -> memref<8x128xf32, #tpu.memory_space<vmem>>
        tpu.wait_dma2 semaphore(%arg17 : memref<!tpu.dma_semaphore, #tpu.memory_space<semaphore_mem>>) src(%dma_wait3A_1059 : memref<8x128xf32, #tpu.memory_space<vmem>>) dst(%dma_wait3A_1055 : memref<8x128xf32, #tpu.memory_space<hbm>>)
      } else {
      }
      %mul3A_464 = arith.constant 0 : i32
      %mul3A_465 = vector.broadcast %mul3A_464 : i32 to vector<16xi32>
      %mul3A_466 = arith.muli %iota3A, %mul3A_465 : vector<16xi32>
      %scan3A_467 = arith.constant 0 : i32
      %scan3A_468 = arith.constant 128 : i32
      %scan3A_469 = arith.addi %scan3A_467, %scan3A_468 : i32
      %scan3A_470 = arith.constant 8 : i32
      %scan3A_471 = scf.for %scan3A_988 = %scan3A_467 to %scan3A_469 step %scan3A_470 iter_args(%scan3A_989 = %mul3A_466) -> (vector<16xi32>)  : i32 {
        %get3A = arith.constant 0 : i32
        %get3A_990 = arith.index_cast %get3A : i32 to index
        %get3A_991 = arith.index_cast %scan3A_988 : i32 to index
        %get3A_992 = arith.constant 0 : index
        %get3A_993 = tpu.vector_load %arg8[%get3A_990, %get3A_991, %get3A_992] {strides = array<i32>} : memref<4x128x32xf32, #tpu.memory_space<vmem>>, vector<16xf32>,
        %get3A_994 = arith.index_cast %add3A_410 : i32 to index
        %get3A_995 = arith.constant 0 : index
        %get3A_996 = tpu.vector_load %arg7[%get3A_994, %get3A_995] {strides = array<i32>} : memref<200x32xf32, #tpu.memory_space<vmem>>, vector<16xf32>,
        %add3A_997 = arith.addf %get3A_993, %get3A_996 : vector<16xf32>
        %get3A_998 = arith.constant 0 : i32
        %get3A_999 = arith.index_cast %get3A_998 : i32 to index
        %get3A_1000 = arith.index_cast %scan3A_988 : i32 to index
        %get3A_1001 = arith.constant 16 : index
        %get3A_1002 = tpu.vector_load %arg8[%get3A_999, %get3A_1000, %get3A_1001] {strides = array<i32>} : memref<4x128x32xf32, #tpu.memory_space<vmem>>, vector<16xf32>,
        %get3A_1003 = arith.index_cast %add3A_410 : i32 to index
        %get3A_1004 = arith.constant 16 : index
        %get3A_1005 = tpu.vector_load %arg7[%get3A_1003, %get3A_1004] {strides = array<i32>} : memref<200x32xf32, #tpu.memory_space<vmem>>, vector<16xf32>,
        %add3A_1006 = arith.addf %get3A_1002, %get3A_1005 : vector<16xf32>
        tpu.vector_store_idx %arg9[%select_n3A, %select_n3A_46, %scan3A_989], %add3A_997 : memref<4x8x129xf32, #tpu.memory_space<vmem>>[vector<16xi32>, vector<16xi32>, vector<16xi32>], vector<16xf32>,
        tpu.vector_store_idx %arg9[%add3A_26, %select_n3A_46, %scan3A_989], %add3A_1006 : memref<4x8x129xf32, #tpu.memory_space<vmem>>[vector<16xi32>, vector<16xi32>, vector<16xi32>], vector<16xf32>,
        %add3A_1007 = arith.constant 1 : i32
        %add3A_1008 = vector.broadcast %add3A_1007 : i32 to vector<16xi32>
        %add3A_1009 = arith.addi %scan3A_989, %add3A_1008 : vector<16xi32>
        %scan3A_1010 = arith.constant 1 : i32
        %scan3A_1011 = arith.addi %scan3A_988, %scan3A_1010 : i32
        %get3A_1012 = arith.constant 0 : i32
        %get3A_1013 = arith.index_cast %get3A_1012 : i32 to index
        %get3A_1014 = arith.index_cast %scan3A_1011 : i32 to index
        %get3A_1015 = arith.constant 0 : index
        %get3A_1016 = tpu.vector_load %arg8[%get3A_1013, %get3A_1014, %get3A_1015] {strides = array<i32>} : memref<4x128x32xf32, #tpu.memory_space<vmem>>, vector<16xf32>,
        %get3A_1017 = arith.index_cast %add3A_410 : i32 to index
        %get3A_1018 = arith.constant 0 : index
        %get3A_1019 = tpu.vector_load %arg7[%get3A_1017, %get3A_1018] {strides = array<i32>} : memref<200x32xf32, #tpu.memory_space<vmem>>, vector<16xf32>,
        %add3A_1020 = arith.addf %get3A_1016, %get3A_1019 : vector<16xf32>
        %get3A_1021 = arith.constant 0 : i32
        %get3A_1022 = arith.index_cast %get3A_1021 : i32 to index
        %get3A_1023 = arith.index_cast %scan3A_1011 : i32 to index
        %get3A_1024 = arith.constant 16 : index
        %get3A_1025 = tpu.vector_load %arg8[%get3A_1022, %get3A_1023, %get3A_1024] {strides = array<i32>} : memref<4x128x32xf32, #tpu.memory_space<vmem>>, vector<16xf32>,
        %get3A_1026 = arith.index_cast %add3A_410 : i32 to index
        %get3A_1027 = arith.constant 16 : index
        %get3A_1028 = tpu.vector_load %arg7[%get3A_1026, %get3A_1027] {strides = array<i32>} : memref<200x32xf32, #tpu.memory_space<vmem>>, vector<16xf32>,
        %add3A_1029 = arith.addf %get3A_1025, %get3A_1028 : vector<16xf32>
        tpu.vector_store_idx %arg9[%select_n3A, %select_n3A_46, %add3A_1009], %add3A_1020 : memref<4x8x129xf32, #tpu.memory_space<vmem>>[vector<16xi32>, vector<16xi32>, vector<16xi32>], vector<16xf32>,
        tpu.vector_store_idx %arg9[%add3A_26, %select_n3A_46, %add3A_1009], %add3A_1029 : memref<4x8x129xf32, #tpu.memory_space<vmem>>[vector<16xi32>, vector<16xi32>, vector<16xi32>], vector<16xf32>,
        %add3A_1030 = arith.constant 1 : i32
        %add3A_1031 = vector.broadcast %add3A_1030 : i32 to vector<16xi32>
        %add3A_1032 = arith.addi %add3A_1009, %add3A_1031 : vector<16xi32>
        %scan3A_1033 = arith.constant 2 : i32
        %scan3A_1034 = arith.addi %scan3A_988, %scan3A_1033 : i32
        %get3A_1035 = arith.constant 0 : i32
        %get3A_1036 = arith.index_cast %get3A_1035 : i32 to index
        %get3A_1037 = arith.index_cast %scan3A_1034 : i32 to index
        %get3A_1038 = arith.constant 0 : index
        %get3A_1039 = tpu.vector_load %arg8[%get3A_1036, %get3A_1037, %get3A_1038] {strides = array<i32>} : memref<4x128x32xf32, #tpu.memory_space<vmem>>, vector<16xf32>,
        %get3A_1040 = arith.index_cast %add3A_410 : i32 to index
        %get3A_1041 = arith.constant 0 : index
        %get3A_1042 = tpu.vector_load %arg7[%get3A_1040, %get3A_1041] {strides = array<i32>} : memref<200x32xf32, #tpu.memory_space<vmem>>, vector<16xf32>,
        %add3A_1043 = arith.addf %get3A_1039, %get3A_1042 : vector<16xf32>
        %get3A_1044 = arith.constant 0 : i32
        %get3A_1045 = arith.index_cast %get3A_1044 : i32 to index
        %get3A_1046 = arith.index_cast %scan3A_1034 : i32 to index
        %get3A_1047 = arith.constant 16 : index
        %get3A_1048 = tpu.vector_load %arg8[%get3A_1045, %get3A_1046, %get3A_1047] {strides = array<i32>} : memref<4x128x32xf32, #tpu.memory_space<vmem>>, vector<16xf32>,
        %get3A_1049 = arith.index_cast %add3A_410 : i32 to index
        %get3A_1050 = arith.constant 16 : index
        %get3A_1051 = tpu.vector_load %arg7[%get3A_1049, %get3A_1050] {strides = array<i32>} : memref<200x32xf32, #tpu.memory_space<vmem>>, vector<16xf32>,
        %add3A_1052 = arith.addf %get3A_1048, %get3A_1051 : vector<16xf32>
        tpu.vector_store_idx %arg9[%select_n3A, %select_n3A_46, %add3A_1032], %add3A_1043 : memref<4x8x129xf32, #tpu.memory_space<vmem>>[vector<16xi32>, vector<16xi32>, vector<16xi32>], vector<16xf32>,
        tpu.vector_store_idx %arg9[%add3A_26, %select_n3A_46, %add3A_1032], %add3A_1052 : memref<4x8x129xf32, #tpu.memory_space<vmem>>[vector<16xi32>, vector<16xi32>, vector<16xi32>], vector<16xf32>,
        %add3A_1053 = arith.constant 1 : i32
        %add3A_1054 = vector.broadcast %add3A_1053 : i32 to vector<16xi32>
        %add3A_1055 = arith.addi %add3A_1032, %add3A_1054 : vector<16xi32>
        %scan3A_1056 = arith.constant 3 : i32
        %scan3A_1057 = arith.addi %scan3A_988, %scan3A_1056 : i32
        %get3A_1058 = arith.constant 0 : i32
        %get3A_1059 = arith.index_cast %get3A_1058 : i32 to index
        %get3A_1060 = arith.index_cast %scan3A_1057 : i32 to index
        %get3A_1061 = arith.constant 0 : index
        %get3A_1062 = tpu.vector_load %arg8[%get3A_1059, %get3A_1060, %get3A_1061] {strides = array<i32>} : memref<4x128x32xf32, #tpu.memory_space<vmem>>, vector<16xf32>,
        %get3A_1063 = arith.index_cast %add3A_410 : i32 to index
        %get3A_1064 = arith.constant 0 : index
        %get3A_1065 = tpu.vector_load %arg7[%get3A_1063, %get3A_1064] {strides = array<i32>} : memref<200x32xf32, #tpu.memory_space<vmem>>, vector<16xf32>,
        %add3A_1066 = arith.addf %get3A_1062, %get3A_1065 : vector<16xf32>
        %get3A_1067 = arith.constant 0 : i32
        %get3A_1068 = arith.index_cast %get3A_1067 : i32 to index
        %get3A_1069 = arith.index_cast %scan3A_1057 : i32 to index
        %get3A_1070 = arith.constant 16 : index
        %get3A_1071 = tpu.vector_load %arg8[%get3A_1068, %get3A_1069, %get3A_1070] {strides = array<i32>} : memref<4x128x32xf32, #tpu.memory_space<vmem>>, vector<16xf32>,
        %get3A_1072 = arith.index_cast %add3A_410 : i32 to index
        %get3A_1073 = arith.constant 16 : index
        %get3A_1074 = tpu.vector_load %arg7[%get3A_1072, %get3A_1073] {strides = array<i32>} : memref<200x32xf32, #tpu.memory_space<vmem>>, vector<16xf32>,
        %add3A_1075 = arith.addf %get3A_1071, %get3A_1074 : vector<16xf32>
        tpu.vector_store_idx %arg9[%select_n3A, %select_n3A_46, %add3A_1055], %add3A_1066 : memref<4x8x129xf32, #tpu.memory_space<vmem>>[vector<16xi32>, vector<16xi32>, vector<16xi32>], vector<16xf32>,
        tpu.vector_store_idx %arg9[%add3A_26, %select_n3A_46, %add3A_1055], %add3A_1075 : memref<4x8x129xf32, #tpu.memory_space<vmem>>[vector<16xi32>, vector<16xi32>, vector<16xi32>], vector<16xf32>,
        %add3A_1076 = arith.constant 1 : i32
        %add3A_1077 = vector.broadcast %add3A_1076 : i32 to vector<16xi32>
        %add3A_1078 = arith.addi %add3A_1055, %add3A_1077 : vector<16xi32>
        %scan3A_1079 = arith.constant 4 : i32
        %scan3A_1080 = arith.addi %scan3A_988, %scan3A_1079 : i32
        %get3A_1081 = arith.constant 0 : i32
        %get3A_1082 = arith.index_cast %get3A_1081 : i32 to index
        %get3A_1083 = arith.index_cast %scan3A_1080 : i32 to index
        %get3A_1084 = arith.constant 0 : index
        %get3A_1085 = tpu.vector_load %arg8[%get3A_1082, %get3A_1083, %get3A_1084] {strides = array<i32>} : memref<4x128x32xf32, #tpu.memory_space<vmem>>, vector<16xf32>,
        %get3A_1086 = arith.index_cast %add3A_410 : i32 to index
        %get3A_1087 = arith.constant 0 : index
        %get3A_1088 = tpu.vector_load %arg7[%get3A_1086, %get3A_1087] {strides = array<i32>} : memref<200x32xf32, #tpu.memory_space<vmem>>, vector<16xf32>,
        %add3A_1089 = arith.addf %get3A_1085, %get3A_1088 : vector<16xf32>
        %get3A_1090 = arith.constant 0 : i32
        %get3A_1091 = arith.index_cast %get3A_1090 : i32 to index
        %get3A_1092 = arith.index_cast %scan3A_1080 : i32 to index
        %get3A_1093 = arith.constant 16 : index
        %get3A_1094 = tpu.vector_load %arg8[%get3A_1091, %get3A_1092, %get3A_1093] {strides = array<i32>} : memref<4x128x32xf32, #tpu.memory_space<vmem>>, vector<16xf32>,
        %get3A_1095 = arith.index_cast %add3A_410 : i32 to index
        %get3A_1096 = arith.constant 16 : index
        %get3A_1097 = tpu.vector_load %arg7[%get3A_1095, %get3A_1096] {strides = array<i32>} : memref<200x32xf32, #tpu.memory_space<vmem>>, vector<16xf32>,
        %add3A_1098 = arith.addf %get3A_1094, %get3A_1097 : vector<16xf32>
        tpu.vector_store_idx %arg9[%select_n3A, %select_n3A_46, %add3A_1078], %add3A_1089 : memref<4x8x129xf32, #tpu.memory_space<vmem>>[vector<16xi32>, vector<16xi32>, vector<16xi32>], vector<16xf32>,
        tpu.vector_store_idx %arg9[%add3A_26, %select_n3A_46, %add3A_1078], %add3A_1098 : memref<4x8x129xf32, #tpu.memory_space<vmem>>[vector<16xi32>, vector<16xi32>, vector<16xi32>], vector<16xf32>,
        %add3A_1099 = arith.constant 1 : i32
        %add3A_1100 = vector.broadcast %add3A_1099 : i32 to vector<16xi32>
        %add3A_1101 = arith.addi %add3A_1078, %add3A_1100 : vector<16xi32>
        %scan3A_1102 = arith.constant 5 : i32
        %scan3A_1103 = arith.addi %scan3A_988, %scan3A_1102 : i32
        %get3A_1104 = arith.constant 0 : i32
        %get3A_1105 = arith.index_cast %get3A_1104 : i32 to index
        %get3A_1106 = arith.index_cast %scan3A_1103 : i32 to index
        %get3A_1107 = arith.constant 0 : index
        %get3A_1108 = tpu.vector_load %arg8[%get3A_1105, %get3A_1106, %get3A_1107] {strides = array<i32>} : memref<4x128x32xf32, #tpu.memory_space<vmem>>, vector<16xf32>,
        %get3A_1109 = arith.index_cast %add3A_410 : i32 to index
        %get3A_1110 = arith.constant 0 : index
        %get3A_1111 = tpu.vector_load %arg7[%get3A_1109, %get3A_1110] {strides = array<i32>} : memref<200x32xf32, #tpu.memory_space<vmem>>, vector<16xf32>,
        %add3A_1112 = arith.addf %get3A_1108, %get3A_1111 : vector<16xf32>
        %get3A_1113 = arith.constant 0 : i32
        %get3A_1114 = arith.index_cast %get3A_1113 : i32 to index
        %get3A_1115 = arith.index_cast %scan3A_1103 : i32 to index
        %get3A_1116 = arith.constant 16 : index
        %get3A_1117 = tpu.vector_load %arg8[%get3A_1114, %get3A_1115, %get3A_1116] {strides = array<i32>} : memref<4x128x32xf32, #tpu.memory_space<vmem>>, vector<16xf32>,
        %get3A_1118 = arith.index_cast %add3A_410 : i32 to index
        %get3A_1119 = arith.constant 16 : index
        %get3A_1120 = tpu.vector_load %arg7[%get3A_1118, %get3A_1119] {strides = array<i32>} : memref<200x32xf32, #tpu.memory_space<vmem>>, vector<16xf32>,
        %add3A_1121 = arith.addf %get3A_1117, %get3A_1120 : vector<16xf32>
        tpu.vector_store_idx %arg9[%select_n3A, %select_n3A_46, %add3A_1101], %add3A_1112 : memref<4x8x129xf32, #tpu.memory_space<vmem>>[vector<16xi32>, vector<16xi32>, vector<16xi32>], vector<16xf32>,
        tpu.vector_store_idx %arg9[%add3A_26, %select_n3A_46, %add3A_1101], %add3A_1121 : memref<4x8x129xf32, #tpu.memory_space<vmem>>[vector<16xi32>, vector<16xi32>, vector<16xi32>], vector<16xf32>,
        %add3A_1122 = arith.constant 1 : i32
        %add3A_1123 = vector.broadcast %add3A_1122 : i32 to vector<16xi32>
        %add3A_1124 = arith.addi %add3A_1101, %add3A_1123 : vector<16xi32>
        %scan3A_1125 = arith.constant 6 : i32
        %scan3A_1126 = arith.addi %scan3A_988, %scan3A_1125 : i32
        %get3A_1127 = arith.constant 0 : i32
        %get3A_1128 = arith.index_cast %get3A_1127 : i32 to index
        %get3A_1129 = arith.index_cast %scan3A_1126 : i32 to index
        %get3A_1130 = arith.constant 0 : index
        %get3A_1131 = tpu.vector_load %arg8[%get3A_1128, %get3A_1129, %get3A_1130] {strides = array<i32>} : memref<4x128x32xf32, #tpu.memory_space<vmem>>, vector<16xf32>,
        %get3A_1132 = arith.index_cast %add3A_410 : i32 to index
        %get3A_1133 = arith.constant 0 : index
        %get3A_1134 = tpu.vector_load %arg7[%get3A_1132, %get3A_1133] {strides = array<i32>} : memref<200x32xf32, #tpu.memory_space<vmem>>, vector<16xf32>,
        %add3A_1135 = arith.addf %get3A_1131, %get3A_1134 : vector<16xf32>
        %get3A_1136 = arith.constant 0 : i32
        %get3A_1137 = arith.index_cast %get3A_1136 : i32 to index
        %get3A_1138 = arith.index_cast %scan3A_1126 : i32 to index
        %get3A_1139 = arith.constant 16 : index
        %get3A_1140 = tpu.vector_load %arg8[%get3A_1137, %get3A_1138, %get3A_1139] {strides = array<i32>} : memref<4x128x32xf32, #tpu.memory_space<vmem>>, vector<16xf32>,
        %get3A_1141 = arith.index_cast %add3A_410 : i32 to index
        %get3A_1142 = arith.constant 16 : index
        %get3A_1143 = tpu.vector_load %arg7[%get3A_1141, %get3A_1142] {strides = array<i32>} : memref<200x32xf32, #tpu.memory_space<vmem>>, vector<16xf32>,
        %add3A_1144 = arith.addf %get3A_1140, %get3A_1143 : vector<16xf32>
        tpu.vector_store_idx %arg9[%select_n3A, %select_n3A_46, %add3A_1124], %add3A_1135 : memref<4x8x129xf32, #tpu.memory_space<vmem>>[vector<16xi32>, vector<16xi32>, vector<16xi32>], vector<16xf32>,
        tpu.vector_store_idx %arg9[%add3A_26, %select_n3A_46, %add3A_1124], %add3A_1144 : memref<4x8x129xf32, #tpu.memory_space<vmem>>[vector<16xi32>, vector<16xi32>, vector<16xi32>], vector<16xf32>,
        %add3A_1145 = arith.constant 1 : i32
        %add3A_1146 = vector.broadcast %add3A_1145 : i32 to vector<16xi32>
        %add3A_1147 = arith.addi %add3A_1124, %add3A_1146 : vector<16xi32>
        %scan3A_1148 = arith.constant 7 : i32
        %scan3A_1149 = arith.addi %scan3A_988, %scan3A_1148 : i32
        %get3A_1150 = arith.constant 0 : i32
        %get3A_1151 = arith.index_cast %get3A_1150 : i32 to index
        %get3A_1152 = arith.index_cast %scan3A_1149 : i32 to index
        %get3A_1153 = arith.constant 0 : index
        %get3A_1154 = tpu.vector_load %arg8[%get3A_1151, %get3A_1152, %get3A_1153] {strides = array<i32>} : memref<4x128x32xf32, #tpu.memory_space<vmem>>, vector<16xf32>,
        %get3A_1155 = arith.index_cast %add3A_410 : i32 to index
        %get3A_1156 = arith.constant 0 : index
        %get3A_1157 = tpu.vector_load %arg7[%get3A_1155, %get3A_1156] {strides = array<i32>} : memref<200x32xf32, #tpu.memory_space<vmem>>, vector<16xf32>,
        %add3A_1158 = arith.addf %get3A_1154, %get3A_1157 : vector<16xf32>
        %get3A_1159 = arith.constant 0 : i32
        %get3A_1160 = arith.index_cast %get3A_1159 : i32 to index
        %get3A_1161 = arith.index_cast %scan3A_1149 : i32 to index
        %get3A_1162 = arith.constant 16 : index
        %get3A_1163 = tpu.vector_load %arg8[%get3A_1160, %get3A_1161, %get3A_1162] {strides = array<i32>} : memref<4x128x32xf32, #tpu.memory_space<vmem>>, vector<16xf32>,
        %get3A_1164 = arith.index_cast %add3A_410 : i32 to index
        %get3A_1165 = arith.constant 16 : index
        %get3A_1166 = tpu.vector_load %arg7[%get3A_1164, %get3A_1165] {strides = array<i32>} : memref<200x32xf32, #tpu.memory_space<vmem>>, vector<16xf32>,
        %add3A_1167 = arith.addf %get3A_1163, %get3A_1166 : vector<16xf32>
        tpu.vector_store_idx %arg9[%select_n3A, %select_n3A_46, %add3A_1147], %add3A_1158 : memref<4x8x129xf32, #tpu.memory_space<vmem>>[vector<16xi32>, vector<16xi32>, vector<16xi32>], vector<16xf32>,
        tpu.vector_store_idx %arg9[%add3A_26, %select_n3A_46, %add3A_1147], %add3A_1167 : memref<4x8x129xf32, #tpu.memory_space<vmem>>[vector<16xi32>, vector<16xi32>, vector<16xi32>], vector<16xf32>,
        %add3A_1168 = arith.constant 1 : i32
        %add3A_1169 = vector.broadcast %add3A_1168 : i32 to vector<16xi32>
        %add3A_1170 = arith.addi %add3A_1147, %add3A_1169 : vector<16xi32>
        scf.yield %add3A_1170 : vector<16xi32>
      }
      %scan3A_472 = arith.constant 128 : i32
      %dma_start3A_473 = arith.constant 0 : i32
      %dma_start3A_474 = arith.constant 0 : i32
      %dma_start3A_475 = arith.constant 0 : i32
      %dma_start3A_476 = arith.constant 0 : i32
      %dma_start3A_477 = tpu.memref_slice %arg9[%dma_start3A_473, %dma_start3A_475, %dma_start3A_476] : memref<4x8x129xf32, #tpu.memory_space<vmem>> -> memref<1x8x128xf32, #tpu.memory_space<vmem>>
      %dma_start3A_478 = tpu.memref_squeeze %dma_start3A_477 : memref<1x8x128xf32, #tpu.memory_space<vmem>> -> memref<8x128xf32, #tpu.memory_space<vmem>>
      %dma_start3A_479 = arith.constant 0 : i32
      %dma_start3A_480 = arith.constant 0 : i32
      %dma_start3A_481 = tpu.memref_slice %arg5[%add3A_410, %dma_start3A_474, %add3A, %dma_start3A_479, %dma_start3A_480] : memref<200x4x32x8x128xf32, #tpu.memory_space<hbm>> -> memref<1x1x1x8x128xf32, #tpu.memory_space<hbm>>
      %dma_start3A_482 = tpu.memref_squeeze %dma_start3A_481 : memref<1x1x1x8x128xf32, #tpu.memory_space<hbm>> -> memref<8x128xf32, #tpu.memory_space<hbm>>
      %dma_start3A_483 = arith.constant 0 : i32
      %dma_start3A_484 = arith.constant 0 : i32
      %dma_start3A_485 = tpu.memref_slice %arg5[%add3A_410, %dma_start3A_474, %add3A, %dma_start3A_483, %dma_start3A_484] : memref<200x4x32x8x128xf32, #tpu.memory_space<hbm>> -> memref<1x1x1x8x128xf32, #tpu.memory_space<hbm>>
      %dma_start3A_486 = tpu.memref_squeeze %dma_start3A_485 : memref<1x1x1x8x128xf32, #tpu.memory_space<hbm>> -> memref<8x128xf32, #tpu.memory_space<hbm>>
      %dma_start3A_487 = arith.constant 0 : i32
      %dma_start3A_488 = arith.constant 0 : i32
      %dma_start3A_489 = tpu.memref_slice %arg9[%dma_start3A_473, %dma_start3A_487, %dma_start3A_488] : memref<4x8x129xf32, #tpu.memory_space<vmem>> -> memref<1x8x128xf32, #tpu.memory_space<vmem>>
      %dma_start3A_490 = tpu.memref_squeeze %dma_start3A_489 : memref<1x8x128xf32, #tpu.memory_space<vmem>> -> memref<8x128xf32, #tpu.memory_space<vmem>>
      tpu.enqueue_dma source(%dma_start3A_490 : memref<8x128xf32, #tpu.memory_space<vmem>>) target(%dma_start3A_486 : memref<8x128xf32, #tpu.memory_space<hbm>>) target_semaphore(%arg17 : memref<!tpu.dma_semaphore, #tpu.memory_space<semaphore_mem>>)
      %dma_start3A_491 = arith.constant 1 : i32
      %dma_start3A_492 = arith.constant 1 : i32
      %dma_start3A_493 = arith.constant 0 : i32
      %dma_start3A_494 = arith.constant 0 : i32
      %dma_start3A_495 = tpu.memref_slice %arg9[%dma_start3A_491, %dma_start3A_493, %dma_start3A_494] : memref<4x8x129xf32, #tpu.memory_space<vmem>> -> memref<1x8x128xf32, #tpu.memory_space<vmem>>
      %dma_start3A_496 = tpu.memref_squeeze %dma_start3A_495 : memref<1x8x128xf32, #tpu.memory_space<vmem>> -> memref<8x128xf32, #tpu.memory_space<vmem>>
      %dma_start3A_497 = arith.constant 0 : i32
      %dma_start3A_498 = arith.constant 0 : i32
      %dma_start3A_499 = tpu.memref_slice %arg5[%add3A_410, %dma_start3A_492, %add3A, %dma_start3A_497, %dma_start3A_498] : memref<200x4x32x8x128xf32, #tpu.memory_space<hbm>> -> memref<1x1x1x8x128xf32, #tpu.memory_space<hbm>>
      %dma_start3A_500 = tpu.memref_squeeze %dma_start3A_499 : memref<1x1x1x8x128xf32, #tpu.memory_space<hbm>> -> memref<8x128xf32, #tpu.memory_space<hbm>>
      %dma_start3A_501 = arith.constant 0 : i32
      %dma_start3A_502 = arith.constant 0 : i32
      %dma_start3A_503 = tpu.memref_slice %arg5[%add3A_410, %dma_start3A_492, %add3A, %dma_start3A_501, %dma_start3A_502] : memref<200x4x32x8x128xf32, #tpu.memory_space<hbm>> -> memref<1x1x1x8x128xf32, #tpu.memory_space<hbm>>
      %dma_start3A_504 = tpu.memref_squeeze %dma_start3A_503 : memref<1x1x1x8x128xf32, #tpu.memory_space<hbm>> -> memref<8x128xf32, #tpu.memory_space<hbm>>
      %dma_start3A_505 = arith.constant 0 : i32
      %dma_start3A_506 = arith.constant 0 : i32
      %dma_start3A_507 = tpu.memref_slice %arg9[%dma_start3A_491, %dma_start3A_505, %dma_start3A_506] : memref<4x8x129xf32, #tpu.memory_space<vmem>> -> memref<1x8x128xf32, #tpu.memory_space<vmem>>
      %dma_start3A_508 = tpu.memref_squeeze %dma_start3A_507 : memref<1x8x128xf32, #tpu.memory_space<vmem>> -> memref<8x128xf32, #tpu.memory_space<vmem>>
      tpu.enqueue_dma source(%dma_start3A_508 : memref<8x128xf32, #tpu.memory_space<vmem>>) target(%dma_start3A_504 : memref<8x128xf32, #tpu.memory_space<hbm>>) target_semaphore(%arg17 : memref<!tpu.dma_semaphore, #tpu.memory_space<semaphore_mem>>)
      %dma_start3A_509 = arith.constant 2 : i32
      %dma_start3A_510 = arith.constant 2 : i32
      %dma_start3A_511 = arith.constant 0 : i32
      %dma_start3A_512 = arith.constant 0 : i32
      %dma_start3A_513 = tpu.memref_slice %arg9[%dma_start3A_509, %dma_start3A_511, %dma_start3A_512] : memref<4x8x129xf32, #tpu.memory_space<vmem>> -> memref<1x8x128xf32, #tpu.memory_space<vmem>>
      %dma_start3A_514 = tpu.memref_squeeze %dma_start3A_513 : memref<1x8x128xf32, #tpu.memory_space<vmem>> -> memref<8x128xf32, #tpu.memory_space<vmem>>
      %dma_start3A_515 = arith.constant 0 : i32
      %dma_start3A_516 = arith.constant 0 : i32
      %dma_start3A_517 = tpu.memref_slice %arg5[%add3A_410, %dma_start3A_510, %add3A, %dma_start3A_515, %dma_start3A_516] : memref<200x4x32x8x128xf32, #tpu.memory_space<hbm>> -> memref<1x1x1x8x128xf32, #tpu.memory_space<hbm>>
      %dma_start3A_518 = tpu.memref_squeeze %dma_start3A_517 : memref<1x1x1x8x128xf32, #tpu.memory_space<hbm>> -> memref<8x128xf32, #tpu.memory_space<hbm>>
      %dma_start3A_519 = arith.constant 0 : i32
      %dma_start3A_520 = arith.constant 0 : i32
      %dma_start3A_521 = tpu.memref_slice %arg5[%add3A_410, %dma_start3A_510, %add3A, %dma_start3A_519, %dma_start3A_520] : memref<200x4x32x8x128xf32, #tpu.memory_space<hbm>> -> memref<1x1x1x8x128xf32, #tpu.memory_space<hbm>>
      %dma_start3A_522 = tpu.memref_squeeze %dma_start3A_521 : memref<1x1x1x8x128xf32, #tpu.memory_space<hbm>> -> memref<8x128xf32, #tpu.memory_space<hbm>>
      %dma_start3A_523 = arith.constant 0 : i32
      %dma_start3A_524 = arith.constant 0 : i32
      %dma_start3A_525 = tpu.memref_slice %arg9[%dma_start3A_509, %dma_start3A_523, %dma_start3A_524] : memref<4x8x129xf32, #tpu.memory_space<vmem>> -> memref<1x8x128xf32, #tpu.memory_space<vmem>>
      %dma_start3A_526 = tpu.memref_squeeze %dma_start3A_525 : memref<1x8x128xf32, #tpu.memory_space<vmem>> -> memref<8x128xf32, #tpu.memory_space<vmem>>
      tpu.enqueue_dma source(%dma_start3A_526 : memref<8x128xf32, #tpu.memory_space<vmem>>) target(%dma_start3A_522 : memref<8x128xf32, #tpu.memory_space<hbm>>) target_semaphore(%arg17 : memref<!tpu.dma_semaphore, #tpu.memory_space<semaphore_mem>>)
      %dma_start3A_527 = arith.constant 3 : i32
      %dma_start3A_528 = arith.constant 3 : i32
      %dma_start3A_529 = arith.constant 0 : i32
      %dma_start3A_530 = arith.constant 0 : i32
      %dma_start3A_531 = tpu.memref_slice %arg9[%dma_start3A_527, %dma_start3A_529, %dma_start3A_530] : memref<4x8x129xf32, #tpu.memory_space<vmem>> -> memref<1x8x128xf32, #tpu.memory_space<vmem>>
      %dma_start3A_532 = tpu.memref_squeeze %dma_start3A_531 : memref<1x8x128xf32, #tpu.memory_space<vmem>> -> memref<8x128xf32, #tpu.memory_space<vmem>>
      %dma_start3A_533 = arith.constant 0 : i32
      %dma_start3A_534 = arith.constant 0 : i32
      %dma_start3A_535 = tpu.memref_slice %arg5[%add3A_410, %dma_start3A_528, %add3A, %dma_start3A_533, %dma_start3A_534] : memref<200x4x32x8x128xf32, #tpu.memory_space<hbm>> -> memref<1x1x1x8x128xf32, #tpu.memory_space<hbm>>
      %dma_start3A_536 = tpu.memref_squeeze %dma_start3A_535 : memref<1x1x1x8x128xf32, #tpu.memory_space<hbm>> -> memref<8x128xf32, #tpu.memory_space<hbm>>
      %dma_start3A_537 = arith.constant 0 : i32
      %dma_start3A_538 = arith.constant 0 : i32
      %dma_start3A_539 = tpu.memref_slice %arg5[%add3A_410, %dma_start3A_528, %add3A, %dma_start3A_537, %dma_start3A_538] : memref<200x4x32x8x128xf32, #tpu.memory_space<hbm>> -> memref<1x1x1x8x128xf32, #tpu.memory_space<hbm>>
      %dma_start3A_540 = tpu.memref_squeeze %dma_start3A_539 : memref<1x1x1x8x128xf32, #tpu.memory_space<hbm>> -> memref<8x128xf32, #tpu.memory_space<hbm>>
      %dma_start3A_541 = arith.constant 0 : i32
      %dma_start3A_542 = arith.constant 0 : i32
      %dma_start3A_543 = tpu.memref_slice %arg9[%dma_start3A_527, %dma_start3A_541, %dma_start3A_542] : memref<4x8x129xf32, #tpu.memory_space<vmem>> -> memref<1x8x128xf32, #tpu.memory_space<vmem>>
      %dma_start3A_544 = tpu.memref_squeeze %dma_start3A_543 : memref<1x8x128xf32, #tpu.memory_space<vmem>> -> memref<8x128xf32, #tpu.memory_space<vmem>>
      tpu.enqueue_dma source(%dma_start3A_544 : memref<8x128xf32, #tpu.memory_space<vmem>>) target(%dma_start3A_540 : memref<8x128xf32, #tpu.memory_space<hbm>>) target_semaphore(%arg17 : memref<!tpu.dma_semaphore, #tpu.memory_space<semaphore_mem>>)
      %lt3A_545 = arith.constant 49 : i32
      %lt3A_546 = arith.cmpi slt, %scan3A_406, %lt3A_545 : i32
      %convert_element_type3A_547 = arith.extui %lt3A_546 : i1 to i32
      %cond3A_548 = arith.constant 0 : i32
      %cond3A_549 = arith.cmpi ne, %convert_element_type3A_547, %cond3A_548 : i32
      scf.if %cond3A_549 {
        %add3A_988 = arith.constant 4 : i32
        %add3A_989 = arith.addi %add3A_410, %add3A_988 : i32
        %jit3A_990 = arith.constant 8 : i32
        %div3A_991 = arith.divsi %add3A_989, %jit3A_990 : i32
        %sign3A_992 = arith.constant 0 : i32
        %sign3A_993 = arith.cmpi sgt, %add3A_989, %sign3A_992 : i32
        %sign3A_994 = arith.extui %sign3A_993 : i1 to i32
        %sign3A_995 = arith.constant 0 : i32
        %sign3A_996 = arith.cmpi slt, %add3A_989, %sign3A_995 : i32
        %sign3A_997 = arith.extui %sign3A_996 : i1 to i32
        %sign3A_998 = arith.subi %sign3A_994, %sign3A_997 : i32
        %sign3A_999 = arith.constant 0 : i32
        %sign3A_1000 = arith.cmpi sgt, %jit3A_990, %sign3A_999 : i32
        %sign3A_1001 = arith.extui %sign3A_1000 : i1 to i32
        %sign3A_1002 = arith.constant 0 : i32
        %sign3A_1003 = arith.cmpi slt, %jit3A_990, %sign3A_1002 : i32
        %sign3A_1004 = arith.extui %sign3A_1003 : i1 to i32
        %sign3A_1005 = arith.subi %sign3A_1001, %sign3A_1004 : i32
        %ne3A_1006 = arith.cmpi ne, %sign3A_998, %sign3A_1005 : i32
        %rem3A_1007 = arith.remsi %add3A_989, %jit3A_990 : i32
        %ne3A_1008 = arith.constant 0 : i32
        %ne3A_1009 = arith.cmpi ne, %rem3A_1007, %ne3A_1008 : i32
        %and3A_1010 = arith.andi %ne3A_1006, %ne3A_1009 : i1
        %sub3A_1011 = arith.constant 1 : i32
        %sub3A_1012 = arith.subi %div3A_991, %sub3A_1011 : i32
        %select_n3A_1013 = arith.select %and3A_1010, %sub3A_1012, %div3A_991 : i32
        %jit3A_1014 = arith.constant 8 : i32
        %eq3A_1015 = arith.constant 0 : i32
        %eq3A_1016 = arith.cmpi eq, %jit3A_1014, %eq3A_1015 : i32
        %jit3A_1017 = arith.constant 1 : i32
        %select_n3A_1018 = arith.select %eq3A_1016, %jit3A_1017, %jit3A_1014 : i32
        %rem3A_1019 = arith.remsi %add3A_989, %select_n3A_1018 : i32
        %ne3A_1020 = arith.constant 0 : i32
        %ne3A_1021 = arith.cmpi ne, %rem3A_1019, %ne3A_1020 : i32
        %lt3A_1022 = arith.constant 0 : i32
        %lt3A_1023 = arith.cmpi slt, %rem3A_1019, %lt3A_1022 : i32
        %lt3A_1024 = arith.constant 0 : i32
        %lt3A_1025 = arith.cmpi slt, %select_n3A_1018, %lt3A_1024 : i32
        %ne3A_1026 = arith.xori %lt3A_1023, %lt3A_1025 : i1
        %and3A_1027 = arith.andi %ne3A_1026, %ne3A_1021 : i1
        %add3A_1028 = arith.addi %rem3A_1019, %select_n3A_1018 : i32
        %select_n3A_1029 = arith.select %and3A_1027, %add3A_1028, %rem3A_1019 : i32
        %dma_start3A_1030 = arith.constant 0 : i32
        %dma_start3A_1031 = arith.constant 0 : i32
        %dma_start3A_1032 = arith.constant 0 : i32
        %dma_start3A_1033 = tpu.memref_slice %arg8[%dma_start3A_1030, %dma_start3A_1031, %dma_start3A_1032] : memref<4x128x32xf32, #tpu.memory_space<vmem>> -> memref<1x128x32xf32, #tpu.memory_space<vmem>>
        %dma_start3A_1034 = tpu.memref_squeeze %dma_start3A_1033 : memref<1x128x32xf32, #tpu.memory_space<vmem>> -> memref<128x32xf32, #tpu.memory_space<vmem>>
        %dma_start3A_1035 = arith.constant 0 : i32
        %dma_start3A_1036 = tpu.memref_slice %arg6[%select_n3A_1013, %select_n3A_1029, %dma_start3A_1035] : memref<25x8x128xi32, #tpu.memory_space<vmem>> -> memref<1x1x128xi32, #tpu.memory_space<vmem>>
        %dma_start3A_1037 = tpu.memref_squeeze %dma_start3A_1036 : memref<1x1x128xi32, #tpu.memory_space<vmem>> -> memref<128xi32, #tpu.memory_space<vmem>>
        %dma_start3A_1038 = arith.constant 0 : i32
        %dma_start3A_1039 = arith.constant 0 : i32
        %dma_start3A_1040 = tpu.memref_slice %arg4[%dma_start3A_1038, %dma_start3A_1039] : memref<1000000x32xf32, #tpu.memory_space<hbm>> -> memref<1000000x32xf32, #tpu.memory_space<hbm>>
        tpu.enqueue_indirect_dma source(%dma_start3A_1040 : memref<1000000x32xf32, #tpu.memory_space<hbm>>) target(%dma_start3A_1034 : memref<128x32xf32, #tpu.memory_space<vmem>>) offsets(%dma_start3A_1037 : memref<128xi32, #tpu.memory_space<vmem>>) semaphore(%arg13 : memref<!tpu.dma_semaphore, #tpu.memory_space<semaphore_mem>>)
      } else {
      }
      %mul3A_550 = arith.constant 4 : i32
      %mul3A_551 = arith.muli %scan3A_406, %mul3A_550 : i32
      %add3A_552 = arith.constant 1 : i32
      %add3A_553 = arith.addi %mul3A_551, %add3A_552 : i32
      %jit3A_554 = arith.constant 8 : i32
      %div3A_555 = arith.divsi %add3A_553, %jit3A_554 : i32
      %sign3A_556 = arith.constant 0 : i32
      %sign3A_557 = arith.cmpi sgt, %add3A_553, %sign3A_556 : i32
      %sign3A_558 = arith.extui %sign3A_557 : i1 to i32
      %sign3A_559 = arith.constant 0 : i32
      %sign3A_560 = arith.cmpi slt, %add3A_553, %sign3A_559 : i32
      %sign3A_561 = arith.extui %sign3A_560 : i1 to i32
      %sign3A_562 = arith.subi %sign3A_558, %sign3A_561 : i32
      %sign3A_563 = arith.constant 0 : i32
      %sign3A_564 = arith.cmpi sgt, %jit3A_554, %sign3A_563 : i32
      %sign3A_565 = arith.extui %sign3A_564 : i1 to i32
      %sign3A_566 = arith.constant 0 : i32
      %sign3A_567 = arith.cmpi slt, %jit3A_554, %sign3A_566 : i32
      %sign3A_568 = arith.extui %sign3A_567 : i1 to i32
      %sign3A_569 = arith.subi %sign3A_565, %sign3A_568 : i32
      %ne3A_570 = arith.cmpi ne, %sign3A_562, %sign3A_569 : i32
      %rem3A_571 = arith.remsi %add3A_553, %jit3A_554 : i32
      %ne3A_572 = arith.constant 0 : i32
      %ne3A_573 = arith.cmpi ne, %rem3A_571, %ne3A_572 : i32
      %and3A_574 = arith.andi %ne3A_570, %ne3A_573 : i1
      %sub3A_575 = arith.constant 1 : i32
      %sub3A_576 = arith.subi %div3A_555, %sub3A_575 : i32
      %select_n3A_577 = arith.select %and3A_574, %sub3A_576, %div3A_555 : i32
      %jit3A_578 = arith.constant 8 : i32
      %eq3A_579 = arith.constant 0 : i32
      %eq3A_580 = arith.cmpi eq, %jit3A_578, %eq3A_579 : i32
      %jit3A_581 = arith.constant 1 : i32
      %select_n3A_582 = arith.select %eq3A_580, %jit3A_581, %jit3A_578 : i32
      %rem3A_583 = arith.remsi %add3A_553, %select_n3A_582 : i32
      %ne3A_584 = arith.constant 0 : i32
      %ne3A_585 = arith.cmpi ne, %rem3A_583, %ne3A_584 : i32
      %lt3A_586 = arith.constant 0 : i32
      %lt3A_587 = arith.cmpi slt, %rem3A_583, %lt3A_586 : i32
      %lt3A_588 = arith.constant 0 : i32
      %lt3A_589 = arith.cmpi slt, %select_n3A_582, %lt3A_588 : i32
      %ne3A_590 = arith.xori %lt3A_587, %lt3A_589 : i1
      %and3A_591 = arith.andi %ne3A_590, %ne3A_585 : i1
      %add3A_592 = arith.addi %rem3A_583, %select_n3A_582 : i32
      %select_n3A_593 = arith.select %and3A_591, %add3A_592, %rem3A_583 : i32
      %dma_wait3A_594 = arith.constant 1 : i32
      %dma_wait3A_595 = arith.constant 0 : i32
      %dma_wait3A_596 = arith.constant 0 : i32
      %dma_wait3A_597 = tpu.memref_slice %arg8[%dma_wait3A_594, %dma_wait3A_595, %dma_wait3A_596] : memref<4x128x32xf32, #tpu.memory_space<vmem>> -> memref<1x128x32xf32, #tpu.memory_space<vmem>>
      %dma_wait3A_598 = tpu.memref_squeeze %dma_wait3A_597 : memref<1x128x32xf32, #tpu.memory_space<vmem>> -> memref<128x32xf32, #tpu.memory_space<vmem>>
      %dma_wait3A_599 = arith.constant 0 : i32
      %dma_wait3A_600 = tpu.memref_slice %arg6[%select_n3A_577, %select_n3A_593, %dma_wait3A_599] : memref<25x8x128xi32, #tpu.memory_space<vmem>> -> memref<1x1x128xi32, #tpu.memory_space<vmem>>
      %dma_wait3A_601 = tpu.memref_squeeze %dma_wait3A_600 : memref<1x1x128xi32, #tpu.memory_space<vmem>> -> memref<128xi32, #tpu.memory_space<vmem>>
      %dma_wait3A_602 = arith.constant 0 : i32
      %dma_wait3A_603 = arith.constant 0 : i32
      %dma_wait3A_604 = tpu.memref_slice %arg4[%dma_wait3A_602, %dma_wait3A_603] : memref<1000000x32xf32, #tpu.memory_space<hbm>> -> memref<1000000x32xf32, #tpu.memory_space<hbm>>
      tpu.wait_indirect_dma semaphore(%arg14 : memref<!tpu.dma_semaphore, #tpu.memory_space<semaphore_mem>>) src(%dma_wait3A_604 : memref<1000000x32xf32, #tpu.memory_space<hbm>>) dst(%dma_wait3A_598 : memref<128x32xf32, #tpu.memory_space<vmem>>)
      %gt3A_605 = arith.constant 0 : i32
      %gt3A_606 = arith.cmpi sgt, %scan3A_406, %gt3A_605 : i32
      %convert_element_type3A_607 = arith.extui %gt3A_606 : i1 to i32
      %cond3A_608 = arith.constant 0 : i32
      %cond3A_609 = arith.cmpi ne, %convert_element_type3A_607, %cond3A_608 : i32
      scf.if %cond3A_609 {
        %dma_wait3A_988 = arith.constant 0 : i32
        %dma_wait3A_989 = arith.constant 0 : i32
        %dma_wait3A_990 = arith.constant 0 : i32
        %dma_wait3A_991 = arith.constant 0 : i32
        %dma_wait3A_992 = tpu.memref_slice %arg10[%dma_wait3A_988, %dma_wait3A_990, %dma_wait3A_991] : memref<4x8x129xf32, #tpu.memory_space<vmem>> -> memref<1x8x128xf32, #tpu.memory_space<vmem>>
        %dma_wait3A_993 = tpu.memref_squeeze %dma_wait3A_992 : memref<1x8x128xf32, #tpu.memory_space<vmem>> -> memref<8x128xf32, #tpu.memory_space<vmem>>
        %dma_wait3A_994 = arith.constant 0 : i32
        %dma_wait3A_995 = arith.constant 0 : i32
        %dma_wait3A_996 = tpu.memref_slice %arg5[%add3A_553, %dma_wait3A_989, %add3A, %dma_wait3A_994, %dma_wait3A_995] : memref<200x4x32x8x128xf32, #tpu.memory_space<hbm>> -> memref<1x1x1x8x128xf32, #tpu.memory_space<hbm>>
        %dma_wait3A_997 = tpu.memref_squeeze %dma_wait3A_996 : memref<1x1x1x8x128xf32, #tpu.memory_space<hbm>> -> memref<8x128xf32, #tpu.memory_space<hbm>>
        %dma_wait3A_998 = arith.constant 0 : i32
        %dma_wait3A_999 = arith.constant 0 : i32
        %dma_wait3A_1000 = tpu.memref_slice %arg5[%add3A_553, %dma_wait3A_989, %add3A, %dma_wait3A_998, %dma_wait3A_999] : memref<200x4x32x8x128xf32, #tpu.memory_space<hbm>> -> memref<1x1x1x8x128xf32, #tpu.memory_space<hbm>>
        %dma_wait3A_1001 = tpu.memref_squeeze %dma_wait3A_1000 : memref<1x1x1x8x128xf32, #tpu.memory_space<hbm>> -> memref<8x128xf32, #tpu.memory_space<hbm>>
        %dma_wait3A_1002 = arith.constant 0 : i32
        %dma_wait3A_1003 = arith.constant 0 : i32
        %dma_wait3A_1004 = tpu.memref_slice %arg10[%dma_wait3A_988, %dma_wait3A_1002, %dma_wait3A_1003] : memref<4x8x129xf32, #tpu.memory_space<vmem>> -> memref<1x8x128xf32, #tpu.memory_space<vmem>>
        %dma_wait3A_1005 = tpu.memref_squeeze %dma_wait3A_1004 : memref<1x8x128xf32, #tpu.memory_space<vmem>> -> memref<8x128xf32, #tpu.memory_space<vmem>>
        tpu.wait_dma2 semaphore(%arg18 : memref<!tpu.dma_semaphore, #tpu.memory_space<semaphore_mem>>) src(%dma_wait3A_1005 : memref<8x128xf32, #tpu.memory_space<vmem>>) dst(%dma_wait3A_1001 : memref<8x128xf32, #tpu.memory_space<hbm>>)
        %dma_wait3A_1006 = arith.constant 1 : i32
        %dma_wait3A_1007 = arith.constant 1 : i32
        %dma_wait3A_1008 = arith.constant 0 : i32
        %dma_wait3A_1009 = arith.constant 0 : i32
        %dma_wait3A_1010 = tpu.memref_slice %arg10[%dma_wait3A_1006, %dma_wait3A_1008, %dma_wait3A_1009] : memref<4x8x129xf32, #tpu.memory_space<vmem>> -> memref<1x8x128xf32, #tpu.memory_space<vmem>>
        %dma_wait3A_1011 = tpu.memref_squeeze %dma_wait3A_1010 : memref<1x8x128xf32, #tpu.memory_space<vmem>> -> memref<8x128xf32, #tpu.memory_space<vmem>>
        %dma_wait3A_1012 = arith.constant 0 : i32
        %dma_wait3A_1013 = arith.constant 0 : i32
        %dma_wait3A_1014 = tpu.memref_slice %arg5[%add3A_553, %dma_wait3A_1007, %add3A, %dma_wait3A_1012, %dma_wait3A_1013] : memref<200x4x32x8x128xf32, #tpu.memory_space<hbm>> -> memref<1x1x1x8x128xf32, #tpu.memory_space<hbm>>
        %dma_wait3A_1015 = tpu.memref_squeeze %dma_wait3A_1014 : memref<1x1x1x8x128xf32, #tpu.memory_space<hbm>> -> memref<8x128xf32, #tpu.memory_space<hbm>>
        %dma_wait3A_1016 = arith.constant 0 : i32
        %dma_wait3A_1017 = arith.constant 0 : i32
        %dma_wait3A_1018 = tpu.memref_slice %arg5[%add3A_553, %dma_wait3A_1007, %add3A, %dma_wait3A_1016, %dma_wait3A_1017] : memref<200x4x32x8x128xf32, #tpu.memory_space<hbm>> -> memref<1x1x1x8x128xf32, #tpu.memory_space<hbm>>
        %dma_wait3A_1019 = tpu.memref_squeeze %dma_wait3A_1018 : memref<1x1x1x8x128xf32, #tpu.memory_space<hbm>> -> memref<8x128xf32, #tpu.memory_space<hbm>>
        %dma_wait3A_1020 = arith.constant 0 : i32
        %dma_wait3A_1021 = arith.constant 0 : i32
        %dma_wait3A_1022 = tpu.memref_slice %arg10[%dma_wait3A_1006, %dma_wait3A_1020, %dma_wait3A_1021] : memref<4x8x129xf32, #tpu.memory_space<vmem>> -> memref<1x8x128xf32, #tpu.memory_space<vmem>>
        %dma_wait3A_1023 = tpu.memref_squeeze %dma_wait3A_1022 : memref<1x8x128xf32, #tpu.memory_space<vmem>> -> memref<8x128xf32, #tpu.memory_space<vmem>>
        tpu.wait_dma2 semaphore(%arg18 : memref<!tpu.dma_semaphore, #tpu.memory_space<semaphore_mem>>) src(%dma_wait3A_1023 : memref<8x128xf32, #tpu.memory_space<vmem>>) dst(%dma_wait3A_1019 : memref<8x128xf32, #tpu.memory_space<hbm>>)
        %dma_wait3A_1024 = arith.constant 2 : i32
        %dma_wait3A_1025 = arith.constant 2 : i32
        %dma_wait3A_1026 = arith.constant 0 : i32
        %dma_wait3A_1027 = arith.constant 0 : i32
        %dma_wait3A_1028 = tpu.memref_slice %arg10[%dma_wait3A_1024, %dma_wait3A_1026, %dma_wait3A_1027] : memref<4x8x129xf32, #tpu.memory_space<vmem>> -> memref<1x8x128xf32, #tpu.memory_space<vmem>>
        %dma_wait3A_1029 = tpu.memref_squeeze %dma_wait3A_1028 : memref<1x8x128xf32, #tpu.memory_space<vmem>> -> memref<8x128xf32, #tpu.memory_space<vmem>>
        %dma_wait3A_1030 = arith.constant 0 : i32
        %dma_wait3A_1031 = arith.constant 0 : i32
        %dma_wait3A_1032 = tpu.memref_slice %arg5[%add3A_553, %dma_wait3A_1025, %add3A, %dma_wait3A_1030, %dma_wait3A_1031] : memref<200x4x32x8x128xf32, #tpu.memory_space<hbm>> -> memref<1x1x1x8x128xf32, #tpu.memory_space<hbm>>
        %dma_wait3A_1033 = tpu.memref_squeeze %dma_wait3A_1032 : memref<1x1x1x8x128xf32, #tpu.memory_space<hbm>> -> memref<8x128xf32, #tpu.memory_space<hbm>>
        %dma_wait3A_1034 = arith.constant 0 : i32
        %dma_wait3A_1035 = arith.constant 0 : i32
        %dma_wait3A_1036 = tpu.memref_slice %arg5[%add3A_553, %dma_wait3A_1025, %add3A, %dma_wait3A_1034, %dma_wait3A_1035] : memref<200x4x32x8x128xf32, #tpu.memory_space<hbm>> -> memref<1x1x1x8x128xf32, #tpu.memory_space<hbm>>
        %dma_wait3A_1037 = tpu.memref_squeeze %dma_wait3A_1036 : memref<1x1x1x8x128xf32, #tpu.memory_space<hbm>> -> memref<8x128xf32, #tpu.memory_space<hbm>>
        %dma_wait3A_1038 = arith.constant 0 : i32
        %dma_wait3A_1039 = arith.constant 0 : i32
        %dma_wait3A_1040 = tpu.memref_slice %arg10[%dma_wait3A_1024, %dma_wait3A_1038, %dma_wait3A_1039] : memref<4x8x129xf32, #tpu.memory_space<vmem>> -> memref<1x8x128xf32, #tpu.memory_space<vmem>>
        %dma_wait3A_1041 = tpu.memref_squeeze %dma_wait3A_1040 : memref<1x8x128xf32, #tpu.memory_space<vmem>> -> memref<8x128xf32, #tpu.memory_space<vmem>>
        tpu.wait_dma2 semaphore(%arg18 : memref<!tpu.dma_semaphore, #tpu.memory_space<semaphore_mem>>) src(%dma_wait3A_1041 : memref<8x128xf32, #tpu.memory_space<vmem>>) dst(%dma_wait3A_1037 : memref<8x128xf32, #tpu.memory_space<hbm>>)
        %dma_wait3A_1042 = arith.constant 3 : i32
        %dma_wait3A_1043 = arith.constant 3 : i32
        %dma_wait3A_1044 = arith.constant 0 : i32
        %dma_wait3A_1045 = arith.constant 0 : i32
        %dma_wait3A_1046 = tpu.memref_slice %arg10[%dma_wait3A_1042, %dma_wait3A_1044, %dma_wait3A_1045] : memref<4x8x129xf32, #tpu.memory_space<vmem>> -> memref<1x8x128xf32, #tpu.memory_space<vmem>>
        %dma_wait3A_1047 = tpu.memref_squeeze %dma_wait3A_1046 : memref<1x8x128xf32, #tpu.memory_space<vmem>> -> memref<8x128xf32, #tpu.memory_space<vmem>>
        %dma_wait3A_1048 = arith.constant 0 : i32
        %dma_wait3A_1049 = arith.constant 0 : i32
        %dma_wait3A_1050 = tpu.memref_slice %arg5[%add3A_553, %dma_wait3A_1043, %add3A, %dma_wait3A_1048, %dma_wait3A_1049] : memref<200x4x32x8x128xf32, #tpu.memory_space<hbm>> -> memref<1x1x1x8x128xf32, #tpu.memory_space<hbm>>
        %dma_wait3A_1051 = tpu.memref_squeeze %dma_wait3A_1050 : memref<1x1x1x8x128xf32, #tpu.memory_space<hbm>> -> memref<8x128xf32, #tpu.memory_space<hbm>>
        %dma_wait3A_1052 = arith.constant 0 : i32
        %dma_wait3A_1053 = arith.constant 0 : i32
        %dma_wait3A_1054 = tpu.memref_slice %arg5[%add3A_553, %dma_wait3A_1043, %add3A, %dma_wait3A_1052, %dma_wait3A_1053] : memref<200x4x32x8x128xf32, #tpu.memory_space<hbm>> -> memref<1x1x1x8x128xf32, #tpu.memory_space<hbm>>
        %dma_wait3A_1055 = tpu.memref_squeeze %dma_wait3A_1054 : memref<1x1x1x8x128xf32, #tpu.memory_space<hbm>> -> memref<8x128xf32, #tpu.memory_space<hbm>>
        %dma_wait3A_1056 = arith.constant 0 : i32
        %dma_wait3A_1057 = arith.constant 0 : i32
        %dma_wait3A_1058 = tpu.memref_slice %arg10[%dma_wait3A_1042, %dma_wait3A_1056, %dma_wait3A_1057] : memref<4x8x129xf32, #tpu.memory_space<vmem>> -> memref<1x8x128xf32, #tpu.memory_space<vmem>>
        %dma_wait3A_1059 = tpu.memref_squeeze %dma_wait3A_1058 : memref<1x8x128xf32, #tpu.memory_space<vmem>> -> memref<8x128xf32, #tpu.memory_space<vmem>>
        tpu.wait_dma2 semaphore(%arg18 : memref<!tpu.dma_semaphore, #tpu.memory_space<semaphore_mem>>) src(%dma_wait3A_1059 : memref<8x128xf32, #tpu.memory_space<vmem>>) dst(%dma_wait3A_1055 : memref<8x128xf32, #tpu.memory_space<hbm>>)
      } else {
      }
      %mul3A_610 = arith.constant 0 : i32
      %mul3A_611 = vector.broadcast %mul3A_610 : i32 to vector<16xi32>
      %mul3A_612 = arith.muli %iota3A, %mul3A_611 : vector<16xi32>
      %scan3A_613 = arith.constant 0 : i32
      %scan3A_614 = arith.constant 128 : i32
      %scan3A_615 = arith.addi %scan3A_613, %scan3A_614 : i32
      %scan3A_616 = arith.constant 8 : i32
      %scan3A_617 = scf.for %scan3A_988 = %scan3A_613 to %scan3A_615 step %scan3A_616 iter_args(%scan3A_989 = %mul3A_612) -> (vector<16xi32>)  : i32 {
        %get3A = arith.constant 1 : i32
        %get3A_990 = arith.index_cast %get3A : i32 to index
        %get3A_991 = arith.index_cast %scan3A_988 : i32 to index
        %get3A_992 = arith.constant 0 : index
        %get3A_993 = tpu.vector_load %arg8[%get3A_990, %get3A_991, %get3A_992] {strides = array<i32>} : memref<4x128x32xf32, #tpu.memory_space<vmem>>, vector<16xf32>,
        %get3A_994 = arith.index_cast %add3A_553 : i32 to index
        %get3A_995 = arith.constant 0 : index
        %get3A_996 = tpu.vector_load %arg7[%get3A_994, %get3A_995] {strides = array<i32>} : memref<200x32xf32, #tpu.memory_space<vmem>>, vector<16xf32>,
        %add3A_997 = arith.addf %get3A_993, %get3A_996 : vector<16xf32>
        %get3A_998 = arith.constant 1 : i32
        %get3A_999 = arith.index_cast %get3A_998 : i32 to index
        %get3A_1000 = arith.index_cast %scan3A_988 : i32 to index
        %get3A_1001 = arith.constant 16 : index
        %get3A_1002 = tpu.vector_load %arg8[%get3A_999, %get3A_1000, %get3A_1001] {strides = array<i32>} : memref<4x128x32xf32, #tpu.memory_space<vmem>>, vector<16xf32>,
        %get3A_1003 = arith.index_cast %add3A_553 : i32 to index
        %get3A_1004 = arith.constant 16 : index
        %get3A_1005 = tpu.vector_load %arg7[%get3A_1003, %get3A_1004] {strides = array<i32>} : memref<200x32xf32, #tpu.memory_space<vmem>>, vector<16xf32>,
        %add3A_1006 = arith.addf %get3A_1002, %get3A_1005 : vector<16xf32>
        tpu.vector_store_idx %arg10[%select_n3A, %select_n3A_46, %scan3A_989], %add3A_997 : memref<4x8x129xf32, #tpu.memory_space<vmem>>[vector<16xi32>, vector<16xi32>, vector<16xi32>], vector<16xf32>,
        tpu.vector_store_idx %arg10[%add3A_26, %select_n3A_46, %scan3A_989], %add3A_1006 : memref<4x8x129xf32, #tpu.memory_space<vmem>>[vector<16xi32>, vector<16xi32>, vector<16xi32>], vector<16xf32>,
        %add3A_1007 = arith.constant 1 : i32
        %add3A_1008 = vector.broadcast %add3A_1007 : i32 to vector<16xi32>
        %add3A_1009 = arith.addi %scan3A_989, %add3A_1008 : vector<16xi32>
        %scan3A_1010 = arith.constant 1 : i32
        %scan3A_1011 = arith.addi %scan3A_988, %scan3A_1010 : i32
        %get3A_1012 = arith.constant 1 : i32
        %get3A_1013 = arith.index_cast %get3A_1012 : i32 to index
        %get3A_1014 = arith.index_cast %scan3A_1011 : i32 to index
        %get3A_1015 = arith.constant 0 : index
        %get3A_1016 = tpu.vector_load %arg8[%get3A_1013, %get3A_1014, %get3A_1015] {strides = array<i32>} : memref<4x128x32xf32, #tpu.memory_space<vmem>>, vector<16xf32>,
        %get3A_1017 = arith.index_cast %add3A_553 : i32 to index
        %get3A_1018 = arith.constant 0 : index
        %get3A_1019 = tpu.vector_load %arg7[%get3A_1017, %get3A_1018] {strides = array<i32>} : memref<200x32xf32, #tpu.memory_space<vmem>>, vector<16xf32>,
        %add3A_1020 = arith.addf %get3A_1016, %get3A_1019 : vector<16xf32>
        %get3A_1021 = arith.constant 1 : i32
        %get3A_1022 = arith.index_cast %get3A_1021 : i32 to index
        %get3A_1023 = arith.index_cast %scan3A_1011 : i32 to index
        %get3A_1024 = arith.constant 16 : index
        %get3A_1025 = tpu.vector_load %arg8[%get3A_1022, %get3A_1023, %get3A_1024] {strides = array<i32>} : memref<4x128x32xf32, #tpu.memory_space<vmem>>, vector<16xf32>,
        %get3A_1026 = arith.index_cast %add3A_553 : i32 to index
        %get3A_1027 = arith.constant 16 : index
        %get3A_1028 = tpu.vector_load %arg7[%get3A_1026, %get3A_1027] {strides = array<i32>} : memref<200x32xf32, #tpu.memory_space<vmem>>, vector<16xf32>,
        %add3A_1029 = arith.addf %get3A_1025, %get3A_1028 : vector<16xf32>
        tpu.vector_store_idx %arg10[%select_n3A, %select_n3A_46, %add3A_1009], %add3A_1020 : memref<4x8x129xf32, #tpu.memory_space<vmem>>[vector<16xi32>, vector<16xi32>, vector<16xi32>], vector<16xf32>,
        tpu.vector_store_idx %arg10[%add3A_26, %select_n3A_46, %add3A_1009], %add3A_1029 : memref<4x8x129xf32, #tpu.memory_space<vmem>>[vector<16xi32>, vector<16xi32>, vector<16xi32>], vector<16xf32>,
        %add3A_1030 = arith.constant 1 : i32
        %add3A_1031 = vector.broadcast %add3A_1030 : i32 to vector<16xi32>
        %add3A_1032 = arith.addi %add3A_1009, %add3A_1031 : vector<16xi32>
        %scan3A_1033 = arith.constant 2 : i32
        %scan3A_1034 = arith.addi %scan3A_988, %scan3A_1033 : i32
        %get3A_1035 = arith.constant 1 : i32
        %get3A_1036 = arith.index_cast %get3A_1035 : i32 to index
        %get3A_1037 = arith.index_cast %scan3A_1034 : i32 to index
        %get3A_1038 = arith.constant 0 : index
        %get3A_1039 = tpu.vector_load %arg8[%get3A_1036, %get3A_1037, %get3A_1038] {strides = array<i32>} : memref<4x128x32xf32, #tpu.memory_space<vmem>>, vector<16xf32>,
        %get3A_1040 = arith.index_cast %add3A_553 : i32 to index
        %get3A_1041 = arith.constant 0 : index
        %get3A_1042 = tpu.vector_load %arg7[%get3A_1040, %get3A_1041] {strides = array<i32>} : memref<200x32xf32, #tpu.memory_space<vmem>>, vector<16xf32>,
        %add3A_1043 = arith.addf %get3A_1039, %get3A_1042 : vector<16xf32>
        %get3A_1044 = arith.constant 1 : i32
        %get3A_1045 = arith.index_cast %get3A_1044 : i32 to index
        %get3A_1046 = arith.index_cast %scan3A_1034 : i32 to index
        %get3A_1047 = arith.constant 16 : index
        %get3A_1048 = tpu.vector_load %arg8[%get3A_1045, %get3A_1046, %get3A_1047] {strides = array<i32>} : memref<4x128x32xf32, #tpu.memory_space<vmem>>, vector<16xf32>,
        %get3A_1049 = arith.index_cast %add3A_553 : i32 to index
        %get3A_1050 = arith.constant 16 : index
        %get3A_1051 = tpu.vector_load %arg7[%get3A_1049, %get3A_1050] {strides = array<i32>} : memref<200x32xf32, #tpu.memory_space<vmem>>, vector<16xf32>,
        %add3A_1052 = arith.addf %get3A_1048, %get3A_1051 : vector<16xf32>
        tpu.vector_store_idx %arg10[%select_n3A, %select_n3A_46, %add3A_1032], %add3A_1043 : memref<4x8x129xf32, #tpu.memory_space<vmem>>[vector<16xi32>, vector<16xi32>, vector<16xi32>], vector<16xf32>,
        tpu.vector_store_idx %arg10[%add3A_26, %select_n3A_46, %add3A_1032], %add3A_1052 : memref<4x8x129xf32, #tpu.memory_space<vmem>>[vector<16xi32>, vector<16xi32>, vector<16xi32>], vector<16xf32>,
        %add3A_1053 = arith.constant 1 : i32
        %add3A_1054 = vector.broadcast %add3A_1053 : i32 to vector<16xi32>
        %add3A_1055 = arith.addi %add3A_1032, %add3A_1054 : vector<16xi32>
        %scan3A_1056 = arith.constant 3 : i32
        %scan3A_1057 = arith.addi %scan3A_988, %scan3A_1056 : i32
        %get3A_1058 = arith.constant 1 : i32
        %get3A_1059 = arith.index_cast %get3A_1058 : i32 to index
        %get3A_1060 = arith.index_cast %scan3A_1057 : i32 to index
        %get3A_1061 = arith.constant 0 : index
        %get3A_1062 = tpu.vector_load %arg8[%get3A_1059, %get3A_1060, %get3A_1061] {strides = array<i32>} : memref<4x128x32xf32, #tpu.memory_space<vmem>>, vector<16xf32>,
        %get3A_1063 = arith.index_cast %add3A_553 : i32 to index
        %get3A_1064 = arith.constant 0 : index
        %get3A_1065 = tpu.vector_load %arg7[%get3A_1063, %get3A_1064] {strides = array<i32>} : memref<200x32xf32, #tpu.memory_space<vmem>>, vector<16xf32>,
        %add3A_1066 = arith.addf %get3A_1062, %get3A_1065 : vector<16xf32>
        %get3A_1067 = arith.constant 1 : i32
        %get3A_1068 = arith.index_cast %get3A_1067 : i32 to index
        %get3A_1069 = arith.index_cast %scan3A_1057 : i32 to index
        %get3A_1070 = arith.constant 16 : index
        %get3A_1071 = tpu.vector_load %arg8[%get3A_1068, %get3A_1069, %get3A_1070] {strides = array<i32>} : memref<4x128x32xf32, #tpu.memory_space<vmem>>, vector<16xf32>,
        %get3A_1072 = arith.index_cast %add3A_553 : i32 to index
        %get3A_1073 = arith.constant 16 : index
        %get3A_1074 = tpu.vector_load %arg7[%get3A_1072, %get3A_1073] {strides = array<i32>} : memref<200x32xf32, #tpu.memory_space<vmem>>, vector<16xf32>,
        %add3A_1075 = arith.addf %get3A_1071, %get3A_1074 : vector<16xf32>
        tpu.vector_store_idx %arg10[%select_n3A, %select_n3A_46, %add3A_1055], %add3A_1066 : memref<4x8x129xf32, #tpu.memory_space<vmem>>[vector<16xi32>, vector<16xi32>, vector<16xi32>], vector<16xf32>,
        tpu.vector_store_idx %arg10[%add3A_26, %select_n3A_46, %add3A_1055], %add3A_1075 : memref<4x8x129xf32, #tpu.memory_space<vmem>>[vector<16xi32>, vector<16xi32>, vector<16xi32>], vector<16xf32>,
        %add3A_1076 = arith.constant 1 : i32
        %add3A_1077 = vector.broadcast %add3A_1076 : i32 to vector<16xi32>
        %add3A_1078 = arith.addi %add3A_1055, %add3A_1077 : vector<16xi32>
        %scan3A_1079 = arith.constant 4 : i32
        %scan3A_1080 = arith.addi %scan3A_988, %scan3A_1079 : i32
        %get3A_1081 = arith.constant 1 : i32
        %get3A_1082 = arith.index_cast %get3A_1081 : i32 to index
        %get3A_1083 = arith.index_cast %scan3A_1080 : i32 to index
        %get3A_1084 = arith.constant 0 : index
        %get3A_1085 = tpu.vector_load %arg8[%get3A_1082, %get3A_1083, %get3A_1084] {strides = array<i32>} : memref<4x128x32xf32, #tpu.memory_space<vmem>>, vector<16xf32>,
        %get3A_1086 = arith.index_cast %add3A_553 : i32 to index
        %get3A_1087 = arith.constant 0 : index
        %get3A_1088 = tpu.vector_load %arg7[%get3A_1086, %get3A_1087] {strides = array<i32>} : memref<200x32xf32, #tpu.memory_space<vmem>>, vector<16xf32>,
        %add3A_1089 = arith.addf %get3A_1085, %get3A_1088 : vector<16xf32>
        %get3A_1090 = arith.constant 1 : i32
        %get3A_1091 = arith.index_cast %get3A_1090 : i32 to index
        %get3A_1092 = arith.index_cast %scan3A_1080 : i32 to index
        %get3A_1093 = arith.constant 16 : index
        %get3A_1094 = tpu.vector_load %arg8[%get3A_1091, %get3A_1092, %get3A_1093] {strides = array<i32>} : memref<4x128x32xf32, #tpu.memory_space<vmem>>, vector<16xf32>,
        %get3A_1095 = arith.index_cast %add3A_553 : i32 to index
        %get3A_1096 = arith.constant 16 : index
        %get3A_1097 = tpu.vector_load %arg7[%get3A_1095, %get3A_1096] {strides = array<i32>} : memref<200x32xf32, #tpu.memory_space<vmem>>, vector<16xf32>,
        %add3A_1098 = arith.addf %get3A_1094, %get3A_1097 : vector<16xf32>
        tpu.vector_store_idx %arg10[%select_n3A, %select_n3A_46, %add3A_1078], %add3A_1089 : memref<4x8x129xf32, #tpu.memory_space<vmem>>[vector<16xi32>, vector<16xi32>, vector<16xi32>], vector<16xf32>,
        tpu.vector_store_idx %arg10[%add3A_26, %select_n3A_46, %add3A_1078], %add3A_1098 : memref<4x8x129xf32, #tpu.memory_space<vmem>>[vector<16xi32>, vector<16xi32>, vector<16xi32>], vector<16xf32>,
        %add3A_1099 = arith.constant 1 : i32
        %add3A_1100 = vector.broadcast %add3A_1099 : i32 to vector<16xi32>
        %add3A_1101 = arith.addi %add3A_1078, %add3A_1100 : vector<16xi32>
        %scan3A_1102 = arith.constant 5 : i32
        %scan3A_1103 = arith.addi %scan3A_988, %scan3A_1102 : i32
        %get3A_1104 = arith.constant 1 : i32
        %get3A_1105 = arith.index_cast %get3A_1104 : i32 to index
        %get3A_1106 = arith.index_cast %scan3A_1103 : i32 to index
        %get3A_1107 = arith.constant 0 : index
        %get3A_1108 = tpu.vector_load %arg8[%get3A_1105, %get3A_1106, %get3A_1107] {strides = array<i32>} : memref<4x128x32xf32, #tpu.memory_space<vmem>>, vector<16xf32>,
        %get3A_1109 = arith.index_cast %add3A_553 : i32 to index
        %get3A_1110 = arith.constant 0 : index
        %get3A_1111 = tpu.vector_load %arg7[%get3A_1109, %get3A_1110] {strides = array<i32>} : memref<200x32xf32, #tpu.memory_space<vmem>>, vector<16xf32>,
        %add3A_1112 = arith.addf %get3A_1108, %get3A_1111 : vector<16xf32>
        %get3A_1113 = arith.constant 1 : i32
        %get3A_1114 = arith.index_cast %get3A_1113 : i32 to index
        %get3A_1115 = arith.index_cast %scan3A_1103 : i32 to index
        %get3A_1116 = arith.constant 16 : index
        %get3A_1117 = tpu.vector_load %arg8[%get3A_1114, %get3A_1115, %get3A_1116] {strides = array<i32>} : memref<4x128x32xf32, #tpu.memory_space<vmem>>, vector<16xf32>,
        %get3A_1118 = arith.index_cast %add3A_553 : i32 to index
        %get3A_1119 = arith.constant 16 : index
        %get3A_1120 = tpu.vector_load %arg7[%get3A_1118, %get3A_1119] {strides = array<i32>} : memref<200x32xf32, #tpu.memory_space<vmem>>, vector<16xf32>,
        %add3A_1121 = arith.addf %get3A_1117, %get3A_1120 : vector<16xf32>
        tpu.vector_store_idx %arg10[%select_n3A, %select_n3A_46, %add3A_1101], %add3A_1112 : memref<4x8x129xf32, #tpu.memory_space<vmem>>[vector<16xi32>, vector<16xi32>, vector<16xi32>], vector<16xf32>,
        tpu.vector_store_idx %arg10[%add3A_26, %select_n3A_46, %add3A_1101], %add3A_1121 : memref<4x8x129xf32, #tpu.memory_space<vmem>>[vector<16xi32>, vector<16xi32>, vector<16xi32>], vector<16xf32>,
        %add3A_1122 = arith.constant 1 : i32
        %add3A_1123 = vector.broadcast %add3A_1122 : i32 to vector<16xi32>
        %add3A_1124 = arith.addi %add3A_1101, %add3A_1123 : vector<16xi32>
        %scan3A_1125 = arith.constant 6 : i32
        %scan3A_1126 = arith.addi %scan3A_988, %scan3A_1125 : i32
        %get3A_1127 = arith.constant 1 : i32
        %get3A_1128 = arith.index_cast %get3A_1127 : i32 to index
        %get3A_1129 = arith.index_cast %scan3A_1126 : i32 to index
        %get3A_1130 = arith.constant 0 : index
        %get3A_1131 = tpu.vector_load %arg8[%get3A_1128, %get3A_1129, %get3A_1130] {strides = array<i32>} : memref<4x128x32xf32, #tpu.memory_space<vmem>>, vector<16xf32>,
        %get3A_1132 = arith.index_cast %add3A_553 : i32 to index
        %get3A_1133 = arith.constant 0 : index
        %get3A_1134 = tpu.vector_load %arg7[%get3A_1132, %get3A_1133] {strides = array<i32>} : memref<200x32xf32, #tpu.memory_space<vmem>>, vector<16xf32>,
        %add3A_1135 = arith.addf %get3A_1131, %get3A_1134 : vector<16xf32>
        %get3A_1136 = arith.constant 1 : i32
        %get3A_1137 = arith.index_cast %get3A_1136 : i32 to index
        %get3A_1138 = arith.index_cast %scan3A_1126 : i32 to index
        %get3A_1139 = arith.constant 16 : index
        %get3A_1140 = tpu.vector_load %arg8[%get3A_1137, %get3A_1138, %get3A_1139] {strides = array<i32>} : memref<4x128x32xf32, #tpu.memory_space<vmem>>, vector<16xf32>,
        %get3A_1141 = arith.index_cast %add3A_553 : i32 to index
        %get3A_1142 = arith.constant 16 : index
        %get3A_1143 = tpu.vector_load %arg7[%get3A_1141, %get3A_1142] {strides = array<i32>} : memref<200x32xf32, #tpu.memory_space<vmem>>, vector<16xf32>,
        %add3A_1144 = arith.addf %get3A_1140, %get3A_1143 : vector<16xf32>
        tpu.vector_store_idx %arg10[%select_n3A, %select_n3A_46, %add3A_1124], %add3A_1135 : memref<4x8x129xf32, #tpu.memory_space<vmem>>[vector<16xi32>, vector<16xi32>, vector<16xi32>], vector<16xf32>,
        tpu.vector_store_idx %arg10[%add3A_26, %select_n3A_46, %add3A_1124], %add3A_1144 : memref<4x8x129xf32, #tpu.memory_space<vmem>>[vector<16xi32>, vector<16xi32>, vector<16xi32>], vector<16xf32>,
        %add3A_1145 = arith.constant 1 : i32
        %add3A_1146 = vector.broadcast %add3A_1145 : i32 to vector<16xi32>
        %add3A_1147 = arith.addi %add3A_1124, %add3A_1146 : vector<16xi32>
        %scan3A_1148 = arith.constant 7 : i32
        %scan3A_1149 = arith.addi %scan3A_988, %scan3A_1148 : i32
        %get3A_1150 = arith.constant 1 : i32
        %get3A_1151 = arith.index_cast %get3A_1150 : i32 to index
        %get3A_1152 = arith.index_cast %scan3A_1149 : i32 to index
        %get3A_1153 = arith.constant 0 : index
        %get3A_1154 = tpu.vector_load %arg8[%get3A_1151, %get3A_1152, %get3A_1153] {strides = array<i32>} : memref<4x128x32xf32, #tpu.memory_space<vmem>>, vector<16xf32>,
        %get3A_1155 = arith.index_cast %add3A_553 : i32 to index
        %get3A_1156 = arith.constant 0 : index
        %get3A_1157 = tpu.vector_load %arg7[%get3A_1155, %get3A_1156] {strides = array<i32>} : memref<200x32xf32, #tpu.memory_space<vmem>>, vector<16xf32>,
        %add3A_1158 = arith.addf %get3A_1154, %get3A_1157 : vector<16xf32>
        %get3A_1159 = arith.constant 1 : i32
        %get3A_1160 = arith.index_cast %get3A_1159 : i32 to index
        %get3A_1161 = arith.index_cast %scan3A_1149 : i32 to index
        %get3A_1162 = arith.constant 16 : index
        %get3A_1163 = tpu.vector_load %arg8[%get3A_1160, %get3A_1161, %get3A_1162] {strides = array<i32>} : memref<4x128x32xf32, #tpu.memory_space<vmem>>, vector<16xf32>,
        %get3A_1164 = arith.index_cast %add3A_553 : i32 to index
        %get3A_1165 = arith.constant 16 : index
        %get3A_1166 = tpu.vector_load %arg7[%get3A_1164, %get3A_1165] {strides = array<i32>} : memref<200x32xf32, #tpu.memory_space<vmem>>, vector<16xf32>,
        %add3A_1167 = arith.addf %get3A_1163, %get3A_1166 : vector<16xf32>
        tpu.vector_store_idx %arg10[%select_n3A, %select_n3A_46, %add3A_1147], %add3A_1158 : memref<4x8x129xf32, #tpu.memory_space<vmem>>[vector<16xi32>, vector<16xi32>, vector<16xi32>], vector<16xf32>,
        tpu.vector_store_idx %arg10[%add3A_26, %select_n3A_46, %add3A_1147], %add3A_1167 : memref<4x8x129xf32, #tpu.memory_space<vmem>>[vector<16xi32>, vector<16xi32>, vector<16xi32>], vector<16xf32>,
        %add3A_1168 = arith.constant 1 : i32
        %add3A_1169 = vector.broadcast %add3A_1168 : i32 to vector<16xi32>
        %add3A_1170 = arith.addi %add3A_1147, %add3A_1169 : vector<16xi32>
        scf.yield %add3A_1170 : vector<16xi32>
      }
      %scan3A_618 = arith.constant 128 : i32
      %dma_start3A_619 = arith.constant 0 : i32
      %dma_start3A_620 = arith.constant 0 : i32
      %dma_start3A_621 = arith.constant 0 : i32
      %dma_start3A_622 = arith.constant 0 : i32
      %dma_start3A_623 = tpu.memref_slice %arg10[%dma_start3A_619, %dma_start3A_621, %dma_start3A_622] : memref<4x8x129xf32, #tpu.memory_space<vmem>> -> memref<1x8x128xf32, #tpu.memory_space<vmem>>
      %dma_start3A_624 = tpu.memref_squeeze %dma_start3A_623 : memref<1x8x128xf32, #tpu.memory_space<vmem>> -> memref<8x128xf32, #tpu.memory_space<vmem>>
      %dma_start3A_625 = arith.constant 0 : i32
      %dma_start3A_626 = arith.constant 0 : i32
      %dma_start3A_627 = tpu.memref_slice %arg5[%add3A_553, %dma_start3A_620, %add3A, %dma_start3A_625, %dma_start3A_626] : memref<200x4x32x8x128xf32, #tpu.memory_space<hbm>> -> memref<1x1x1x8x128xf32, #tpu.memory_space<hbm>>
      %dma_start3A_628 = tpu.memref_squeeze %dma_start3A_627 : memref<1x1x1x8x128xf32, #tpu.memory_space<hbm>> -> memref<8x128xf32, #tpu.memory_space<hbm>>
      %dma_start3A_629 = arith.constant 0 : i32
      %dma_start3A_630 = arith.constant 0 : i32
      %dma_start3A_631 = tpu.memref_slice %arg5[%add3A_553, %dma_start3A_620, %add3A, %dma_start3A_629, %dma_start3A_630] : memref<200x4x32x8x128xf32, #tpu.memory_space<hbm>> -> memref<1x1x1x8x128xf32, #tpu.memory_space<hbm>>
      %dma_start3A_632 = tpu.memref_squeeze %dma_start3A_631 : memref<1x1x1x8x128xf32, #tpu.memory_space<hbm>> -> memref<8x128xf32, #tpu.memory_space<hbm>>
      %dma_start3A_633 = arith.constant 0 : i32
      %dma_start3A_634 = arith.constant 0 : i32
      %dma_start3A_635 = tpu.memref_slice %arg10[%dma_start3A_619, %dma_start3A_633, %dma_start3A_634] : memref<4x8x129xf32, #tpu.memory_space<vmem>> -> memref<1x8x128xf32, #tpu.memory_space<vmem>>
      %dma_start3A_636 = tpu.memref_squeeze %dma_start3A_635 : memref<1x8x128xf32, #tpu.memory_space<vmem>> -> memref<8x128xf32, #tpu.memory_space<vmem>>
      tpu.enqueue_dma source(%dma_start3A_636 : memref<8x128xf32, #tpu.memory_space<vmem>>) target(%dma_start3A_632 : memref<8x128xf32, #tpu.memory_space<hbm>>) target_semaphore(%arg18 : memref<!tpu.dma_semaphore, #tpu.memory_space<semaphore_mem>>)
      %dma_start3A_637 = arith.constant 1 : i32
      %dma_start3A_638 = arith.constant 1 : i32
      %dma_start3A_639 = arith.constant 0 : i32
      %dma_start3A_640 = arith.constant 0 : i32
      %dma_start3A_641 = tpu.memref_slice %arg10[%dma_start3A_637, %dma_start3A_639, %dma_start3A_640] : memref<4x8x129xf32, #tpu.memory_space<vmem>> -> memref<1x8x128xf32, #tpu.memory_space<vmem>>
      %dma_start3A_642 = tpu.memref_squeeze %dma_start3A_641 : memref<1x8x128xf32, #tpu.memory_space<vmem>> -> memref<8x128xf32, #tpu.memory_space<vmem>>
      %dma_start3A_643 = arith.constant 0 : i32
      %dma_start3A_644 = arith.constant 0 : i32
      %dma_start3A_645 = tpu.memref_slice %arg5[%add3A_553, %dma_start3A_638, %add3A, %dma_start3A_643, %dma_start3A_644] : memref<200x4x32x8x128xf32, #tpu.memory_space<hbm>> -> memref<1x1x1x8x128xf32, #tpu.memory_space<hbm>>
      %dma_start3A_646 = tpu.memref_squeeze %dma_start3A_645 : memref<1x1x1x8x128xf32, #tpu.memory_space<hbm>> -> memref<8x128xf32, #tpu.memory_space<hbm>>
      %dma_start3A_647 = arith.constant 0 : i32
      %dma_start3A_648 = arith.constant 0 : i32
      %dma_start3A_649 = tpu.memref_slice %arg5[%add3A_553, %dma_start3A_638, %add3A, %dma_start3A_647, %dma_start3A_648] : memref<200x4x32x8x128xf32, #tpu.memory_space<hbm>> -> memref<1x1x1x8x128xf32, #tpu.memory_space<hbm>>
      %dma_start3A_650 = tpu.memref_squeeze %dma_start3A_649 : memref<1x1x1x8x128xf32, #tpu.memory_space<hbm>> -> memref<8x128xf32, #tpu.memory_space<hbm>>
      %dma_start3A_651 = arith.constant 0 : i32
      %dma_start3A_652 = arith.constant 0 : i32
      %dma_start3A_653 = tpu.memref_slice %arg10[%dma_start3A_637, %dma_start3A_651, %dma_start3A_652] : memref<4x8x129xf32, #tpu.memory_space<vmem>> -> memref<1x8x128xf32, #tpu.memory_space<vmem>>
      %dma_start3A_654 = tpu.memref_squeeze %dma_start3A_653 : memref<1x8x128xf32, #tpu.memory_space<vmem>> -> memref<8x128xf32, #tpu.memory_space<vmem>>
      tpu.enqueue_dma source(%dma_start3A_654 : memref<8x128xf32, #tpu.memory_space<vmem>>) target(%dma_start3A_650 : memref<8x128xf32, #tpu.memory_space<hbm>>) target_semaphore(%arg18 : memref<!tpu.dma_semaphore, #tpu.memory_space<semaphore_mem>>)
      %dma_start3A_655 = arith.constant 2 : i32
      %dma_start3A_656 = arith.constant 2 : i32
      %dma_start3A_657 = arith.constant 0 : i32
      %dma_start3A_658 = arith.constant 0 : i32
      %dma_start3A_659 = tpu.memref_slice %arg10[%dma_start3A_655, %dma_start3A_657, %dma_start3A_658] : memref<4x8x129xf32, #tpu.memory_space<vmem>> -> memref<1x8x128xf32, #tpu.memory_space<vmem>>
      %dma_start3A_660 = tpu.memref_squeeze %dma_start3A_659 : memref<1x8x128xf32, #tpu.memory_space<vmem>> -> memref<8x128xf32, #tpu.memory_space<vmem>>
      %dma_start3A_661 = arith.constant 0 : i32
      %dma_start3A_662 = arith.constant 0 : i32
      %dma_start3A_663 = tpu.memref_slice %arg5[%add3A_553, %dma_start3A_656, %add3A, %dma_start3A_661, %dma_start3A_662] : memref<200x4x32x8x128xf32, #tpu.memory_space<hbm>> -> memref<1x1x1x8x128xf32, #tpu.memory_space<hbm>>
      %dma_start3A_664 = tpu.memref_squeeze %dma_start3A_663 : memref<1x1x1x8x128xf32, #tpu.memory_space<hbm>> -> memref<8x128xf32, #tpu.memory_space<hbm>>
      %dma_start3A_665 = arith.constant 0 : i32
      %dma_start3A_666 = arith.constant 0 : i32
      %dma_start3A_667 = tpu.memref_slice %arg5[%add3A_553, %dma_start3A_656, %add3A, %dma_start3A_665, %dma_start3A_666] : memref<200x4x32x8x128xf32, #tpu.memory_space<hbm>> -> memref<1x1x1x8x128xf32, #tpu.memory_space<hbm>>
      %dma_start3A_668 = tpu.memref_squeeze %dma_start3A_667 : memref<1x1x1x8x128xf32, #tpu.memory_space<hbm>> -> memref<8x128xf32, #tpu.memory_space<hbm>>
      %dma_start3A_669 = arith.constant 0 : i32
      %dma_start3A_670 = arith.constant 0 : i32
      %dma_start3A_671 = tpu.memref_slice %arg10[%dma_start3A_655, %dma_start3A_669, %dma_start3A_670] : memref<4x8x129xf32, #tpu.memory_space<vmem>> -> memref<1x8x128xf32, #tpu.memory_space<vmem>>
      %dma_start3A_672 = tpu.memref_squeeze %dma_start3A_671 : memref<1x8x128xf32, #tpu.memory_space<vmem>> -> memref<8x128xf32, #tpu.memory_space<vmem>>
      tpu.enqueue_dma source(%dma_start3A_672 : memref<8x128xf32, #tpu.memory_space<vmem>>) target(%dma_start3A_668 : memref<8x128xf32, #tpu.memory_space<hbm>>) target_semaphore(%arg18 : memref<!tpu.dma_semaphore, #tpu.memory_space<semaphore_mem>>)
      %dma_start3A_673 = arith.constant 3 : i32
      %dma_start3A_674 = arith.constant 3 : i32
      %dma_start3A_675 = arith.constant 0 : i32
      %dma_start3A_676 = arith.constant 0 : i32
      %dma_start3A_677 = tpu.memref_slice %arg10[%dma_start3A_673, %dma_start3A_675, %dma_start3A_676] : memref<4x8x129xf32, #tpu.memory_space<vmem>> -> memref<1x8x128xf32, #tpu.memory_space<vmem>>
      %dma_start3A_678 = tpu.memref_squeeze %dma_start3A_677 : memref<1x8x128xf32, #tpu.memory_space<vmem>> -> memref<8x128xf32, #tpu.memory_space<vmem>>
      %dma_start3A_679 = arith.constant 0 : i32
      %dma_start3A_680 = arith.constant 0 : i32
      %dma_start3A_681 = tpu.memref_slice %arg5[%add3A_553, %dma_start3A_674, %add3A, %dma_start3A_679, %dma_start3A_680] : memref<200x4x32x8x128xf32, #tpu.memory_space<hbm>> -> memref<1x1x1x8x128xf32, #tpu.memory_space<hbm>>
      %dma_start3A_682 = tpu.memref_squeeze %dma_start3A_681 : memref<1x1x1x8x128xf32, #tpu.memory_space<hbm>> -> memref<8x128xf32, #tpu.memory_space<hbm>>
      %dma_start3A_683 = arith.constant 0 : i32
      %dma_start3A_684 = arith.constant 0 : i32
      %dma_start3A_685 = tpu.memref_slice %arg5[%add3A_553, %dma_start3A_674, %add3A, %dma_start3A_683, %dma_start3A_684] : memref<200x4x32x8x128xf32, #tpu.memory_space<hbm>> -> memref<1x1x1x8x128xf32, #tpu.memory_space<hbm>>
      %dma_start3A_686 = tpu.memref_squeeze %dma_start3A_685 : memref<1x1x1x8x128xf32, #tpu.memory_space<hbm>> -> memref<8x128xf32, #tpu.memory_space<hbm>>
      %dma_start3A_687 = arith.constant 0 : i32
      %dma_start3A_688 = arith.constant 0 : i32
      %dma_start3A_689 = tpu.memref_slice %arg10[%dma_start3A_673, %dma_start3A_687, %dma_start3A_688] : memref<4x8x129xf32, #tpu.memory_space<vmem>> -> memref<1x8x128xf32, #tpu.memory_space<vmem>>
      %dma_start3A_690 = tpu.memref_squeeze %dma_start3A_689 : memref<1x8x128xf32, #tpu.memory_space<vmem>> -> memref<8x128xf32, #tpu.memory_space<vmem>>
      tpu.enqueue_dma source(%dma_start3A_690 : memref<8x128xf32, #tpu.memory_space<vmem>>) target(%dma_start3A_686 : memref<8x128xf32, #tpu.memory_space<hbm>>) target_semaphore(%arg18 : memref<!tpu.dma_semaphore, #tpu.memory_space<semaphore_mem>>)
      %lt3A_691 = arith.constant 49 : i32
      %lt3A_692 = arith.cmpi slt, %scan3A_406, %lt3A_691 : i32
      %convert_element_type3A_693 = arith.extui %lt3A_692 : i1 to i32
      %cond3A_694 = arith.constant 0 : i32
      %cond3A_695 = arith.cmpi ne, %convert_element_type3A_693, %cond3A_694 : i32
      scf.if %cond3A_695 {
        %add3A_988 = arith.constant 4 : i32
        %add3A_989 = arith.addi %add3A_553, %add3A_988 : i32
        %jit3A_990 = arith.constant 8 : i32
        %div3A_991 = arith.divsi %add3A_989, %jit3A_990 : i32
        %sign3A_992 = arith.constant 0 : i32
        %sign3A_993 = arith.cmpi sgt, %add3A_989, %sign3A_992 : i32
        %sign3A_994 = arith.extui %sign3A_993 : i1 to i32
        %sign3A_995 = arith.constant 0 : i32
        %sign3A_996 = arith.cmpi slt, %add3A_989, %sign3A_995 : i32
        %sign3A_997 = arith.extui %sign3A_996 : i1 to i32
        %sign3A_998 = arith.subi %sign3A_994, %sign3A_997 : i32
        %sign3A_999 = arith.constant 0 : i32
        %sign3A_1000 = arith.cmpi sgt, %jit3A_990, %sign3A_999 : i32
        %sign3A_1001 = arith.extui %sign3A_1000 : i1 to i32
        %sign3A_1002 = arith.constant 0 : i32
        %sign3A_1003 = arith.cmpi slt, %jit3A_990, %sign3A_1002 : i32
        %sign3A_1004 = arith.extui %sign3A_1003 : i1 to i32
        %sign3A_1005 = arith.subi %sign3A_1001, %sign3A_1004 : i32
        %ne3A_1006 = arith.cmpi ne, %sign3A_998, %sign3A_1005 : i32
        %rem3A_1007 = arith.remsi %add3A_989, %jit3A_990 : i32
        %ne3A_1008 = arith.constant 0 : i32
        %ne3A_1009 = arith.cmpi ne, %rem3A_1007, %ne3A_1008 : i32
        %and3A_1010 = arith.andi %ne3A_1006, %ne3A_1009 : i1
        %sub3A_1011 = arith.constant 1 : i32
        %sub3A_1012 = arith.subi %div3A_991, %sub3A_1011 : i32
        %select_n3A_1013 = arith.select %and3A_1010, %sub3A_1012, %div3A_991 : i32
        %jit3A_1014 = arith.constant 8 : i32
        %eq3A_1015 = arith.constant 0 : i32
        %eq3A_1016 = arith.cmpi eq, %jit3A_1014, %eq3A_1015 : i32
        %jit3A_1017 = arith.constant 1 : i32
        %select_n3A_1018 = arith.select %eq3A_1016, %jit3A_1017, %jit3A_1014 : i32
        %rem3A_1019 = arith.remsi %add3A_989, %select_n3A_1018 : i32
        %ne3A_1020 = arith.constant 0 : i32
        %ne3A_1021 = arith.cmpi ne, %rem3A_1019, %ne3A_1020 : i32
        %lt3A_1022 = arith.constant 0 : i32
        %lt3A_1023 = arith.cmpi slt, %rem3A_1019, %lt3A_1022 : i32
        %lt3A_1024 = arith.constant 0 : i32
        %lt3A_1025 = arith.cmpi slt, %select_n3A_1018, %lt3A_1024 : i32
        %ne3A_1026 = arith.xori %lt3A_1023, %lt3A_1025 : i1
        %and3A_1027 = arith.andi %ne3A_1026, %ne3A_1021 : i1
        %add3A_1028 = arith.addi %rem3A_1019, %select_n3A_1018 : i32
        %select_n3A_1029 = arith.select %and3A_1027, %add3A_1028, %rem3A_1019 : i32
        %dma_start3A_1030 = arith.constant 1 : i32
        %dma_start3A_1031 = arith.constant 0 : i32
        %dma_start3A_1032 = arith.constant 0 : i32
        %dma_start3A_1033 = tpu.memref_slice %arg8[%dma_start3A_1030, %dma_start3A_1031, %dma_start3A_1032] : memref<4x128x32xf32, #tpu.memory_space<vmem>> -> memref<1x128x32xf32, #tpu.memory_space<vmem>>
        %dma_start3A_1034 = tpu.memref_squeeze %dma_start3A_1033 : memref<1x128x32xf32, #tpu.memory_space<vmem>> -> memref<128x32xf32, #tpu.memory_space<vmem>>
        %dma_start3A_1035 = arith.constant 0 : i32
        %dma_start3A_1036 = tpu.memref_slice %arg6[%select_n3A_1013, %select_n3A_1029, %dma_start3A_1035] : memref<25x8x128xi32, #tpu.memory_space<vmem>> -> memref<1x1x128xi32, #tpu.memory_space<vmem>>
        %dma_start3A_1037 = tpu.memref_squeeze %dma_start3A_1036 : memref<1x1x128xi32, #tpu.memory_space<vmem>> -> memref<128xi32, #tpu.memory_space<vmem>>
        %dma_start3A_1038 = arith.constant 0 : i32
        %dma_start3A_1039 = arith.constant 0 : i32
        %dma_start3A_1040 = tpu.memref_slice %arg4[%dma_start3A_1038, %dma_start3A_1039] : memref<1000000x32xf32, #tpu.memory_space<hbm>> -> memref<1000000x32xf32, #tpu.memory_space<hbm>>
        tpu.enqueue_indirect_dma source(%dma_start3A_1040 : memref<1000000x32xf32, #tpu.memory_space<hbm>>) target(%dma_start3A_1034 : memref<128x32xf32, #tpu.memory_space<vmem>>) offsets(%dma_start3A_1037 : memref<128xi32, #tpu.memory_space<vmem>>) semaphore(%arg14 : memref<!tpu.dma_semaphore, #tpu.memory_space<semaphore_mem>>)
      } else {
      }
      %mul3A_696 = arith.constant 4 : i32
      %mul3A_697 = arith.muli %scan3A_406, %mul3A_696 : i32
      %add3A_698 = arith.constant 2 : i32
      %add3A_699 = arith.addi %mul3A_697, %add3A_698 : i32
      %jit3A_700 = arith.constant 8 : i32
      %div3A_701 = arith.divsi %add3A_699, %jit3A_700 : i32
      %sign3A_702 = arith.constant 0 : i32
      %sign3A_703 = arith.cmpi sgt, %add3A_699, %sign3A_702 : i32
      %sign3A_704 = arith.extui %sign3A_703 : i1 to i32
      %sign3A_705 = arith.constant 0 : i32
      %sign3A_706 = arith.cmpi slt, %add3A_699, %sign3A_705 : i32
      %sign3A_707 = arith.extui %sign3A_706 : i1 to i32
      %sign3A_708 = arith.subi %sign3A_704, %sign3A_707 : i32
      %sign3A_709 = arith.constant 0 : i32
      %sign3A_710 = arith.cmpi sgt, %jit3A_700, %sign3A_709 : i32
      %sign3A_711 = arith.extui %sign3A_710 : i1 to i32
      %sign3A_712 = arith.constant 0 : i32
      %sign3A_713 = arith.cmpi slt, %jit3A_700, %sign3A_712 : i32
      %sign3A_714 = arith.extui %sign3A_713 : i1 to i32
      %sign3A_715 = arith.subi %sign3A_711, %sign3A_714 : i32
      %ne3A_716 = arith.cmpi ne, %sign3A_708, %sign3A_715 : i32
      %rem3A_717 = arith.remsi %add3A_699, %jit3A_700 : i32
      %ne3A_718 = arith.constant 0 : i32
      %ne3A_719 = arith.cmpi ne, %rem3A_717, %ne3A_718 : i32
      %and3A_720 = arith.andi %ne3A_716, %ne3A_719 : i1
      %sub3A_721 = arith.constant 1 : i32
      %sub3A_722 = arith.subi %div3A_701, %sub3A_721 : i32
      %select_n3A_723 = arith.select %and3A_720, %sub3A_722, %div3A_701 : i32
      %jit3A_724 = arith.constant 8 : i32
      %eq3A_725 = arith.constant 0 : i32
      %eq3A_726 = arith.cmpi eq, %jit3A_724, %eq3A_725 : i32
      %jit3A_727 = arith.constant 1 : i32
      %select_n3A_728 = arith.select %eq3A_726, %jit3A_727, %jit3A_724 : i32
      %rem3A_729 = arith.remsi %add3A_699, %select_n3A_728 : i32
      %ne3A_730 = arith.constant 0 : i32
      %ne3A_731 = arith.cmpi ne, %rem3A_729, %ne3A_730 : i32
      %lt3A_732 = arith.constant 0 : i32
      %lt3A_733 = arith.cmpi slt, %rem3A_729, %lt3A_732 : i32
      %lt3A_734 = arith.constant 0 : i32
      %lt3A_735 = arith.cmpi slt, %select_n3A_728, %lt3A_734 : i32
      %ne3A_736 = arith.xori %lt3A_733, %lt3A_735 : i1
      %and3A_737 = arith.andi %ne3A_736, %ne3A_731 : i1
      %add3A_738 = arith.addi %rem3A_729, %select_n3A_728 : i32
      %select_n3A_739 = arith.select %and3A_737, %add3A_738, %rem3A_729 : i32
      %dma_wait3A_740 = arith.constant 2 : i32
      %dma_wait3A_741 = arith.constant 0 : i32
      %dma_wait3A_742 = arith.constant 0 : i32
      %dma_wait3A_743 = tpu.memref_slice %arg8[%dma_wait3A_740, %dma_wait3A_741, %dma_wait3A_742] : memref<4x128x32xf32, #tpu.memory_space<vmem>> -> memref<1x128x32xf32, #tpu.memory_space<vmem>>
      %dma_wait3A_744 = tpu.memref_squeeze %dma_wait3A_743 : memref<1x128x32xf32, #tpu.memory_space<vmem>> -> memref<128x32xf32, #tpu.memory_space<vmem>>
      %dma_wait3A_745 = arith.constant 0 : i32
      %dma_wait3A_746 = tpu.memref_slice %arg6[%select_n3A_723, %select_n3A_739, %dma_wait3A_745] : memref<25x8x128xi32, #tpu.memory_space<vmem>> -> memref<1x1x128xi32, #tpu.memory_space<vmem>>
      %dma_wait3A_747 = tpu.memref_squeeze %dma_wait3A_746 : memref<1x1x128xi32, #tpu.memory_space<vmem>> -> memref<128xi32, #tpu.memory_space<vmem>>
      %dma_wait3A_748 = arith.constant 0 : i32
      %dma_wait3A_749 = arith.constant 0 : i32
      %dma_wait3A_750 = tpu.memref_slice %arg4[%dma_wait3A_748, %dma_wait3A_749] : memref<1000000x32xf32, #tpu.memory_space<hbm>> -> memref<1000000x32xf32, #tpu.memory_space<hbm>>
      tpu.wait_indirect_dma semaphore(%arg15 : memref<!tpu.dma_semaphore, #tpu.memory_space<semaphore_mem>>) src(%dma_wait3A_750 : memref<1000000x32xf32, #tpu.memory_space<hbm>>) dst(%dma_wait3A_744 : memref<128x32xf32, #tpu.memory_space<vmem>>)
      %gt3A_751 = arith.constant 0 : i32
      %gt3A_752 = arith.cmpi sgt, %scan3A_406, %gt3A_751 : i32
      %convert_element_type3A_753 = arith.extui %gt3A_752 : i1 to i32
      %cond3A_754 = arith.constant 0 : i32
      %cond3A_755 = arith.cmpi ne, %convert_element_type3A_753, %cond3A_754 : i32
      scf.if %cond3A_755 {
        %dma_wait3A_988 = arith.constant 0 : i32
        %dma_wait3A_989 = arith.constant 0 : i32
        %dma_wait3A_990 = arith.constant 0 : i32
        %dma_wait3A_991 = arith.constant 0 : i32
        %dma_wait3A_992 = tpu.memref_slice %arg11[%dma_wait3A_988, %dma_wait3A_990, %dma_wait3A_991] : memref<4x8x129xf32, #tpu.memory_space<vmem>> -> memref<1x8x128xf32, #tpu.memory_space<vmem>>
        %dma_wait3A_993 = tpu.memref_squeeze %dma_wait3A_992 : memref<1x8x128xf32, #tpu.memory_space<vmem>> -> memref<8x128xf32, #tpu.memory_space<vmem>>
        %dma_wait3A_994 = arith.constant 0 : i32
        %dma_wait3A_995 = arith.constant 0 : i32
        %dma_wait3A_996 = tpu.memref_slice %arg5[%add3A_699, %dma_wait3A_989, %add3A, %dma_wait3A_994, %dma_wait3A_995] : memref<200x4x32x8x128xf32, #tpu.memory_space<hbm>> -> memref<1x1x1x8x128xf32, #tpu.memory_space<hbm>>
        %dma_wait3A_997 = tpu.memref_squeeze %dma_wait3A_996 : memref<1x1x1x8x128xf32, #tpu.memory_space<hbm>> -> memref<8x128xf32, #tpu.memory_space<hbm>>
        %dma_wait3A_998 = arith.constant 0 : i32
        %dma_wait3A_999 = arith.constant 0 : i32
        %dma_wait3A_1000 = tpu.memref_slice %arg5[%add3A_699, %dma_wait3A_989, %add3A, %dma_wait3A_998, %dma_wait3A_999] : memref<200x4x32x8x128xf32, #tpu.memory_space<hbm>> -> memref<1x1x1x8x128xf32, #tpu.memory_space<hbm>>
        %dma_wait3A_1001 = tpu.memref_squeeze %dma_wait3A_1000 : memref<1x1x1x8x128xf32, #tpu.memory_space<hbm>> -> memref<8x128xf32, #tpu.memory_space<hbm>>
        %dma_wait3A_1002 = arith.constant 0 : i32
        %dma_wait3A_1003 = arith.constant 0 : i32
        %dma_wait3A_1004 = tpu.memref_slice %arg11[%dma_wait3A_988, %dma_wait3A_1002, %dma_wait3A_1003] : memref<4x8x129xf32, #tpu.memory_space<vmem>> -> memref<1x8x128xf32, #tpu.memory_space<vmem>>
        %dma_wait3A_1005 = tpu.memref_squeeze %dma_wait3A_1004 : memref<1x8x128xf32, #tpu.memory_space<vmem>> -> memref<8x128xf32, #tpu.memory_space<vmem>>
        tpu.wait_dma2 semaphore(%arg19 : memref<!tpu.dma_semaphore, #tpu.memory_space<semaphore_mem>>) src(%dma_wait3A_1005 : memref<8x128xf32, #tpu.memory_space<vmem>>) dst(%dma_wait3A_1001 : memref<8x128xf32, #tpu.memory_space<hbm>>)
        %dma_wait3A_1006 = arith.constant 1 : i32
        %dma_wait3A_1007 = arith.constant 1 : i32
        %dma_wait3A_1008 = arith.constant 0 : i32
        %dma_wait3A_1009 = arith.constant 0 : i32
        %dma_wait3A_1010 = tpu.memref_slice %arg11[%dma_wait3A_1006, %dma_wait3A_1008, %dma_wait3A_1009] : memref<4x8x129xf32, #tpu.memory_space<vmem>> -> memref<1x8x128xf32, #tpu.memory_space<vmem>>
        %dma_wait3A_1011 = tpu.memref_squeeze %dma_wait3A_1010 : memref<1x8x128xf32, #tpu.memory_space<vmem>> -> memref<8x128xf32, #tpu.memory_space<vmem>>
        %dma_wait3A_1012 = arith.constant 0 : i32
        %dma_wait3A_1013 = arith.constant 0 : i32
        %dma_wait3A_1014 = tpu.memref_slice %arg5[%add3A_699, %dma_wait3A_1007, %add3A, %dma_wait3A_1012, %dma_wait3A_1013] : memref<200x4x32x8x128xf32, #tpu.memory_space<hbm>> -> memref<1x1x1x8x128xf32, #tpu.memory_space<hbm>>
        %dma_wait3A_1015 = tpu.memref_squeeze %dma_wait3A_1014 : memref<1x1x1x8x128xf32, #tpu.memory_space<hbm>> -> memref<8x128xf32, #tpu.memory_space<hbm>>
        %dma_wait3A_1016 = arith.constant 0 : i32
        %dma_wait3A_1017 = arith.constant 0 : i32
        %dma_wait3A_1018 = tpu.memref_slice %arg5[%add3A_699, %dma_wait3A_1007, %add3A, %dma_wait3A_1016, %dma_wait3A_1017] : memref<200x4x32x8x128xf32, #tpu.memory_space<hbm>> -> memref<1x1x1x8x128xf32, #tpu.memory_space<hbm>>
        %dma_wait3A_1019 = tpu.memref_squeeze %dma_wait3A_1018 : memref<1x1x1x8x128xf32, #tpu.memory_space<hbm>> -> memref<8x128xf32, #tpu.memory_space<hbm>>
        %dma_wait3A_1020 = arith.constant 0 : i32
        %dma_wait3A_1021 = arith.constant 0 : i32
        %dma_wait3A_1022 = tpu.memref_slice %arg11[%dma_wait3A_1006, %dma_wait3A_1020, %dma_wait3A_1021] : memref<4x8x129xf32, #tpu.memory_space<vmem>> -> memref<1x8x128xf32, #tpu.memory_space<vmem>>
        %dma_wait3A_1023 = tpu.memref_squeeze %dma_wait3A_1022 : memref<1x8x128xf32, #tpu.memory_space<vmem>> -> memref<8x128xf32, #tpu.memory_space<vmem>>
        tpu.wait_dma2 semaphore(%arg19 : memref<!tpu.dma_semaphore, #tpu.memory_space<semaphore_mem>>) src(%dma_wait3A_1023 : memref<8x128xf32, #tpu.memory_space<vmem>>) dst(%dma_wait3A_1019 : memref<8x128xf32, #tpu.memory_space<hbm>>)
        %dma_wait3A_1024 = arith.constant 2 : i32
        %dma_wait3A_1025 = arith.constant 2 : i32
        %dma_wait3A_1026 = arith.constant 0 : i32
        %dma_wait3A_1027 = arith.constant 0 : i32
        %dma_wait3A_1028 = tpu.memref_slice %arg11[%dma_wait3A_1024, %dma_wait3A_1026, %dma_wait3A_1027] : memref<4x8x129xf32, #tpu.memory_space<vmem>> -> memref<1x8x128xf32, #tpu.memory_space<vmem>>
        %dma_wait3A_1029 = tpu.memref_squeeze %dma_wait3A_1028 : memref<1x8x128xf32, #tpu.memory_space<vmem>> -> memref<8x128xf32, #tpu.memory_space<vmem>>
        %dma_wait3A_1030 = arith.constant 0 : i32
        %dma_wait3A_1031 = arith.constant 0 : i32
        %dma_wait3A_1032 = tpu.memref_slice %arg5[%add3A_699, %dma_wait3A_1025, %add3A, %dma_wait3A_1030, %dma_wait3A_1031] : memref<200x4x32x8x128xf32, #tpu.memory_space<hbm>> -> memref<1x1x1x8x128xf32, #tpu.memory_space<hbm>>
        %dma_wait3A_1033 = tpu.memref_squeeze %dma_wait3A_1032 : memref<1x1x1x8x128xf32, #tpu.memory_space<hbm>> -> memref<8x128xf32, #tpu.memory_space<hbm>>
        %dma_wait3A_1034 = arith.constant 0 : i32
        %dma_wait3A_1035 = arith.constant 0 : i32
        %dma_wait3A_1036 = tpu.memref_slice %arg5[%add3A_699, %dma_wait3A_1025, %add3A, %dma_wait3A_1034, %dma_wait3A_1035] : memref<200x4x32x8x128xf32, #tpu.memory_space<hbm>> -> memref<1x1x1x8x128xf32, #tpu.memory_space<hbm>>
        %dma_wait3A_1037 = tpu.memref_squeeze %dma_wait3A_1036 : memref<1x1x1x8x128xf32, #tpu.memory_space<hbm>> -> memref<8x128xf32, #tpu.memory_space<hbm>>
        %dma_wait3A_1038 = arith.constant 0 : i32
        %dma_wait3A_1039 = arith.constant 0 : i32
        %dma_wait3A_1040 = tpu.memref_slice %arg11[%dma_wait3A_1024, %dma_wait3A_1038, %dma_wait3A_1039] : memref<4x8x129xf32, #tpu.memory_space<vmem>> -> memref<1x8x128xf32, #tpu.memory_space<vmem>>
        %dma_wait3A_1041 = tpu.memref_squeeze %dma_wait3A_1040 : memref<1x8x128xf32, #tpu.memory_space<vmem>> -> memref<8x128xf32, #tpu.memory_space<vmem>>
        tpu.wait_dma2 semaphore(%arg19 : memref<!tpu.dma_semaphore, #tpu.memory_space<semaphore_mem>>) src(%dma_wait3A_1041 : memref<8x128xf32, #tpu.memory_space<vmem>>) dst(%dma_wait3A_1037 : memref<8x128xf32, #tpu.memory_space<hbm>>)
        %dma_wait3A_1042 = arith.constant 3 : i32
        %dma_wait3A_1043 = arith.constant 3 : i32
        %dma_wait3A_1044 = arith.constant 0 : i32
        %dma_wait3A_1045 = arith.constant 0 : i32
        %dma_wait3A_1046 = tpu.memref_slice %arg11[%dma_wait3A_1042, %dma_wait3A_1044, %dma_wait3A_1045] : memref<4x8x129xf32, #tpu.memory_space<vmem>> -> memref<1x8x128xf32, #tpu.memory_space<vmem>>
        %dma_wait3A_1047 = tpu.memref_squeeze %dma_wait3A_1046 : memref<1x8x128xf32, #tpu.memory_space<vmem>> -> memref<8x128xf32, #tpu.memory_space<vmem>>
        %dma_wait3A_1048 = arith.constant 0 : i32
        %dma_wait3A_1049 = arith.constant 0 : i32
        %dma_wait3A_1050 = tpu.memref_slice %arg5[%add3A_699, %dma_wait3A_1043, %add3A, %dma_wait3A_1048, %dma_wait3A_1049] : memref<200x4x32x8x128xf32, #tpu.memory_space<hbm>> -> memref<1x1x1x8x128xf32, #tpu.memory_space<hbm>>
        %dma_wait3A_1051 = tpu.memref_squeeze %dma_wait3A_1050 : memref<1x1x1x8x128xf32, #tpu.memory_space<hbm>> -> memref<8x128xf32, #tpu.memory_space<hbm>>
        %dma_wait3A_1052 = arith.constant 0 : i32
        %dma_wait3A_1053 = arith.constant 0 : i32
        %dma_wait3A_1054 = tpu.memref_slice %arg5[%add3A_699, %dma_wait3A_1043, %add3A, %dma_wait3A_1052, %dma_wait3A_1053] : memref<200x4x32x8x128xf32, #tpu.memory_space<hbm>> -> memref<1x1x1x8x128xf32, #tpu.memory_space<hbm>>
        %dma_wait3A_1055 = tpu.memref_squeeze %dma_wait3A_1054 : memref<1x1x1x8x128xf32, #tpu.memory_space<hbm>> -> memref<8x128xf32, #tpu.memory_space<hbm>>
        %dma_wait3A_1056 = arith.constant 0 : i32
        %dma_wait3A_1057 = arith.constant 0 : i32
        %dma_wait3A_1058 = tpu.memref_slice %arg11[%dma_wait3A_1042, %dma_wait3A_1056, %dma_wait3A_1057] : memref<4x8x129xf32, #tpu.memory_space<vmem>> -> memref<1x8x128xf32, #tpu.memory_space<vmem>>
        %dma_wait3A_1059 = tpu.memref_squeeze %dma_wait3A_1058 : memref<1x8x128xf32, #tpu.memory_space<vmem>> -> memref<8x128xf32, #tpu.memory_space<vmem>>
        tpu.wait_dma2 semaphore(%arg19 : memref<!tpu.dma_semaphore, #tpu.memory_space<semaphore_mem>>) src(%dma_wait3A_1059 : memref<8x128xf32, #tpu.memory_space<vmem>>) dst(%dma_wait3A_1055 : memref<8x128xf32, #tpu.memory_space<hbm>>)
      } else {
      }
      %mul3A_756 = arith.constant 0 : i32
      %mul3A_757 = vector.broadcast %mul3A_756 : i32 to vector<16xi32>
      %mul3A_758 = arith.muli %iota3A, %mul3A_757 : vector<16xi32>
      %scan3A_759 = arith.constant 0 : i32
      %scan3A_760 = arith.constant 128 : i32
      %scan3A_761 = arith.addi %scan3A_759, %scan3A_760 : i32
      %scan3A_762 = arith.constant 8 : i32
      %scan3A_763 = scf.for %scan3A_988 = %scan3A_759 to %scan3A_761 step %scan3A_762 iter_args(%scan3A_989 = %mul3A_758) -> (vector<16xi32>)  : i32 {
        %get3A = arith.constant 2 : i32
        %get3A_990 = arith.index_cast %get3A : i32 to index
        %get3A_991 = arith.index_cast %scan3A_988 : i32 to index
        %get3A_992 = arith.constant 0 : index
        %get3A_993 = tpu.vector_load %arg8[%get3A_990, %get3A_991, %get3A_992] {strides = array<i32>} : memref<4x128x32xf32, #tpu.memory_space<vmem>>, vector<16xf32>,
        %get3A_994 = arith.index_cast %add3A_699 : i32 to index
        %get3A_995 = arith.constant 0 : index
        %get3A_996 = tpu.vector_load %arg7[%get3A_994, %get3A_995] {strides = array<i32>} : memref<200x32xf32, #tpu.memory_space<vmem>>, vector<16xf32>,
        %add3A_997 = arith.addf %get3A_993, %get3A_996 : vector<16xf32>
        %get3A_998 = arith.constant 2 : i32
        %get3A_999 = arith.index_cast %get3A_998 : i32 to index
        %get3A_1000 = arith.index_cast %scan3A_988 : i32 to index
        %get3A_1001 = arith.constant 16 : index
        %get3A_1002 = tpu.vector_load %arg8[%get3A_999, %get3A_1000, %get3A_1001] {strides = array<i32>} : memref<4x128x32xf32, #tpu.memory_space<vmem>>, vector<16xf32>,
        %get3A_1003 = arith.index_cast %add3A_699 : i32 to index
        %get3A_1004 = arith.constant 16 : index
        %get3A_1005 = tpu.vector_load %arg7[%get3A_1003, %get3A_1004] {strides = array<i32>} : memref<200x32xf32, #tpu.memory_space<vmem>>, vector<16xf32>,
        %add3A_1006 = arith.addf %get3A_1002, %get3A_1005 : vector<16xf32>
        tpu.vector_store_idx %arg11[%select_n3A, %select_n3A_46, %scan3A_989], %add3A_997 : memref<4x8x129xf32, #tpu.memory_space<vmem>>[vector<16xi32>, vector<16xi32>, vector<16xi32>], vector<16xf32>,
        tpu.vector_store_idx %arg11[%add3A_26, %select_n3A_46, %scan3A_989], %add3A_1006 : memref<4x8x129xf32, #tpu.memory_space<vmem>>[vector<16xi32>, vector<16xi32>, vector<16xi32>], vector<16xf32>,
        %add3A_1007 = arith.constant 1 : i32
        %add3A_1008 = vector.broadcast %add3A_1007 : i32 to vector<16xi32>
        %add3A_1009 = arith.addi %scan3A_989, %add3A_1008 : vector<16xi32>
        %scan3A_1010 = arith.constant 1 : i32
        %scan3A_1011 = arith.addi %scan3A_988, %scan3A_1010 : i32
        %get3A_1012 = arith.constant 2 : i32
        %get3A_1013 = arith.index_cast %get3A_1012 : i32 to index
        %get3A_1014 = arith.index_cast %scan3A_1011 : i32 to index
        %get3A_1015 = arith.constant 0 : index
        %get3A_1016 = tpu.vector_load %arg8[%get3A_1013, %get3A_1014, %get3A_1015] {strides = array<i32>} : memref<4x128x32xf32, #tpu.memory_space<vmem>>, vector<16xf32>,
        %get3A_1017 = arith.index_cast %add3A_699 : i32 to index
        %get3A_1018 = arith.constant 0 : index
        %get3A_1019 = tpu.vector_load %arg7[%get3A_1017, %get3A_1018] {strides = array<i32>} : memref<200x32xf32, #tpu.memory_space<vmem>>, vector<16xf32>,
        %add3A_1020 = arith.addf %get3A_1016, %get3A_1019 : vector<16xf32>
        %get3A_1021 = arith.constant 2 : i32
        %get3A_1022 = arith.index_cast %get3A_1021 : i32 to index
        %get3A_1023 = arith.index_cast %scan3A_1011 : i32 to index
        %get3A_1024 = arith.constant 16 : index
        %get3A_1025 = tpu.vector_load %arg8[%get3A_1022, %get3A_1023, %get3A_1024] {strides = array<i32>} : memref<4x128x32xf32, #tpu.memory_space<vmem>>, vector<16xf32>,
        %get3A_1026 = arith.index_cast %add3A_699 : i32 to index
        %get3A_1027 = arith.constant 16 : index
        %get3A_1028 = tpu.vector_load %arg7[%get3A_1026, %get3A_1027] {strides = array<i32>} : memref<200x32xf32, #tpu.memory_space<vmem>>, vector<16xf32>,
        %add3A_1029 = arith.addf %get3A_1025, %get3A_1028 : vector<16xf32>
        tpu.vector_store_idx %arg11[%select_n3A, %select_n3A_46, %add3A_1009], %add3A_1020 : memref<4x8x129xf32, #tpu.memory_space<vmem>>[vector<16xi32>, vector<16xi32>, vector<16xi32>], vector<16xf32>,
        tpu.vector_store_idx %arg11[%add3A_26, %select_n3A_46, %add3A_1009], %add3A_1029 : memref<4x8x129xf32, #tpu.memory_space<vmem>>[vector<16xi32>, vector<16xi32>, vector<16xi32>], vector<16xf32>,
        %add3A_1030 = arith.constant 1 : i32
        %add3A_1031 = vector.broadcast %add3A_1030 : i32 to vector<16xi32>
        %add3A_1032 = arith.addi %add3A_1009, %add3A_1031 : vector<16xi32>
        %scan3A_1033 = arith.constant 2 : i32
        %scan3A_1034 = arith.addi %scan3A_988, %scan3A_1033 : i32
        %get3A_1035 = arith.constant 2 : i32
        %get3A_1036 = arith.index_cast %get3A_1035 : i32 to index
        %get3A_1037 = arith.index_cast %scan3A_1034 : i32 to index
        %get3A_1038 = arith.constant 0 : index
        %get3A_1039 = tpu.vector_load %arg8[%get3A_1036, %get3A_1037, %get3A_1038] {strides = array<i32>} : memref<4x128x32xf32, #tpu.memory_space<vmem>>, vector<16xf32>,
        %get3A_1040 = arith.index_cast %add3A_699 : i32 to index
        %get3A_1041 = arith.constant 0 : index
        %get3A_1042 = tpu.vector_load %arg7[%get3A_1040, %get3A_1041] {strides = array<i32>} : memref<200x32xf32, #tpu.memory_space<vmem>>, vector<16xf32>,
        %add3A_1043 = arith.addf %get3A_1039, %get3A_1042 : vector<16xf32>
        %get3A_1044 = arith.constant 2 : i32
        %get3A_1045 = arith.index_cast %get3A_1044 : i32 to index
        %get3A_1046 = arith.index_cast %scan3A_1034 : i32 to index
        %get3A_1047 = arith.constant 16 : index
        %get3A_1048 = tpu.vector_load %arg8[%get3A_1045, %get3A_1046, %get3A_1047] {strides = array<i32>} : memref<4x128x32xf32, #tpu.memory_space<vmem>>, vector<16xf32>,
        %get3A_1049 = arith.index_cast %add3A_699 : i32 to index
        %get3A_1050 = arith.constant 16 : index
        %get3A_1051 = tpu.vector_load %arg7[%get3A_1049, %get3A_1050] {strides = array<i32>} : memref<200x32xf32, #tpu.memory_space<vmem>>, vector<16xf32>,
        %add3A_1052 = arith.addf %get3A_1048, %get3A_1051 : vector<16xf32>
        tpu.vector_store_idx %arg11[%select_n3A, %select_n3A_46, %add3A_1032], %add3A_1043 : memref<4x8x129xf32, #tpu.memory_space<vmem>>[vector<16xi32>, vector<16xi32>, vector<16xi32>], vector<16xf32>,
        tpu.vector_store_idx %arg11[%add3A_26, %select_n3A_46, %add3A_1032], %add3A_1052 : memref<4x8x129xf32, #tpu.memory_space<vmem>>[vector<16xi32>, vector<16xi32>, vector<16xi32>], vector<16xf32>,
        %add3A_1053 = arith.constant 1 : i32
        %add3A_1054 = vector.broadcast %add3A_1053 : i32 to vector<16xi32>
        %add3A_1055 = arith.addi %add3A_1032, %add3A_1054 : vector<16xi32>
        %scan3A_1056 = arith.constant 3 : i32
        %scan3A_1057 = arith.addi %scan3A_988, %scan3A_1056 : i32
        %get3A_1058 = arith.constant 2 : i32
        %get3A_1059 = arith.index_cast %get3A_1058 : i32 to index
        %get3A_1060 = arith.index_cast %scan3A_1057 : i32 to index
        %get3A_1061 = arith.constant 0 : index
        %get3A_1062 = tpu.vector_load %arg8[%get3A_1059, %get3A_1060, %get3A_1061] {strides = array<i32>} : memref<4x128x32xf32, #tpu.memory_space<vmem>>, vector<16xf32>,
        %get3A_1063 = arith.index_cast %add3A_699 : i32 to index
        %get3A_1064 = arith.constant 0 : index
        %get3A_1065 = tpu.vector_load %arg7[%get3A_1063, %get3A_1064] {strides = array<i32>} : memref<200x32xf32, #tpu.memory_space<vmem>>, vector<16xf32>,
        %add3A_1066 = arith.addf %get3A_1062, %get3A_1065 : vector<16xf32>
        %get3A_1067 = arith.constant 2 : i32
        %get3A_1068 = arith.index_cast %get3A_1067 : i32 to index
        %get3A_1069 = arith.index_cast %scan3A_1057 : i32 to index
        %get3A_1070 = arith.constant 16 : index
        %get3A_1071 = tpu.vector_load %arg8[%get3A_1068, %get3A_1069, %get3A_1070] {strides = array<i32>} : memref<4x128x32xf32, #tpu.memory_space<vmem>>, vector<16xf32>,
        %get3A_1072 = arith.index_cast %add3A_699 : i32 to index
        %get3A_1073 = arith.constant 16 : index
        %get3A_1074 = tpu.vector_load %arg7[%get3A_1072, %get3A_1073] {strides = array<i32>} : memref<200x32xf32, #tpu.memory_space<vmem>>, vector<16xf32>,
        %add3A_1075 = arith.addf %get3A_1071, %get3A_1074 : vector<16xf32>
        tpu.vector_store_idx %arg11[%select_n3A, %select_n3A_46, %add3A_1055], %add3A_1066 : memref<4x8x129xf32, #tpu.memory_space<vmem>>[vector<16xi32>, vector<16xi32>, vector<16xi32>], vector<16xf32>,
        tpu.vector_store_idx %arg11[%add3A_26, %select_n3A_46, %add3A_1055], %add3A_1075 : memref<4x8x129xf32, #tpu.memory_space<vmem>>[vector<16xi32>, vector<16xi32>, vector<16xi32>], vector<16xf32>,
        %add3A_1076 = arith.constant 1 : i32
        %add3A_1077 = vector.broadcast %add3A_1076 : i32 to vector<16xi32>
        %add3A_1078 = arith.addi %add3A_1055, %add3A_1077 : vector<16xi32>
        %scan3A_1079 = arith.constant 4 : i32
        %scan3A_1080 = arith.addi %scan3A_988, %scan3A_1079 : i32
        %get3A_1081 = arith.constant 2 : i32
        %get3A_1082 = arith.index_cast %get3A_1081 : i32 to index
        %get3A_1083 = arith.index_cast %scan3A_1080 : i32 to index
        %get3A_1084 = arith.constant 0 : index
        %get3A_1085 = tpu.vector_load %arg8[%get3A_1082, %get3A_1083, %get3A_1084] {strides = array<i32>} : memref<4x128x32xf32, #tpu.memory_space<vmem>>, vector<16xf32>,
        %get3A_1086 = arith.index_cast %add3A_699 : i32 to index
        %get3A_1087 = arith.constant 0 : index
        %get3A_1088 = tpu.vector_load %arg7[%get3A_1086, %get3A_1087] {strides = array<i32>} : memref<200x32xf32, #tpu.memory_space<vmem>>, vector<16xf32>,
        %add3A_1089 = arith.addf %get3A_1085, %get3A_1088 : vector<16xf32>
        %get3A_1090 = arith.constant 2 : i32
        %get3A_1091 = arith.index_cast %get3A_1090 : i32 to index
        %get3A_1092 = arith.index_cast %scan3A_1080 : i32 to index
        %get3A_1093 = arith.constant 16 : index
        %get3A_1094 = tpu.vector_load %arg8[%get3A_1091, %get3A_1092, %get3A_1093] {strides = array<i32>} : memref<4x128x32xf32, #tpu.memory_space<vmem>>, vector<16xf32>,
        %get3A_1095 = arith.index_cast %add3A_699 : i32 to index
        %get3A_1096 = arith.constant 16 : index
        %get3A_1097 = tpu.vector_load %arg7[%get3A_1095, %get3A_1096] {strides = array<i32>} : memref<200x32xf32, #tpu.memory_space<vmem>>, vector<16xf32>,
        %add3A_1098 = arith.addf %get3A_1094, %get3A_1097 : vector<16xf32>
        tpu.vector_store_idx %arg11[%select_n3A, %select_n3A_46, %add3A_1078], %add3A_1089 : memref<4x8x129xf32, #tpu.memory_space<vmem>>[vector<16xi32>, vector<16xi32>, vector<16xi32>], vector<16xf32>,
        tpu.vector_store_idx %arg11[%add3A_26, %select_n3A_46, %add3A_1078], %add3A_1098 : memref<4x8x129xf32, #tpu.memory_space<vmem>>[vector<16xi32>, vector<16xi32>, vector<16xi32>], vector<16xf32>,
        %add3A_1099 = arith.constant 1 : i32
        %add3A_1100 = vector.broadcast %add3A_1099 : i32 to vector<16xi32>
        %add3A_1101 = arith.addi %add3A_1078, %add3A_1100 : vector<16xi32>
        %scan3A_1102 = arith.constant 5 : i32
        %scan3A_1103 = arith.addi %scan3A_988, %scan3A_1102 : i32
        %get3A_1104 = arith.constant 2 : i32
        %get3A_1105 = arith.index_cast %get3A_1104 : i32 to index
        %get3A_1106 = arith.index_cast %scan3A_1103 : i32 to index
        %get3A_1107 = arith.constant 0 : index
        %get3A_1108 = tpu.vector_load %arg8[%get3A_1105, %get3A_1106, %get3A_1107] {strides = array<i32>} : memref<4x128x32xf32, #tpu.memory_space<vmem>>, vector<16xf32>,
        %get3A_1109 = arith.index_cast %add3A_699 : i32 to index
        %get3A_1110 = arith.constant 0 : index
        %get3A_1111 = tpu.vector_load %arg7[%get3A_1109, %get3A_1110] {strides = array<i32>} : memref<200x32xf32, #tpu.memory_space<vmem>>, vector<16xf32>,
        %add3A_1112 = arith.addf %get3A_1108, %get3A_1111 : vector<16xf32>
        %get3A_1113 = arith.constant 2 : i32
        %get3A_1114 = arith.index_cast %get3A_1113 : i32 to index
        %get3A_1115 = arith.index_cast %scan3A_1103 : i32 to index
        %get3A_1116 = arith.constant 16 : index
        %get3A_1117 = tpu.vector_load %arg8[%get3A_1114, %get3A_1115, %get3A_1116] {strides = array<i32>} : memref<4x128x32xf32, #tpu.memory_space<vmem>>, vector<16xf32>,
        %get3A_1118 = arith.index_cast %add3A_699 : i32 to index
        %get3A_1119 = arith.constant 16 : index
        %get3A_1120 = tpu.vector_load %arg7[%get3A_1118, %get3A_1119] {strides = array<i32>} : memref<200x32xf32, #tpu.memory_space<vmem>>, vector<16xf32>,
        %add3A_1121 = arith.addf %get3A_1117, %get3A_1120 : vector<16xf32>
        tpu.vector_store_idx %arg11[%select_n3A, %select_n3A_46, %add3A_1101], %add3A_1112 : memref<4x8x129xf32, #tpu.memory_space<vmem>>[vector<16xi32>, vector<16xi32>, vector<16xi32>], vector<16xf32>,
        tpu.vector_store_idx %arg11[%add3A_26, %select_n3A_46, %add3A_1101], %add3A_1121 : memref<4x8x129xf32, #tpu.memory_space<vmem>>[vector<16xi32>, vector<16xi32>, vector<16xi32>], vector<16xf32>,
        %add3A_1122 = arith.constant 1 : i32
        %add3A_1123 = vector.broadcast %add3A_1122 : i32 to vector<16xi32>
        %add3A_1124 = arith.addi %add3A_1101, %add3A_1123 : vector<16xi32>
        %scan3A_1125 = arith.constant 6 : i32
        %scan3A_1126 = arith.addi %scan3A_988, %scan3A_1125 : i32
        %get3A_1127 = arith.constant 2 : i32
        %get3A_1128 = arith.index_cast %get3A_1127 : i32 to index
        %get3A_1129 = arith.index_cast %scan3A_1126 : i32 to index
        %get3A_1130 = arith.constant 0 : index
        %get3A_1131 = tpu.vector_load %arg8[%get3A_1128, %get3A_1129, %get3A_1130] {strides = array<i32>} : memref<4x128x32xf32, #tpu.memory_space<vmem>>, vector<16xf32>,
        %get3A_1132 = arith.index_cast %add3A_699 : i32 to index
        %get3A_1133 = arith.constant 0 : index
        %get3A_1134 = tpu.vector_load %arg7[%get3A_1132, %get3A_1133] {strides = array<i32>} : memref<200x32xf32, #tpu.memory_space<vmem>>, vector<16xf32>,
        %add3A_1135 = arith.addf %get3A_1131, %get3A_1134 : vector<16xf32>
        %get3A_1136 = arith.constant 2 : i32
        %get3A_1137 = arith.index_cast %get3A_1136 : i32 to index
        %get3A_1138 = arith.index_cast %scan3A_1126 : i32 to index
        %get3A_1139 = arith.constant 16 : index
        %get3A_1140 = tpu.vector_load %arg8[%get3A_1137, %get3A_1138, %get3A_1139] {strides = array<i32>} : memref<4x128x32xf32, #tpu.memory_space<vmem>>, vector<16xf32>,
        %get3A_1141 = arith.index_cast %add3A_699 : i32 to index
        %get3A_1142 = arith.constant 16 : index
        %get3A_1143 = tpu.vector_load %arg7[%get3A_1141, %get3A_1142] {strides = array<i32>} : memref<200x32xf32, #tpu.memory_space<vmem>>, vector<16xf32>,
        %add3A_1144 = arith.addf %get3A_1140, %get3A_1143 : vector<16xf32>
        tpu.vector_store_idx %arg11[%select_n3A, %select_n3A_46, %add3A_1124], %add3A_1135 : memref<4x8x129xf32, #tpu.memory_space<vmem>>[vector<16xi32>, vector<16xi32>, vector<16xi32>], vector<16xf32>,
        tpu.vector_store_idx %arg11[%add3A_26, %select_n3A_46, %add3A_1124], %add3A_1144 : memref<4x8x129xf32, #tpu.memory_space<vmem>>[vector<16xi32>, vector<16xi32>, vector<16xi32>], vector<16xf32>,
        %add3A_1145 = arith.constant 1 : i32
        %add3A_1146 = vector.broadcast %add3A_1145 : i32 to vector<16xi32>
        %add3A_1147 = arith.addi %add3A_1124, %add3A_1146 : vector<16xi32>
        %scan3A_1148 = arith.constant 7 : i32
        %scan3A_1149 = arith.addi %scan3A_988, %scan3A_1148 : i32
        %get3A_1150 = arith.constant 2 : i32
        %get3A_1151 = arith.index_cast %get3A_1150 : i32 to index
        %get3A_1152 = arith.index_cast %scan3A_1149 : i32 to index
        %get3A_1153 = arith.constant 0 : index
        %get3A_1154 = tpu.vector_load %arg8[%get3A_1151, %get3A_1152, %get3A_1153] {strides = array<i32>} : memref<4x128x32xf32, #tpu.memory_space<vmem>>, vector<16xf32>,
        %get3A_1155 = arith.index_cast %add3A_699 : i32 to index
        %get3A_1156 = arith.constant 0 : index
        %get3A_1157 = tpu.vector_load %arg7[%get3A_1155, %get3A_1156] {strides = array<i32>} : memref<200x32xf32, #tpu.memory_space<vmem>>, vector<16xf32>,
        %add3A_1158 = arith.addf %get3A_1154, %get3A_1157 : vector<16xf32>
        %get3A_1159 = arith.constant 2 : i32
        %get3A_1160 = arith.index_cast %get3A_1159 : i32 to index
        %get3A_1161 = arith.index_cast %scan3A_1149 : i32 to index
        %get3A_1162 = arith.constant 16 : index
        %get3A_1163 = tpu.vector_load %arg8[%get3A_1160, %get3A_1161, %get3A_1162] {strides = array<i32>} : memref<4x128x32xf32, #tpu.memory_space<vmem>>, vector<16xf32>,
        %get3A_1164 = arith.index_cast %add3A_699 : i32 to index
        %get3A_1165 = arith.constant 16 : index
        %get3A_1166 = tpu.vector_load %arg7[%get3A_1164, %get3A_1165] {strides = array<i32>} : memref<200x32xf32, #tpu.memory_space<vmem>>, vector<16xf32>,
        %add3A_1167 = arith.addf %get3A_1163, %get3A_1166 : vector<16xf32>
        tpu.vector_store_idx %arg11[%select_n3A, %select_n3A_46, %add3A_1147], %add3A_1158 : memref<4x8x129xf32, #tpu.memory_space<vmem>>[vector<16xi32>, vector<16xi32>, vector<16xi32>], vector<16xf32>,
        tpu.vector_store_idx %arg11[%add3A_26, %select_n3A_46, %add3A_1147], %add3A_1167 : memref<4x8x129xf32, #tpu.memory_space<vmem>>[vector<16xi32>, vector<16xi32>, vector<16xi32>], vector<16xf32>,
        %add3A_1168 = arith.constant 1 : i32
        %add3A_1169 = vector.broadcast %add3A_1168 : i32 to vector<16xi32>
        %add3A_1170 = arith.addi %add3A_1147, %add3A_1169 : vector<16xi32>
        scf.yield %add3A_1170 : vector<16xi32>
      }
      %scan3A_764 = arith.constant 128 : i32
      %dma_start3A_765 = arith.constant 0 : i32
      %dma_start3A_766 = arith.constant 0 : i32
      %dma_start3A_767 = arith.constant 0 : i32
      %dma_start3A_768 = arith.constant 0 : i32
      %dma_start3A_769 = tpu.memref_slice %arg11[%dma_start3A_765, %dma_start3A_767, %dma_start3A_768] : memref<4x8x129xf32, #tpu.memory_space<vmem>> -> memref<1x8x128xf32, #tpu.memory_space<vmem>>
      %dma_start3A_770 = tpu.memref_squeeze %dma_start3A_769 : memref<1x8x128xf32, #tpu.memory_space<vmem>> -> memref<8x128xf32, #tpu.memory_space<vmem>>
      %dma_start3A_771 = arith.constant 0 : i32
      %dma_start3A_772 = arith.constant 0 : i32
      %dma_start3A_773 = tpu.memref_slice %arg5[%add3A_699, %dma_start3A_766, %add3A, %dma_start3A_771, %dma_start3A_772] : memref<200x4x32x8x128xf32, #tpu.memory_space<hbm>> -> memref<1x1x1x8x128xf32, #tpu.memory_space<hbm>>
      %dma_start3A_774 = tpu.memref_squeeze %dma_start3A_773 : memref<1x1x1x8x128xf32, #tpu.memory_space<hbm>> -> memref<8x128xf32, #tpu.memory_space<hbm>>
      %dma_start3A_775 = arith.constant 0 : i32
      %dma_start3A_776 = arith.constant 0 : i32
      %dma_start3A_777 = tpu.memref_slice %arg5[%add3A_699, %dma_start3A_766, %add3A, %dma_start3A_775, %dma_start3A_776] : memref<200x4x32x8x128xf32, #tpu.memory_space<hbm>> -> memref<1x1x1x8x128xf32, #tpu.memory_space<hbm>>
      %dma_start3A_778 = tpu.memref_squeeze %dma_start3A_777 : memref<1x1x1x8x128xf32, #tpu.memory_space<hbm>> -> memref<8x128xf32, #tpu.memory_space<hbm>>
      %dma_start3A_779 = arith.constant 0 : i32
      %dma_start3A_780 = arith.constant 0 : i32
      %dma_start3A_781 = tpu.memref_slice %arg11[%dma_start3A_765, %dma_start3A_779, %dma_start3A_780] : memref<4x8x129xf32, #tpu.memory_space<vmem>> -> memref<1x8x128xf32, #tpu.memory_space<vmem>>
      %dma_start3A_782 = tpu.memref_squeeze %dma_start3A_781 : memref<1x8x128xf32, #tpu.memory_space<vmem>> -> memref<8x128xf32, #tpu.memory_space<vmem>>
      tpu.enqueue_dma source(%dma_start3A_782 : memref<8x128xf32, #tpu.memory_space<vmem>>) target(%dma_start3A_778 : memref<8x128xf32, #tpu.memory_space<hbm>>) target_semaphore(%arg19 : memref<!tpu.dma_semaphore, #tpu.memory_space<semaphore_mem>>)
      %dma_start3A_783 = arith.constant 1 : i32
      %dma_start3A_784 = arith.constant 1 : i32
      %dma_start3A_785 = arith.constant 0 : i32
      %dma_start3A_786 = arith.constant 0 : i32
      %dma_start3A_787 = tpu.memref_slice %arg11[%dma_start3A_783, %dma_start3A_785, %dma_start3A_786] : memref<4x8x129xf32, #tpu.memory_space<vmem>> -> memref<1x8x128xf32, #tpu.memory_space<vmem>>
      %dma_start3A_788 = tpu.memref_squeeze %dma_start3A_787 : memref<1x8x128xf32, #tpu.memory_space<vmem>> -> memref<8x128xf32, #tpu.memory_space<vmem>>
      %dma_start3A_789 = arith.constant 0 : i32
      %dma_start3A_790 = arith.constant 0 : i32
      %dma_start3A_791 = tpu.memref_slice %arg5[%add3A_699, %dma_start3A_784, %add3A, %dma_start3A_789, %dma_start3A_790] : memref<200x4x32x8x128xf32, #tpu.memory_space<hbm>> -> memref<1x1x1x8x128xf32, #tpu.memory_space<hbm>>
      %dma_start3A_792 = tpu.memref_squeeze %dma_start3A_791 : memref<1x1x1x8x128xf32, #tpu.memory_space<hbm>> -> memref<8x128xf32, #tpu.memory_space<hbm>>
      %dma_start3A_793 = arith.constant 0 : i32
      %dma_start3A_794 = arith.constant 0 : i32
      %dma_start3A_795 = tpu.memref_slice %arg5[%add3A_699, %dma_start3A_784, %add3A, %dma_start3A_793, %dma_start3A_794] : memref<200x4x32x8x128xf32, #tpu.memory_space<hbm>> -> memref<1x1x1x8x128xf32, #tpu.memory_space<hbm>>
      %dma_start3A_796 = tpu.memref_squeeze %dma_start3A_795 : memref<1x1x1x8x128xf32, #tpu.memory_space<hbm>> -> memref<8x128xf32, #tpu.memory_space<hbm>>
      %dma_start3A_797 = arith.constant 0 : i32
      %dma_start3A_798 = arith.constant 0 : i32
      %dma_start3A_799 = tpu.memref_slice %arg11[%dma_start3A_783, %dma_start3A_797, %dma_start3A_798] : memref<4x8x129xf32, #tpu.memory_space<vmem>> -> memref<1x8x128xf32, #tpu.memory_space<vmem>>
      %dma_start3A_800 = tpu.memref_squeeze %dma_start3A_799 : memref<1x8x128xf32, #tpu.memory_space<vmem>> -> memref<8x128xf32, #tpu.memory_space<vmem>>
      tpu.enqueue_dma source(%dma_start3A_800 : memref<8x128xf32, #tpu.memory_space<vmem>>) target(%dma_start3A_796 : memref<8x128xf32, #tpu.memory_space<hbm>>) target_semaphore(%arg19 : memref<!tpu.dma_semaphore, #tpu.memory_space<semaphore_mem>>)
      %dma_start3A_801 = arith.constant 2 : i32
      %dma_start3A_802 = arith.constant 2 : i32
      %dma_start3A_803 = arith.constant 0 : i32
      %dma_start3A_804 = arith.constant 0 : i32
      %dma_start3A_805 = tpu.memref_slice %arg11[%dma_start3A_801, %dma_start3A_803, %dma_start3A_804] : memref<4x8x129xf32, #tpu.memory_space<vmem>> -> memref<1x8x128xf32, #tpu.memory_space<vmem>>
      %dma_start3A_806 = tpu.memref_squeeze %dma_start3A_805 : memref<1x8x128xf32, #tpu.memory_space<vmem>> -> memref<8x128xf32, #tpu.memory_space<vmem>>
      %dma_start3A_807 = arith.constant 0 : i32
      %dma_start3A_808 = arith.constant 0 : i32
      %dma_start3A_809 = tpu.memref_slice %arg5[%add3A_699, %dma_start3A_802, %add3A, %dma_start3A_807, %dma_start3A_808] : memref<200x4x32x8x128xf32, #tpu.memory_space<hbm>> -> memref<1x1x1x8x128xf32, #tpu.memory_space<hbm>>
      %dma_start3A_810 = tpu.memref_squeeze %dma_start3A_809 : memref<1x1x1x8x128xf32, #tpu.memory_space<hbm>> -> memref<8x128xf32, #tpu.memory_space<hbm>>
      %dma_start3A_811 = arith.constant 0 : i32
      %dma_start3A_812 = arith.constant 0 : i32
      %dma_start3A_813 = tpu.memref_slice %arg5[%add3A_699, %dma_start3A_802, %add3A, %dma_start3A_811, %dma_start3A_812] : memref<200x4x32x8x128xf32, #tpu.memory_space<hbm>> -> memref<1x1x1x8x128xf32, #tpu.memory_space<hbm>>
      %dma_start3A_814 = tpu.memref_squeeze %dma_start3A_813 : memref<1x1x1x8x128xf32, #tpu.memory_space<hbm>> -> memref<8x128xf32, #tpu.memory_space<hbm>>
      %dma_start3A_815 = arith.constant 0 : i32
      %dma_start3A_816 = arith.constant 0 : i32
      %dma_start3A_817 = tpu.memref_slice %arg11[%dma_start3A_801, %dma_start3A_815, %dma_start3A_816] : memref<4x8x129xf32, #tpu.memory_space<vmem>> -> memref<1x8x128xf32, #tpu.memory_space<vmem>>
      %dma_start3A_818 = tpu.memref_squeeze %dma_start3A_817 : memref<1x8x128xf32, #tpu.memory_space<vmem>> -> memref<8x128xf32, #tpu.memory_space<vmem>>
      tpu.enqueue_dma source(%dma_start3A_818 : memref<8x128xf32, #tpu.memory_space<vmem>>) target(%dma_start3A_814 : memref<8x128xf32, #tpu.memory_space<hbm>>) target_semaphore(%arg19 : memref<!tpu.dma_semaphore, #tpu.memory_space<semaphore_mem>>)
      %dma_start3A_819 = arith.constant 3 : i32
      %dma_start3A_820 = arith.constant 3 : i32
      %dma_start3A_821 = arith.constant 0 : i32
      %dma_start3A_822 = arith.constant 0 : i32
      %dma_start3A_823 = tpu.memref_slice %arg11[%dma_start3A_819, %dma_start3A_821, %dma_start3A_822] : memref<4x8x129xf32, #tpu.memory_space<vmem>> -> memref<1x8x128xf32, #tpu.memory_space<vmem>>
      %dma_start3A_824 = tpu.memref_squeeze %dma_start3A_823 : memref<1x8x128xf32, #tpu.memory_space<vmem>> -> memref<8x128xf32, #tpu.memory_space<vmem>>
      %dma_start3A_825 = arith.constant 0 : i32
      %dma_start3A_826 = arith.constant 0 : i32
      %dma_start3A_827 = tpu.memref_slice %arg5[%add3A_699, %dma_start3A_820, %add3A, %dma_start3A_825, %dma_start3A_826] : memref<200x4x32x8x128xf32, #tpu.memory_space<hbm>> -> memref<1x1x1x8x128xf32, #tpu.memory_space<hbm>>
      %dma_start3A_828 = tpu.memref_squeeze %dma_start3A_827 : memref<1x1x1x8x128xf32, #tpu.memory_space<hbm>> -> memref<8x128xf32, #tpu.memory_space<hbm>>
      %dma_start3A_829 = arith.constant 0 : i32
      %dma_start3A_830 = arith.constant 0 : i32
      %dma_start3A_831 = tpu.memref_slice %arg5[%add3A_699, %dma_start3A_820, %add3A, %dma_start3A_829, %dma_start3A_830] : memref<200x4x32x8x128xf32, #tpu.memory_space<hbm>> -> memref<1x1x1x8x128xf32, #tpu.memory_space<hbm>>
      %dma_start3A_832 = tpu.memref_squeeze %dma_start3A_831 : memref<1x1x1x8x128xf32, #tpu.memory_space<hbm>> -> memref<8x128xf32, #tpu.memory_space<hbm>>
      %dma_start3A_833 = arith.constant 0 : i32
      %dma_start3A_834 = arith.constant 0 : i32
      %dma_start3A_835 = tpu.memref_slice %arg11[%dma_start3A_819, %dma_start3A_833, %dma_start3A_834] : memref<4x8x129xf32, #tpu.memory_space<vmem>> -> memref<1x8x128xf32, #tpu.memory_space<vmem>>
      %dma_start3A_836 = tpu.memref_squeeze %dma_start3A_835 : memref<1x8x128xf32, #tpu.memory_space<vmem>> -> memref<8x128xf32, #tpu.memory_space<vmem>>
      tpu.enqueue_dma source(%dma_start3A_836 : memref<8x128xf32, #tpu.memory_space<vmem>>) target(%dma_start3A_832 : memref<8x128xf32, #tpu.memory_space<hbm>>) target_semaphore(%arg19 : memref<!tpu.dma_semaphore, #tpu.memory_space<semaphore_mem>>)
      %lt3A_837 = arith.constant 49 : i32
      %lt3A_838 = arith.cmpi slt, %scan3A_406, %lt3A_837 : i32
      %convert_element_type3A_839 = arith.extui %lt3A_838 : i1 to i32
      %cond3A_840 = arith.constant 0 : i32
      %cond3A_841 = arith.cmpi ne, %convert_element_type3A_839, %cond3A_840 : i32
      scf.if %cond3A_841 {
        %add3A_988 = arith.constant 4 : i32
        %add3A_989 = arith.addi %add3A_699, %add3A_988 : i32
        %jit3A_990 = arith.constant 8 : i32
        %div3A_991 = arith.divsi %add3A_989, %jit3A_990 : i32
        %sign3A_992 = arith.constant 0 : i32
        %sign3A_993 = arith.cmpi sgt, %add3A_989, %sign3A_992 : i32
        %sign3A_994 = arith.extui %sign3A_993 : i1 to i32
        %sign3A_995 = arith.constant 0 : i32
        %sign3A_996 = arith.cmpi slt, %add3A_989, %sign3A_995 : i32
        %sign3A_997 = arith.extui %sign3A_996 : i1 to i32
        %sign3A_998 = arith.subi %sign3A_994, %sign3A_997 : i32
        %sign3A_999 = arith.constant 0 : i32
        %sign3A_1000 = arith.cmpi sgt, %jit3A_990, %sign3A_999 : i32
        %sign3A_1001 = arith.extui %sign3A_1000 : i1 to i32
        %sign3A_1002 = arith.constant 0 : i32
        %sign3A_1003 = arith.cmpi slt, %jit3A_990, %sign3A_1002 : i32
        %sign3A_1004 = arith.extui %sign3A_1003 : i1 to i32
        %sign3A_1005 = arith.subi %sign3A_1001, %sign3A_1004 : i32
        %ne3A_1006 = arith.cmpi ne, %sign3A_998, %sign3A_1005 : i32
        %rem3A_1007 = arith.remsi %add3A_989, %jit3A_990 : i32
        %ne3A_1008 = arith.constant 0 : i32
        %ne3A_1009 = arith.cmpi ne, %rem3A_1007, %ne3A_1008 : i32
        %and3A_1010 = arith.andi %ne3A_1006, %ne3A_1009 : i1
        %sub3A_1011 = arith.constant 1 : i32
        %sub3A_1012 = arith.subi %div3A_991, %sub3A_1011 : i32
        %select_n3A_1013 = arith.select %and3A_1010, %sub3A_1012, %div3A_991 : i32
        %jit3A_1014 = arith.constant 8 : i32
        %eq3A_1015 = arith.constant 0 : i32
        %eq3A_1016 = arith.cmpi eq, %jit3A_1014, %eq3A_1015 : i32
        %jit3A_1017 = arith.constant 1 : i32
        %select_n3A_1018 = arith.select %eq3A_1016, %jit3A_1017, %jit3A_1014 : i32
        %rem3A_1019 = arith.remsi %add3A_989, %select_n3A_1018 : i32
        %ne3A_1020 = arith.constant 0 : i32
        %ne3A_1021 = arith.cmpi ne, %rem3A_1019, %ne3A_1020 : i32
        %lt3A_1022 = arith.constant 0 : i32
        %lt3A_1023 = arith.cmpi slt, %rem3A_1019, %lt3A_1022 : i32
        %lt3A_1024 = arith.constant 0 : i32
        %lt3A_1025 = arith.cmpi slt, %select_n3A_1018, %lt3A_1024 : i32
        %ne3A_1026 = arith.xori %lt3A_1023, %lt3A_1025 : i1
        %and3A_1027 = arith.andi %ne3A_1026, %ne3A_1021 : i1
        %add3A_1028 = arith.addi %rem3A_1019, %select_n3A_1018 : i32
        %select_n3A_1029 = arith.select %and3A_1027, %add3A_1028, %rem3A_1019 : i32
        %dma_start3A_1030 = arith.constant 2 : i32
        %dma_start3A_1031 = arith.constant 0 : i32
        %dma_start3A_1032 = arith.constant 0 : i32
        %dma_start3A_1033 = tpu.memref_slice %arg8[%dma_start3A_1030, %dma_start3A_1031, %dma_start3A_1032] : memref<4x128x32xf32, #tpu.memory_space<vmem>> -> memref<1x128x32xf32, #tpu.memory_space<vmem>>
        %dma_start3A_1034 = tpu.memref_squeeze %dma_start3A_1033 : memref<1x128x32xf32, #tpu.memory_space<vmem>> -> memref<128x32xf32, #tpu.memory_space<vmem>>
        %dma_start3A_1035 = arith.constant 0 : i32
        %dma_start3A_1036 = tpu.memref_slice %arg6[%select_n3A_1013, %select_n3A_1029, %dma_start3A_1035] : memref<25x8x128xi32, #tpu.memory_space<vmem>> -> memref<1x1x128xi32, #tpu.memory_space<vmem>>
        %dma_start3A_1037 = tpu.memref_squeeze %dma_start3A_1036 : memref<1x1x128xi32, #tpu.memory_space<vmem>> -> memref<128xi32, #tpu.memory_space<vmem>>
        %dma_start3A_1038 = arith.constant 0 : i32
        %dma_start3A_1039 = arith.constant 0 : i32
        %dma_start3A_1040 = tpu.memref_slice %arg4[%dma_start3A_1038, %dma_start3A_1039] : memref<1000000x32xf32, #tpu.memory_space<hbm>> -> memref<1000000x32xf32, #tpu.memory_space<hbm>>
        tpu.enqueue_indirect_dma source(%dma_start3A_1040 : memref<1000000x32xf32, #tpu.memory_space<hbm>>) target(%dma_start3A_1034 : memref<128x32xf32, #tpu.memory_space<vmem>>) offsets(%dma_start3A_1037 : memref<128xi32, #tpu.memory_space<vmem>>) semaphore(%arg15 : memref<!tpu.dma_semaphore, #tpu.memory_space<semaphore_mem>>)
      } else {
      }
      %mul3A_842 = arith.constant 4 : i32
      %mul3A_843 = arith.muli %scan3A_406, %mul3A_842 : i32
      %add3A_844 = arith.constant 3 : i32
      %add3A_845 = arith.addi %mul3A_843, %add3A_844 : i32
      %jit3A_846 = arith.constant 8 : i32
      %div3A_847 = arith.divsi %add3A_845, %jit3A_846 : i32
      %sign3A_848 = arith.constant 0 : i32
      %sign3A_849 = arith.cmpi sgt, %add3A_845, %sign3A_848 : i32
      %sign3A_850 = arith.extui %sign3A_849 : i1 to i32
      %sign3A_851 = arith.constant 0 : i32
      %sign3A_852 = arith.cmpi slt, %add3A_845, %sign3A_851 : i32
      %sign3A_853 = arith.extui %sign3A_852 : i1 to i32
      %sign3A_854 = arith.subi %sign3A_850, %sign3A_853 : i32
      %sign3A_855 = arith.constant 0 : i32
      %sign3A_856 = arith.cmpi sgt, %jit3A_846, %sign3A_855 : i32
      %sign3A_857 = arith.extui %sign3A_856 : i1 to i32
      %sign3A_858 = arith.constant 0 : i32
      %sign3A_859 = arith.cmpi slt, %jit3A_846, %sign3A_858 : i32
      %sign3A_860 = arith.extui %sign3A_859 : i1 to i32
      %sign3A_861 = arith.subi %sign3A_857, %sign3A_860 : i32
      %ne3A_862 = arith.cmpi ne, %sign3A_854, %sign3A_861 : i32
      %rem3A_863 = arith.remsi %add3A_845, %jit3A_846 : i32
      %ne3A_864 = arith.constant 0 : i32
      %ne3A_865 = arith.cmpi ne, %rem3A_863, %ne3A_864 : i32
      %and3A_866 = arith.andi %ne3A_862, %ne3A_865 : i1
      %sub3A_867 = arith.constant 1 : i32
      %sub3A_868 = arith.subi %div3A_847, %sub3A_867 : i32
      %select_n3A_869 = arith.select %and3A_866, %sub3A_868, %div3A_847 : i32
      %jit3A_870 = arith.constant 8 : i32
      %eq3A_871 = arith.constant 0 : i32
      %eq3A_872 = arith.cmpi eq, %jit3A_870, %eq3A_871 : i32
      %jit3A_873 = arith.constant 1 : i32
      %select_n3A_874 = arith.select %eq3A_872, %jit3A_873, %jit3A_870 : i32
      %rem3A_875 = arith.remsi %add3A_845, %select_n3A_874 : i32
      %ne3A_876 = arith.constant 0 : i32
      %ne3A_877 = arith.cmpi ne, %rem3A_875, %ne3A_876 : i32
      %lt3A_878 = arith.constant 0 : i32
      %lt3A_879 = arith.cmpi slt, %rem3A_875, %lt3A_878 : i32
      %lt3A_880 = arith.constant 0 : i32
      %lt3A_881 = arith.cmpi slt, %select_n3A_874, %lt3A_880 : i32
      %ne3A_882 = arith.xori %lt3A_879, %lt3A_881 : i1
      %and3A_883 = arith.andi %ne3A_882, %ne3A_877 : i1
      %add3A_884 = arith.addi %rem3A_875, %select_n3A_874 : i32
      %select_n3A_885 = arith.select %and3A_883, %add3A_884, %rem3A_875 : i32
      %dma_wait3A_886 = arith.constant 3 : i32
      %dma_wait3A_887 = arith.constant 0 : i32
      %dma_wait3A_888 = arith.constant 0 : i32
      %dma_wait3A_889 = tpu.memref_slice %arg8[%dma_wait3A_886, %dma_wait3A_887, %dma_wait3A_888] : memref<4x128x32xf32, #tpu.memory_space<vmem>> -> memref<1x128x32xf32, #tpu.memory_space<vmem>>
      %dma_wait3A_890 = tpu.memref_squeeze %dma_wait3A_889 : memref<1x128x32xf32, #tpu.memory_space<vmem>> -> memref<128x32xf32, #tpu.memory_space<vmem>>
      %dma_wait3A_891 = arith.constant 0 : i32
      %dma_wait3A_892 = tpu.memref_slice %arg6[%select_n3A_869, %select_n3A_885, %dma_wait3A_891] : memref<25x8x128xi32, #tpu.memory_space<vmem>> -> memref<1x1x128xi32, #tpu.memory_space<vmem>>
      %dma_wait3A_893 = tpu.memref_squeeze %dma_wait3A_892 : memref<1x1x128xi32, #tpu.memory_space<vmem>> -> memref<128xi32, #tpu.memory_space<vmem>>
      %dma_wait3A_894 = arith.constant 0 : i32
      %dma_wait3A_895 = arith.constant 0 : i32
      %dma_wait3A_896 = tpu.memref_slice %arg4[%dma_wait3A_894, %dma_wait3A_895] : memref<1000000x32xf32, #tpu.memory_space<hbm>> -> memref<1000000x32xf32, #tpu.memory_space<hbm>>
      tpu.wait_indirect_dma semaphore(%arg16 : memref<!tpu.dma_semaphore, #tpu.memory_space<semaphore_mem>>) src(%dma_wait3A_896 : memref<1000000x32xf32, #tpu.memory_space<hbm>>) dst(%dma_wait3A_890 : memref<128x32xf32, #tpu.memory_space<vmem>>)
      %gt3A_897 = arith.constant 0 : i32
      %gt3A_898 = arith.cmpi sgt, %scan3A_406, %gt3A_897 : i32
      %convert_element_type3A_899 = arith.extui %gt3A_898 : i1 to i32
      %cond3A_900 = arith.constant 0 : i32
      %cond3A_901 = arith.cmpi ne, %convert_element_type3A_899, %cond3A_900 : i32
      scf.if %cond3A_901 {
        %dma_wait3A_988 = arith.constant 0 : i32
        %dma_wait3A_989 = arith.constant 0 : i32
        %dma_wait3A_990 = arith.constant 0 : i32
        %dma_wait3A_991 = arith.constant 0 : i32
        %dma_wait3A_992 = tpu.memref_slice %arg12[%dma_wait3A_988, %dma_wait3A_990, %dma_wait3A_991] : memref<4x8x129xf32, #tpu.memory_space<vmem>> -> memref<1x8x128xf32, #tpu.memory_space<vmem>>
        %dma_wait3A_993 = tpu.memref_squeeze %dma_wait3A_992 : memref<1x8x128xf32, #tpu.memory_space<vmem>> -> memref<8x128xf32, #tpu.memory_space<vmem>>
        %dma_wait3A_994 = arith.constant 0 : i32
        %dma_wait3A_995 = arith.constant 0 : i32
        %dma_wait3A_996 = tpu.memref_slice %arg5[%add3A_845, %dma_wait3A_989, %add3A, %dma_wait3A_994, %dma_wait3A_995] : memref<200x4x32x8x128xf32, #tpu.memory_space<hbm>> -> memref<1x1x1x8x128xf32, #tpu.memory_space<hbm>>
        %dma_wait3A_997 = tpu.memref_squeeze %dma_wait3A_996 : memref<1x1x1x8x128xf32, #tpu.memory_space<hbm>> -> memref<8x128xf32, #tpu.memory_space<hbm>>
        %dma_wait3A_998 = arith.constant 0 : i32
        %dma_wait3A_999 = arith.constant 0 : i32
        %dma_wait3A_1000 = tpu.memref_slice %arg5[%add3A_845, %dma_wait3A_989, %add3A, %dma_wait3A_998, %dma_wait3A_999] : memref<200x4x32x8x128xf32, #tpu.memory_space<hbm>> -> memref<1x1x1x8x128xf32, #tpu.memory_space<hbm>>
        %dma_wait3A_1001 = tpu.memref_squeeze %dma_wait3A_1000 : memref<1x1x1x8x128xf32, #tpu.memory_space<hbm>> -> memref<8x128xf32, #tpu.memory_space<hbm>>
        %dma_wait3A_1002 = arith.constant 0 : i32
        %dma_wait3A_1003 = arith.constant 0 : i32
        %dma_wait3A_1004 = tpu.memref_slice %arg12[%dma_wait3A_988, %dma_wait3A_1002, %dma_wait3A_1003] : memref<4x8x129xf32, #tpu.memory_space<vmem>> -> memref<1x8x128xf32, #tpu.memory_space<vmem>>
        %dma_wait3A_1005 = tpu.memref_squeeze %dma_wait3A_1004 : memref<1x8x128xf32, #tpu.memory_space<vmem>> -> memref<8x128xf32, #tpu.memory_space<vmem>>
        tpu.wait_dma2 semaphore(%arg20 : memref<!tpu.dma_semaphore, #tpu.memory_space<semaphore_mem>>) src(%dma_wait3A_1005 : memref<8x128xf32, #tpu.memory_space<vmem>>) dst(%dma_wait3A_1001 : memref<8x128xf32, #tpu.memory_space<hbm>>)
        %dma_wait3A_1006 = arith.constant 1 : i32
        %dma_wait3A_1007 = arith.constant 1 : i32
        %dma_wait3A_1008 = arith.constant 0 : i32
        %dma_wait3A_1009 = arith.constant 0 : i32
        %dma_wait3A_1010 = tpu.memref_slice %arg12[%dma_wait3A_1006, %dma_wait3A_1008, %dma_wait3A_1009] : memref<4x8x129xf32, #tpu.memory_space<vmem>> -> memref<1x8x128xf32, #tpu.memory_space<vmem>>
        %dma_wait3A_1011 = tpu.memref_squeeze %dma_wait3A_1010 : memref<1x8x128xf32, #tpu.memory_space<vmem>> -> memref<8x128xf32, #tpu.memory_space<vmem>>
        %dma_wait3A_1012 = arith.constant 0 : i32
        %dma_wait3A_1013 = arith.constant 0 : i32
        %dma_wait3A_1014 = tpu.memref_slice %arg5[%add3A_845, %dma_wait3A_1007, %add3A, %dma_wait3A_1012, %dma_wait3A_1013] : memref<200x4x32x8x128xf32, #tpu.memory_space<hbm>> -> memref<1x1x1x8x128xf32, #tpu.memory_space<hbm>>
        %dma_wait3A_1015 = tpu.memref_squeeze %dma_wait3A_1014 : memref<1x1x1x8x128xf32, #tpu.memory_space<hbm>> -> memref<8x128xf32, #tpu.memory_space<hbm>>
        %dma_wait3A_1016 = arith.constant 0 : i32
        %dma_wait3A_1017 = arith.constant 0 : i32
        %dma_wait3A_1018 = tpu.memref_slice %arg5[%add3A_845, %dma_wait3A_1007, %add3A, %dma_wait3A_1016, %dma_wait3A_1017] : memref<200x4x32x8x128xf32, #tpu.memory_space<hbm>> -> memref<1x1x1x8x128xf32, #tpu.memory_space<hbm>>
        %dma_wait3A_1019 = tpu.memref_squeeze %dma_wait3A_1018 : memref<1x1x1x8x128xf32, #tpu.memory_space<hbm>> -> memref<8x128xf32, #tpu.memory_space<hbm>>
        %dma_wait3A_1020 = arith.constant 0 : i32
        %dma_wait3A_1021 = arith.constant 0 : i32
        %dma_wait3A_1022 = tpu.memref_slice %arg12[%dma_wait3A_1006, %dma_wait3A_1020, %dma_wait3A_1021] : memref<4x8x129xf32, #tpu.memory_space<vmem>> -> memref<1x8x128xf32, #tpu.memory_space<vmem>>
        %dma_wait3A_1023 = tpu.memref_squeeze %dma_wait3A_1022 : memref<1x8x128xf32, #tpu.memory_space<vmem>> -> memref<8x128xf32, #tpu.memory_space<vmem>>
        tpu.wait_dma2 semaphore(%arg20 : memref<!tpu.dma_semaphore, #tpu.memory_space<semaphore_mem>>) src(%dma_wait3A_1023 : memref<8x128xf32, #tpu.memory_space<vmem>>) dst(%dma_wait3A_1019 : memref<8x128xf32, #tpu.memory_space<hbm>>)
        %dma_wait3A_1024 = arith.constant 2 : i32
        %dma_wait3A_1025 = arith.constant 2 : i32
        %dma_wait3A_1026 = arith.constant 0 : i32
        %dma_wait3A_1027 = arith.constant 0 : i32
        %dma_wait3A_1028 = tpu.memref_slice %arg12[%dma_wait3A_1024, %dma_wait3A_1026, %dma_wait3A_1027] : memref<4x8x129xf32, #tpu.memory_space<vmem>> -> memref<1x8x128xf32, #tpu.memory_space<vmem>>
        %dma_wait3A_1029 = tpu.memref_squeeze %dma_wait3A_1028 : memref<1x8x128xf32, #tpu.memory_space<vmem>> -> memref<8x128xf32, #tpu.memory_space<vmem>>
        %dma_wait3A_1030 = arith.constant 0 : i32
        %dma_wait3A_1031 = arith.constant 0 : i32
        %dma_wait3A_1032 = tpu.memref_slice %arg5[%add3A_845, %dma_wait3A_1025, %add3A, %dma_wait3A_1030, %dma_wait3A_1031] : memref<200x4x32x8x128xf32, #tpu.memory_space<hbm>> -> memref<1x1x1x8x128xf32, #tpu.memory_space<hbm>>
        %dma_wait3A_1033 = tpu.memref_squeeze %dma_wait3A_1032 : memref<1x1x1x8x128xf32, #tpu.memory_space<hbm>> -> memref<8x128xf32, #tpu.memory_space<hbm>>
        %dma_wait3A_1034 = arith.constant 0 : i32
        %dma_wait3A_1035 = arith.constant 0 : i32
        %dma_wait3A_1036 = tpu.memref_slice %arg5[%add3A_845, %dma_wait3A_1025, %add3A, %dma_wait3A_1034, %dma_wait3A_1035] : memref<200x4x32x8x128xf32, #tpu.memory_space<hbm>> -> memref<1x1x1x8x128xf32, #tpu.memory_space<hbm>>
        %dma_wait3A_1037 = tpu.memref_squeeze %dma_wait3A_1036 : memref<1x1x1x8x128xf32, #tpu.memory_space<hbm>> -> memref<8x128xf32, #tpu.memory_space<hbm>>
        %dma_wait3A_1038 = arith.constant 0 : i32
        %dma_wait3A_1039 = arith.constant 0 : i32
        %dma_wait3A_1040 = tpu.memref_slice %arg12[%dma_wait3A_1024, %dma_wait3A_1038, %dma_wait3A_1039] : memref<4x8x129xf32, #tpu.memory_space<vmem>> -> memref<1x8x128xf32, #tpu.memory_space<vmem>>
        %dma_wait3A_1041 = tpu.memref_squeeze %dma_wait3A_1040 : memref<1x8x128xf32, #tpu.memory_space<vmem>> -> memref<8x128xf32, #tpu.memory_space<vmem>>
        tpu.wait_dma2 semaphore(%arg20 : memref<!tpu.dma_semaphore, #tpu.memory_space<semaphore_mem>>) src(%dma_wait3A_1041 : memref<8x128xf32, #tpu.memory_space<vmem>>) dst(%dma_wait3A_1037 : memref<8x128xf32, #tpu.memory_space<hbm>>)
        %dma_wait3A_1042 = arith.constant 3 : i32
        %dma_wait3A_1043 = arith.constant 3 : i32
        %dma_wait3A_1044 = arith.constant 0 : i32
        %dma_wait3A_1045 = arith.constant 0 : i32
        %dma_wait3A_1046 = tpu.memref_slice %arg12[%dma_wait3A_1042, %dma_wait3A_1044, %dma_wait3A_1045] : memref<4x8x129xf32, #tpu.memory_space<vmem>> -> memref<1x8x128xf32, #tpu.memory_space<vmem>>
        %dma_wait3A_1047 = tpu.memref_squeeze %dma_wait3A_1046 : memref<1x8x128xf32, #tpu.memory_space<vmem>> -> memref<8x128xf32, #tpu.memory_space<vmem>>
        %dma_wait3A_1048 = arith.constant 0 : i32
        %dma_wait3A_1049 = arith.constant 0 : i32
        %dma_wait3A_1050 = tpu.memref_slice %arg5[%add3A_845, %dma_wait3A_1043, %add3A, %dma_wait3A_1048, %dma_wait3A_1049] : memref<200x4x32x8x128xf32, #tpu.memory_space<hbm>> -> memref<1x1x1x8x128xf32, #tpu.memory_space<hbm>>
        %dma_wait3A_1051 = tpu.memref_squeeze %dma_wait3A_1050 : memref<1x1x1x8x128xf32, #tpu.memory_space<hbm>> -> memref<8x128xf32, #tpu.memory_space<hbm>>
        %dma_wait3A_1052 = arith.constant 0 : i32
        %dma_wait3A_1053 = arith.constant 0 : i32
        %dma_wait3A_1054 = tpu.memref_slice %arg5[%add3A_845, %dma_wait3A_1043, %add3A, %dma_wait3A_1052, %dma_wait3A_1053] : memref<200x4x32x8x128xf32, #tpu.memory_space<hbm>> -> memref<1x1x1x8x128xf32, #tpu.memory_space<hbm>>
        %dma_wait3A_1055 = tpu.memref_squeeze %dma_wait3A_1054 : memref<1x1x1x8x128xf32, #tpu.memory_space<hbm>> -> memref<8x128xf32, #tpu.memory_space<hbm>>
        %dma_wait3A_1056 = arith.constant 0 : i32
        %dma_wait3A_1057 = arith.constant 0 : i32
        %dma_wait3A_1058 = tpu.memref_slice %arg12[%dma_wait3A_1042, %dma_wait3A_1056, %dma_wait3A_1057] : memref<4x8x129xf32, #tpu.memory_space<vmem>> -> memref<1x8x128xf32, #tpu.memory_space<vmem>>
        %dma_wait3A_1059 = tpu.memref_squeeze %dma_wait3A_1058 : memref<1x8x128xf32, #tpu.memory_space<vmem>> -> memref<8x128xf32, #tpu.memory_space<vmem>>
        tpu.wait_dma2 semaphore(%arg20 : memref<!tpu.dma_semaphore, #tpu.memory_space<semaphore_mem>>) src(%dma_wait3A_1059 : memref<8x128xf32, #tpu.memory_space<vmem>>) dst(%dma_wait3A_1055 : memref<8x128xf32, #tpu.memory_space<hbm>>)
      } else {
      }
      %mul3A_902 = arith.constant 0 : i32
      %mul3A_903 = vector.broadcast %mul3A_902 : i32 to vector<16xi32>
      %mul3A_904 = arith.muli %iota3A, %mul3A_903 : vector<16xi32>
      %scan3A_905 = arith.constant 0 : i32
      %scan3A_906 = arith.constant 128 : i32
      %scan3A_907 = arith.addi %scan3A_905, %scan3A_906 : i32
      %scan3A_908 = arith.constant 8 : i32
      %scan3A_909 = scf.for %scan3A_988 = %scan3A_905 to %scan3A_907 step %scan3A_908 iter_args(%scan3A_989 = %mul3A_904) -> (vector<16xi32>)  : i32 {
        %get3A = arith.constant 3 : i32
        %get3A_990 = arith.index_cast %get3A : i32 to index
        %get3A_991 = arith.index_cast %scan3A_988 : i32 to index
        %get3A_992 = arith.constant 0 : index
        %get3A_993 = tpu.vector_load %arg8[%get3A_990, %get3A_991, %get3A_992] {strides = array<i32>} : memref<4x128x32xf32, #tpu.memory_space<vmem>>, vector<16xf32>,
        %get3A_994 = arith.index_cast %add3A_845 : i32 to index
        %get3A_995 = arith.constant 0 : index
        %get3A_996 = tpu.vector_load %arg7[%get3A_994, %get3A_995] {strides = array<i32>} : memref<200x32xf32, #tpu.memory_space<vmem>>, vector<16xf32>,
        %add3A_997 = arith.addf %get3A_993, %get3A_996 : vector<16xf32>
        %get3A_998 = arith.constant 3 : i32
        %get3A_999 = arith.index_cast %get3A_998 : i32 to index
        %get3A_1000 = arith.index_cast %scan3A_988 : i32 to index
        %get3A_1001 = arith.constant 16 : index
        %get3A_1002 = tpu.vector_load %arg8[%get3A_999, %get3A_1000, %get3A_1001] {strides = array<i32>} : memref<4x128x32xf32, #tpu.memory_space<vmem>>, vector<16xf32>,
        %get3A_1003 = arith.index_cast %add3A_845 : i32 to index
        %get3A_1004 = arith.constant 16 : index
        %get3A_1005 = tpu.vector_load %arg7[%get3A_1003, %get3A_1004] {strides = array<i32>} : memref<200x32xf32, #tpu.memory_space<vmem>>, vector<16xf32>,
        %add3A_1006 = arith.addf %get3A_1002, %get3A_1005 : vector<16xf32>
        tpu.vector_store_idx %arg12[%select_n3A, %select_n3A_46, %scan3A_989], %add3A_997 : memref<4x8x129xf32, #tpu.memory_space<vmem>>[vector<16xi32>, vector<16xi32>, vector<16xi32>], vector<16xf32>,
        tpu.vector_store_idx %arg12[%add3A_26, %select_n3A_46, %scan3A_989], %add3A_1006 : memref<4x8x129xf32, #tpu.memory_space<vmem>>[vector<16xi32>, vector<16xi32>, vector<16xi32>], vector<16xf32>,
        %add3A_1007 = arith.constant 1 : i32
        %add3A_1008 = vector.broadcast %add3A_1007 : i32 to vector<16xi32>
        %add3A_1009 = arith.addi %scan3A_989, %add3A_1008 : vector<16xi32>
        %scan3A_1010 = arith.constant 1 : i32
        %scan3A_1011 = arith.addi %scan3A_988, %scan3A_1010 : i32
        %get3A_1012 = arith.constant 3 : i32
        %get3A_1013 = arith.index_cast %get3A_1012 : i32 to index
        %get3A_1014 = arith.index_cast %scan3A_1011 : i32 to index
        %get3A_1015 = arith.constant 0 : index
        %get3A_1016 = tpu.vector_load %arg8[%get3A_1013, %get3A_1014, %get3A_1015] {strides = array<i32>} : memref<4x128x32xf32, #tpu.memory_space<vmem>>, vector<16xf32>,
        %get3A_1017 = arith.index_cast %add3A_845 : i32 to index
        %get3A_1018 = arith.constant 0 : index
        %get3A_1019 = tpu.vector_load %arg7[%get3A_1017, %get3A_1018] {strides = array<i32>} : memref<200x32xf32, #tpu.memory_space<vmem>>, vector<16xf32>,
        %add3A_1020 = arith.addf %get3A_1016, %get3A_1019 : vector<16xf32>
        %get3A_1021 = arith.constant 3 : i32
        %get3A_1022 = arith.index_cast %get3A_1021 : i32 to index
        %get3A_1023 = arith.index_cast %scan3A_1011 : i32 to index
        %get3A_1024 = arith.constant 16 : index
        %get3A_1025 = tpu.vector_load %arg8[%get3A_1022, %get3A_1023, %get3A_1024] {strides = array<i32>} : memref<4x128x32xf32, #tpu.memory_space<vmem>>, vector<16xf32>,
        %get3A_1026 = arith.index_cast %add3A_845 : i32 to index
        %get3A_1027 = arith.constant 16 : index
        %get3A_1028 = tpu.vector_load %arg7[%get3A_1026, %get3A_1027] {strides = array<i32>} : memref<200x32xf32, #tpu.memory_space<vmem>>, vector<16xf32>,
        %add3A_1029 = arith.addf %get3A_1025, %get3A_1028 : vector<16xf32>
        tpu.vector_store_idx %arg12[%select_n3A, %select_n3A_46, %add3A_1009], %add3A_1020 : memref<4x8x129xf32, #tpu.memory_space<vmem>>[vector<16xi32>, vector<16xi32>, vector<16xi32>], vector<16xf32>,
        tpu.vector_store_idx %arg12[%add3A_26, %select_n3A_46, %add3A_1009], %add3A_1029 : memref<4x8x129xf32, #tpu.memory_space<vmem>>[vector<16xi32>, vector<16xi32>, vector<16xi32>], vector<16xf32>,
        %add3A_1030 = arith.constant 1 : i32
        %add3A_1031 = vector.broadcast %add3A_1030 : i32 to vector<16xi32>
        %add3A_1032 = arith.addi %add3A_1009, %add3A_1031 : vector<16xi32>
        %scan3A_1033 = arith.constant 2 : i32
        %scan3A_1034 = arith.addi %scan3A_988, %scan3A_1033 : i32
        %get3A_1035 = arith.constant 3 : i32
        %get3A_1036 = arith.index_cast %get3A_1035 : i32 to index
        %get3A_1037 = arith.index_cast %scan3A_1034 : i32 to index
        %get3A_1038 = arith.constant 0 : index
        %get3A_1039 = tpu.vector_load %arg8[%get3A_1036, %get3A_1037, %get3A_1038] {strides = array<i32>} : memref<4x128x32xf32, #tpu.memory_space<vmem>>, vector<16xf32>,
        %get3A_1040 = arith.index_cast %add3A_845 : i32 to index
        %get3A_1041 = arith.constant 0 : index
        %get3A_1042 = tpu.vector_load %arg7[%get3A_1040, %get3A_1041] {strides = array<i32>} : memref<200x32xf32, #tpu.memory_space<vmem>>, vector<16xf32>,
        %add3A_1043 = arith.addf %get3A_1039, %get3A_1042 : vector<16xf32>
        %get3A_1044 = arith.constant 3 : i32
        %get3A_1045 = arith.index_cast %get3A_1044 : i32 to index
        %get3A_1046 = arith.index_cast %scan3A_1034 : i32 to index
        %get3A_1047 = arith.constant 16 : index
        %get3A_1048 = tpu.vector_load %arg8[%get3A_1045, %get3A_1046, %get3A_1047] {strides = array<i32>} : memref<4x128x32xf32, #tpu.memory_space<vmem>>, vector<16xf32>,
        %get3A_1049 = arith.index_cast %add3A_845 : i32 to index
        %get3A_1050 = arith.constant 16 : index
        %get3A_1051 = tpu.vector_load %arg7[%get3A_1049, %get3A_1050] {strides = array<i32>} : memref<200x32xf32, #tpu.memory_space<vmem>>, vector<16xf32>,
        %add3A_1052 = arith.addf %get3A_1048, %get3A_1051 : vector<16xf32>
        tpu.vector_store_idx %arg12[%select_n3A, %select_n3A_46, %add3A_1032], %add3A_1043 : memref<4x8x129xf32, #tpu.memory_space<vmem>>[vector<16xi32>, vector<16xi32>, vector<16xi32>], vector<16xf32>,
        tpu.vector_store_idx %arg12[%add3A_26, %select_n3A_46, %add3A_1032], %add3A_1052 : memref<4x8x129xf32, #tpu.memory_space<vmem>>[vector<16xi32>, vector<16xi32>, vector<16xi32>], vector<16xf32>,
        %add3A_1053 = arith.constant 1 : i32
        %add3A_1054 = vector.broadcast %add3A_1053 : i32 to vector<16xi32>
        %add3A_1055 = arith.addi %add3A_1032, %add3A_1054 : vector<16xi32>
        %scan3A_1056 = arith.constant 3 : i32
        %scan3A_1057 = arith.addi %scan3A_988, %scan3A_1056 : i32
        %get3A_1058 = arith.constant 3 : i32
        %get3A_1059 = arith.index_cast %get3A_1058 : i32 to index
        %get3A_1060 = arith.index_cast %scan3A_1057 : i32 to index
        %get3A_1061 = arith.constant 0 : index
        %get3A_1062 = tpu.vector_load %arg8[%get3A_1059, %get3A_1060, %get3A_1061] {strides = array<i32>} : memref<4x128x32xf32, #tpu.memory_space<vmem>>, vector<16xf32>,
        %get3A_1063 = arith.index_cast %add3A_845 : i32 to index
        %get3A_1064 = arith.constant 0 : index
        %get3A_1065 = tpu.vector_load %arg7[%get3A_1063, %get3A_1064] {strides = array<i32>} : memref<200x32xf32, #tpu.memory_space<vmem>>, vector<16xf32>,
        %add3A_1066 = arith.addf %get3A_1062, %get3A_1065 : vector<16xf32>
        %get3A_1067 = arith.constant 3 : i32
        %get3A_1068 = arith.index_cast %get3A_1067 : i32 to index
        %get3A_1069 = arith.index_cast %scan3A_1057 : i32 to index
        %get3A_1070 = arith.constant 16 : index
        %get3A_1071 = tpu.vector_load %arg8[%get3A_1068, %get3A_1069, %get3A_1070] {strides = array<i32>} : memref<4x128x32xf32, #tpu.memory_space<vmem>>, vector<16xf32>,
        %get3A_1072 = arith.index_cast %add3A_845 : i32 to index
        %get3A_1073 = arith.constant 16 : index
        %get3A_1074 = tpu.vector_load %arg7[%get3A_1072, %get3A_1073] {strides = array<i32>} : memref<200x32xf32, #tpu.memory_space<vmem>>, vector<16xf32>,
        %add3A_1075 = arith.addf %get3A_1071, %get3A_1074 : vector<16xf32>
        tpu.vector_store_idx %arg12[%select_n3A, %select_n3A_46, %add3A_1055], %add3A_1066 : memref<4x8x129xf32, #tpu.memory_space<vmem>>[vector<16xi32>, vector<16xi32>, vector<16xi32>], vector<16xf32>,
        tpu.vector_store_idx %arg12[%add3A_26, %select_n3A_46, %add3A_1055], %add3A_1075 : memref<4x8x129xf32, #tpu.memory_space<vmem>>[vector<16xi32>, vector<16xi32>, vector<16xi32>], vector<16xf32>,
        %add3A_1076 = arith.constant 1 : i32
        %add3A_1077 = vector.broadcast %add3A_1076 : i32 to vector<16xi32>
        %add3A_1078 = arith.addi %add3A_1055, %add3A_1077 : vector<16xi32>
        %scan3A_1079 = arith.constant 4 : i32
        %scan3A_1080 = arith.addi %scan3A_988, %scan3A_1079 : i32
        %get3A_1081 = arith.constant 3 : i32
        %get3A_1082 = arith.index_cast %get3A_1081 : i32 to index
        %get3A_1083 = arith.index_cast %scan3A_1080 : i32 to index
        %get3A_1084 = arith.constant 0 : index
        %get3A_1085 = tpu.vector_load %arg8[%get3A_1082, %get3A_1083, %get3A_1084] {strides = array<i32>} : memref<4x128x32xf32, #tpu.memory_space<vmem>>, vector<16xf32>,
        %get3A_1086 = arith.index_cast %add3A_845 : i32 to index
        %get3A_1087 = arith.constant 0 : index
        %get3A_1088 = tpu.vector_load %arg7[%get3A_1086, %get3A_1087] {strides = array<i32>} : memref<200x32xf32, #tpu.memory_space<vmem>>, vector<16xf32>,
        %add3A_1089 = arith.addf %get3A_1085, %get3A_1088 : vector<16xf32>
        %get3A_1090 = arith.constant 3 : i32
        %get3A_1091 = arith.index_cast %get3A_1090 : i32 to index
        %get3A_1092 = arith.index_cast %scan3A_1080 : i32 to index
        %get3A_1093 = arith.constant 16 : index
        %get3A_1094 = tpu.vector_load %arg8[%get3A_1091, %get3A_1092, %get3A_1093] {strides = array<i32>} : memref<4x128x32xf32, #tpu.memory_space<vmem>>, vector<16xf32>,
        %get3A_1095 = arith.index_cast %add3A_845 : i32 to index
        %get3A_1096 = arith.constant 16 : index
        %get3A_1097 = tpu.vector_load %arg7[%get3A_1095, %get3A_1096] {strides = array<i32>} : memref<200x32xf32, #tpu.memory_space<vmem>>, vector<16xf32>,
        %add3A_1098 = arith.addf %get3A_1094, %get3A_1097 : vector<16xf32>
        tpu.vector_store_idx %arg12[%select_n3A, %select_n3A_46, %add3A_1078], %add3A_1089 : memref<4x8x129xf32, #tpu.memory_space<vmem>>[vector<16xi32>, vector<16xi32>, vector<16xi32>], vector<16xf32>,
        tpu.vector_store_idx %arg12[%add3A_26, %select_n3A_46, %add3A_1078], %add3A_1098 : memref<4x8x129xf32, #tpu.memory_space<vmem>>[vector<16xi32>, vector<16xi32>, vector<16xi32>], vector<16xf32>,
        %add3A_1099 = arith.constant 1 : i32
        %add3A_1100 = vector.broadcast %add3A_1099 : i32 to vector<16xi32>
        %add3A_1101 = arith.addi %add3A_1078, %add3A_1100 : vector<16xi32>
        %scan3A_1102 = arith.constant 5 : i32
        %scan3A_1103 = arith.addi %scan3A_988, %scan3A_1102 : i32
        %get3A_1104 = arith.constant 3 : i32
        %get3A_1105 = arith.index_cast %get3A_1104 : i32 to index
        %get3A_1106 = arith.index_cast %scan3A_1103 : i32 to index
        %get3A_1107 = arith.constant 0 : index
        %get3A_1108 = tpu.vector_load %arg8[%get3A_1105, %get3A_1106, %get3A_1107] {strides = array<i32>} : memref<4x128x32xf32, #tpu.memory_space<vmem>>, vector<16xf32>,
        %get3A_1109 = arith.index_cast %add3A_845 : i32 to index
        %get3A_1110 = arith.constant 0 : index
        %get3A_1111 = tpu.vector_load %arg7[%get3A_1109, %get3A_1110] {strides = array<i32>} : memref<200x32xf32, #tpu.memory_space<vmem>>, vector<16xf32>,
        %add3A_1112 = arith.addf %get3A_1108, %get3A_1111 : vector<16xf32>
        %get3A_1113 = arith.constant 3 : i32
        %get3A_1114 = arith.index_cast %get3A_1113 : i32 to index
        %get3A_1115 = arith.index_cast %scan3A_1103 : i32 to index
        %get3A_1116 = arith.constant 16 : index
        %get3A_1117 = tpu.vector_load %arg8[%get3A_1114, %get3A_1115, %get3A_1116] {strides = array<i32>} : memref<4x128x32xf32, #tpu.memory_space<vmem>>, vector<16xf32>,
        %get3A_1118 = arith.index_cast %add3A_845 : i32 to index
        %get3A_1119 = arith.constant 16 : index
        %get3A_1120 = tpu.vector_load %arg7[%get3A_1118, %get3A_1119] {strides = array<i32>} : memref<200x32xf32, #tpu.memory_space<vmem>>, vector<16xf32>,
        %add3A_1121 = arith.addf %get3A_1117, %get3A_1120 : vector<16xf32>
        tpu.vector_store_idx %arg12[%select_n3A, %select_n3A_46, %add3A_1101], %add3A_1112 : memref<4x8x129xf32, #tpu.memory_space<vmem>>[vector<16xi32>, vector<16xi32>, vector<16xi32>], vector<16xf32>,
        tpu.vector_store_idx %arg12[%add3A_26, %select_n3A_46, %add3A_1101], %add3A_1121 : memref<4x8x129xf32, #tpu.memory_space<vmem>>[vector<16xi32>, vector<16xi32>, vector<16xi32>], vector<16xf32>,
        %add3A_1122 = arith.constant 1 : i32
        %add3A_1123 = vector.broadcast %add3A_1122 : i32 to vector<16xi32>
        %add3A_1124 = arith.addi %add3A_1101, %add3A_1123 : vector<16xi32>
        %scan3A_1125 = arith.constant 6 : i32
        %scan3A_1126 = arith.addi %scan3A_988, %scan3A_1125 : i32
        %get3A_1127 = arith.constant 3 : i32
        %get3A_1128 = arith.index_cast %get3A_1127 : i32 to index
        %get3A_1129 = arith.index_cast %scan3A_1126 : i32 to index
        %get3A_1130 = arith.constant 0 : index
        %get3A_1131 = tpu.vector_load %arg8[%get3A_1128, %get3A_1129, %get3A_1130] {strides = array<i32>} : memref<4x128x32xf32, #tpu.memory_space<vmem>>, vector<16xf32>,
        %get3A_1132 = arith.index_cast %add3A_845 : i32 to index
        %get3A_1133 = arith.constant 0 : index
        %get3A_1134 = tpu.vector_load %arg7[%get3A_1132, %get3A_1133] {strides = array<i32>} : memref<200x32xf32, #tpu.memory_space<vmem>>, vector<16xf32>,
        %add3A_1135 = arith.addf %get3A_1131, %get3A_1134 : vector<16xf32>
        %get3A_1136 = arith.constant 3 : i32
        %get3A_1137 = arith.index_cast %get3A_1136 : i32 to index
        %get3A_1138 = arith.index_cast %scan3A_1126 : i32 to index
        %get3A_1139 = arith.constant 16 : index
        %get3A_1140 = tpu.vector_load %arg8[%get3A_1137, %get3A_1138, %get3A_1139] {strides = array<i32>} : memref<4x128x32xf32, #tpu.memory_space<vmem>>, vector<16xf32>,
        %get3A_1141 = arith.index_cast %add3A_845 : i32 to index
        %get3A_1142 = arith.constant 16 : index
        %get3A_1143 = tpu.vector_load %arg7[%get3A_1141, %get3A_1142] {strides = array<i32>} : memref<200x32xf32, #tpu.memory_space<vmem>>, vector<16xf32>,
        %add3A_1144 = arith.addf %get3A_1140, %get3A_1143 : vector<16xf32>
        tpu.vector_store_idx %arg12[%select_n3A, %select_n3A_46, %add3A_1124], %add3A_1135 : memref<4x8x129xf32, #tpu.memory_space<vmem>>[vector<16xi32>, vector<16xi32>, vector<16xi32>], vector<16xf32>,
        tpu.vector_store_idx %arg12[%add3A_26, %select_n3A_46, %add3A_1124], %add3A_1144 : memref<4x8x129xf32, #tpu.memory_space<vmem>>[vector<16xi32>, vector<16xi32>, vector<16xi32>], vector<16xf32>,
        %add3A_1145 = arith.constant 1 : i32
        %add3A_1146 = vector.broadcast %add3A_1145 : i32 to vector<16xi32>
        %add3A_1147 = arith.addi %add3A_1124, %add3A_1146 : vector<16xi32>
        %scan3A_1148 = arith.constant 7 : i32
        %scan3A_1149 = arith.addi %scan3A_988, %scan3A_1148 : i32
        %get3A_1150 = arith.constant 3 : i32
        %get3A_1151 = arith.index_cast %get3A_1150 : i32 to index
        %get3A_1152 = arith.index_cast %scan3A_1149 : i32 to index
        %get3A_1153 = arith.constant 0 : index
        %get3A_1154 = tpu.vector_load %arg8[%get3A_1151, %get3A_1152, %get3A_1153] {strides = array<i32>} : memref<4x128x32xf32, #tpu.memory_space<vmem>>, vector<16xf32>,
        %get3A_1155 = arith.index_cast %add3A_845 : i32 to index
        %get3A_1156 = arith.constant 0 : index
        %get3A_1157 = tpu.vector_load %arg7[%get3A_1155, %get3A_1156] {strides = array<i32>} : memref<200x32xf32, #tpu.memory_space<vmem>>, vector<16xf32>,
        %add3A_1158 = arith.addf %get3A_1154, %get3A_1157 : vector<16xf32>
        %get3A_1159 = arith.constant 3 : i32
        %get3A_1160 = arith.index_cast %get3A_1159 : i32 to index
        %get3A_1161 = arith.index_cast %scan3A_1149 : i32 to index
        %get3A_1162 = arith.constant 16 : index
        %get3A_1163 = tpu.vector_load %arg8[%get3A_1160, %get3A_1161, %get3A_1162] {strides = array<i32>} : memref<4x128x32xf32, #tpu.memory_space<vmem>>, vector<16xf32>,
        %get3A_1164 = arith.index_cast %add3A_845 : i32 to index
        %get3A_1165 = arith.constant 16 : index
        %get3A_1166 = tpu.vector_load %arg7[%get3A_1164, %get3A_1165] {strides = array<i32>} : memref<200x32xf32, #tpu.memory_space<vmem>>, vector<16xf32>,
        %add3A_1167 = arith.addf %get3A_1163, %get3A_1166 : vector<16xf32>
        tpu.vector_store_idx %arg12[%select_n3A, %select_n3A_46, %add3A_1147], %add3A_1158 : memref<4x8x129xf32, #tpu.memory_space<vmem>>[vector<16xi32>, vector<16xi32>, vector<16xi32>], vector<16xf32>,
        tpu.vector_store_idx %arg12[%add3A_26, %select_n3A_46, %add3A_1147], %add3A_1167 : memref<4x8x129xf32, #tpu.memory_space<vmem>>[vector<16xi32>, vector<16xi32>, vector<16xi32>], vector<16xf32>,
        %add3A_1168 = arith.constant 1 : i32
        %add3A_1169 = vector.broadcast %add3A_1168 : i32 to vector<16xi32>
        %add3A_1170 = arith.addi %add3A_1147, %add3A_1169 : vector<16xi32>
        scf.yield %add3A_1170 : vector<16xi32>
      }
      %scan3A_910 = arith.constant 128 : i32
      %dma_start3A_911 = arith.constant 0 : i32
      %dma_start3A_912 = arith.constant 0 : i32
      %dma_start3A_913 = arith.constant 0 : i32
      %dma_start3A_914 = arith.constant 0 : i32
      %dma_start3A_915 = tpu.memref_slice %arg12[%dma_start3A_911, %dma_start3A_913, %dma_start3A_914] : memref<4x8x129xf32, #tpu.memory_space<vmem>> -> memref<1x8x128xf32, #tpu.memory_space<vmem>>
      %dma_start3A_916 = tpu.memref_squeeze %dma_start3A_915 : memref<1x8x128xf32, #tpu.memory_space<vmem>> -> memref<8x128xf32, #tpu.memory_space<vmem>>
      %dma_start3A_917 = arith.constant 0 : i32
      %dma_start3A_918 = arith.constant 0 : i32
      %dma_start3A_919 = tpu.memref_slice %arg5[%add3A_845, %dma_start3A_912, %add3A, %dma_start3A_917, %dma_start3A_918] : memref<200x4x32x8x128xf32, #tpu.memory_space<hbm>> -> memref<1x1x1x8x128xf32, #tpu.memory_space<hbm>>
      %dma_start3A_920 = tpu.memref_squeeze %dma_start3A_919 : memref<1x1x1x8x128xf32, #tpu.memory_space<hbm>> -> memref<8x128xf32, #tpu.memory_space<hbm>>
      %dma_start3A_921 = arith.constant 0 : i32
      %dma_start3A_922 = arith.constant 0 : i32
      %dma_start3A_923 = tpu.memref_slice %arg5[%add3A_845, %dma_start3A_912, %add3A, %dma_start3A_921, %dma_start3A_922] : memref<200x4x32x8x128xf32, #tpu.memory_space<hbm>> -> memref<1x1x1x8x128xf32, #tpu.memory_space<hbm>>
      %dma_start3A_924 = tpu.memref_squeeze %dma_start3A_923 : memref<1x1x1x8x128xf32, #tpu.memory_space<hbm>> -> memref<8x128xf32, #tpu.memory_space<hbm>>
      %dma_start3A_925 = arith.constant 0 : i32
      %dma_start3A_926 = arith.constant 0 : i32
      %dma_start3A_927 = tpu.memref_slice %arg12[%dma_start3A_911, %dma_start3A_925, %dma_start3A_926] : memref<4x8x129xf32, #tpu.memory_space<vmem>> -> memref<1x8x128xf32, #tpu.memory_space<vmem>>
      %dma_start3A_928 = tpu.memref_squeeze %dma_start3A_927 : memref<1x8x128xf32, #tpu.memory_space<vmem>> -> memref<8x128xf32, #tpu.memory_space<vmem>>
      tpu.enqueue_dma source(%dma_start3A_928 : memref<8x128xf32, #tpu.memory_space<vmem>>) target(%dma_start3A_924 : memref<8x128xf32, #tpu.memory_space<hbm>>) target_semaphore(%arg20 : memref<!tpu.dma_semaphore, #tpu.memory_space<semaphore_mem>>)
      %dma_start3A_929 = arith.constant 1 : i32
      %dma_start3A_930 = arith.constant 1 : i32
      %dma_start3A_931 = arith.constant 0 : i32
      %dma_start3A_932 = arith.constant 0 : i32
      %dma_start3A_933 = tpu.memref_slice %arg12[%dma_start3A_929, %dma_start3A_931, %dma_start3A_932] : memref<4x8x129xf32, #tpu.memory_space<vmem>> -> memref<1x8x128xf32, #tpu.memory_space<vmem>>
      %dma_start3A_934 = tpu.memref_squeeze %dma_start3A_933 : memref<1x8x128xf32, #tpu.memory_space<vmem>> -> memref<8x128xf32, #tpu.memory_space<vmem>>
      %dma_start3A_935 = arith.constant 0 : i32
      %dma_start3A_936 = arith.constant 0 : i32
      %dma_start3A_937 = tpu.memref_slice %arg5[%add3A_845, %dma_start3A_930, %add3A, %dma_start3A_935, %dma_start3A_936] : memref<200x4x32x8x128xf32, #tpu.memory_space<hbm>> -> memref<1x1x1x8x128xf32, #tpu.memory_space<hbm>>
      %dma_start3A_938 = tpu.memref_squeeze %dma_start3A_937 : memref<1x1x1x8x128xf32, #tpu.memory_space<hbm>> -> memref<8x128xf32, #tpu.memory_space<hbm>>
      %dma_start3A_939 = arith.constant 0 : i32
      %dma_start3A_940 = arith.constant 0 : i32
      %dma_start3A_941 = tpu.memref_slice %arg5[%add3A_845, %dma_start3A_930, %add3A, %dma_start3A_939, %dma_start3A_940] : memref<200x4x32x8x128xf32, #tpu.memory_space<hbm>> -> memref<1x1x1x8x128xf32, #tpu.memory_space<hbm>>
      %dma_start3A_942 = tpu.memref_squeeze %dma_start3A_941 : memref<1x1x1x8x128xf32, #tpu.memory_space<hbm>> -> memref<8x128xf32, #tpu.memory_space<hbm>>
      %dma_start3A_943 = arith.constant 0 : i32
      %dma_start3A_944 = arith.constant 0 : i32
      %dma_start3A_945 = tpu.memref_slice %arg12[%dma_start3A_929, %dma_start3A_943, %dma_start3A_944] : memref<4x8x129xf32, #tpu.memory_space<vmem>> -> memref<1x8x128xf32, #tpu.memory_space<vmem>>
      %dma_start3A_946 = tpu.memref_squeeze %dma_start3A_945 : memref<1x8x128xf32, #tpu.memory_space<vmem>> -> memref<8x128xf32, #tpu.memory_space<vmem>>
      tpu.enqueue_dma source(%dma_start3A_946 : memref<8x128xf32, #tpu.memory_space<vmem>>) target(%dma_start3A_942 : memref<8x128xf32, #tpu.memory_space<hbm>>) target_semaphore(%arg20 : memref<!tpu.dma_semaphore, #tpu.memory_space<semaphore_mem>>)
      %dma_start3A_947 = arith.constant 2 : i32
      %dma_start3A_948 = arith.constant 2 : i32
      %dma_start3A_949 = arith.constant 0 : i32
      %dma_start3A_950 = arith.constant 0 : i32
      %dma_start3A_951 = tpu.memref_slice %arg12[%dma_start3A_947, %dma_start3A_949, %dma_start3A_950] : memref<4x8x129xf32, #tpu.memory_space<vmem>> -> memref<1x8x128xf32, #tpu.memory_space<vmem>>
      %dma_start3A_952 = tpu.memref_squeeze %dma_start3A_951 : memref<1x8x128xf32, #tpu.memory_space<vmem>> -> memref<8x128xf32, #tpu.memory_space<vmem>>
      %dma_start3A_953 = arith.constant 0 : i32
      %dma_start3A_954 = arith.constant 0 : i32
      %dma_start3A_955 = tpu.memref_slice %arg5[%add3A_845, %dma_start3A_948, %add3A, %dma_start3A_953, %dma_start3A_954] : memref<200x4x32x8x128xf32, #tpu.memory_space<hbm>> -> memref<1x1x1x8x128xf32, #tpu.memory_space<hbm>>
      %dma_start3A_956 = tpu.memref_squeeze %dma_start3A_955 : memref<1x1x1x8x128xf32, #tpu.memory_space<hbm>> -> memref<8x128xf32, #tpu.memory_space<hbm>>
      %dma_start3A_957 = arith.constant 0 : i32
      %dma_start3A_958 = arith.constant 0 : i32
      %dma_start3A_959 = tpu.memref_slice %arg5[%add3A_845, %dma_start3A_948, %add3A, %dma_start3A_957, %dma_start3A_958] : memref<200x4x32x8x128xf32, #tpu.memory_space<hbm>> -> memref<1x1x1x8x128xf32, #tpu.memory_space<hbm>>
      %dma_start3A_960 = tpu.memref_squeeze %dma_start3A_959 : memref<1x1x1x8x128xf32, #tpu.memory_space<hbm>> -> memref<8x128xf32, #tpu.memory_space<hbm>>
      %dma_start3A_961 = arith.constant 0 : i32
      %dma_start3A_962 = arith.constant 0 : i32
      %dma_start3A_963 = tpu.memref_slice %arg12[%dma_start3A_947, %dma_start3A_961, %dma_start3A_962] : memref<4x8x129xf32, #tpu.memory_space<vmem>> -> memref<1x8x128xf32, #tpu.memory_space<vmem>>
      %dma_start3A_964 = tpu.memref_squeeze %dma_start3A_963 : memref<1x8x128xf32, #tpu.memory_space<vmem>> -> memref<8x128xf32, #tpu.memory_space<vmem>>
      tpu.enqueue_dma source(%dma_start3A_964 : memref<8x128xf32, #tpu.memory_space<vmem>>) target(%dma_start3A_960 : memref<8x128xf32, #tpu.memory_space<hbm>>) target_semaphore(%arg20 : memref<!tpu.dma_semaphore, #tpu.memory_space<semaphore_mem>>)
      %dma_start3A_965 = arith.constant 3 : i32
      %dma_start3A_966 = arith.constant 3 : i32
      %dma_start3A_967 = arith.constant 0 : i32
      %dma_start3A_968 = arith.constant 0 : i32
      %dma_start3A_969 = tpu.memref_slice %arg12[%dma_start3A_965, %dma_start3A_967, %dma_start3A_968] : memref<4x8x129xf32, #tpu.memory_space<vmem>> -> memref<1x8x128xf32, #tpu.memory_space<vmem>>
      %dma_start3A_970 = tpu.memref_squeeze %dma_start3A_969 : memref<1x8x128xf32, #tpu.memory_space<vmem>> -> memref<8x128xf32, #tpu.memory_space<vmem>>
      %dma_start3A_971 = arith.constant 0 : i32
      %dma_start3A_972 = arith.constant 0 : i32
      %dma_start3A_973 = tpu.memref_slice %arg5[%add3A_845, %dma_start3A_966, %add3A, %dma_start3A_971, %dma_start3A_972] : memref<200x4x32x8x128xf32, #tpu.memory_space<hbm>> -> memref<1x1x1x8x128xf32, #tpu.memory_space<hbm>>
      %dma_start3A_974 = tpu.memref_squeeze %dma_start3A_973 : memref<1x1x1x8x128xf32, #tpu.memory_space<hbm>> -> memref<8x128xf32, #tpu.memory_space<hbm>>
      %dma_start3A_975 = arith.constant 0 : i32
      %dma_start3A_976 = arith.constant 0 : i32
      %dma_start3A_977 = tpu.memref_slice %arg5[%add3A_845, %dma_start3A_966, %add3A, %dma_start3A_975, %dma_start3A_976] : memref<200x4x32x8x128xf32, #tpu.memory_space<hbm>> -> memref<1x1x1x8x128xf32, #tpu.memory_space<hbm>>
      %dma_start3A_978 = tpu.memref_squeeze %dma_start3A_977 : memref<1x1x1x8x128xf32, #tpu.memory_space<hbm>> -> memref<8x128xf32, #tpu.memory_space<hbm>>
      %dma_start3A_979 = arith.constant 0 : i32
      %dma_start3A_980 = arith.constant 0 : i32
      %dma_start3A_981 = tpu.memref_slice %arg12[%dma_start3A_965, %dma_start3A_979, %dma_start3A_980] : memref<4x8x129xf32, #tpu.memory_space<vmem>> -> memref<1x8x128xf32, #tpu.memory_space<vmem>>
      %dma_start3A_982 = tpu.memref_squeeze %dma_start3A_981 : memref<1x8x128xf32, #tpu.memory_space<vmem>> -> memref<8x128xf32, #tpu.memory_space<vmem>>
      tpu.enqueue_dma source(%dma_start3A_982 : memref<8x128xf32, #tpu.memory_space<vmem>>) target(%dma_start3A_978 : memref<8x128xf32, #tpu.memory_space<hbm>>) target_semaphore(%arg20 : memref<!tpu.dma_semaphore, #tpu.memory_space<semaphore_mem>>)
      %lt3A_983 = arith.constant 49 : i32
      %lt3A_984 = arith.cmpi slt, %scan3A_406, %lt3A_983 : i32
      %convert_element_type3A_985 = arith.extui %lt3A_984 : i1 to i32
      %cond3A_986 = arith.constant 0 : i32
      %cond3A_987 = arith.cmpi ne, %convert_element_type3A_985, %cond3A_986 : i32
      scf.if %cond3A_987 {
        %add3A_988 = arith.constant 4 : i32
        %add3A_989 = arith.addi %add3A_845, %add3A_988 : i32
        %jit3A_990 = arith.constant 8 : i32
        %div3A_991 = arith.divsi %add3A_989, %jit3A_990 : i32
        %sign3A_992 = arith.constant 0 : i32
        %sign3A_993 = arith.cmpi sgt, %add3A_989, %sign3A_992 : i32
        %sign3A_994 = arith.extui %sign3A_993 : i1 to i32
        %sign3A_995 = arith.constant 0 : i32
        %sign3A_996 = arith.cmpi slt, %add3A_989, %sign3A_995 : i32
        %sign3A_997 = arith.extui %sign3A_996 : i1 to i32
        %sign3A_998 = arith.subi %sign3A_994, %sign3A_997 : i32
        %sign3A_999 = arith.constant 0 : i32
        %sign3A_1000 = arith.cmpi sgt, %jit3A_990, %sign3A_999 : i32
        %sign3A_1001 = arith.extui %sign3A_1000 : i1 to i32
        %sign3A_1002 = arith.constant 0 : i32
        %sign3A_1003 = arith.cmpi slt, %jit3A_990, %sign3A_1002 : i32
        %sign3A_1004 = arith.extui %sign3A_1003 : i1 to i32
        %sign3A_1005 = arith.subi %sign3A_1001, %sign3A_1004 : i32
        %ne3A_1006 = arith.cmpi ne, %sign3A_998, %sign3A_1005 : i32
        %rem3A_1007 = arith.remsi %add3A_989, %jit3A_990 : i32
        %ne3A_1008 = arith.constant 0 : i32
        %ne3A_1009 = arith.cmpi ne, %rem3A_1007, %ne3A_1008 : i32
        %and3A_1010 = arith.andi %ne3A_1006, %ne3A_1009 : i1
        %sub3A_1011 = arith.constant 1 : i32
        %sub3A_1012 = arith.subi %div3A_991, %sub3A_1011 : i32
        %select_n3A_1013 = arith.select %and3A_1010, %sub3A_1012, %div3A_991 : i32
        %jit3A_1014 = arith.constant 8 : i32
        %eq3A_1015 = arith.constant 0 : i32
        %eq3A_1016 = arith.cmpi eq, %jit3A_1014, %eq3A_1015 : i32
        %jit3A_1017 = arith.constant 1 : i32
        %select_n3A_1018 = arith.select %eq3A_1016, %jit3A_1017, %jit3A_1014 : i32
        %rem3A_1019 = arith.remsi %add3A_989, %select_n3A_1018 : i32
        %ne3A_1020 = arith.constant 0 : i32
        %ne3A_1021 = arith.cmpi ne, %rem3A_1019, %ne3A_1020 : i32
        %lt3A_1022 = arith.constant 0 : i32
        %lt3A_1023 = arith.cmpi slt, %rem3A_1019, %lt3A_1022 : i32
        %lt3A_1024 = arith.constant 0 : i32
        %lt3A_1025 = arith.cmpi slt, %select_n3A_1018, %lt3A_1024 : i32
        %ne3A_1026 = arith.xori %lt3A_1023, %lt3A_1025 : i1
        %and3A_1027 = arith.andi %ne3A_1026, %ne3A_1021 : i1
        %add3A_1028 = arith.addi %rem3A_1019, %select_n3A_1018 : i32
        %select_n3A_1029 = arith.select %and3A_1027, %add3A_1028, %rem3A_1019 : i32
        %dma_start3A_1030 = arith.constant 3 : i32
        %dma_start3A_1031 = arith.constant 0 : i32
        %dma_start3A_1032 = arith.constant 0 : i32
        %dma_start3A_1033 = tpu.memref_slice %arg8[%dma_start3A_1030, %dma_start3A_1031, %dma_start3A_1032] : memref<4x128x32xf32, #tpu.memory_space<vmem>> -> memref<1x128x32xf32, #tpu.memory_space<vmem>>
        %dma_start3A_1034 = tpu.memref_squeeze %dma_start3A_1033 : memref<1x128x32xf32, #tpu.memory_space<vmem>> -> memref<128x32xf32, #tpu.memory_space<vmem>>
        %dma_start3A_1035 = arith.constant 0 : i32
        %dma_start3A_1036 = tpu.memref_slice %arg6[%select_n3A_1013, %select_n3A_1029, %dma_start3A_1035] : memref<25x8x128xi32, #tpu.memory_space<vmem>> -> memref<1x1x128xi32, #tpu.memory_space<vmem>>
        %dma_start3A_1037 = tpu.memref_squeeze %dma_start3A_1036 : memref<1x1x128xi32, #tpu.memory_space<vmem>> -> memref<128xi32, #tpu.memory_space<vmem>>
        %dma_start3A_1038 = arith.constant 0 : i32
        %dma_start3A_1039 = arith.constant 0 : i32
        %dma_start3A_1040 = tpu.memref_slice %arg4[%dma_start3A_1038, %dma_start3A_1039] : memref<1000000x32xf32, #tpu.memory_space<hbm>> -> memref<1000000x32xf32, #tpu.memory_space<hbm>>
        tpu.enqueue_indirect_dma source(%dma_start3A_1040 : memref<1000000x32xf32, #tpu.memory_space<hbm>>) target(%dma_start3A_1034 : memref<128x32xf32, #tpu.memory_space<vmem>>) offsets(%dma_start3A_1037 : memref<128xi32, #tpu.memory_space<vmem>>) semaphore(%arg16 : memref<!tpu.dma_semaphore, #tpu.memory_space<semaphore_mem>>)
      } else {
      }
    }
    %scan3A_102 = arith.constant 50 : i32
    %dma_wait3A = arith.constant 0 : i32
    %dma_wait3A_103 = arith.constant 196 : i32
    %dma_wait3A_104 = arith.constant 0 : i32
    %dma_wait3A_105 = arith.constant 0 : i32
    %dma_wait3A_106 = arith.constant 0 : i32
    %dma_wait3A_107 = tpu.memref_slice %arg9[%dma_wait3A, %dma_wait3A_105, %dma_wait3A_106] : memref<4x8x129xf32, #tpu.memory_space<vmem>> -> memref<1x8x128xf32, #tpu.memory_space<vmem>>
    %dma_wait3A_108 = tpu.memref_squeeze %dma_wait3A_107 : memref<1x8x128xf32, #tpu.memory_space<vmem>> -> memref<8x128xf32, #tpu.memory_space<vmem>>
    %dma_wait3A_109 = arith.constant 0 : i32
    %dma_wait3A_110 = arith.constant 0 : i32
    %dma_wait3A_111 = tpu.memref_slice %arg5[%dma_wait3A_103, %dma_wait3A_104, %add3A, %dma_wait3A_109, %dma_wait3A_110] : memref<200x4x32x8x128xf32, #tpu.memory_space<hbm>> -> memref<1x1x1x8x128xf32, #tpu.memory_space<hbm>>
    %dma_wait3A_112 = tpu.memref_squeeze %dma_wait3A_111 : memref<1x1x1x8x128xf32, #tpu.memory_space<hbm>> -> memref<8x128xf32, #tpu.memory_space<hbm>>
    %dma_wait3A_113 = arith.constant 0 : i32
    %dma_wait3A_114 = arith.constant 0 : i32
    %dma_wait3A_115 = tpu.memref_slice %arg5[%dma_wait3A_103, %dma_wait3A_104, %add3A, %dma_wait3A_113, %dma_wait3A_114] : memref<200x4x32x8x128xf32, #tpu.memory_space<hbm>> -> memref<1x1x1x8x128xf32, #tpu.memory_space<hbm>>
    %dma_wait3A_116 = tpu.memref_squeeze %dma_wait3A_115 : memref<1x1x1x8x128xf32, #tpu.memory_space<hbm>> -> memref<8x128xf32, #tpu.memory_space<hbm>>
    %dma_wait3A_117 = arith.constant 0 : i32
    %dma_wait3A_118 = arith.constant 0 : i32
    %dma_wait3A_119 = tpu.memref_slice %arg9[%dma_wait3A, %dma_wait3A_117, %dma_wait3A_118] : memref<4x8x129xf32, #tpu.memory_space<vmem>> -> memref<1x8x128xf32, #tpu.memory_space<vmem>>
    %dma_wait3A_120 = tpu.memref_squeeze %dma_wait3A_119 : memref<1x8x128xf32, #tpu.memory_space<vmem>> -> memref<8x128xf32, #tpu.memory_space<vmem>>
    tpu.wait_dma2 semaphore(%arg17 : memref<!tpu.dma_semaphore, #tpu.memory_space<semaphore_mem>>) src(%dma_wait3A_120 : memref<8x128xf32, #tpu.memory_space<vmem>>) dst(%dma_wait3A_116 : memref<8x128xf32, #tpu.memory_space<hbm>>)
    %dma_wait3A_121 = arith.constant 1 : i32
    %dma_wait3A_122 = arith.constant 196 : i32
    %dma_wait3A_123 = arith.constant 1 : i32
    %dma_wait3A_124 = arith.constant 0 : i32
    %dma_wait3A_125 = arith.constant 0 : i32
    %dma_wait3A_126 = tpu.memref_slice %arg9[%dma_wait3A_121, %dma_wait3A_124, %dma_wait3A_125] : memref<4x8x129xf32, #tpu.memory_space<vmem>> -> memref<1x8x128xf32, #tpu.memory_space<vmem>>
    %dma_wait3A_127 = tpu.memref_squeeze %dma_wait3A_126 : memref<1x8x128xf32, #tpu.memory_space<vmem>> -> memref<8x128xf32, #tpu.memory_space<vmem>>
    %dma_wait3A_128 = arith.constant 0 : i32
    %dma_wait3A_129 = arith.constant 0 : i32
    %dma_wait3A_130 = tpu.memref_slice %arg5[%dma_wait3A_122, %dma_wait3A_123, %add3A, %dma_wait3A_128, %dma_wait3A_129] : memref<200x4x32x8x128xf32, #tpu.memory_space<hbm>> -> memref<1x1x1x8x128xf32, #tpu.memory_space<hbm>>
    %dma_wait3A_131 = tpu.memref_squeeze %dma_wait3A_130 : memref<1x1x1x8x128xf32, #tpu.memory_space<hbm>> -> memref<8x128xf32, #tpu.memory_space<hbm>>
    %dma_wait3A_132 = arith.constant 0 : i32
    %dma_wait3A_133 = arith.constant 0 : i32
    %dma_wait3A_134 = tpu.memref_slice %arg5[%dma_wait3A_122, %dma_wait3A_123, %add3A, %dma_wait3A_132, %dma_wait3A_133] : memref<200x4x32x8x128xf32, #tpu.memory_space<hbm>> -> memref<1x1x1x8x128xf32, #tpu.memory_space<hbm>>
    %dma_wait3A_135 = tpu.memref_squeeze %dma_wait3A_134 : memref<1x1x1x8x128xf32, #tpu.memory_space<hbm>> -> memref<8x128xf32, #tpu.memory_space<hbm>>
    %dma_wait3A_136 = arith.constant 0 : i32
    %dma_wait3A_137 = arith.constant 0 : i32
    %dma_wait3A_138 = tpu.memref_slice %arg9[%dma_wait3A_121, %dma_wait3A_136, %dma_wait3A_137] : memref<4x8x129xf32, #tpu.memory_space<vmem>> -> memref<1x8x128xf32, #tpu.memory_space<vmem>>
    %dma_wait3A_139 = tpu.memref_squeeze %dma_wait3A_138 : memref<1x8x128xf32, #tpu.memory_space<vmem>> -> memref<8x128xf32, #tpu.memory_space<vmem>>
    tpu.wait_dma2 semaphore(%arg17 : memref<!tpu.dma_semaphore, #tpu.memory_space<semaphore_mem>>) src(%dma_wait3A_139 : memref<8x128xf32, #tpu.memory_space<vmem>>) dst(%dma_wait3A_135 : memref<8x128xf32, #tpu.memory_space<hbm>>)
    %dma_wait3A_140 = arith.constant 2 : i32
    %dma_wait3A_141 = arith.constant 196 : i32
    %dma_wait3A_142 = arith.constant 2 : i32
    %dma_wait3A_143 = arith.constant 0 : i32
    %dma_wait3A_144 = arith.constant 0 : i32
    %dma_wait3A_145 = tpu.memref_slice %arg9[%dma_wait3A_140, %dma_wait3A_143, %dma_wait3A_144] : memref<4x8x129xf32, #tpu.memory_space<vmem>> -> memref<1x8x128xf32, #tpu.memory_space<vmem>>
    %dma_wait3A_146 = tpu.memref_squeeze %dma_wait3A_145 : memref<1x8x128xf32, #tpu.memory_space<vmem>> -> memref<8x128xf32, #tpu.memory_space<vmem>>
    %dma_wait3A_147 = arith.constant 0 : i32
    %dma_wait3A_148 = arith.constant 0 : i32
    %dma_wait3A_149 = tpu.memref_slice %arg5[%dma_wait3A_141, %dma_wait3A_142, %add3A, %dma_wait3A_147, %dma_wait3A_148] : memref<200x4x32x8x128xf32, #tpu.memory_space<hbm>> -> memref<1x1x1x8x128xf32, #tpu.memory_space<hbm>>
    %dma_wait3A_150 = tpu.memref_squeeze %dma_wait3A_149 : memref<1x1x1x8x128xf32, #tpu.memory_space<hbm>> -> memref<8x128xf32, #tpu.memory_space<hbm>>
    %dma_wait3A_151 = arith.constant 0 : i32
    %dma_wait3A_152 = arith.constant 0 : i32
    %dma_wait3A_153 = tpu.memref_slice %arg5[%dma_wait3A_141, %dma_wait3A_142, %add3A, %dma_wait3A_151, %dma_wait3A_152] : memref<200x4x32x8x128xf32, #tpu.memory_space<hbm>> -> memref<1x1x1x8x128xf32, #tpu.memory_space<hbm>>
    %dma_wait3A_154 = tpu.memref_squeeze %dma_wait3A_153 : memref<1x1x1x8x128xf32, #tpu.memory_space<hbm>> -> memref<8x128xf32, #tpu.memory_space<hbm>>
    %dma_wait3A_155 = arith.constant 0 : i32
    %dma_wait3A_156 = arith.constant 0 : i32
    %dma_wait3A_157 = tpu.memref_slice %arg9[%dma_wait3A_140, %dma_wait3A_155, %dma_wait3A_156] : memref<4x8x129xf32, #tpu.memory_space<vmem>> -> memref<1x8x128xf32, #tpu.memory_space<vmem>>
    %dma_wait3A_158 = tpu.memref_squeeze %dma_wait3A_157 : memref<1x8x128xf32, #tpu.memory_space<vmem>> -> memref<8x128xf32, #tpu.memory_space<vmem>>
    tpu.wait_dma2 semaphore(%arg17 : memref<!tpu.dma_semaphore, #tpu.memory_space<semaphore_mem>>) src(%dma_wait3A_158 : memref<8x128xf32, #tpu.memory_space<vmem>>) dst(%dma_wait3A_154 : memref<8x128xf32, #tpu.memory_space<hbm>>)
    %dma_wait3A_159 = arith.constant 3 : i32
    %dma_wait3A_160 = arith.constant 196 : i32
    %dma_wait3A_161 = arith.constant 3 : i32
    %dma_wait3A_162 = arith.constant 0 : i32
    %dma_wait3A_163 = arith.constant 0 : i32
    %dma_wait3A_164 = tpu.memref_slice %arg9[%dma_wait3A_159, %dma_wait3A_162, %dma_wait3A_163] : memref<4x8x129xf32, #tpu.memory_space<vmem>> -> memref<1x8x128xf32, #tpu.memory_space<vmem>>
    %dma_wait3A_165 = tpu.memref_squeeze %dma_wait3A_164 : memref<1x8x128xf32, #tpu.memory_space<vmem>> -> memref<8x128xf32, #tpu.memory_space<vmem>>
    %dma_wait3A_166 = arith.constant 0 : i32
    %dma_wait3A_167 = arith.constant 0 : i32
    %dma_wait3A_168 = tpu.memref_slice %arg5[%dma_wait3A_160, %dma_wait3A_161, %add3A, %dma_wait3A_166, %dma_wait3A_167] : memref<200x4x32x8x128xf32, #tpu.memory_space<hbm>> -> memref<1x1x1x8x128xf32, #tpu.memory_space<hbm>>
    %dma_wait3A_169 = tpu.memref_squeeze %dma_wait3A_168 : memref<1x1x1x8x128xf32, #tpu.memory_space<hbm>> -> memref<8x128xf32, #tpu.memory_space<hbm>>
    %dma_wait3A_170 = arith.constant 0 : i32
    %dma_wait3A_171 = arith.constant 0 : i32
    %dma_wait3A_172 = tpu.memref_slice %arg5[%dma_wait3A_160, %dma_wait3A_161, %add3A, %dma_wait3A_170, %dma_wait3A_171] : memref<200x4x32x8x128xf32, #tpu.memory_space<hbm>> -> memref<1x1x1x8x128xf32, #tpu.memory_space<hbm>>
    %dma_wait3A_173 = tpu.memref_squeeze %dma_wait3A_172 : memref<1x1x1x8x128xf32, #tpu.memory_space<hbm>> -> memref<8x128xf32, #tpu.memory_space<hbm>>
    %dma_wait3A_174 = arith.constant 0 : i32
    %dma_wait3A_175 = arith.constant 0 : i32
    %dma_wait3A_176 = tpu.memref_slice %arg9[%dma_wait3A_159, %dma_wait3A_174, %dma_wait3A_175] : memref<4x8x129xf32, #tpu.memory_space<vmem>> -> memref<1x8x128xf32, #tpu.memory_space<vmem>>
    %dma_wait3A_177 = tpu.memref_squeeze %dma_wait3A_176 : memref<1x8x128xf32, #tpu.memory_space<vmem>> -> memref<8x128xf32, #tpu.memory_space<vmem>>
    tpu.wait_dma2 semaphore(%arg17 : memref<!tpu.dma_semaphore, #tpu.memory_space<semaphore_mem>>) src(%dma_wait3A_177 : memref<8x128xf32, #tpu.memory_space<vmem>>) dst(%dma_wait3A_173 : memref<8x128xf32, #tpu.memory_space<hbm>>)
    %dma_wait3A_178 = arith.constant 0 : i32
    %dma_wait3A_179 = arith.constant 197 : i32
    %dma_wait3A_180 = arith.constant 0 : i32
    %dma_wait3A_181 = arith.constant 0 : i32
    %dma_wait3A_182 = arith.constant 0 : i32
    %dma_wait3A_183 = tpu.memref_slice %arg10[%dma_wait3A_178, %dma_wait3A_181, %dma_wait3A_182] : memref<4x8x129xf32, #tpu.memory_space<vmem>> -> memref<1x8x128xf32, #tpu.memory_space<vmem>>
    %dma_wait3A_184 = tpu.memref_squeeze %dma_wait3A_183 : memref<1x8x128xf32, #tpu.memory_space<vmem>> -> memref<8x128xf32, #tpu.memory_space<vmem>>
    %dma_wait3A_185 = arith.constant 0 : i32
    %dma_wait3A_186 = arith.constant 0 : i32
    %dma_wait3A_187 = tpu.memref_slice %arg5[%dma_wait3A_179, %dma_wait3A_180, %add3A, %dma_wait3A_185, %dma_wait3A_186] : memref<200x4x32x8x128xf32, #tpu.memory_space<hbm>> -> memref<1x1x1x8x128xf32, #tpu.memory_space<hbm>>
    %dma_wait3A_188 = tpu.memref_squeeze %dma_wait3A_187 : memref<1x1x1x8x128xf32, #tpu.memory_space<hbm>> -> memref<8x128xf32, #tpu.memory_space<hbm>>
    %dma_wait3A_189 = arith.constant 0 : i32
    %dma_wait3A_190 = arith.constant 0 : i32
    %dma_wait3A_191 = tpu.memref_slice %arg5[%dma_wait3A_179, %dma_wait3A_180, %add3A, %dma_wait3A_189, %dma_wait3A_190] : memref<200x4x32x8x128xf32, #tpu.memory_space<hbm>> -> memref<1x1x1x8x128xf32, #tpu.memory_space<hbm>>
    %dma_wait3A_192 = tpu.memref_squeeze %dma_wait3A_191 : memref<1x1x1x8x128xf32, #tpu.memory_space<hbm>> -> memref<8x128xf32, #tpu.memory_space<hbm>>
    %dma_wait3A_193 = arith.constant 0 : i32
    %dma_wait3A_194 = arith.constant 0 : i32
    %dma_wait3A_195 = tpu.memref_slice %arg10[%dma_wait3A_178, %dma_wait3A_193, %dma_wait3A_194] : memref<4x8x129xf32, #tpu.memory_space<vmem>> -> memref<1x8x128xf32, #tpu.memory_space<vmem>>
    %dma_wait3A_196 = tpu.memref_squeeze %dma_wait3A_195 : memref<1x8x128xf32, #tpu.memory_space<vmem>> -> memref<8x128xf32, #tpu.memory_space<vmem>>
    tpu.wait_dma2 semaphore(%arg18 : memref<!tpu.dma_semaphore, #tpu.memory_space<semaphore_mem>>) src(%dma_wait3A_196 : memref<8x128xf32, #tpu.memory_space<vmem>>) dst(%dma_wait3A_192 : memref<8x128xf32, #tpu.memory_space<hbm>>)
    %dma_wait3A_197 = arith.constant 1 : i32
    %dma_wait3A_198 = arith.constant 197 : i32
    %dma_wait3A_199 = arith.constant 1 : i32
    %dma_wait3A_200 = arith.constant 0 : i32
    %dma_wait3A_201 = arith.constant 0 : i32
    %dma_wait3A_202 = tpu.memref_slice %arg10[%dma_wait3A_197, %dma_wait3A_200, %dma_wait3A_201] : memref<4x8x129xf32, #tpu.memory_space<vmem>> -> memref<1x8x128xf32, #tpu.memory_space<vmem>>
    %dma_wait3A_203 = tpu.memref_squeeze %dma_wait3A_202 : memref<1x8x128xf32, #tpu.memory_space<vmem>> -> memref<8x128xf32, #tpu.memory_space<vmem>>
    %dma_wait3A_204 = arith.constant 0 : i32
    %dma_wait3A_205 = arith.constant 0 : i32
    %dma_wait3A_206 = tpu.memref_slice %arg5[%dma_wait3A_198, %dma_wait3A_199, %add3A, %dma_wait3A_204, %dma_wait3A_205] : memref<200x4x32x8x128xf32, #tpu.memory_space<hbm>> -> memref<1x1x1x8x128xf32, #tpu.memory_space<hbm>>
    %dma_wait3A_207 = tpu.memref_squeeze %dma_wait3A_206 : memref<1x1x1x8x128xf32, #tpu.memory_space<hbm>> -> memref<8x128xf32, #tpu.memory_space<hbm>>
    %dma_wait3A_208 = arith.constant 0 : i32
    %dma_wait3A_209 = arith.constant 0 : i32
    %dma_wait3A_210 = tpu.memref_slice %arg5[%dma_wait3A_198, %dma_wait3A_199, %add3A, %dma_wait3A_208, %dma_wait3A_209] : memref<200x4x32x8x128xf32, #tpu.memory_space<hbm>> -> memref<1x1x1x8x128xf32, #tpu.memory_space<hbm>>
    %dma_wait3A_211 = tpu.memref_squeeze %dma_wait3A_210 : memref<1x1x1x8x128xf32, #tpu.memory_space<hbm>> -> memref<8x128xf32, #tpu.memory_space<hbm>>
    %dma_wait3A_212 = arith.constant 0 : i32
    %dma_wait3A_213 = arith.constant 0 : i32
    %dma_wait3A_214 = tpu.memref_slice %arg10[%dma_wait3A_197, %dma_wait3A_212, %dma_wait3A_213] : memref<4x8x129xf32, #tpu.memory_space<vmem>> -> memref<1x8x128xf32, #tpu.memory_space<vmem>>
    %dma_wait3A_215 = tpu.memref_squeeze %dma_wait3A_214 : memref<1x8x128xf32, #tpu.memory_space<vmem>> -> memref<8x128xf32, #tpu.memory_space<vmem>>
    tpu.wait_dma2 semaphore(%arg18 : memref<!tpu.dma_semaphore, #tpu.memory_space<semaphore_mem>>) src(%dma_wait3A_215 : memref<8x128xf32, #tpu.memory_space<vmem>>) dst(%dma_wait3A_211 : memref<8x128xf32, #tpu.memory_space<hbm>>)
    %dma_wait3A_216 = arith.constant 2 : i32
    %dma_wait3A_217 = arith.constant 197 : i32
    %dma_wait3A_218 = arith.constant 2 : i32
    %dma_wait3A_219 = arith.constant 0 : i32
    %dma_wait3A_220 = arith.constant 0 : i32
    %dma_wait3A_221 = tpu.memref_slice %arg10[%dma_wait3A_216, %dma_wait3A_219, %dma_wait3A_220] : memref<4x8x129xf32, #tpu.memory_space<vmem>> -> memref<1x8x128xf32, #tpu.memory_space<vmem>>
    %dma_wait3A_222 = tpu.memref_squeeze %dma_wait3A_221 : memref<1x8x128xf32, #tpu.memory_space<vmem>> -> memref<8x128xf32, #tpu.memory_space<vmem>>
    %dma_wait3A_223 = arith.constant 0 : i32
    %dma_wait3A_224 = arith.constant 0 : i32
    %dma_wait3A_225 = tpu.memref_slice %arg5[%dma_wait3A_217, %dma_wait3A_218, %add3A, %dma_wait3A_223, %dma_wait3A_224] : memref<200x4x32x8x128xf32, #tpu.memory_space<hbm>> -> memref<1x1x1x8x128xf32, #tpu.memory_space<hbm>>
    %dma_wait3A_226 = tpu.memref_squeeze %dma_wait3A_225 : memref<1x1x1x8x128xf32, #tpu.memory_space<hbm>> -> memref<8x128xf32, #tpu.memory_space<hbm>>
    %dma_wait3A_227 = arith.constant 0 : i32
    %dma_wait3A_228 = arith.constant 0 : i32
    %dma_wait3A_229 = tpu.memref_slice %arg5[%dma_wait3A_217, %dma_wait3A_218, %add3A, %dma_wait3A_227, %dma_wait3A_228] : memref<200x4x32x8x128xf32, #tpu.memory_space<hbm>> -> memref<1x1x1x8x128xf32, #tpu.memory_space<hbm>>
    %dma_wait3A_230 = tpu.memref_squeeze %dma_wait3A_229 : memref<1x1x1x8x128xf32, #tpu.memory_space<hbm>> -> memref<8x128xf32, #tpu.memory_space<hbm>>
    %dma_wait3A_231 = arith.constant 0 : i32
    %dma_wait3A_232 = arith.constant 0 : i32
    %dma_wait3A_233 = tpu.memref_slice %arg10[%dma_wait3A_216, %dma_wait3A_231, %dma_wait3A_232] : memref<4x8x129xf32, #tpu.memory_space<vmem>> -> memref<1x8x128xf32, #tpu.memory_space<vmem>>
    %dma_wait3A_234 = tpu.memref_squeeze %dma_wait3A_233 : memref<1x8x128xf32, #tpu.memory_space<vmem>> -> memref<8x128xf32, #tpu.memory_space<vmem>>
    tpu.wait_dma2 semaphore(%arg18 : memref<!tpu.dma_semaphore, #tpu.memory_space<semaphore_mem>>) src(%dma_wait3A_234 : memref<8x128xf32, #tpu.memory_space<vmem>>) dst(%dma_wait3A_230 : memref<8x128xf32, #tpu.memory_space<hbm>>)
    %dma_wait3A_235 = arith.constant 3 : i32
    %dma_wait3A_236 = arith.constant 197 : i32
    %dma_wait3A_237 = arith.constant 3 : i32
    %dma_wait3A_238 = arith.constant 0 : i32
    %dma_wait3A_239 = arith.constant 0 : i32
    %dma_wait3A_240 = tpu.memref_slice %arg10[%dma_wait3A_235, %dma_wait3A_238, %dma_wait3A_239] : memref<4x8x129xf32, #tpu.memory_space<vmem>> -> memref<1x8x128xf32, #tpu.memory_space<vmem>>
    %dma_wait3A_241 = tpu.memref_squeeze %dma_wait3A_240 : memref<1x8x128xf32, #tpu.memory_space<vmem>> -> memref<8x128xf32, #tpu.memory_space<vmem>>
    %dma_wait3A_242 = arith.constant 0 : i32
    %dma_wait3A_243 = arith.constant 0 : i32
    %dma_wait3A_244 = tpu.memref_slice %arg5[%dma_wait3A_236, %dma_wait3A_237, %add3A, %dma_wait3A_242, %dma_wait3A_243] : memref<200x4x32x8x128xf32, #tpu.memory_space<hbm>> -> memref<1x1x1x8x128xf32, #tpu.memory_space<hbm>>
    %dma_wait3A_245 = tpu.memref_squeeze %dma_wait3A_244 : memref<1x1x1x8x128xf32, #tpu.memory_space<hbm>> -> memref<8x128xf32, #tpu.memory_space<hbm>>
    %dma_wait3A_246 = arith.constant 0 : i32
    %dma_wait3A_247 = arith.constant 0 : i32
    %dma_wait3A_248 = tpu.memref_slice %arg5[%dma_wait3A_236, %dma_wait3A_237, %add3A, %dma_wait3A_246, %dma_wait3A_247] : memref<200x4x32x8x128xf32, #tpu.memory_space<hbm>> -> memref<1x1x1x8x128xf32, #tpu.memory_space<hbm>>
    %dma_wait3A_249 = tpu.memref_squeeze %dma_wait3A_248 : memref<1x1x1x8x128xf32, #tpu.memory_space<hbm>> -> memref<8x128xf32, #tpu.memory_space<hbm>>
    %dma_wait3A_250 = arith.constant 0 : i32
    %dma_wait3A_251 = arith.constant 0 : i32
    %dma_wait3A_252 = tpu.memref_slice %arg10[%dma_wait3A_235, %dma_wait3A_250, %dma_wait3A_251] : memref<4x8x129xf32, #tpu.memory_space<vmem>> -> memref<1x8x128xf32, #tpu.memory_space<vmem>>
    %dma_wait3A_253 = tpu.memref_squeeze %dma_wait3A_252 : memref<1x8x128xf32, #tpu.memory_space<vmem>> -> memref<8x128xf32, #tpu.memory_space<vmem>>
    tpu.wait_dma2 semaphore(%arg18 : memref<!tpu.dma_semaphore, #tpu.memory_space<semaphore_mem>>) src(%dma_wait3A_253 : memref<8x128xf32, #tpu.memory_space<vmem>>) dst(%dma_wait3A_249 : memref<8x128xf32, #tpu.memory_space<hbm>>)
    %dma_wait3A_254 = arith.constant 0 : i32
    %dma_wait3A_255 = arith.constant 198 : i32
    %dma_wait3A_256 = arith.constant 0 : i32
    %dma_wait3A_257 = arith.constant 0 : i32
    %dma_wait3A_258 = arith.constant 0 : i32
    %dma_wait3A_259 = tpu.memref_slice %arg11[%dma_wait3A_254, %dma_wait3A_257, %dma_wait3A_258] : memref<4x8x129xf32, #tpu.memory_space<vmem>> -> memref<1x8x128xf32, #tpu.memory_space<vmem>>
    %dma_wait3A_260 = tpu.memref_squeeze %dma_wait3A_259 : memref<1x8x128xf32, #tpu.memory_space<vmem>> -> memref<8x128xf32, #tpu.memory_space<vmem>>
    %dma_wait3A_261 = arith.constant 0 : i32
    %dma_wait3A_262 = arith.constant 0 : i32
    %dma_wait3A_263 = tpu.memref_slice %arg5[%dma_wait3A_255, %dma_wait3A_256, %add3A, %dma_wait3A_261, %dma_wait3A_262] : memref<200x4x32x8x128xf32, #tpu.memory_space<hbm>> -> memref<1x1x1x8x128xf32, #tpu.memory_space<hbm>>
    %dma_wait3A_264 = tpu.memref_squeeze %dma_wait3A_263 : memref<1x1x1x8x128xf32, #tpu.memory_space<hbm>> -> memref<8x128xf32, #tpu.memory_space<hbm>>
    %dma_wait3A_265 = arith.constant 0 : i32
    %dma_wait3A_266 = arith.constant 0 : i32
    %dma_wait3A_267 = tpu.memref_slice %arg5[%dma_wait3A_255, %dma_wait3A_256, %add3A, %dma_wait3A_265, %dma_wait3A_266] : memref<200x4x32x8x128xf32, #tpu.memory_space<hbm>> -> memref<1x1x1x8x128xf32, #tpu.memory_space<hbm>>
    %dma_wait3A_268 = tpu.memref_squeeze %dma_wait3A_267 : memref<1x1x1x8x128xf32, #tpu.memory_space<hbm>> -> memref<8x128xf32, #tpu.memory_space<hbm>>
    %dma_wait3A_269 = arith.constant 0 : i32
    %dma_wait3A_270 = arith.constant 0 : i32
    %dma_wait3A_271 = tpu.memref_slice %arg11[%dma_wait3A_254, %dma_wait3A_269, %dma_wait3A_270] : memref<4x8x129xf32, #tpu.memory_space<vmem>> -> memref<1x8x128xf32, #tpu.memory_space<vmem>>
    %dma_wait3A_272 = tpu.memref_squeeze %dma_wait3A_271 : memref<1x8x128xf32, #tpu.memory_space<vmem>> -> memref<8x128xf32, #tpu.memory_space<vmem>>
    tpu.wait_dma2 semaphore(%arg19 : memref<!tpu.dma_semaphore, #tpu.memory_space<semaphore_mem>>) src(%dma_wait3A_272 : memref<8x128xf32, #tpu.memory_space<vmem>>) dst(%dma_wait3A_268 : memref<8x128xf32, #tpu.memory_space<hbm>>)
    %dma_wait3A_273 = arith.constant 1 : i32
    %dma_wait3A_274 = arith.constant 198 : i32
    %dma_wait3A_275 = arith.constant 1 : i32
    %dma_wait3A_276 = arith.constant 0 : i32
    %dma_wait3A_277 = arith.constant 0 : i32
    %dma_wait3A_278 = tpu.memref_slice %arg11[%dma_wait3A_273, %dma_wait3A_276, %dma_wait3A_277] : memref<4x8x129xf32, #tpu.memory_space<vmem>> -> memref<1x8x128xf32, #tpu.memory_space<vmem>>
    %dma_wait3A_279 = tpu.memref_squeeze %dma_wait3A_278 : memref<1x8x128xf32, #tpu.memory_space<vmem>> -> memref<8x128xf32, #tpu.memory_space<vmem>>
    %dma_wait3A_280 = arith.constant 0 : i32
    %dma_wait3A_281 = arith.constant 0 : i32
    %dma_wait3A_282 = tpu.memref_slice %arg5[%dma_wait3A_274, %dma_wait3A_275, %add3A, %dma_wait3A_280, %dma_wait3A_281] : memref<200x4x32x8x128xf32, #tpu.memory_space<hbm>> -> memref<1x1x1x8x128xf32, #tpu.memory_space<hbm>>
    %dma_wait3A_283 = tpu.memref_squeeze %dma_wait3A_282 : memref<1x1x1x8x128xf32, #tpu.memory_space<hbm>> -> memref<8x128xf32, #tpu.memory_space<hbm>>
    %dma_wait3A_284 = arith.constant 0 : i32
    %dma_wait3A_285 = arith.constant 0 : i32
    %dma_wait3A_286 = tpu.memref_slice %arg5[%dma_wait3A_274, %dma_wait3A_275, %add3A, %dma_wait3A_284, %dma_wait3A_285] : memref<200x4x32x8x128xf32, #tpu.memory_space<hbm>> -> memref<1x1x1x8x128xf32, #tpu.memory_space<hbm>>
    %dma_wait3A_287 = tpu.memref_squeeze %dma_wait3A_286 : memref<1x1x1x8x128xf32, #tpu.memory_space<hbm>> -> memref<8x128xf32, #tpu.memory_space<hbm>>
    %dma_wait3A_288 = arith.constant 0 : i32
    %dma_wait3A_289 = arith.constant 0 : i32
    %dma_wait3A_290 = tpu.memref_slice %arg11[%dma_wait3A_273, %dma_wait3A_288, %dma_wait3A_289] : memref<4x8x129xf32, #tpu.memory_space<vmem>> -> memref<1x8x128xf32, #tpu.memory_space<vmem>>
    %dma_wait3A_291 = tpu.memref_squeeze %dma_wait3A_290 : memref<1x8x128xf32, #tpu.memory_space<vmem>> -> memref<8x128xf32, #tpu.memory_space<vmem>>
    tpu.wait_dma2 semaphore(%arg19 : memref<!tpu.dma_semaphore, #tpu.memory_space<semaphore_mem>>) src(%dma_wait3A_291 : memref<8x128xf32, #tpu.memory_space<vmem>>) dst(%dma_wait3A_287 : memref<8x128xf32, #tpu.memory_space<hbm>>)
    %dma_wait3A_292 = arith.constant 2 : i32
    %dma_wait3A_293 = arith.constant 198 : i32
    %dma_wait3A_294 = arith.constant 2 : i32
    %dma_wait3A_295 = arith.constant 0 : i32
    %dma_wait3A_296 = arith.constant 0 : i32
    %dma_wait3A_297 = tpu.memref_slice %arg11[%dma_wait3A_292, %dma_wait3A_295, %dma_wait3A_296] : memref<4x8x129xf32, #tpu.memory_space<vmem>> -> memref<1x8x128xf32, #tpu.memory_space<vmem>>
    %dma_wait3A_298 = tpu.memref_squeeze %dma_wait3A_297 : memref<1x8x128xf32, #tpu.memory_space<vmem>> -> memref<8x128xf32, #tpu.memory_space<vmem>>
    %dma_wait3A_299 = arith.constant 0 : i32
    %dma_wait3A_300 = arith.constant 0 : i32
    %dma_wait3A_301 = tpu.memref_slice %arg5[%dma_wait3A_293, %dma_wait3A_294, %add3A, %dma_wait3A_299, %dma_wait3A_300] : memref<200x4x32x8x128xf32, #tpu.memory_space<hbm>> -> memref<1x1x1x8x128xf32, #tpu.memory_space<hbm>>
    %dma_wait3A_302 = tpu.memref_squeeze %dma_wait3A_301 : memref<1x1x1x8x128xf32, #tpu.memory_space<hbm>> -> memref<8x128xf32, #tpu.memory_space<hbm>>
    %dma_wait3A_303 = arith.constant 0 : i32
    %dma_wait3A_304 = arith.constant 0 : i32
    %dma_wait3A_305 = tpu.memref_slice %arg5[%dma_wait3A_293, %dma_wait3A_294, %add3A, %dma_wait3A_303, %dma_wait3A_304] : memref<200x4x32x8x128xf32, #tpu.memory_space<hbm>> -> memref<1x1x1x8x128xf32, #tpu.memory_space<hbm>>
    %dma_wait3A_306 = tpu.memref_squeeze %dma_wait3A_305 : memref<1x1x1x8x128xf32, #tpu.memory_space<hbm>> -> memref<8x128xf32, #tpu.memory_space<hbm>>
    %dma_wait3A_307 = arith.constant 0 : i32
    %dma_wait3A_308 = arith.constant 0 : i32
    %dma_wait3A_309 = tpu.memref_slice %arg11[%dma_wait3A_292, %dma_wait3A_307, %dma_wait3A_308] : memref<4x8x129xf32, #tpu.memory_space<vmem>> -> memref<1x8x128xf32, #tpu.memory_space<vmem>>
    %dma_wait3A_310 = tpu.memref_squeeze %dma_wait3A_309 : memref<1x8x128xf32, #tpu.memory_space<vmem>> -> memref<8x128xf32, #tpu.memory_space<vmem>>
    tpu.wait_dma2 semaphore(%arg19 : memref<!tpu.dma_semaphore, #tpu.memory_space<semaphore_mem>>) src(%dma_wait3A_310 : memref<8x128xf32, #tpu.memory_space<vmem>>) dst(%dma_wait3A_306 : memref<8x128xf32, #tpu.memory_space<hbm>>)
    %dma_wait3A_311 = arith.constant 3 : i32
    %dma_wait3A_312 = arith.constant 198 : i32
    %dma_wait3A_313 = arith.constant 3 : i32
    %dma_wait3A_314 = arith.constant 0 : i32
    %dma_wait3A_315 = arith.constant 0 : i32
    %dma_wait3A_316 = tpu.memref_slice %arg11[%dma_wait3A_311, %dma_wait3A_314, %dma_wait3A_315] : memref<4x8x129xf32, #tpu.memory_space<vmem>> -> memref<1x8x128xf32, #tpu.memory_space<vmem>>
    %dma_wait3A_317 = tpu.memref_squeeze %dma_wait3A_316 : memref<1x8x128xf32, #tpu.memory_space<vmem>> -> memref<8x128xf32, #tpu.memory_space<vmem>>
    %dma_wait3A_318 = arith.constant 0 : i32
    %dma_wait3A_319 = arith.constant 0 : i32
    %dma_wait3A_320 = tpu.memref_slice %arg5[%dma_wait3A_312, %dma_wait3A_313, %add3A, %dma_wait3A_318, %dma_wait3A_319] : memref<200x4x32x8x128xf32, #tpu.memory_space<hbm>> -> memref<1x1x1x8x128xf32, #tpu.memory_space<hbm>>
    %dma_wait3A_321 = tpu.memref_squeeze %dma_wait3A_320 : memref<1x1x1x8x128xf32, #tpu.memory_space<hbm>> -> memref<8x128xf32, #tpu.memory_space<hbm>>
    %dma_wait3A_322 = arith.constant 0 : i32
    %dma_wait3A_323 = arith.constant 0 : i32
    %dma_wait3A_324 = tpu.memref_slice %arg5[%dma_wait3A_312, %dma_wait3A_313, %add3A, %dma_wait3A_322, %dma_wait3A_323] : memref<200x4x32x8x128xf32, #tpu.memory_space<hbm>> -> memref<1x1x1x8x128xf32, #tpu.memory_space<hbm>>
    %dma_wait3A_325 = tpu.memref_squeeze %dma_wait3A_324 : memref<1x1x1x8x128xf32, #tpu.memory_space<hbm>> -> memref<8x128xf32, #tpu.memory_space<hbm>>
    %dma_wait3A_326 = arith.constant 0 : i32
    %dma_wait3A_327 = arith.constant 0 : i32
    %dma_wait3A_328 = tpu.memref_slice %arg11[%dma_wait3A_311, %dma_wait3A_326, %dma_wait3A_327] : memref<4x8x129xf32, #tpu.memory_space<vmem>> -> memref<1x8x128xf32, #tpu.memory_space<vmem>>
    %dma_wait3A_329 = tpu.memref_squeeze %dma_wait3A_328 : memref<1x8x128xf32, #tpu.memory_space<vmem>> -> memref<8x128xf32, #tpu.memory_space<vmem>>
    tpu.wait_dma2 semaphore(%arg19 : memref<!tpu.dma_semaphore, #tpu.memory_space<semaphore_mem>>) src(%dma_wait3A_329 : memref<8x128xf32, #tpu.memory_space<vmem>>) dst(%dma_wait3A_325 : memref<8x128xf32, #tpu.memory_space<hbm>>)
    %dma_wait3A_330 = arith.constant 0 : i32
    %dma_wait3A_331 = arith.constant 199 : i32
    %dma_wait3A_332 = arith.constant 0 : i32
    %dma_wait3A_333 = arith.constant 0 : i32
    %dma_wait3A_334 = arith.constant 0 : i32
    %dma_wait3A_335 = tpu.memref_slice %arg12[%dma_wait3A_330, %dma_wait3A_333, %dma_wait3A_334] : memref<4x8x129xf32, #tpu.memory_space<vmem>> -> memref<1x8x128xf32, #tpu.memory_space<vmem>>
    %dma_wait3A_336 = tpu.memref_squeeze %dma_wait3A_335 : memref<1x8x128xf32, #tpu.memory_space<vmem>> -> memref<8x128xf32, #tpu.memory_space<vmem>>
    %dma_wait3A_337 = arith.constant 0 : i32
    %dma_wait3A_338 = arith.constant 0 : i32
    %dma_wait3A_339 = tpu.memref_slice %arg5[%dma_wait3A_331, %dma_wait3A_332, %add3A, %dma_wait3A_337, %dma_wait3A_338] : memref<200x4x32x8x128xf32, #tpu.memory_space<hbm>> -> memref<1x1x1x8x128xf32, #tpu.memory_space<hbm>>
    %dma_wait3A_340 = tpu.memref_squeeze %dma_wait3A_339 : memref<1x1x1x8x128xf32, #tpu.memory_space<hbm>> -> memref<8x128xf32, #tpu.memory_space<hbm>>
    %dma_wait3A_341 = arith.constant 0 : i32
    %dma_wait3A_342 = arith.constant 0 : i32
    %dma_wait3A_343 = tpu.memref_slice %arg5[%dma_wait3A_331, %dma_wait3A_332, %add3A, %dma_wait3A_341, %dma_wait3A_342] : memref<200x4x32x8x128xf32, #tpu.memory_space<hbm>> -> memref<1x1x1x8x128xf32, #tpu.memory_space<hbm>>
    %dma_wait3A_344 = tpu.memref_squeeze %dma_wait3A_343 : memref<1x1x1x8x128xf32, #tpu.memory_space<hbm>> -> memref<8x128xf32, #tpu.memory_space<hbm>>
    %dma_wait3A_345 = arith.constant 0 : i32
    %dma_wait3A_346 = arith.constant 0 : i32
    %dma_wait3A_347 = tpu.memref_slice %arg12[%dma_wait3A_330, %dma_wait3A_345, %dma_wait3A_346] : memref<4x8x129xf32, #tpu.memory_space<vmem>> -> memref<1x8x128xf32, #tpu.memory_space<vmem>>
    %dma_wait3A_348 = tpu.memref_squeeze %dma_wait3A_347 : memref<1x8x128xf32, #tpu.memory_space<vmem>> -> memref<8x128xf32, #tpu.memory_space<vmem>>
    tpu.wait_dma2 semaphore(%arg20 : memref<!tpu.dma_semaphore, #tpu.memory_space<semaphore_mem>>) src(%dma_wait3A_348 : memref<8x128xf32, #tpu.memory_space<vmem>>) dst(%dma_wait3A_344 : memref<8x128xf32, #tpu.memory_space<hbm>>)
    %dma_wait3A_349 = arith.constant 1 : i32
    %dma_wait3A_350 = arith.constant 199 : i32
    %dma_wait3A_351 = arith.constant 1 : i32
    %dma_wait3A_352 = arith.constant 0 : i32
    %dma_wait3A_353 = arith.constant 0 : i32
    %dma_wait3A_354 = tpu.memref_slice %arg12[%dma_wait3A_349, %dma_wait3A_352, %dma_wait3A_353] : memref<4x8x129xf32, #tpu.memory_space<vmem>> -> memref<1x8x128xf32, #tpu.memory_space<vmem>>
    %dma_wait3A_355 = tpu.memref_squeeze %dma_wait3A_354 : memref<1x8x128xf32, #tpu.memory_space<vmem>> -> memref<8x128xf32, #tpu.memory_space<vmem>>
    %dma_wait3A_356 = arith.constant 0 : i32
    %dma_wait3A_357 = arith.constant 0 : i32
    %dma_wait3A_358 = tpu.memref_slice %arg5[%dma_wait3A_350, %dma_wait3A_351, %add3A, %dma_wait3A_356, %dma_wait3A_357] : memref<200x4x32x8x128xf32, #tpu.memory_space<hbm>> -> memref<1x1x1x8x128xf32, #tpu.memory_space<hbm>>
    %dma_wait3A_359 = tpu.memref_squeeze %dma_wait3A_358 : memref<1x1x1x8x128xf32, #tpu.memory_space<hbm>> -> memref<8x128xf32, #tpu.memory_space<hbm>>
    %dma_wait3A_360 = arith.constant 0 : i32
    %dma_wait3A_361 = arith.constant 0 : i32
    %dma_wait3A_362 = tpu.memref_slice %arg5[%dma_wait3A_350, %dma_wait3A_351, %add3A, %dma_wait3A_360, %dma_wait3A_361] : memref<200x4x32x8x128xf32, #tpu.memory_space<hbm>> -> memref<1x1x1x8x128xf32, #tpu.memory_space<hbm>>
    %dma_wait3A_363 = tpu.memref_squeeze %dma_wait3A_362 : memref<1x1x1x8x128xf32, #tpu.memory_space<hbm>> -> memref<8x128xf32, #tpu.memory_space<hbm>>
    %dma_wait3A_364 = arith.constant 0 : i32
    %dma_wait3A_365 = arith.constant 0 : i32
    %dma_wait3A_366 = tpu.memref_slice %arg12[%dma_wait3A_349, %dma_wait3A_364, %dma_wait3A_365] : memref<4x8x129xf32, #tpu.memory_space<vmem>> -> memref<1x8x128xf32, #tpu.memory_space<vmem>>
    %dma_wait3A_367 = tpu.memref_squeeze %dma_wait3A_366 : memref<1x8x128xf32, #tpu.memory_space<vmem>> -> memref<8x128xf32, #tpu.memory_space<vmem>>
    tpu.wait_dma2 semaphore(%arg20 : memref<!tpu.dma_semaphore, #tpu.memory_space<semaphore_mem>>) src(%dma_wait3A_367 : memref<8x128xf32, #tpu.memory_space<vmem>>) dst(%dma_wait3A_363 : memref<8x128xf32, #tpu.memory_space<hbm>>)
    %dma_wait3A_368 = arith.constant 2 : i32
    %dma_wait3A_369 = arith.constant 199 : i32
    %dma_wait3A_370 = arith.constant 2 : i32
    %dma_wait3A_371 = arith.constant 0 : i32
    %dma_wait3A_372 = arith.constant 0 : i32
    %dma_wait3A_373 = tpu.memref_slice %arg12[%dma_wait3A_368, %dma_wait3A_371, %dma_wait3A_372] : memref<4x8x129xf32, #tpu.memory_space<vmem>> -> memref<1x8x128xf32, #tpu.memory_space<vmem>>
    %dma_wait3A_374 = tpu.memref_squeeze %dma_wait3A_373 : memref<1x8x128xf32, #tpu.memory_space<vmem>> -> memref<8x128xf32, #tpu.memory_space<vmem>>
    %dma_wait3A_375 = arith.constant 0 : i32
    %dma_wait3A_376 = arith.constant 0 : i32
    %dma_wait3A_377 = tpu.memref_slice %arg5[%dma_wait3A_369, %dma_wait3A_370, %add3A, %dma_wait3A_375, %dma_wait3A_376] : memref<200x4x32x8x128xf32, #tpu.memory_space<hbm>> -> memref<1x1x1x8x128xf32, #tpu.memory_space<hbm>>
    %dma_wait3A_378 = tpu.memref_squeeze %dma_wait3A_377 : memref<1x1x1x8x128xf32, #tpu.memory_space<hbm>> -> memref<8x128xf32, #tpu.memory_space<hbm>>
    %dma_wait3A_379 = arith.constant 0 : i32
    %dma_wait3A_380 = arith.constant 0 : i32
    %dma_wait3A_381 = tpu.memref_slice %arg5[%dma_wait3A_369, %dma_wait3A_370, %add3A, %dma_wait3A_379, %dma_wait3A_380] : memref<200x4x32x8x128xf32, #tpu.memory_space<hbm>> -> memref<1x1x1x8x128xf32, #tpu.memory_space<hbm>>
    %dma_wait3A_382 = tpu.memref_squeeze %dma_wait3A_381 : memref<1x1x1x8x128xf32, #tpu.memory_space<hbm>> -> memref<8x128xf32, #tpu.memory_space<hbm>>
    %dma_wait3A_383 = arith.constant 0 : i32
    %dma_wait3A_384 = arith.constant 0 : i32
    %dma_wait3A_385 = tpu.memref_slice %arg12[%dma_wait3A_368, %dma_wait3A_383, %dma_wait3A_384] : memref<4x8x129xf32, #tpu.memory_space<vmem>> -> memref<1x8x128xf32, #tpu.memory_space<vmem>>
    %dma_wait3A_386 = tpu.memref_squeeze %dma_wait3A_385 : memref<1x8x128xf32, #tpu.memory_space<vmem>> -> memref<8x128xf32, #tpu.memory_space<vmem>>
    tpu.wait_dma2 semaphore(%arg20 : memref<!tpu.dma_semaphore, #tpu.memory_space<semaphore_mem>>) src(%dma_wait3A_386 : memref<8x128xf32, #tpu.memory_space<vmem>>) dst(%dma_wait3A_382 : memref<8x128xf32, #tpu.memory_space<hbm>>)
    %dma_wait3A_387 = arith.constant 3 : i32
    %dma_wait3A_388 = arith.constant 199 : i32
    %dma_wait3A_389 = arith.constant 3 : i32
    %dma_wait3A_390 = arith.constant 0 : i32
    %dma_wait3A_391 = arith.constant 0 : i32
    %dma_wait3A_392 = tpu.memref_slice %arg12[%dma_wait3A_387, %dma_wait3A_390, %dma_wait3A_391] : memref<4x8x129xf32, #tpu.memory_space<vmem>> -> memref<1x8x128xf32, #tpu.memory_space<vmem>>
    %dma_wait3A_393 = tpu.memref_squeeze %dma_wait3A_392 : memref<1x8x128xf32, #tpu.memory_space<vmem>> -> memref<8x128xf32, #tpu.memory_space<vmem>>
    %dma_wait3A_394 = arith.constant 0 : i32
    %dma_wait3A_395 = arith.constant 0 : i32
    %dma_wait3A_396 = tpu.memref_slice %arg5[%dma_wait3A_388, %dma_wait3A_389, %add3A, %dma_wait3A_394, %dma_wait3A_395] : memref<200x4x32x8x128xf32, #tpu.memory_space<hbm>> -> memref<1x1x1x8x128xf32, #tpu.memory_space<hbm>>
    %dma_wait3A_397 = tpu.memref_squeeze %dma_wait3A_396 : memref<1x1x1x8x128xf32, #tpu.memory_space<hbm>> -> memref<8x128xf32, #tpu.memory_space<hbm>>
    %dma_wait3A_398 = arith.constant 0 : i32
    %dma_wait3A_399 = arith.constant 0 : i32
    %dma_wait3A_400 = tpu.memref_slice %arg5[%dma_wait3A_388, %dma_wait3A_389, %add3A, %dma_wait3A_398, %dma_wait3A_399] : memref<200x4x32x8x128xf32, #tpu.memory_space<hbm>> -> memref<1x1x1x8x128xf32, #tpu.memory_space<hbm>>
    %dma_wait3A_401 = tpu.memref_squeeze %dma_wait3A_400 : memref<1x1x1x8x128xf32, #tpu.memory_space<hbm>> -> memref<8x128xf32, #tpu.memory_space<hbm>>
    %dma_wait3A_402 = arith.constant 0 : i32
    %dma_wait3A_403 = arith.constant 0 : i32
    %dma_wait3A_404 = tpu.memref_slice %arg12[%dma_wait3A_387, %dma_wait3A_402, %dma_wait3A_403] : memref<4x8x129xf32, #tpu.memory_space<vmem>> -> memref<1x8x128xf32, #tpu.memory_space<vmem>>
    %dma_wait3A_405 = tpu.memref_squeeze %dma_wait3A_404 : memref<1x8x128xf32, #tpu.memory_space<vmem>> -> memref<8x128xf32, #tpu.memory_space<vmem>>
    tpu.wait_dma2 semaphore(%arg20 : memref<!tpu.dma_semaphore, #tpu.memory_space<semaphore_mem>>) src(%dma_wait3A_405 : memref<8x128xf32, #tpu.memory_space<vmem>>) dst(%dma_wait3A_401 : memref<8x128xf32, #tpu.memory_space<hbm>>)
    return
  }
}

</mosaic_0001>

<sc_bundles>
// kernel: kernel.3.cloned.1.call-start
scs
__scs_entry_jumppad:
0x0: {  	(pc) =	sbr.rel $0x88, $3  }
0x1: {  	(tag) =	ssettag $0x0;
	lr =	simm.s32 $0x1  }
0x2: {  	[smem:$0x3F9F] =	sst lr;
	_ =	strace $0xD0000000  }
0x3: {  	_ = 	snop  }
0x4: {  	_ = 	snop  }
0x5: {  	_ = 	snop  }
0x6: {  	_ = 	snop  }
0x7: {  	_ = 	snop  }
__scs_overlays_trampoline_lowered:
0x8: {  	[smem:$0x3FAE] =	sst s0  }
0x9: {  	[smem:$0x3FAF] =	sst s1  }
0xa: {  	[smem:$0x3FB0] =	sst s2  }
0xb: {  	[smem:$0x3FB1] =	sst s3  }
0xc: {  	[smem:$0x3FB2] =	sst s4  }
0xd: {  	[smem:$0x3FB3] =	sst s5  }
0xe: {  	[smem:$0x3FB4] =	sst s6  }
0xf: {  	[smem:$0x3FB5] =	sst s7  }
0x10: {  	[smem:$0x3FB6] =	sst s8  }
0x11: {  	[smem:$0x3FB7] =	sst s9;
	s0 =	simm.s32 @!p0 $0x0  }
0x12: {  	s1 =	sld [smem:$0x3F9D];
	s0 =	simm.s32 @p0 $0x1  }
0x13: {  	[smem:$0x3FB8] =	sst s0;
	s0 =	simm.s32 @!p1 $0x0  }
0x14: {  	s2 =	sld [smem:$0x3F9C];
	s0 =	simm.s32 @p1 $0x1  }
0x15: {  	[smem:$0x3FB9] =	sst s0;
	s0 =	simm.s32 @!p2 $0x0  }
0x16: {  	s3 =	sld [smem:$0x3FDB];
	s0 =	simm.s32 @p2 $0x1  }
0x17: {  	s4 =	simm.s32 $0x1BF5;
	[smem:$0x3FBB] =	sst s0  }
0x18: {  	s0 =	sld [smem:$0x3F9E];
	_ =	swait.ge [sflag:s4], $0x0  }
0x19: {  	s7 =	sld [smem:$0x3F9F]  }
0x1a: {  	s8 =	sadd.s32 $0xFFFFE003, lr  }
0x1b: {  	s9 =	sadd.s32 $0xFFFFFEF7, lr;
	s5 =	simm.s32 $0xFFFFFFFF;
	p2 =	slt.u32 s8, $0xFFFFF086  }
0x1c: {  	p1 =	slt.u32 s9, $0xF7A;
	s5 =	simm.s32 @!p2 $0x0  }
0x1d: {  	s5 =	simm.s32 @p1 $0x1;
	p0 =	seq.s32 s7, s2  }
0x1e: {  	s7 =	smul.u32 @!p0 $0xF7A, s2;
	p2 =	seq.s32 @!p0 s5, $0x0  }
0x1f: {  	s9 =	smul.u32 $0xF7A, s1;
	s8 =	simm.s32 @!p0 $0x1BF5;
	p2 =	por !p2, p0  }
0x20: {  	[sflag:s8] =	ssyncset.s32 @!p0 $0xFFFFF086;
	s6 =	sadd.s32 @!p0 s3, s7;
	s7 =	simm.s32 @!p0 $0x108  }
0x21: {  	s3 =	sadd.s32 s3, s9;
	s6 =	sadd.s32 @!p0 $0x88, s6;
	s7 =	simm.s32 @p2 $0x1082  }
0x22: {  	[simem:s7], [sflag:s8] =	dma.local @!p0 [hbm:s6], $0xF7A  }
0x23: {  	s9 =	sor.u32 $0xD0000000, s2;
	s6 =	simm.s32 $0x108;
	_ =	swait.ge @!p0 [sflag:s8], $0x0  }
0x24: {  	s3 =	sadd.s32 $0x88, s3;
	s6 =	simm.s32 @!p1 $0x1082;
	[sflag:s4] =	ssyncset.s32 $0xFFFFF086  }
0x25: {  	[simem:s6], [sflag:s4] =	dma.local [hbm:s3], $0xF7A  }
0x26: {  	[smem:$0x3F9F] =	sst s1;
	(tag) =	ssettag s2;
	_ =	strace s9  }
0x27: {  	s1 =	sld [smem:$0x3FAF]  }
0x28: {  	s2 =	sld [smem:$0x3FB0]  }
0x29: {  	s4 =	sld [smem:$0x3FB2]  }
0x2a: {  	p0 =	seq.s32 s5, $0x0;
	s5 =	sld [smem:$0x3FB3]  }
0x2b: {  	s6 =	sld [smem:$0x3FB4]  }
0x2c: {  	s7 =	sld [smem:$0x3FB5]  }
0x2d: {  	s3 =	simm.s32 $0x108;
	s8 =	sld [smem:$0x3FB6]  }
0x2e: {  	s3 =	simm.s32 @!p0 $0x1082;
	s9 =	sld [smem:$0x3FB7]  }
0x2f: {  	lr =	sadd.s32 s0, s3;
	s0 =	sld [smem:$0x3FAE]  }
0x30: {  	s3 =	sld [smem:$0x3FB1]  }
0x31: {  	[smem:$0x3FBA] =	sst s10  }
0x32: {  	s10 =	sld [smem:$0x3FB8];
	_ =	sdelay $0x3  }
0x33: {  	p0 =	seq.s32 s10, $0x1;
	s10 =	sld [smem:$0x3FBA];
	_ =	sdelay $0x3  }
0x34: {  	[smem:$0x3FBA] =	sst s10  }
0x35: {  	s10 =	sld [smem:$0x3FB9];
	_ =	sdelay $0x3  }
0x36: {  	p1 =	seq.s32 s10, $0x1;
	s10 =	sld [smem:$0x3FBA];
	_ =	sdelay $0x3  }
0x37: {  	[smem:$0x3FBA] =	sst s10  }
0x38: {  	s10 =	sld [smem:$0x3FBB]  }
0x39: {  	_ = 	snop;
	(pc) =	sbr.ind lr, $3  }
0x3a: {  	_ = 	snop  }
0x3b: {  	_ = 	snop  }
0x3c: {  	p2 =	seq.s32 s10, $0x1;
	s10 =	sld [smem:$0x3FBA]  }
0x3d: {  	_ =	shalt  }
0x3e: {  	_ =	shalt  }
0x3f: {  	_ =	shalt  }
0x40: {  	_ =	shalt  }
0x41: {  	_ =	shalt  }
0x42: {  	_ =	shalt  }
0x43: {  	_ =	shalt  }
0x44: {  	_ =	shalt  }
0x45: {  	_ =	shalt  }
0x46: {  	_ =	shalt  }
0x47: {  	_ =	shalt  }
0x48: {  	_ =	shalt  }
0x49: {  	_ =	shalt  }
0x4a: {  	_ =	shalt  }
0x4b: {  	_ =	shalt  }
0x4c: {  	_ =	shalt  }
0x4d: {  	_ =	shalt  }
0x4e: {  	_ =	shalt  }
0x4f: {  	_ =	shalt  }
0x50: {  	_ =	shalt  }
0x51: {  	_ =	shalt  }
0x52: {  	_ =	shalt  }
0x53: {  	_ =	shalt  }
0x54: {  	_ =	shalt  }
0x55: {  	_ =	shalt  }
0x56: {  	_ =	shalt  }
0x57: {  	_ =	shalt  }
0x58: {  	_ =	shalt  }
0x59: {  	_ =	shalt  }
0x5a: {  	_ =	shalt  }
0x5b: {  	_ =	shalt  }
0x5c: {  	_ =	shalt  }
0x5d: {  	_ =	shalt  }
0x5e: {  	_ =	shalt  }
0x5f: {  	_ =	shalt  }
0x60: {  	_ =	shalt  }
0x61: {  	_ =	shalt  }
0x62: {  	_ =	shalt  }
0x63: {  	_ =	shalt  }
0x64: {  	_ =	shalt  }
0x65: {  	_ =	shalt  }
0x66: {  	_ =	shalt  }
0x67: {  	_ =	shalt  }
0x68: {  	_ =	shalt  }
0x69: {  	_ =	shalt  }
0x6a: {  	_ =	shalt  }
0x6b: {  	_ =	shalt  }
0x6c: {  	_ =	shalt  }
0x6d: {  	_ =	shalt  }
0x6e: {  	_ =	shalt  }
0x6f: {  	_ =	shalt  }
0x70: {  	_ =	shalt  }
0x71: {  	_ =	shalt  }
0x72: {  	_ =	shalt  }
0x73: {  	_ =	shalt  }
0x74: {  	_ =	shalt  }
0x75: {  	_ =	shalt  }
0x76: {  	_ =	shalt  }
0x77: {  	_ =	shalt  }
0x78: {  	_ =	shalt  }
0x79: {  	_ =	shalt  }
0x7a: {  	_ =	shalt  }
0x7b: {  	_ =	shalt  }
0x7c: {  	_ =	shalt  }
0x7d: {  	_ =	shalt  }
0x7e: {  	_ =	shalt  }
0x7f: {  	_ =	shalt  }
0x80: {  	_ =	shalt  }
0x81: {  	_ =	shalt  }
0x82: {  	_ =	shalt  }
0x83: {  	_ =	shalt  }
0x84: {  	_ =	shalt  }
0x85: {  	_ =	shalt  }
0x86: {  	_ =	shalt  }
0x87: {  	_ =	shalt  }
.Lfunc_end0:
.L_simem_size_0:
called_computation_lowered:
.L_overlay_start_0:
0x88: {  	s2 =	sld [smem:$0x3FD9]  }
0x89: {  	s3 =	sld [smem:$0x3FFE];
	_ =	sdelay $0x1  }
0x8a: {  	s1 =	srdreg.scid  }
0x8b: {  	s0 =	sand.u32 $0x1, s1  }
0x8c: {  	s17 =	sshll.u32 s0, $0xA;
	s2 =	sadd.s32 s3, s2  }
0x8d: {  	s2 =	sadd.s32 s2, s17  }
0x8e: {  	[smem:$0x3FC6] =	sst s2  }
0x8f: {  	_ = 	snop  }
0x90: {  	s2 =	sld [smem:$0x3FC9]  }
0x91: {  	s18 =	sld [smem:$0x3FD0];
	(tm) =	ssettm $0x1  }
0x92: {  	s4 =	sld [smem:$0x3FFB];
	_ =	sdelay $0x3  }
0x93: {  	_ =	strace s4  }
0x94: {  	s4 =	sld [smem:$0x3FFC];
	_ =	sdelay $0x3  }
0x95: {  	_ =	strace s4  }
0x96: {  	s4 =	sld [smem:$0x3FFD];
	_ =	sdelay $0x3  }
0x97: {  	_ =	strace s4  }
0x98: {  	_ =	strace $0x8FFFFFFF  }
0x99: {  	s19 =	sld [smem:$0x3FDB];
	_ =	sdelay $0x1  }
0x9a: {  	s5 =	simm.s32 $_scs_section_size  }
0x9b: {  	s6 =	simm.s32 $_size__tile_overlayer_lowered;
	s7 =	simm.s32 $_tile_overlayer_lowered  }
0x9c: {  	s22 =	simm.s32 $0x1BFF;
	s21 =	sshll.u32 s7, $0x1;
	s4 =	sadd.s32 s5, s19  }
0x9d: {  	s8 =	simm.s32 $0x0;
	s20 =	sshll.u32 s6, $0x1;
	s6 =	sadd.s32 s21, s4  }
0x9e: {  	[timem:s8], [sflag:s22] =	dma.local [hbm:s6], s20  }
0x9f: {  	_ =	swait.ge [sflag:s22], s20  }
0xa0: {  	s5 =	ssub.s32 $0x0, s20;
	[sflag:s22] =	ssyncset.done $0x0  }
0xa1: {  	[sflag:s22] =	ssyncadd.s32 s5;
	_ =	sdelay $0x1  }
0xa2: {  	s23 =	simm.s32 $0x1B8B  }
0xa3: {  	_ =	swait.ge [sflag:s23], $0x1  }
0xa4: {  	[sflag:s23] =	ssyncset.done $0x0  }
0xa5: {  	s25 =	simm.s32 $0x1B8E;
	s24 =	sld [smem:$0x3FFE];
	[sflag:s23] =	ssyncadd.s32 $0xFFFFFFFF  }
0xa6: {  	s26 =	simm.s32 $execute0_lowered;
	[smem:$0x3FD2] =	sst s25  }
0xa7: {  	s6 =	sshll.u32 s26, $0x1;
	_ =	strace $0x80000046;
	[dreg:$0x1] =	wrdreg $0xFFFFFFFF  }
0xa8: {  	s28 =	simm.s32 $_size_execute0_lowered;
	s4 =	sadd.s32 s4, s6;
	[dreg:$0x0] =	wrdreg $0x0  }
0xa9: {  	s6 =	sshll.u32 s28, $0x1;
	[dreg:$0x2] =	wrdreg s4  }
0xaa: {  	[dreg:$0x3] =	wrdreg s6  }
0xab: {  	[dreg:$0x4] =	wrdreg $0xC0  }
0xac: {  	_ =	task [dreg:s8], $0x5FFFF  }
0xad: {  	[dreg:$0x1] =	wrdreg $0xFFFFFFFF  }
0xae: {  	[dreg:$0x0] =	wrdreg $0x60  }
0xaf: {  	[dreg:$0x2] =	wrdreg s2  }
0xb0: {  	[dreg:$0x3] =	wrdreg s24  }
0xb1: {  	[dreg:$0x4] =	wrdreg s18  }
0xb2: {  	[dreg:$0x5] =	wrdreg $0x9  }
0xb3: {  	_ =	task.clear_ibuf [dreg:s8], $0x6FFFF;
	_ =	strace $0x90000046  }
0xb4: {  	s29 =	simm.s32 $0x9;
	_ =	strace $0x80000048  }
0xb5: {  	_ =	swait.ge [sflag:s29], $0x1  }
0xb6: {  	[sflag:s29] =	ssyncadd.s32 $0xFFFFFFFF  }
0xb7: {  	_ =	strace $0x90000048  }
0xb8: {  	_ =	sfence  }
0xb9: {  	s30 =	sld [smem:$0x0];
	_ =	sdelay $0x2  }
0xba: {  	s31 =	sshll.u32 s1, $0xD;
	s1 =	sshrl.u32 s1, $0x2  }
0xbb: {  	s3 =	sand.u32 $0x4000, s31;
	s1 =	sadd.s32 s1, s30  }
0xbc: {  	s0 =	sor.u32 s3, s0;
	s1 =	sshll.u32 s1, $0x11  }
0xbd: {  	s0 =	sor.u32 s1, s0  }
0xbe: {  	s0 =	sadd.s32 $0x8F2B, s0  }
0xbf: {  	[sflag:s0] =	ssyncadd.remote.s32 $0x1  }
0xc0: {  	_ =	sfence.sel $0xFFFF  }
0xc1: {  	[dreg:$0x0] =	wrdreg $0xFFFFFFFF;
	(pc) =	sbr.abs _section_cstart, $3  }
0xc2: {  	[dreg:$0x1] =	wrdreg $0xFFFFFFFF  }
0xc3: {  	_ =	task.clear_ibuf [dreg:s8], $0x2FFFF;
	_ =	strace $0x9FFFFFFF  }
0xc4: {  	(tm) =	ssettm $0x7FFFFFFF  }
0xc5: {  	_ =	shalt  }
tec
execute0_lowered:
.L_overlay_start_1:
0x0: {  	(tag) =	ssettag $0x1  }
0x1: {  	s0 =	rddreg [dreg:$0x0]  }
0x2: {  	s2 =	rddreg [dreg:$0x1]  }
0x3: {  	s1 =	rddreg [dreg:$0x2];
	s3 =	simm.s32 $0x0;
	s4 =	srdreg.scid  }
0x4: {  	s5 =	stileid.u32;
	s16 =	simm.s32 $0x80;
	s23 =	simm.s32 $0x1  }
0x5: {  	s24 =	simm.s32 $0xBD00;
	s15 =	simm.s32 $0x2;
	s17 =	simm.s32 $0xCE00  }
0x6: {  	s29 =	simm.s32 $0x3;
	s30 =	simm.s32 $0xDF00;
	s25 =	simm.s32 $0x4  }
0x7: {  	s21 =	simm.s32 $0xFD48;
	s11 =	simm.s32 $0xFEE0;
	s14 =	simm.s32 $0xFF68  }
0x8: {  	s22 =	simm.s32 $0xFFF0;
	s28 =	simm.s32 $0x10078;
	s12 =	simm.s32 $0x0  }
0x9: {  	v0 =	vlaneseq.u32;
	[smem:$0x7FF] =	sst s3;
	s4 =	sand.u32 $0x1, s4;
	s5 =	sshll.u32 s5, $0xB  }
0xa: {  	s6 =	sadd.s32 $0x800, s2;
	s9 =	sadd.s32 $0x2000, s1;
	s10 =	sadd.s32 $0x3000, s1;
	v0 =	vmul.u32 $0x88, v0  }
0xb: {  	_ =	strace $0x80000047;
	s7 =	ssub.s32 $0x2, s4;
	s4 =	sshll.u32 s4, $0xA  }
.Ltmp0:
0xc: {  	[dreg:$0x4] =	wrdreg s6;
	s5 =	sor.u32 s4, s5;
	v1 =	vadd.s32 $0x880, v0;
	v2 =	vor.u32 $0x1, v0;
	v3 =	vadd.s32 $0x881, v0;
	(pc) =	sbr.rel .LBB2_1-.Ltmp0, $4  }
0xd: {  	s6 =	sadd.s32 $0xF42E00, s2;
	s8 =	sshrl.u32 s7, $0x1;
	v4 =	vor.u32 $0x2, v0;
	v5 =	vadd.s32 $0x882, v0;
	v6 =	vor.u32 $0x3, v0;
	s4 =	sshrl.u32 s5, $0x3  }
0xe: {  	v7 =	vadd.s32 $0x883, v0;
	v8 =	vor.u32 $0x4, v0;
	v9 =	vadd.s32 $0x884, v0;
	s26 =	ssub.s32 s7, s8;
	s8 =	sadd.s32 $0x1000, s1;
	s0 =	sadd.s32 s0, s4  }
0xf: {  	v10 =	vor.u32 $0x5, v0;
	v11 =	vadd.s32 $0x885, v0;
	v12 =	vor.u32 $0x6, v0;
	s7 =	simm.s32 $0xFE58;
	s31 =	smax.u32 s26, $0x1;
	[dreg:$0x5] =	wrdreg s0  }
0x10: {  	v13 =	vadd.s32 $0x886, v0;
	v14 =	vor.u32 $0x7, v0;
	v15 =	vadd.s32 $0x887, v0;
	s26 =	simm.s32 $0xF000;
	s4 =	simm.s32 $0xFDD0;
	[dreg:$0x6] =	wrdreg s31  }
.LBB2_12:
0x11: {  	s0 =	simm.s32 $0x5  }
0x12: {  	_ =	swait.ge [sflag:s0], $0x400  }
0x13: {  	[sflag:s0] =	ssyncset.done $0x0  }
0x14: {  	[sflag:s0] =	ssyncadd.s32 $0xFFFFFC00  }
0x15: {  	_ =	swait.ge [sflag:s0], $0x400  }
0x16: {  	[sflag:s0] =	ssyncset.done $0x0  }
0x17: {  	[sflag:s0] =	ssyncadd.s32 $0xFFFFFC00  }
0x18: {  	_ =	swait.ge [sflag:s0], $0x400  }
0x19: {  	[sflag:s0] =	ssyncset.done $0x0  }
0x1a: {  	[sflag:s0] =	ssyncadd.s32 $0xFFFFFC00  }
0x1b: {  	_ =	swait.ge [sflag:s0], $0x400  }
0x1c: {  	[sflag:s0] =	ssyncset.done $0x0  }
0x1d: {  	s19 =	simm.s32 $0x6;
	[sflag:s0] =	ssyncadd.s32 $0xFFFFFC00  }
0x1e: {  	_ =	swait.ge [sflag:s19], $0x400  }
0x1f: {  	[sflag:s19] =	ssyncset.done $0x0  }
0x20: {  	[sflag:s19] =	ssyncadd.s32 $0xFFFFFC00  }
0x21: {  	_ =	swait.ge [sflag:s19], $0x400  }
0x22: {  	[sflag:s19] =	ssyncset.done $0x0  }
0x23: {  	[sflag:s19] =	ssyncadd.s32 $0xFFFFFC00  }
0x24: {  	_ =	swait.ge [sflag:s19], $0x400  }
0x25: {  	[sflag:s19] =	ssyncset.done $0x0  }
0x26: {  	[sflag:s19] =	ssyncadd.s32 $0xFFFFFC00  }
0x27: {  	_ =	swait.ge [sflag:s19], $0x400  }
0x28: {  	[sflag:s19] =	ssyncset.done $0x0  }
0x29: {  	s20 =	simm.s32 $0x7;
	[sflag:s19] =	ssyncadd.s32 $0xFFFFFC00  }
0x2a: {  	_ =	swait.ge [sflag:s20], $0x400  }
0x2b: {  	[sflag:s20] =	ssyncset.done $0x0  }
0x2c: {  	[sflag:s20] =	ssyncadd.s32 $0xFFFFFC00  }
0x2d: {  	_ =	swait.ge [sflag:s20], $0x400  }
0x2e: {  	[sflag:s20] =	ssyncset.done $0x0  }
0x2f: {  	[sflag:s20] =	ssyncadd.s32 $0xFFFFFC00  }
0x30: {  	_ =	swait.ge [sflag:s20], $0x400  }
0x31: {  	[sflag:s20] =	ssyncset.done $0x0  }
0x32: {  	[sflag:s20] =	ssyncadd.s32 $0xFFFFFC00  }
0x33: {  	_ =	swait.ge [sflag:s20], $0x400  }
0x34: {  	[sflag:s20] =	ssyncset.done $0x0  }
0x35: {  	s2 =	simm.s32 $0x8;
	[sflag:s20] =	ssyncadd.s32 $0xFFFFFC00  }
0x36: {  	_ =	swait.ge [sflag:s2], $0x400  }
0x37: {  	[sflag:s2] =	ssyncset.done $0x0  }
0x38: {  	[sflag:s2] =	ssyncadd.s32 $0xFFFFFC00  }
0x39: {  	_ =	swait.ge [sflag:s2], $0x400  }
0x3a: {  	[sflag:s2] =	ssyncset.done $0x0  }
0x3b: {  	[sflag:s2] =	ssyncadd.s32 $0xFFFFFC00  }
0x3c: {  	_ =	swait.ge [sflag:s2], $0x400  }
0x3d: {  	[sflag:s2] =	ssyncset.done $0x0  }
0x3e: {  	[sflag:s2] =	ssyncadd.s32 $0xFFFFFC00  }
0x3f: {  	_ =	swait.ge [sflag:s2], $0x400  }
0x40: {  	s12 =	rddreg [dreg:$0x7]  }
0x41: {  	s31 =	rddreg [dreg:$0x6];
	s12 =	sadd.s32 $0x1, s12  }
0x42: {  	p0 =	sne.s32 s12, s31  }
.Ltmp1:
0x43: {  	_ = 	snop;
	(pc) =	sbr.rel @!p0 .LBB2_13-.Ltmp1, $3  }
0x44: {  	_ =	sdelay $0x1  }
0x45: {  	[sflag:s2] =	ssyncset.done $0x0  }
0x46: {  	[sflag:s2] =	ssyncadd.s32 $0xFFFFFC00  }
.LBB2_1:
0x47: {  	[dreg:$0x7] =	wrdreg s12  }
0x48: {  	s0 =	rddreg [dreg:$0x5]  }
0x49: {  	s2 =	simm.s32 $0x400;
	s13 =	simm.s32 $0x8000;
	s18 =	simm.s32 $0x9  }
0x4a: {  	[tilespmem:s3], [sflag:$0x9] =	stream.strided.gather [hbm4b:s0+s2], $0x6400, s13, s2, $0x38;
	[tilespmem:$0x10100] =	vst v63  }
0x4b: {  	_ =	swait.ge [sflag:s18], $0x6400  }
0x4c: {  	[sflag:s18] =	ssyncset.done $0x0  }
0x4d: {  	s20 =	simm.s32 $0x6400;
	s19 =	rddreg [dreg:$0x4];
	[sflag:s18] =	ssyncadd.s32 $0xFFFF9C00  }
0x4e: {  	[tilespmem:s20], [sflag:$0x9] =	stream.linear.gather [hbm4b:s19+s3], $0x1900, $0x38;
	[tilespmem:$0x10100] =	vst v63  }
0x4f: {  	_ =	swait.ge [sflag:s18], $0x1900  }
0x50: {  	[sflag:s18] =	ssyncset.done $0x0  }
0x51: {  	s2 =	simm.s32 $0x7D00;
	[sflag:s18] =	ssyncadd.s32 $0xFFFFE700  }
0x52: {  	[tilespmem:s2], [sflag:$0x1] =	stream.indirect.gather [hbm4b:s6+s16], $0x20, s3, s16, $0xb8;
	[tilespmem:$0x10100] =	vst v63  }
0x53: {  	s12 =	simm.s32 $0x8D00  }
0x54: {  	[tilespmem:s12], [sflag:$0x2] =	stream.indirect.gather [hbm4b:s6+s16], $0x20, s16, s16, $0xb8;
	[tilespmem:$0x10100] =	vst v63  }
0x55: {  	s13 =	simm.s32 $0x100;
	s18 =	simm.s32 $0x9D00  }
0x56: {  	[tilespmem:s18], [sflag:$0x3] =	stream.indirect.gather [hbm4b:s6+s16], $0x20, s13, s16, $0xb8;
	[tilespmem:$0x10100] =	vst v63  }
0x57: {  	s31 =	simm.s32 $0x0;
	s19 =	simm.s32 $0x180;
	s20 =	simm.s32 $0xAD00  }
0x58: {  	[tilespmem:s20], [sflag:$0x4] =	stream.indirect.gather [hbm4b:s6+s16], $0x20, s19, s16, $0xb8;
	[tilespmem:$0x10100] =	vst v63  }
.LBB2_2:
0x59: {  	_ =	swait.ge [sflag:s23], $0x1000  }
0x5a: {  	p0 =	seq.s32 s31, $0x0;
	[sflag:s23] =	ssyncset.done $0x0  }
0x5b: {  	s0 =	simm.s32 @!p0 $0x5;
	[sflag:s23] =	ssyncadd.s32 $0xFFFFF000  }
0x5c: {  	_ =	swait.ge @!p0 [sflag:s0], $0x400  }
0x5d: {  	[sflag:s0] =	ssyncset.done @!p0 $0x0  }
0x5e: {  	[sflag:s0] =	ssyncadd.s32 @!p0 $0xFFFFFC00  }
0x5f: {  	_ =	swait.ge @!p0 [sflag:s0], $0x400  }
0x60: {  	[sflag:s0] =	ssyncset.done @!p0 $0x0  }
0x61: {  	[sflag:s0] =	ssyncadd.s32 @!p0 $0xFFFFFC00  }
0x62: {  	_ =	swait.ge @!p0 [sflag:s0], $0x400  }
0x63: {  	[sflag:s0] =	ssyncset.done @!p0 $0x0  }
0x64: {  	[sflag:s0] =	ssyncadd.s32 @!p0 $0xFFFFFC00  }
0x65: {  	_ =	swait.ge @!p0 [sflag:s0], $0x400  }
0x66: {  	s2 =	sshll.u32 s31, $0x7;
	[sflag:s0] =	ssyncset.done @!p0 $0x0  }
0x67: {  	s2 =	sand.u32 $0x3FFFFF80, s2;
	[sflag:s0] =	ssyncadd.s32 @!p0 $0xFFFFFC00  }
0x68: {  	s12 =	simm.s32 $0x7D80;
	v17 =	vld [tilespmem:s2+$0x6410]  }
0x69: {  	v18 =	vld [tilespmem:s12+$0xFFFFFF80]  }
0x6a: {  	v19 =	vld [tilespmem:s2+$0x6400]  }
0x6b: {  	v16 =	vimm.s32 $0x0;
	v20 =	vld [tilespmem:s12+$0xFFFFFF90]  }
0x6c: {  	v21 =	vadd.s32 v0, v16  }
0x6d: {  	v22 =	vadd.s32 v1, v16;
	_ =	sdelay $0x1  }
0x6e: {  	v18 =	vadd.f32 v19, v18  }
0x6f: {  	v17 =	vadd.f32 v17, v20  }
0x70: {  	[tilespmem:v21+s24+$0x0] =	vst.idx.msk $0xffff, v18  }
0x71: {  	[tilespmem:v22+s24+$0x0] =	vst.idx.msk $0xffff, v17  }
0x72: {  	v17 =	vld [tilespmem:s2+$0x6410]  }
0x73: {  	v18 =	vld [tilespmem:s2+$0x6400]  }
0x74: {  	v19 =	vld [tilespmem:s12+$0xFFFFFFA0]  }
0x75: {  	v20 =	vld [tilespmem:s12+$0xFFFFFFB0]  }
0x76: {  	v21 =	vadd.s32 v2, v16  }
0x77: {  	v22 =	vadd.s32 v3, v16;
	_ =	sdelay $0x1  }
0x78: {  	v18 =	vadd.f32 v18, v19  }
0x79: {  	v17 =	vadd.f32 v17, v20  }
0x7a: {  	[tilespmem:v21+s24+$0x0] =	vst.idx.msk $0xffff, v18  }
0x7b: {  	[tilespmem:v22+s24+$0x0] =	vst.idx.msk $0xffff, v17  }
0x7c: {  	v17 =	vld [tilespmem:s12+$0xFFFFFFD0]  }
0x7d: {  	v18 =	vld [tilespmem:s2+$0x6400]  }
0x7e: {  	v19 =	vld [tilespmem:s12+$0xFFFFFFC0]  }
0x7f: {  	v20 =	vld [tilespmem:s2+$0x6410]  }
0x80: {  	v21 =	vadd.s32 v4, v16  }
0x81: {  	v22 =	vadd.s32 v5, v16;
	_ =	sdelay $0x1  }
0x82: {  	v18 =	vadd.f32 v18, v19  }
0x83: {  	v17 =	vadd.f32 v20, v17  }
0x84: {  	[tilespmem:v21+s24+$0x0] =	vst.idx.msk $0xffff, v18  }
0x85: {  	[tilespmem:v22+s24+$0x0] =	vst.idx.msk $0xffff, v17  }
0x86: {  	v17 =	vld [tilespmem:s2+$0x6410]  }
0x87: {  	v18 =	vld [tilespmem:s2+$0x6400]  }
0x88: {  	v19 =	vld [tilespmem:s12+$0xFFFFFFE0]  }
0x89: {  	v20 =	vld [tilespmem:s12+$0xFFFFFFF0]  }
0x8a: {  	v21 =	vadd.s32 v6, v16  }
0x8b: {  	v22 =	vadd.s32 v7, v16;
	_ =	sdelay $0x1  }
0x8c: {  	v18 =	vadd.f32 v18, v19  }
0x8d: {  	v17 =	vadd.f32 v17, v20  }
0x8e: {  	[tilespmem:v21+s24+$0x0] =	vst.idx.msk $0xffff, v18  }
0x8f: {  	[tilespmem:v22+s24+$0x0] =	vst.idx.msk $0xffff, v17  }
0x90: {  	v17 =	vld [tilespmem:s12+$0x10]  }
0x91: {  	v18 =	vld [tilespmem:s2+$0x6400]  }
0x92: {  	v19 =	vld [tilespmem:s12+$0x0]  }
0x93: {  	v20 =	vld [tilespmem:s2+$0x6410]  }
0x94: {  	v21 =	vadd.s32 v8, v16  }
0x95: {  	v22 =	vadd.s32 v9, v16;
	_ =	sdelay $0x1  }
0x96: {  	v18 =	vadd.f32 v18, v19  }
0x97: {  	v17 =	vadd.f32 v20, v17  }
0x98: {  	[tilespmem:v21+s24+$0x0] =	vst.idx.msk $0xffff, v18  }
0x99: {  	[tilespmem:v22+s24+$0x0] =	vst.idx.msk $0xffff, v17  }
0x9a: {  	v17 =	vld [tilespmem:s12+$0x30]  }
0x9b: {  	v18 =	vld [tilespmem:s2+$0x6400]  }
0x9c: {  	v19 =	vld [tilespmem:s12+$0x20]  }
0x9d: {  	v20 =	vld [tilespmem:s2+$0x6410]  }
0x9e: {  	v21 =	vadd.s32 v10, v16  }
0x9f: {  	v22 =	vadd.s32 v11, v16;
	_ =	sdelay $0x1  }
0xa0: {  	v18 =	vadd.f32 v18, v19  }
0xa1: {  	v17 =	vadd.f32 v20, v17  }
0xa2: {  	[tilespmem:v21+s24+$0x0] =	vst.idx.msk $0xffff, v18  }
0xa3: {  	[tilespmem:v22+s24+$0x0] =	vst.idx.msk $0xffff, v17  }
0xa4: {  	v19 =	vld [tilespmem:s12+$0x40]  }
0xa5: {  	v20 =	vld [tilespmem:s2+$0x6400]  }
0xa6: {  	v21 =	vld [tilespmem:s12+$0x50]  }
0xa7: {  	v22 =	vld [tilespmem:s2+$0x6410];
	_ =	sdelay $0x1  }
0xa8: {  	s18 =	simm.s32 $0x0;
	s13 =	simm.s32 $0x7D80;
	v23 =	vadd.s32 v12, v16;
	s0 =	sshll.u32 s31, $0x2;
	v18 =	vadd.s32 $0x8, v16;
	v17 =	vadd.s32 v13, v16  }
.LBB2_3:
0xa9: {  	v24 =	vadd.s32 v13, v18;
	s18 =	sadd.s32 $0x8, s18;
	s12 =	sadd.s32 $0x100, s12  }
0xaa: {  	p1 =	slt.u32 s18, $0x78  }
0xab: {  	v19 =	vadd.f32 v20, v19;
	v20 =	vadd.f32 v22, v21;
	_ =	sdelay $0x1  }
0xac: {  	[tilespmem:v23+s24+$0x0] =	vst.idx.msk $0xffff, v19  }
0xad: {  	[tilespmem:v17+s24+$0x0] =	vst.idx.msk $0xffff, v20;
	v17 =	vmov v24  }
0xae: {  	v19 =	vld [tilespmem:s2+$0x6410]  }
0xaf: {  	v20 =	vld [tilespmem:s13+$0x70]  }
0xb0: {  	v21 =	vld [tilespmem:s13+$0x60];
	s13 =	smov.u32 s12  }
0xb1: {  	v22 =	vld [tilespmem:s2+$0x6400]  }
0xb2: {  	v23 =	vadd.s32 v14, v16  }
0xb3: {  	v24 =	vadd.s32 v15, v16;
	v16 =	vmov v18  }
0xb4: {  	v19 =	vadd.f32 v19, v20;
	_ =	sdelay $0x1  }
0xb5: {  	v20 =	vadd.f32 v22, v21;
	_ =	sdelay $0x1  }
0xb6: {  	[tilespmem:v23+s24+$0x0] =	vst.idx.msk $0xffff, v20  }
0xb7: {  	[tilespmem:v24+s24+$0x0] =	vst.idx.msk $0xffff, v19  }
0xb8: {  	v19 =	vld [tilespmem:s2+$0x6410]  }
0xb9: {  	v20 =	vld [tilespmem:s12+$0xFFFFFF80]  }
0xba: {  	v21 =	vld [tilespmem:s2+$0x6400]  }
0xbb: {  	v22 =	vld [tilespmem:s12+$0xFFFFFF90]  }
0xbc: {  	v23 =	vadd.s32 v0, v18  }
0xbd: {  	v24 =	vadd.s32 v1, v18;
	_ =	sdelay $0x1  }
0xbe: {  	v20 =	vadd.f32 v21, v20  }
0xbf: {  	v19 =	vadd.f32 v19, v22  }
0xc0: {  	[tilespmem:v23+s24+$0x0] =	vst.idx.msk $0xffff, v20  }
0xc1: {  	[tilespmem:v24+s24+$0x0] =	vst.idx.msk $0xffff, v19  }
0xc2: {  	v19 =	vld [tilespmem:s2+$0x6410]  }
0xc3: {  	v20 =	vld [tilespmem:s12+$0xFFFFFFB0]  }
0xc4: {  	v21 =	vld [tilespmem:s2+$0x6400]  }
0xc5: {  	v22 =	vld [tilespmem:s12+$0xFFFFFFA0];
	_ =	sdelay $0x1  }
0xc6: {  	v23 =	vadd.s32 v2, v18  }
0xc7: {  	v19 =	vadd.f32 v19, v20;
	v20 =	vadd.s32 v3, v18;
	_ =	sdelay $0x1  }
0xc8: {  	v21 =	vadd.f32 v21, v22;
	_ =	sdelay $0x1  }
0xc9: {  	[tilespmem:v23+s24+$0x0] =	vst.idx.msk $0xffff, v21  }
0xca: {  	[tilespmem:v20+s24+$0x0] =	vst.idx.msk $0xffff, v19  }
0xcb: {  	v19 =	vld [tilespmem:s12+$0xFFFFFFD0]  }
0xcc: {  	v20 =	vld [tilespmem:s2+$0x6400]  }
0xcd: {  	v21 =	vld [tilespmem:s12+$0xFFFFFFC0]  }
0xce: {  	v22 =	vld [tilespmem:s2+$0x6410]  }
0xcf: {  	v23 =	vadd.s32 v4, v18  }
0xd0: {  	v24 =	vadd.s32 v5, v18;
	_ =	sdelay $0x1  }
0xd1: {  	v20 =	vadd.f32 v20, v21  }
0xd2: {  	v19 =	vadd.f32 v22, v19  }
0xd3: {  	[tilespmem:v23+s24+$0x0] =	vst.idx.msk $0xffff, v20  }
0xd4: {  	[tilespmem:v24+s24+$0x0] =	vst.idx.msk $0xffff, v19  }
0xd5: {  	v19 =	vld [tilespmem:s2+$0x6410]  }
0xd6: {  	v20 =	vld [tilespmem:s2+$0x6400]  }
0xd7: {  	v21 =	vld [tilespmem:s12+$0xFFFFFFE0]  }
0xd8: {  	v22 =	vld [tilespmem:s12+$0xFFFFFFF0]  }
0xd9: {  	v23 =	vadd.s32 v6, v18  }
0xda: {  	v24 =	vadd.s32 v7, v18;
	_ =	sdelay $0x1  }
0xdb: {  	v20 =	vadd.f32 v20, v21  }
0xdc: {  	v19 =	vadd.f32 v19, v22  }
0xdd: {  	[tilespmem:v23+s24+$0x0] =	vst.idx.msk $0xffff, v20  }
0xde: {  	[tilespmem:v24+s24+$0x0] =	vst.idx.msk $0xffff, v19  }
0xdf: {  	v19 =	vld [tilespmem:s12+$0x10]  }
0xe0: {  	v20 =	vld [tilespmem:s2+$0x6400]  }
0xe1: {  	v21 =	vld [tilespmem:s12+$0x0]  }
0xe2: {  	v22 =	vld [tilespmem:s2+$0x6410]  }
0xe3: {  	v23 =	vadd.s32 v8, v18  }
0xe4: {  	v24 =	vadd.s32 v9, v18;
	_ =	sdelay $0x1  }
0xe5: {  	v20 =	vadd.f32 v20, v21  }
0xe6: {  	v19 =	vadd.f32 v22, v19  }
0xe7: {  	[tilespmem:v23+s24+$0x0] =	vst.idx.msk $0xffff, v20  }
0xe8: {  	[tilespmem:v24+s24+$0x0] =	vst.idx.msk $0xffff, v19  }
0xe9: {  	v19 =	vld [tilespmem:s12+$0x30]  }
0xea: {  	v20 =	vld [tilespmem:s2+$0x6400]  }
0xeb: {  	v21 =	vld [tilespmem:s12+$0x20]  }
0xec: {  	v22 =	vld [tilespmem:s2+$0x6410]  }
0xed: {  	v23 =	vadd.s32 v10, v18  }
0xee: {  	v24 =	vadd.s32 v11, v18;
	_ =	sdelay $0x1  }
0xef: {  	v20 =	vadd.f32 v20, v21  }
0xf0: {  	v19 =	vadd.f32 v22, v19  }
0xf1: {  	[tilespmem:v23+s24+$0x0] =	vst.idx.msk $0xffff, v20  }
0xf2: {  	[tilespmem:v24+s24+$0x0] =	vst.idx.msk $0xffff, v19  }
0xf3: {  	v19 =	vld [tilespmem:s12+$0x40]  }
.Ltmp2:
0xf4: {  	v20 =	vld [tilespmem:s2+$0x6400];
	(pc) =	sbr.rel @p1 .LBB2_3-.Ltmp2, $3  }
0xf5: {  	v21 =	vld [tilespmem:s12+$0x50]  }
0xf6: {  	v22 =	vld [tilespmem:s2+$0x6410];
	_ =	sdelay $0x1  }
0xf7: {  	v18 =	vadd.s32 $0x8, v18;
	v23 =	vadd.s32 v12, v16  }
0xf8: {  	_ =	sdelay $0x1  }
0xf9: {  	v18 =	vadd.f32 v20, v19  }
0xfa: {  	v19 =	vadd.f32 v22, v21  }
0xfb: {  	[tilespmem:v23+s24+$0x0] =	vst.idx.msk $0xffff, v18  }
0xfc: {  	[tilespmem:v17+s24+$0x0] =	vst.idx.msk $0xffff, v19  }
0xfd: {  	v17 =	vld [tilespmem:s2+$0x6410]  }
0xfe: {  	v18 =	vld [tilespmem:s13+$0x60]  }
0xff: {  	v19 =	vld [tilespmem:s2+$0x6400]  }
0x100: {  	v20 =	vld [tilespmem:s13+$0x70]  }
0x101: {  	v21 =	vadd.s32 v14, v16  }
0x102: {  	v16 =	vadd.s32 v15, v16;
	_ =	sdelay $0x1  }
0x103: {  	s19 =	sshll.u32 s31, $0x13;
	v18 =	vadd.f32 v19, v18  }
0x104: {  	s2 =	sor.u32 s5, s19;
	v17 =	vadd.f32 v17, v20  }
0x105: {  	s2 =	sshrl.u32 s2, $0x3;
	[tilespmem:v21+s24+$0x0] =	vst.idx.msk $0xffff, v18  }
0x106: {  	s12 =	sadd.s32 s1, s2;
	[tilespmem:v16+s24+$0x0] =	vst.idx.msk $0xffff, v17  }
0x107: {  	[hbm4b:s12+s3] =	stream.linear.scatter [tilespmem:s24], [sflag:$0x5], $0x80, $0x38;
	[tilespmem:$0x10100] =	vst v63  }
0x108: {  	s18 =	simm.s32 $0xBD88;
	s20 =	sadd.s32 $0x10, s12  }
0x109: {  	[hbm4b:s20+s3] =	stream.linear.scatter [tilespmem:s18], [sflag:$0x5], $0x80, $0x38;
	[tilespmem:$0x10100] =	vst v63  }
0x10a: {  	s19 =	sadd.s32 $0x20, s12;
	s20 =	simm.s32 $0xBE10  }
0x10b: {  	[hbm4b:s19+s3] =	stream.linear.scatter [tilespmem:s20], [sflag:$0x5], $0x80, $0x38;
	[tilespmem:$0x10100] =	vst v63  }
0x10c: {  	s19 =	sadd.s32 $0x30, s12;
	s20 =	simm.s32 $0xBE98  }
0x10d: {  	[hbm4b:s19+s3] =	stream.linear.scatter [tilespmem:s20], [sflag:$0x5], $0x80, $0x38;
	[tilespmem:$0x10100] =	vst v63  }
0x10e: {  	s19 =	sadd.s32 $0x40, s12;
	s20 =	simm.s32 $0xBF20  }
0x10f: {  	[hbm4b:s19+s3] =	stream.linear.scatter [tilespmem:s20], [sflag:$0x5], $0x80, $0x38;
	[tilespmem:$0x10100] =	vst v63  }
0x110: {  	s19 =	sadd.s32 $0x50, s12;
	s20 =	simm.s32 $0xBFA8  }
0x111: {  	[hbm4b:s19+s3] =	stream.linear.scatter [tilespmem:s20], [sflag:$0x5], $0x80, $0x38;
	[tilespmem:$0x10100] =	vst v63  }
0x112: {  	s18 =	sadd.s32 $0x60, s12;
	s19 =	simm.s32 $0xC030  }
0x113: {  	[hbm4b:s18+s3] =	stream.linear.scatter [tilespmem:s19], [sflag:$0x5], $0x80, $0x38;
	[tilespmem:$0x10100] =	vst v63  }
0x114: {  	s12 =	sadd.s32 $0x70, s12;
	s20 =	simm.s32 $0xC0B8  }
0x115: {  	[hbm4b:s12+s3] =	stream.linear.scatter [tilespmem:s20], [sflag:$0x5], $0x80, $0x38;
	[tilespmem:$0x10100] =	vst v63  }
0x116: {  	s18 =	simm.s32 $0xC140;
	s12 =	sadd.s32 s2, s8  }
0x117: {  	[hbm4b:s12+s3] =	stream.linear.scatter [tilespmem:s18], [sflag:$0x5], $0x80, $0x38;
	[tilespmem:$0x10100] =	vst v63  }
0x118: {  	s20 =	simm.s32 $0xC1C8;
	s19 =	sadd.s32 $0x10, s12  }
0x119: {  	[hbm4b:s19+s3] =	stream.linear.scatter [tilespmem:s20], [sflag:$0x5], $0x80, $0x38;
	[tilespmem:$0x10100] =	vst v63  }
0x11a: {  	s19 =	sadd.s32 $0x20, s12;
	s20 =	simm.s32 $0xC250  }
0x11b: {  	[hbm4b:s19+s3] =	stream.linear.scatter [tilespmem:s20], [sflag:$0x5], $0x80, $0x38;
	[tilespmem:$0x10100] =	vst v63  }
0x11c: {  	s19 =	sadd.s32 $0x30, s12;
	s20 =	simm.s32 $0xC2D8  }
0x11d: {  	[hbm4b:s19+s3] =	stream.linear.scatter [tilespmem:s20], [sflag:$0x5], $0x80, $0x38;
	[tilespmem:$0x10100] =	vst v63  }
0x11e: {  	s19 =	sadd.s32 $0x40, s12;
	s20 =	simm.s32 $0xC360  }
0x11f: {  	[hbm4b:s19+s3] =	stream.linear.scatter [tilespmem:s20], [sflag:$0x5], $0x80, $0x38;
	[tilespmem:$0x10100] =	vst v63  }
0x120: {  	s19 =	sadd.s32 $0x50, s12;
	s20 =	simm.s32 $0xC3E8  }
0x121: {  	[hbm4b:s19+s3] =	stream.linear.scatter [tilespmem:s20], [sflag:$0x5], $0x80, $0x38;
	[tilespmem:$0x10100] =	vst v63  }
0x122: {  	s18 =	sadd.s32 $0x60, s12;
	s19 =	simm.s32 $0xC470  }
0x123: {  	[hbm4b:s18+s3] =	stream.linear.scatter [tilespmem:s19], [sflag:$0x5], $0x80, $0x38;
	[tilespmem:$0x10100] =	vst v63  }
0x124: {  	s12 =	sadd.s32 $0x70, s12;
	s20 =	simm.s32 $0xC4F8  }
0x125: {  	[hbm4b:s12+s3] =	stream.linear.scatter [tilespmem:s20], [sflag:$0x5], $0x80, $0x38;
	[tilespmem:$0x10100] =	vst v63  }
0x126: {  	s18 =	simm.s32 $0xC580;
	s12 =	sadd.s32 s2, s9  }
0x127: {  	[hbm4b:s12+s3] =	stream.linear.scatter [tilespmem:s18], [sflag:$0x5], $0x80, $0x38;
	[tilespmem:$0x10100] =	vst v63  }
0x128: {  	s20 =	simm.s32 $0xC608;
	s19 =	sadd.s32 $0x10, s12  }
0x129: {  	[hbm4b:s19+s3] =	stream.linear.scatter [tilespmem:s20], [sflag:$0x5], $0x80, $0x38;
	[tilespmem:$0x10100] =	vst v63  }
0x12a: {  	s19 =	sadd.s32 $0x20, s12;
	s20 =	simm.s32 $0xC690  }
0x12b: {  	[hbm4b:s19+s3] =	stream.linear.scatter [tilespmem:s20], [sflag:$0x5], $0x80, $0x38;
	[tilespmem:$0x10100] =	vst v63  }
0x12c: {  	s19 =	sadd.s32 $0x30, s12;
	s20 =	simm.s32 $0xC718  }
0x12d: {  	[hbm4b:s19+s3] =	stream.linear.scatter [tilespmem:s20], [sflag:$0x5], $0x80, $0x38;
	[tilespmem:$0x10100] =	vst v63  }
0x12e: {  	s19 =	sadd.s32 $0x40, s12;
	s20 =	simm.s32 $0xC7A0  }
0x12f: {  	[hbm4b:s19+s3] =	stream.linear.scatter [tilespmem:s20], [sflag:$0x5], $0x80, $0x38;
	[tilespmem:$0x10100] =	vst v63  }
0x130: {  	s19 =	sadd.s32 $0x50, s12;
	s20 =	simm.s32 $0xC828  }
0x131: {  	[hbm4b:s19+s3] =	stream.linear.scatter [tilespmem:s20], [sflag:$0x5], $0x80, $0x38;
	[tilespmem:$0x10100] =	vst v63  }
0x132: {  	s18 =	sadd.s32 $0x60, s12;
	s19 =	simm.s32 $0xC8B0  }
0x133: {  	[hbm4b:s18+s3] =	stream.linear.scatter [tilespmem:s19], [sflag:$0x5], $0x80, $0x38;
	[tilespmem:$0x10100] =	vst v63  }
0x134: {  	s12 =	sadd.s32 $0x70, s12;
	s20 =	simm.s32 $0xC938  }
0x135: {  	[hbm4b:s12+s3] =	stream.linear.scatter [tilespmem:s20], [sflag:$0x5], $0x80, $0x38;
	[tilespmem:$0x10100] =	vst v63  }
0x136: {  	s2 =	sadd.s32 s2, s10;
	s18 =	simm.s32 $0xC9C0  }
0x137: {  	[hbm4b:s2+s3] =	stream.linear.scatter [tilespmem:s18], [sflag:$0x5], $0x80, $0x38;
	[tilespmem:$0x10100] =	vst v63  }
0x138: {  	s19 =	sadd.s32 $0x10, s2;
	s20 =	simm.s32 $0xCA48  }
0x139: {  	[hbm4b:s19+s3] =	stream.linear.scatter [tilespmem:s20], [sflag:$0x5], $0x80, $0x38;
	[tilespmem:$0x10100] =	vst v63  }
0x13a: {  	s13 =	sadd.s32 $0x20, s2;
	s18 =	simm.s32 $0xCAD0  }
0x13b: {  	[hbm4b:s13+s3] =	stream.linear.scatter [tilespmem:s18], [sflag:$0x5], $0x80, $0x38;
	[tilespmem:$0x10100] =	vst v63  }
0x13c: {  	s19 =	sadd.s32 $0x30, s2;
	s20 =	simm.s32 $0xCB58  }
0x13d: {  	[hbm4b:s19+s3] =	stream.linear.scatter [tilespmem:s20], [sflag:$0x5], $0x80, $0x38;
	[tilespmem:$0x10100] =	vst v63  }
0x13e: {  	s13 =	sadd.s32 $0x40, s2;
	s18 =	simm.s32 $0xCBE0  }
0x13f: {  	[hbm4b:s13+s3] =	stream.linear.scatter [tilespmem:s18], [sflag:$0x5], $0x80, $0x38;
	[tilespmem:$0x10100] =	vst v63  }
0x140: {  	s19 =	sadd.s32 $0x50, s2;
	s20 =	simm.s32 $0xCC68  }
0x141: {  	[hbm4b:s19+s3] =	stream.linear.scatter [tilespmem:s20], [sflag:$0x5], $0x80, $0x38;
	[tilespmem:$0x10100] =	vst v63  }
0x142: {  	s13 =	sadd.s32 $0x60, s2;
	s18 =	simm.s32 $0xCCF0  }
0x143: {  	[hbm4b:s13+s3] =	stream.linear.scatter [tilespmem:s18], [sflag:$0x5], $0x80, $0x38;
	[tilespmem:$0x10100] =	vst v63  }
0x144: {  	p1 =	seq.s32 s31, $0x31;
	s2 =	sadd.s32 $0x70, s2;
	s19 =	simm.s32 $0xCD78  }
0x145: {  	[hbm4b:s2+s3] =	stream.linear.scatter [tilespmem:s19], [sflag:$0x5], $0x80, $0x38;
	[tilespmem:$0x10100] =	vst v63  }
0x146: {  	s2 =	sshll.u32 @!p1 s0, $0x7  }
0x147: {  	s12 =	sadd.s32 @!p1 $0x200, s2  }
0x148: {  	s13 =	simm.s32 @!p1 $0x80;
	s18 =	simm.s32 @!p1 $0x7D00;
	s12 =	sand.u32 @!p1 $0xFE00, s12  }
0x149: {  	[tilespmem:s18], [sflag:$0x1] =	stream.indirect.gather @!p1 [hbm4b:s6+s13], $0x20, s12, s13, $0xb8;
	[tilespmem:$0x10100] =	vst v63  }
0x14a: {  	_ =	swait.ge [sflag:s15], $0x1000  }
0x14b: {  	[sflag:s15] =	ssyncset.done $0x0  }
0x14c: {  	s13 =	simm.s32 @!p0 $0x6;
	[sflag:s15] =	ssyncadd.s32 $0xFFFFF000  }
0x14d: {  	_ =	swait.ge @!p0 [sflag:s13], $0x400  }
0x14e: {  	[sflag:s13] =	ssyncset.done @!p0 $0x0  }
0x14f: {  	[sflag:s13] =	ssyncadd.s32 @!p0 $0xFFFFFC00  }
0x150: {  	_ =	swait.ge @!p0 [sflag:s13], $0x400  }
0x151: {  	[sflag:s13] =	ssyncset.done @!p0 $0x0  }
0x152: {  	[sflag:s13] =	ssyncadd.s32 @!p0 $0xFFFFFC00  }
0x153: {  	_ =	swait.ge @!p0 [sflag:s13], $0x400  }
0x154: {  	[sflag:s13] =	ssyncset.done @!p0 $0x0  }
0x155: {  	[sflag:s13] =	ssyncadd.s32 @!p0 $0xFFFFFC00  }
0x156: {  	s12 =	sor.u32 $0x1, s0;
	_ =	swait.ge @!p0 [sflag:s13], $0x400  }
0x157: {  	s20 =	sshll.u32 s12, $0x5;
	[sflag:s13] =	ssyncset.done @!p0 $0x0  }
0x158: {  	[sflag:s13] =	ssyncadd.s32 @!p0 $0xFFFFFC00;
	s13 =	sand.u32 $0x3FFFFFE0, s20  }
0x159: {  	s18 =	simm.s32 $0x8DF0;
	v17 =	vld [tilespmem:s13+$0x6410]  }
0x15a: {  	v18 =	vld [tilespmem:s18+$0xFFFFFF10]  }
0x15b: {  	v19 =	vld [tilespmem:s13+$0x6400]  }
0x15c: {  	v16 =	vimm.s32 $0x0;
	v20 =	vld [tilespmem:s18+$0xFFFFFF20]  }
0x15d: {  	v21 =	vadd.s32 v0, v16  }
0x15e: {  	v22 =	vadd.s32 v1, v16;
	_ =	sdelay $0x1  }
0x15f: {  	v18 =	vadd.f32 v19, v18  }
0x160: {  	v17 =	vadd.f32 v17, v20  }
0x161: {  	[tilespmem:v21+s17+$0x0] =	vst.idx.msk $0xffff, v18  }
0x162: {  	[tilespmem:v22+s17+$0x0] =	vst.idx.msk $0xffff, v17  }
0x163: {  	v17 =	vld [tilespmem:s13+$0x6410]  }
0x164: {  	v18 =	vld [tilespmem:s13+$0x6400]  }
0x165: {  	v19 =	vld [tilespmem:s18+$0xFFFFFF30]  }
0x166: {  	v20 =	vld [tilespmem:s18+$0xFFFFFF40]  }
0x167: {  	v21 =	vadd.s32 v2, v16  }
0x168: {  	v22 =	vadd.s32 v3, v16;
	_ =	sdelay $0x1  }
0x169: {  	v18 =	vadd.f32 v18, v19  }
0x16a: {  	v17 =	vadd.f32 v17, v20  }
0x16b: {  	[tilespmem:v21+s17+$0x0] =	vst.idx.msk $0xffff, v18  }
0x16c: {  	[tilespmem:v22+s17+$0x0] =	vst.idx.msk $0xffff, v17  }
0x16d: {  	v17 =	vld [tilespmem:s18+$0xFFFFFF60]  }
0x16e: {  	v18 =	vld [tilespmem:s13+$0x6400]  }
0x16f: {  	v19 =	vld [tilespmem:s18+$0xFFFFFF50]  }
0x170: {  	v20 =	vld [tilespmem:s13+$0x6410]  }
0x171: {  	v21 =	vadd.s32 v4, v16  }
0x172: {  	v22 =	vadd.s32 v5, v16;
	_ =	sdelay $0x1  }
0x173: {  	v18 =	vadd.f32 v18, v19  }
0x174: {  	v17 =	vadd.f32 v20, v17  }
0x175: {  	[tilespmem:v21+s17+$0x0] =	vst.idx.msk $0xffff, v18  }
0x176: {  	[tilespmem:v22+s17+$0x0] =	vst.idx.msk $0xffff, v17  }
0x177: {  	v17 =	vld [tilespmem:s13+$0x6410]  }
0x178: {  	v18 =	vld [tilespmem:s13+$0x6400]  }
0x179: {  	v19 =	vld [tilespmem:s18+$0xFFFFFF70]  }
0x17a: {  	v20 =	vld [tilespmem:s18+$0xFFFFFF80]  }
0x17b: {  	v21 =	vadd.s32 v6, v16  }
0x17c: {  	v22 =	vadd.s32 v7, v16;
	_ =	sdelay $0x1  }
0x17d: {  	v18 =	vadd.f32 v18, v19  }
0x17e: {  	v17 =	vadd.f32 v17, v20  }
0x17f: {  	[tilespmem:v21+s17+$0x0] =	vst.idx.msk $0xffff, v18  }
0x180: {  	[tilespmem:v22+s17+$0x0] =	vst.idx.msk $0xffff, v17  }
0x181: {  	v17 =	vld [tilespmem:s18+$0xFFFFFFA0]  }
0x182: {  	v18 =	vld [tilespmem:s13+$0x6400]  }
0x183: {  	v19 =	vld [tilespmem:s18+$0xFFFFFF90]  }
0x184: {  	v20 =	vld [tilespmem:s13+$0x6410]  }
0x185: {  	v21 =	vadd.s32 v8, v16  }
0x186: {  	v22 =	vadd.s32 v9, v16;
	_ =	sdelay $0x1  }
0x187: {  	v18 =	vadd.f32 v18, v19  }
0x188: {  	v17 =	vadd.f32 v20, v17  }
0x189: {  	[tilespmem:v21+s17+$0x0] =	vst.idx.msk $0xffff, v18  }
0x18a: {  	[tilespmem:v22+s17+$0x0] =	vst.idx.msk $0xffff, v17  }
0x18b: {  	v17 =	vld [tilespmem:s18+$0xFFFFFFC0]  }
0x18c: {  	v18 =	vld [tilespmem:s13+$0x6400]  }
0x18d: {  	v19 =	vld [tilespmem:s18+$0xFFFFFFB0]  }
0x18e: {  	v20 =	vld [tilespmem:s13+$0x6410]  }
0x18f: {  	v21 =	vadd.s32 v10, v16  }
0x190: {  	v22 =	vadd.s32 v11, v16;
	_ =	sdelay $0x1  }
0x191: {  	v18 =	vadd.f32 v18, v19  }
0x192: {  	v17 =	vadd.f32 v20, v17  }
0x193: {  	[tilespmem:v21+s17+$0x0] =	vst.idx.msk $0xffff, v18  }
0x194: {  	[tilespmem:v22+s17+$0x0] =	vst.idx.msk $0xffff, v17  }
0x195: {  	v19 =	vld [tilespmem:s18+$0xFFFFFFD0]  }
0x196: {  	v20 =	vld [tilespmem:s13+$0x6400]  }
0x197: {  	v21 =	vld [tilespmem:s18+$0xFFFFFFE0]  }
0x198: {  	v22 =	vld [tilespmem:s13+$0x6410];
	_ =	sdelay $0x1  }
0x199: {  	v23 =	vadd.s32 v12, v16;
	s19 =	simm.s32 $0x8DF0;
	s20 =	simm.s32 $0x0;
	v18 =	vadd.s32 $0x8, v16;
	v17 =	vadd.s32 v13, v16  }
.LBB2_5:
0x19a: {  	v24 =	vadd.s32 v13, v18;
	s20 =	sadd.s32 $0x8, s20;
	s18 =	sadd.s32 $0x100, s18  }
0x19b: {  	p2 =	slt.u32 s20, $0x78  }
0x19c: {  	v19 =	vadd.f32 v20, v19;
	v20 =	vadd.f32 v22, v21;
	_ =	sdelay $0x1  }
0x19d: {  	[tilespmem:v23+s17+$0x0] =	vst.idx.msk $0xffff, v19  }
0x19e: {  	[tilespmem:v17+s17+$0x0] =	vst.idx.msk $0xffff, v20;
	v17 =	vmov v24  }
0x19f: {  	v19 =	vld [tilespmem:s13+$0x6410]  }
0x1a0: {  	v20 =	vld [tilespmem:s19+$0x0]  }
0x1a1: {  	v21 =	vld [tilespmem:s19+$0xFFFFFFF0];
	s19 =	smov.u32 s18  }
0x1a2: {  	v22 =	vld [tilespmem:s13+$0x6400]  }
0x1a3: {  	v23 =	vadd.s32 v14, v16  }
0x1a4: {  	v24 =	vadd.s32 v15, v16;
	v16 =	vmov v18  }
0x1a5: {  	v19 =	vadd.f32 v19, v20;
	_ =	sdelay $0x1  }
0x1a6: {  	v20 =	vadd.f32 v22, v21;
	_ =	sdelay $0x1  }
0x1a7: {  	[tilespmem:v23+s17+$0x0] =	vst.idx.msk $0xffff, v20  }
0x1a8: {  	[tilespmem:v24+s17+$0x0] =	vst.idx.msk $0xffff, v19  }
0x1a9: {  	v19 =	vld [tilespmem:s13+$0x6410]  }
0x1aa: {  	v20 =	vld [tilespmem:s18+$0xFFFFFF10]  }
0x1ab: {  	v21 =	vld [tilespmem:s13+$0x6400]  }
0x1ac: {  	v22 =	vld [tilespmem:s18+$0xFFFFFF20]  }
0x1ad: {  	v23 =	vadd.s32 v0, v18  }
0x1ae: {  	v24 =	vadd.s32 v1, v18;
	_ =	sdelay $0x1  }
0x1af: {  	v20 =	vadd.f32 v21, v20  }
0x1b0: {  	v19 =	vadd.f32 v19, v22  }
0x1b1: {  	[tilespmem:v23+s17+$0x0] =	vst.idx.msk $0xffff, v20  }
0x1b2: {  	[tilespmem:v24+s17+$0x0] =	vst.idx.msk $0xffff, v19  }
0x1b3: {  	v19 =	vld [tilespmem:s13+$0x6410]  }
0x1b4: {  	v20 =	vld [tilespmem:s18+$0xFFFFFF40]  }
0x1b5: {  	v21 =	vld [tilespmem:s13+$0x6400]  }
0x1b6: {  	v22 =	vld [tilespmem:s18+$0xFFFFFF30];
	_ =	sdelay $0x1  }
0x1b7: {  	v23 =	vadd.s32 v2, v18  }
0x1b8: {  	v19 =	vadd.f32 v19, v20;
	v20 =	vadd.s32 v3, v18;
	_ =	sdelay $0x1  }
0x1b9: {  	v21 =	vadd.f32 v21, v22;
	_ =	sdelay $0x1  }
0x1ba: {  	[tilespmem:v23+s17+$0x0] =	vst.idx.msk $0xffff, v21  }
0x1bb: {  	[tilespmem:v20+s17+$0x0] =	vst.idx.msk $0xffff, v19  }
0x1bc: {  	v19 =	vld [tilespmem:s18+$0xFFFFFF60]  }
0x1bd: {  	v20 =	vld [tilespmem:s13+$0x6400]  }
0x1be: {  	v21 =	vld [tilespmem:s18+$0xFFFFFF50]  }
0x1bf: {  	v22 =	vld [tilespmem:s13+$0x6410]  }
0x1c0: {  	v23 =	vadd.s32 v4, v18  }
0x1c1: {  	v24 =	vadd.s32 v5, v18;
	_ =	sdelay $0x1  }
0x1c2: {  	v20 =	vadd.f32 v20, v21  }
0x1c3: {  	v19 =	vadd.f32 v22, v19  }
0x1c4: {  	[tilespmem:v23+s17+$0x0] =	vst.idx.msk $0xffff, v20  }
0x1c5: {  	[tilespmem:v24+s17+$0x0] =	vst.idx.msk $0xffff, v19  }
0x1c6: {  	v19 =	vld [tilespmem:s13+$0x6410]  }
0x1c7: {  	v20 =	vld [tilespmem:s13+$0x6400]  }
0x1c8: {  	v21 =	vld [tilespmem:s18+$0xFFFFFF70]  }
0x1c9: {  	v22 =	vld [tilespmem:s18+$0xFFFFFF80]  }
0x1ca: {  	v23 =	vadd.s32 v6, v18  }
0x1cb: {  	v24 =	vadd.s32 v7, v18;
	_ =	sdelay $0x1  }
0x1cc: {  	v20 =	vadd.f32 v20, v21  }
0x1cd: {  	v19 =	vadd.f32 v19, v22  }
0x1ce: {  	[tilespmem:v23+s17+$0x0] =	vst.idx.msk $0xffff, v20  }
0x1cf: {  	[tilespmem:v24+s17+$0x0] =	vst.idx.msk $0xffff, v19  }
0x1d0: {  	v19 =	vld [tilespmem:s18+$0xFFFFFFA0]  }
0x1d1: {  	v20 =	vld [tilespmem:s13+$0x6400]  }
0x1d2: {  	v21 =	vld [tilespmem:s18+$0xFFFFFF90]  }
0x1d3: {  	v22 =	vld [tilespmem:s13+$0x6410]  }
0x1d4: {  	v23 =	vadd.s32 v8, v18  }
0x1d5: {  	v24 =	vadd.s32 v9, v18;
	_ =	sdelay $0x1  }
0x1d6: {  	v20 =	vadd.f32 v20, v21  }
0x1d7: {  	v19 =	vadd.f32 v22, v19  }
0x1d8: {  	[tilespmem:v23+s17+$0x0] =	vst.idx.msk $0xffff, v20  }
0x1d9: {  	[tilespmem:v24+s17+$0x0] =	vst.idx.msk $0xffff, v19  }
0x1da: {  	v19 =	vld [tilespmem:s18+$0xFFFFFFC0]  }
0x1db: {  	v20 =	vld [tilespmem:s13+$0x6400]  }
0x1dc: {  	v21 =	vld [tilespmem:s18+$0xFFFFFFB0]  }
0x1dd: {  	v22 =	vld [tilespmem:s13+$0x6410]  }
0x1de: {  	v23 =	vadd.s32 v10, v18  }
0x1df: {  	v24 =	vadd.s32 v11, v18;
	_ =	sdelay $0x1  }
0x1e0: {  	v20 =	vadd.f32 v20, v21  }
0x1e1: {  	v19 =	vadd.f32 v22, v19  }
0x1e2: {  	[tilespmem:v23+s17+$0x0] =	vst.idx.msk $0xffff, v20  }
0x1e3: {  	[tilespmem:v24+s17+$0x0] =	vst.idx.msk $0xffff, v19  }
0x1e4: {  	v19 =	vld [tilespmem:s18+$0xFFFFFFD0]  }
.Ltmp3:
0x1e5: {  	v20 =	vld [tilespmem:s13+$0x6400];
	(pc) =	sbr.rel @p2 .LBB2_5-.Ltmp3, $3  }
0x1e6: {  	v21 =	vld [tilespmem:s18+$0xFFFFFFE0]  }
0x1e7: {  	v22 =	vld [tilespmem:s13+$0x6410];
	_ =	sdelay $0x1  }
0x1e8: {  	v18 =	vadd.s32 $0x8, v18;
	v23 =	vadd.s32 v12, v16  }
0x1e9: {  	_ =	sdelay $0x1  }
0x1ea: {  	v18 =	vadd.f32 v20, v19  }
0x1eb: {  	v19 =	vadd.f32 v22, v21  }
0x1ec: {  	[tilespmem:v23+s17+$0x0] =	vst.idx.msk $0xffff, v18  }
0x1ed: {  	[tilespmem:v17+s17+$0x0] =	vst.idx.msk $0xffff, v19  }
0x1ee: {  	v17 =	vld [tilespmem:s13+$0x6410]  }
0x1ef: {  	v18 =	vld [tilespmem:s19+$0xFFFFFFF0]  }
0x1f0: {  	v19 =	vld [tilespmem:s13+$0x6400]  }
0x1f1: {  	v20 =	vld [tilespmem:s19+$0x0]  }
0x1f2: {  	v21 =	vadd.s32 v14, v16  }
0x1f3: {  	v16 =	vadd.s32 v15, v16;
	_ =	sdelay $0x1  }
0x1f4: {  	s12 =	sshll.u32 s12, $0x11;
	v18 =	vadd.f32 v19, v18  }
0x1f5: {  	s12 =	sor.u32 s5, s12;
	v17 =	vadd.f32 v17, v20  }
0x1f6: {  	s12 =	sshrl.u32 s12, $0x3;
	[tilespmem:v21+s17+$0x0] =	vst.idx.msk $0xffff, v18  }
0x1f7: {  	s13 =	sadd.s32 s1, s12;
	[tilespmem:v16+s17+$0x0] =	vst.idx.msk $0xffff, v17  }
0x1f8: {  	[hbm4b:s13+s3] =	stream.linear.scatter [tilespmem:s17], [sflag:$0x6], $0x80, $0x38;
	[tilespmem:$0x10100] =	vst v63  }
0x1f9: {  	s20 =	simm.s32 $0xCE88;
	s18 =	sadd.s32 $0x10, s13  }
0x1fa: {  	[hbm4b:s18+s3] =	stream.linear.scatter [tilespmem:s20], [sflag:$0x6], $0x80, $0x38;
	[tilespmem:$0x10100] =	vst v63  }
0x1fb: {  	s19 =	sadd.s32 $0x20, s13;
	s20 =	simm.s32 $0xCF10  }
0x1fc: {  	[hbm4b:s19+s3] =	stream.linear.scatter [tilespmem:s20], [sflag:$0x6], $0x80, $0x38;
	[tilespmem:$0x10100] =	vst v63  }
0x1fd: {  	s19 =	sadd.s32 $0x30, s13;
	s20 =	simm.s32 $0xCF98  }
0x1fe: {  	[hbm4b:s19+s3] =	stream.linear.scatter [tilespmem:s20], [sflag:$0x6], $0x80, $0x38;
	[tilespmem:$0x10100] =	vst v63  }
0x1ff: {  	s19 =	sadd.s32 $0x40, s13;
	s20 =	simm.s32 $0xD020  }
0x200: {  	[hbm4b:s19+s3] =	stream.linear.scatter [tilespmem:s20], [sflag:$0x6], $0x80, $0x38;
	[tilespmem:$0x10100] =	vst v63  }
0x201: {  	s19 =	sadd.s32 $0x50, s13;
	s20 =	simm.s32 $0xD0A8  }
0x202: {  	[hbm4b:s19+s3] =	stream.linear.scatter [tilespmem:s20], [sflag:$0x6], $0x80, $0x38;
	[tilespmem:$0x10100] =	vst v63  }
0x203: {  	s19 =	sadd.s32 $0x60, s13;
	s20 =	simm.s32 $0xD130  }
0x204: {  	[hbm4b:s19+s3] =	stream.linear.scatter [tilespmem:s20], [sflag:$0x6], $0x80, $0x38;
	[tilespmem:$0x10100] =	vst v63  }
0x205: {  	s13 =	sadd.s32 $0x70, s13;
	s19 =	simm.s32 $0xD1B8  }
0x206: {  	[hbm4b:s13+s3] =	stream.linear.scatter [tilespmem:s19], [sflag:$0x6], $0x80, $0x38;
	[tilespmem:$0x10100] =	vst v63  }
0x207: {  	s20 =	simm.s32 $0xD240;
	s13 =	sadd.s32 s12, s8  }
0x208: {  	[hbm4b:s13+s3] =	stream.linear.scatter [tilespmem:s20], [sflag:$0x6], $0x80, $0x38;
	[tilespmem:$0x10100] =	vst v63  }
0x209: {  	s19 =	sadd.s32 $0x10, s13;
	s20 =	simm.s32 $0xD2C8  }
0x20a: {  	[hbm4b:s19+s3] =	stream.linear.scatter [tilespmem:s20], [sflag:$0x6], $0x80, $0x38;
	[tilespmem:$0x10100] =	vst v63  }
0x20b: {  	s19 =	sadd.s32 $0x20, s13;
	s20 =	simm.s32 $0xD350  }
0x20c: {  	[hbm4b:s19+s3] =	stream.linear.scatter [tilespmem:s20], [sflag:$0x6], $0x80, $0x38;
	[tilespmem:$0x10100] =	vst v63  }
0x20d: {  	s19 =	sadd.s32 $0x30, s13;
	s20 =	simm.s32 $0xD3D8  }
0x20e: {  	[hbm4b:s19+s3] =	stream.linear.scatter [tilespmem:s20], [sflag:$0x6], $0x80, $0x38;
	[tilespmem:$0x10100] =	vst v63  }
0x20f: {  	s19 =	sadd.s32 $0x40, s13;
	s20 =	simm.s32 $0xD460  }
0x210: {  	[hbm4b:s19+s3] =	stream.linear.scatter [tilespmem:s20], [sflag:$0x6], $0x80, $0x38;
	[tilespmem:$0x10100] =	vst v63  }
0x211: {  	s19 =	sadd.s32 $0x50, s13;
	s20 =	simm.s32 $0xD4E8  }
0x212: {  	[hbm4b:s19+s3] =	stream.linear.scatter [tilespmem:s20], [sflag:$0x6], $0x80, $0x38;
	[tilespmem:$0x10100] =	vst v63  }
0x213: {  	s19 =	sadd.s32 $0x60, s13;
	s20 =	simm.s32 $0xD570  }
0x214: {  	[hbm4b:s19+s3] =	stream.linear.scatter [tilespmem:s20], [sflag:$0x6], $0x80, $0x38;
	[tilespmem:$0x10100] =	vst v63  }
0x215: {  	s13 =	sadd.s32 $0x70, s13;
	s19 =	simm.s32 $0xD5F8  }
0x216: {  	[hbm4b:s13+s3] =	stream.linear.scatter [tilespmem:s19], [sflag:$0x6], $0x80, $0x38;
	[tilespmem:$0x10100] =	vst v63  }
0x217: {  	s20 =	simm.s32 $0xD680;
	s13 =	sadd.s32 s12, s9  }
0x218: {  	[hbm4b:s13+s3] =	stream.linear.scatter [tilespmem:s20], [sflag:$0x6], $0x80, $0x38;
	[tilespmem:$0x10100] =	vst v63  }
0x219: {  	s19 =	sadd.s32 $0x10, s13;
	s20 =	simm.s32 $0xD708  }
0x21a: {  	[hbm4b:s19+s3] =	stream.linear.scatter [tilespmem:s20], [sflag:$0x6], $0x80, $0x38;
	[tilespmem:$0x10100] =	vst v63  }
0x21b: {  	s19 =	sadd.s32 $0x20, s13;
	s20 =	simm.s32 $0xD790  }
0x21c: {  	[hbm4b:s19+s3] =	stream.linear.scatter [tilespmem:s20], [sflag:$0x6], $0x80, $0x38;
	[tilespmem:$0x10100] =	vst v63  }
0x21d: {  	s19 =	sadd.s32 $0x30, s13;
	s20 =	simm.s32 $0xD818  }
0x21e: {  	[hbm4b:s19+s3] =	stream.linear.scatter [tilespmem:s20], [sflag:$0x6], $0x80, $0x38;
	[tilespmem:$0x10100] =	vst v63  }
0x21f: {  	s19 =	sadd.s32 $0x40, s13;
	s20 =	simm.s32 $0xD8A0  }
0x220: {  	[hbm4b:s19+s3] =	stream.linear.scatter [tilespmem:s20], [sflag:$0x6], $0x80, $0x38;
	[tilespmem:$0x10100] =	vst v63  }
0x221: {  	s19 =	sadd.s32 $0x50, s13;
	s20 =	simm.s32 $0xD928  }
0x222: {  	[hbm4b:s19+s3] =	stream.linear.scatter [tilespmem:s20], [sflag:$0x6], $0x80, $0x38;
	[tilespmem:$0x10100] =	vst v63  }
0x223: {  	s19 =	sadd.s32 $0x60, s13;
	s20 =	simm.s32 $0xD9B0  }
0x224: {  	[hbm4b:s19+s3] =	stream.linear.scatter [tilespmem:s20], [sflag:$0x6], $0x80, $0x38;
	[tilespmem:$0x10100] =	vst v63  }
0x225: {  	s13 =	sadd.s32 $0x70, s13;
	s20 =	simm.s32 $0xDA38  }
0x226: {  	[hbm4b:s13+s3] =	stream.linear.scatter [tilespmem:s20], [sflag:$0x6], $0x80, $0x38;
	[tilespmem:$0x10100] =	vst v63  }
0x227: {  	s18 =	simm.s32 $0xDAC0;
	s12 =	sadd.s32 s12, s10  }
0x228: {  	[hbm4b:s12+s3] =	stream.linear.scatter [tilespmem:s18], [sflag:$0x6], $0x80, $0x38;
	[tilespmem:$0x10100] =	vst v63  }
0x229: {  	s19 =	sadd.s32 $0x10, s12;
	s20 =	simm.s32 $0xDB48  }
0x22a: {  	[hbm4b:s19+s3] =	stream.linear.scatter [tilespmem:s20], [sflag:$0x6], $0x80, $0x38;
	[tilespmem:$0x10100] =	vst v63  }
0x22b: {  	s19 =	sadd.s32 $0x20, s12;
	s20 =	simm.s32 $0xDBD0  }
0x22c: {  	[hbm4b:s19+s3] =	stream.linear.scatter [tilespmem:s20], [sflag:$0x6], $0x80, $0x38;
	[tilespmem:$0x10100] =	vst v63  }
0x22d: {  	s19 =	sadd.s32 $0x30, s12;
	s20 =	simm.s32 $0xDC58  }
0x22e: {  	[hbm4b:s19+s3] =	stream.linear.scatter [tilespmem:s20], [sflag:$0x6], $0x80, $0x38;
	[tilespmem:$0x10100] =	vst v63  }
0x22f: {  	s19 =	sadd.s32 $0x40, s12;
	s20 =	simm.s32 $0xDCE0  }
0x230: {  	[hbm4b:s19+s3] =	stream.linear.scatter [tilespmem:s20], [sflag:$0x6], $0x80, $0x38;
	[tilespmem:$0x10100] =	vst v63  }
0x231: {  	s19 =	sadd.s32 $0x50, s12;
	s20 =	simm.s32 $0xDD68  }
0x232: {  	[hbm4b:s19+s3] =	stream.linear.scatter [tilespmem:s20], [sflag:$0x6], $0x80, $0x38;
	[tilespmem:$0x10100] =	vst v63  }
0x233: {  	s19 =	sadd.s32 $0x60, s12;
	s20 =	simm.s32 $0xDDF0  }
0x234: {  	[hbm4b:s19+s3] =	stream.linear.scatter [tilespmem:s20], [sflag:$0x6], $0x80, $0x38;
	[tilespmem:$0x10100] =	vst v63  }
0x235: {  	s12 =	sadd.s32 $0x70, s12;
	s19 =	simm.s32 $0xDE78  }
0x236: {  	[hbm4b:s12+s3] =	stream.linear.scatter [tilespmem:s19], [sflag:$0x6], $0x80, $0x38;
	[tilespmem:$0x10100] =	vst v63  }
0x237: {  	s12 =	sadd.s32 @!p1 $0x280, s2  }
0x238: {  	s13 =	simm.s32 @!p1 $0x80;
	s18 =	simm.s32 @!p1 $0x8D00;
	s12 =	sand.u32 @!p1 $0xFE80, s12  }
0x239: {  	[tilespmem:s18], [sflag:$0x2] =	stream.indirect.gather @!p1 [hbm4b:s6+s13], $0x20, s12, s13, $0xb8;
	[tilespmem:$0x10100] =	vst v63  }
0x23a: {  	_ =	swait.ge [sflag:s29], $0x1000  }
0x23b: {  	[sflag:s29] =	ssyncset.done $0x0  }
0x23c: {  	s13 =	simm.s32 @!p0 $0x7;
	[sflag:s29] =	ssyncadd.s32 $0xFFFFF000  }
0x23d: {  	_ =	swait.ge @!p0 [sflag:s13], $0x400  }
0x23e: {  	[sflag:s13] =	ssyncset.done @!p0 $0x0  }
0x23f: {  	[sflag:s13] =	ssyncadd.s32 @!p0 $0xFFFFFC00  }
0x240: {  	_ =	swait.ge @!p0 [sflag:s13], $0x400  }
0x241: {  	[sflag:s13] =	ssyncset.done @!p0 $0x0  }
0x242: {  	[sflag:s13] =	ssyncadd.s32 @!p0 $0xFFFFFC00  }
0x243: {  	_ =	swait.ge @!p0 [sflag:s13], $0x400  }
0x244: {  	[sflag:s13] =	ssyncset.done @!p0 $0x0  }
0x245: {  	[sflag:s13] =	ssyncadd.s32 @!p0 $0xFFFFFC00  }
0x246: {  	s12 =	sor.u32 $0x2, s0;
	_ =	swait.ge @!p0 [sflag:s13], $0x400  }
0x247: {  	s20 =	sshll.u32 s12, $0x5;
	[sflag:s13] =	ssyncset.done @!p0 $0x0  }
0x248: {  	[sflag:s13] =	ssyncadd.s32 @!p0 $0xFFFFFC00;
	s13 =	sand.u32 $0x3FFFFFE0, s20  }
0x249: {  	s18 =	simm.s32 $0x9DF0;
	v17 =	vld [tilespmem:s13+$0x6410]  }
0x24a: {  	v18 =	vld [tilespmem:s18+$0xFFFFFF10]  }
0x24b: {  	v19 =	vld [tilespmem:s13+$0x6400]  }
0x24c: {  	v16 =	vimm.s32 $0x0;
	v20 =	vld [tilespmem:s18+$0xFFFFFF20]  }
0x24d: {  	v21 =	vadd.s32 v0, v16  }
0x24e: {  	v22 =	vadd.s32 v1, v16;
	_ =	sdelay $0x1  }
0x24f: {  	v18 =	vadd.f32 v19, v18  }
0x250: {  	v17 =	vadd.f32 v17, v20  }
0x251: {  	[tilespmem:v21+s30+$0x0] =	vst.idx.msk $0xffff, v18  }
0x252: {  	[tilespmem:v22+s30+$0x0] =	vst.idx.msk $0xffff, v17  }
0x253: {  	v17 =	vld [tilespmem:s13+$0x6410]  }
0x254: {  	v18 =	vld [tilespmem:s13+$0x6400]  }
0x255: {  	v19 =	vld [tilespmem:s18+$0xFFFFFF30]  }
0x256: {  	v20 =	vld [tilespmem:s18+$0xFFFFFF40]  }
0x257: {  	v21 =	vadd.s32 v2, v16  }
0x258: {  	v22 =	vadd.s32 v3, v16;
	_ =	sdelay $0x1  }
0x259: {  	v18 =	vadd.f32 v18, v19  }
0x25a: {  	v17 =	vadd.f32 v17, v20  }
0x25b: {  	[tilespmem:v21+s30+$0x0] =	vst.idx.msk $0xffff, v18  }
0x25c: {  	[tilespmem:v22+s30+$0x0] =	vst.idx.msk $0xffff, v17  }
0x25d: {  	v17 =	vld [tilespmem:s18+$0xFFFFFF60]  }
0x25e: {  	v18 =	vld [tilespmem:s13+$0x6400]  }
0x25f: {  	v19 =	vld [tilespmem:s18+$0xFFFFFF50]  }
0x260: {  	v20 =	vld [tilespmem:s13+$0x6410]  }
0x261: {  	v21 =	vadd.s32 v4, v16  }
0x262: {  	v22 =	vadd.s32 v5, v16;
	_ =	sdelay $0x1  }
0x263: {  	v18 =	vadd.f32 v18, v19  }
0x264: {  	v17 =	vadd.f32 v20, v17  }
0x265: {  	[tilespmem:v21+s30+$0x0] =	vst.idx.msk $0xffff, v18  }
0x266: {  	[tilespmem:v22+s30+$0x0] =	vst.idx.msk $0xffff, v17  }
0x267: {  	v17 =	vld [tilespmem:s13+$0x6410]  }
0x268: {  	v18 =	vld [tilespmem:s13+$0x6400]  }
0x269: {  	v19 =	vld [tilespmem:s18+$0xFFFFFF70]  }
0x26a: {  	v20 =	vld [tilespmem:s18+$0xFFFFFF80]  }
0x26b: {  	v21 =	vadd.s32 v6, v16  }
0x26c: {  	v22 =	vadd.s32 v7, v16;
	_ =	sdelay $0x1  }
0x26d: {  	v18 =	vadd.f32 v18, v19  }
0x26e: {  	v17 =	vadd.f32 v17, v20  }
0x26f: {  	[tilespmem:v21+s30+$0x0] =	vst.idx.msk $0xffff, v18  }
0x270: {  	[tilespmem:v22+s30+$0x0] =	vst.idx.msk $0xffff, v17  }
0x271: {  	v17 =	vld [tilespmem:s18+$0xFFFFFFA0]  }
0x272: {  	v18 =	vld [tilespmem:s13+$0x6400]  }
0x273: {  	v19 =	vld [tilespmem:s18+$0xFFFFFF90]  }
0x274: {  	v20 =	vld [tilespmem:s13+$0x6410]  }
0x275: {  	v21 =	vadd.s32 v8, v16  }
0x276: {  	v22 =	vadd.s32 v9, v16;
	_ =	sdelay $0x1  }
0x277: {  	v18 =	vadd.f32 v18, v19  }
0x278: {  	v17 =	vadd.f32 v20, v17  }
0x279: {  	[tilespmem:v21+s30+$0x0] =	vst.idx.msk $0xffff, v18  }
0x27a: {  	[tilespmem:v22+s30+$0x0] =	vst.idx.msk $0xffff, v17  }
0x27b: {  	v17 =	vld [tilespmem:s18+$0xFFFFFFC0]  }
0x27c: {  	v18 =	vld [tilespmem:s13+$0x6400]  }
0x27d: {  	v19 =	vld [tilespmem:s18+$0xFFFFFFB0]  }
0x27e: {  	v20 =	vld [tilespmem:s13+$0x6410]  }
0x27f: {  	v21 =	vadd.s32 v10, v16  }
0x280: {  	v22 =	vadd.s32 v11, v16;
	_ =	sdelay $0x1  }
0x281: {  	v18 =	vadd.f32 v18, v19  }
0x282: {  	v17 =	vadd.f32 v20, v17  }
0x283: {  	[tilespmem:v21+s30+$0x0] =	vst.idx.msk $0xffff, v18  }
0x284: {  	[tilespmem:v22+s30+$0x0] =	vst.idx.msk $0xffff, v17  }
0x285: {  	v19 =	vld [tilespmem:s18+$0xFFFFFFD0]  }
0x286: {  	v20 =	vld [tilespmem:s13+$0x6400]  }
0x287: {  	v21 =	vld [tilespmem:s18+$0xFFFFFFE0]  }
0x288: {  	v22 =	vld [tilespmem:s13+$0x6410];
	_ =	sdelay $0x1  }
0x289: {  	v23 =	vadd.s32 v12, v16;
	s19 =	simm.s32 $0x9DF0;
	s20 =	simm.s32 $0x0;
	v18 =	vadd.s32 $0x8, v16;
	v17 =	vadd.s32 v13, v16  }
.LBB2_7:
0x28a: {  	v24 =	vadd.s32 v13, v18;
	s20 =	sadd.s32 $0x8, s20;
	s18 =	sadd.s32 $0x100, s18  }
0x28b: {  	p2 =	slt.u32 s20, $0x78  }
0x28c: {  	v19 =	vadd.f32 v20, v19;
	v20 =	vadd.f32 v22, v21;
	_ =	sdelay $0x1  }
0x28d: {  	[tilespmem:v23+s30+$0x0] =	vst.idx.msk $0xffff, v19  }
0x28e: {  	[tilespmem:v17+s30+$0x0] =	vst.idx.msk $0xffff, v20;
	v17 =	vmov v24  }
0x28f: {  	v19 =	vld [tilespmem:s13+$0x6410]  }
0x290: {  	v20 =	vld [tilespmem:s19+$0x0]  }
0x291: {  	v21 =	vld [tilespmem:s19+$0xFFFFFFF0];
	s19 =	smov.u32 s18  }
0x292: {  	v22 =	vld [tilespmem:s13+$0x6400]  }
0x293: {  	v23 =	vadd.s32 v14, v16  }
0x294: {  	v24 =	vadd.s32 v15, v16;
	v16 =	vmov v18  }
0x295: {  	v19 =	vadd.f32 v19, v20;
	_ =	sdelay $0x1  }
0x296: {  	v20 =	vadd.f32 v22, v21;
	_ =	sdelay $0x1  }
0x297: {  	[tilespmem:v23+s30+$0x0] =	vst.idx.msk $0xffff, v20  }
0x298: {  	[tilespmem:v24+s30+$0x0] =	vst.idx.msk $0xffff, v19  }
0x299: {  	v19 =	vld [tilespmem:s13+$0x6410]  }
0x29a: {  	v20 =	vld [tilespmem:s18+$0xFFFFFF10]  }
0x29b: {  	v21 =	vld [tilespmem:s13+$0x6400]  }
0x29c: {  	v22 =	vld [tilespmem:s18+$0xFFFFFF20]  }
0x29d: {  	v23 =	vadd.s32 v0, v18  }
0x29e: {  	v24 =	vadd.s32 v1, v18;
	_ =	sdelay $0x1  }
0x29f: {  	v20 =	vadd.f32 v21, v20  }
0x2a0: {  	v19 =	vadd.f32 v19, v22  }
0x2a1: {  	[tilespmem:v23+s30+$0x0] =	vst.idx.msk $0xffff, v20  }
0x2a2: {  	[tilespmem:v24+s30+$0x0] =	vst.idx.msk $0xffff, v19  }
0x2a3: {  	v19 =	vld [tilespmem:s13+$0x6410]  }
0x2a4: {  	v20 =	vld [tilespmem:s18+$0xFFFFFF40]  }
0x2a5: {  	v21 =	vld [tilespmem:s13+$0x6400]  }
0x2a6: {  	v22 =	vld [tilespmem:s18+$0xFFFFFF30];
	_ =	sdelay $0x1  }
0x2a7: {  	v23 =	vadd.s32 v2, v18  }
0x2a8: {  	v19 =	vadd.f32 v19, v20;
	v20 =	vadd.s32 v3, v18;
	_ =	sdelay $0x1  }
0x2a9: {  	v21 =	vadd.f32 v21, v22;
	_ =	sdelay $0x1  }
0x2aa: {  	[tilespmem:v23+s30+$0x0] =	vst.idx.msk $0xffff, v21  }
0x2ab: {  	[tilespmem:v20+s30+$0x0] =	vst.idx.msk $0xffff, v19  }
0x2ac: {  	v19 =	vld [tilespmem:s18+$0xFFFFFF60]  }
0x2ad: {  	v20 =	vld [tilespmem:s13+$0x6400]  }
0x2ae: {  	v21 =	vld [tilespmem:s18+$0xFFFFFF50]  }
0x2af: {  	v22 =	vld [tilespmem:s13+$0x6410]  }
0x2b0: {  	v23 =	vadd.s32 v4, v18  }
0x2b1: {  	v24 =	vadd.s32 v5, v18;
	_ =	sdelay $0x1  }
0x2b2: {  	v20 =	vadd.f32 v20, v21  }
0x2b3: {  	v19 =	vadd.f32 v22, v19  }
0x2b4: {  	[tilespmem:v23+s30+$0x0] =	vst.idx.msk $0xffff, v20  }
0x2b5: {  	[tilespmem:v24+s30+$0x0] =	vst.idx.msk $0xffff, v19  }
0x2b6: {  	v19 =	vld [tilespmem:s13+$0x6410]  }
0x2b7: {  	v20 =	vld [tilespmem:s13+$0x6400]  }
0x2b8: {  	v21 =	vld [tilespmem:s18+$0xFFFFFF70]  }
0x2b9: {  	v22 =	vld [tilespmem:s18+$0xFFFFFF80]  }
0x2ba: {  	v23 =	vadd.s32 v6, v18  }
0x2bb: {  	v24 =	vadd.s32 v7, v18;
	_ =	sdelay $0x1  }
0x2bc: {  	v20 =	vadd.f32 v20, v21  }
0x2bd: {  	v19 =	vadd.f32 v19, v22  }
0x2be: {  	[tilespmem:v23+s30+$0x0] =	vst.idx.msk $0xffff, v20  }
0x2bf: {  	[tilespmem:v24+s30+$0x0] =	vst.idx.msk $0xffff, v19  }
0x2c0: {  	v19 =	vld [tilespmem:s18+$0xFFFFFFA0]  }
0x2c1: {  	v20 =	vld [tilespmem:s13+$0x6400]  }
0x2c2: {  	v21 =	vld [tilespmem:s18+$0xFFFFFF90]  }
0x2c3: {  	v22 =	vld [tilespmem:s13+$0x6410]  }
0x2c4: {  	v23 =	vadd.s32 v8, v18  }
0x2c5: {  	v24 =	vadd.s32 v9, v18;
	_ =	sdelay $0x1  }
0x2c6: {  	v20 =	vadd.f32 v20, v21  }
0x2c7: {  	v19 =	vadd.f32 v22, v19  }
0x2c8: {  	[tilespmem:v23+s30+$0x0] =	vst.idx.msk $0xffff, v20  }
0x2c9: {  	[tilespmem:v24+s30+$0x0] =	vst.idx.msk $0xffff, v19  }
0x2ca: {  	v19 =	vld [tilespmem:s18+$0xFFFFFFC0]  }
0x2cb: {  	v20 =	vld [tilespmem:s13+$0x6400]  }
0x2cc: {  	v21 =	vld [tilespmem:s18+$0xFFFFFFB0]  }
0x2cd: {  	v22 =	vld [tilespmem:s13+$0x6410]  }
0x2ce: {  	v23 =	vadd.s32 v10, v18  }
0x2cf: {  	v24 =	vadd.s32 v11, v18;
	_ =	sdelay $0x1  }
0x2d0: {  	v20 =	vadd.f32 v20, v21  }
0x2d1: {  	v19 =	vadd.f32 v22, v19  }
0x2d2: {  	[tilespmem:v23+s30+$0x0] =	vst.idx.msk $0xffff, v20  }
0x2d3: {  	[tilespmem:v24+s30+$0x0] =	vst.idx.msk $0xffff, v19  }
0x2d4: {  	v19 =	vld [tilespmem:s18+$0xFFFFFFD0]  }
.Ltmp4:
0x2d5: {  	v20 =	vld [tilespmem:s13+$0x6400];
	(pc) =	sbr.rel @p2 .LBB2_7-.Ltmp4, $3  }
0x2d6: {  	v21 =	vld [tilespmem:s18+$0xFFFFFFE0]  }
0x2d7: {  	v22 =	vld [tilespmem:s13+$0x6410];
	_ =	sdelay $0x1  }
0x2d8: {  	v18 =	vadd.s32 $0x8, v18;
	v23 =	vadd.s32 v12, v16  }
0x2d9: {  	_ =	sdelay $0x1  }
0x2da: {  	v18 =	vadd.f32 v20, v19  }
0x2db: {  	v19 =	vadd.f32 v22, v21  }
0x2dc: {  	[tilespmem:v23+s30+$0x0] =	vst.idx.msk $0xffff, v18  }
0x2dd: {  	[tilespmem:v17+s30+$0x0] =	vst.idx.msk $0xffff, v19  }
0x2de: {  	v17 =	vld [tilespmem:s13+$0x6410]  }
0x2df: {  	v18 =	vld [tilespmem:s19+$0xFFFFFFF0]  }
0x2e0: {  	v19 =	vld [tilespmem:s13+$0x6400]  }
0x2e1: {  	v20 =	vld [tilespmem:s19+$0x0]  }
0x2e2: {  	v21 =	vadd.s32 v14, v16  }
0x2e3: {  	v16 =	vadd.s32 v15, v16;
	_ =	sdelay $0x1  }
0x2e4: {  	s12 =	sshll.u32 s12, $0x11;
	v18 =	vadd.f32 v19, v18  }
0x2e5: {  	s12 =	sor.u32 s5, s12;
	v17 =	vadd.f32 v17, v20  }
0x2e6: {  	s12 =	sshrl.u32 s12, $0x3;
	[tilespmem:v21+s30+$0x0] =	vst.idx.msk $0xffff, v18  }
0x2e7: {  	s13 =	sadd.s32 s1, s12;
	[tilespmem:v16+s30+$0x0] =	vst.idx.msk $0xffff, v17  }
0x2e8: {  	[hbm4b:s13+s3] =	stream.linear.scatter [tilespmem:s30], [sflag:$0x7], $0x80, $0x38;
	[tilespmem:$0x10100] =	vst v63  }
0x2e9: {  	s20 =	simm.s32 $0xDF88;
	s18 =	sadd.s32 $0x10, s13  }
0x2ea: {  	[hbm4b:s18+s3] =	stream.linear.scatter [tilespmem:s20], [sflag:$0x7], $0x80, $0x38;
	[tilespmem:$0x10100] =	vst v63  }
0x2eb: {  	s19 =	sadd.s32 $0x20, s13;
	s20 =	simm.s32 $0xE010  }
0x2ec: {  	[hbm4b:s19+s3] =	stream.linear.scatter [tilespmem:s20], [sflag:$0x7], $0x80, $0x38;
	[tilespmem:$0x10100] =	vst v63  }
0x2ed: {  	s19 =	sadd.s32 $0x30, s13;
	s20 =	simm.s32 $0xE098  }
0x2ee: {  	[hbm4b:s19+s3] =	stream.linear.scatter [tilespmem:s20], [sflag:$0x7], $0x80, $0x38;
	[tilespmem:$0x10100] =	vst v63  }
0x2ef: {  	s19 =	sadd.s32 $0x40, s13;
	s20 =	simm.s32 $0xE120  }
0x2f0: {  	[hbm4b:s19+s3] =	stream.linear.scatter [tilespmem:s20], [sflag:$0x7], $0x80, $0x38;
	[tilespmem:$0x10100] =	vst v63  }
0x2f1: {  	s19 =	sadd.s32 $0x50, s13;
	s20 =	simm.s32 $0xE1A8  }
0x2f2: {  	[hbm4b:s19+s3] =	stream.linear.scatter [tilespmem:s20], [sflag:$0x7], $0x80, $0x38;
	[tilespmem:$0x10100] =	vst v63  }
0x2f3: {  	s19 =	sadd.s32 $0x60, s13;
	s20 =	simm.s32 $0xE230  }
0x2f4: {  	[hbm4b:s19+s3] =	stream.linear.scatter [tilespmem:s20], [sflag:$0x7], $0x80, $0x38;
	[tilespmem:$0x10100] =	vst v63  }
0x2f5: {  	s13 =	sadd.s32 $0x70, s13;
	s19 =	simm.s32 $0xE2B8  }
0x2f6: {  	[hbm4b:s13+s3] =	stream.linear.scatter [tilespmem:s19], [sflag:$0x7], $0x80, $0x38;
	[tilespmem:$0x10100] =	vst v63  }
0x2f7: {  	s20 =	simm.s32 $0xE340;
	s13 =	sadd.s32 s12, s8  }
0x2f8: {  	[hbm4b:s13+s3] =	stream.linear.scatter [tilespmem:s20], [sflag:$0x7], $0x80, $0x38;
	[tilespmem:$0x10100] =	vst v63  }
0x2f9: {  	s19 =	sadd.s32 $0x10, s13;
	s20 =	simm.s32 $0xE3C8  }
0x2fa: {  	[hbm4b:s19+s3] =	stream.linear.scatter [tilespmem:s20], [sflag:$0x7], $0x80, $0x38;
	[tilespmem:$0x10100] =	vst v63  }
0x2fb: {  	s19 =	sadd.s32 $0x20, s13;
	s20 =	simm.s32 $0xE450  }
0x2fc: {  	[hbm4b:s19+s3] =	stream.linear.scatter [tilespmem:s20], [sflag:$0x7], $0x80, $0x38;
	[tilespmem:$0x10100] =	vst v63  }
0x2fd: {  	s19 =	sadd.s32 $0x30, s13;
	s20 =	simm.s32 $0xE4D8  }
0x2fe: {  	[hbm4b:s19+s3] =	stream.linear.scatter [tilespmem:s20], [sflag:$0x7], $0x80, $0x38;
	[tilespmem:$0x10100] =	vst v63  }
0x2ff: {  	s19 =	sadd.s32 $0x40, s13;
	s20 =	simm.s32 $0xE560  }
0x300: {  	[hbm4b:s19+s3] =	stream.linear.scatter [tilespmem:s20], [sflag:$0x7], $0x80, $0x38;
	[tilespmem:$0x10100] =	vst v63  }
0x301: {  	s19 =	sadd.s32 $0x50, s13;
	s20 =	simm.s32 $0xE5E8  }
0x302: {  	[hbm4b:s19+s3] =	stream.linear.scatter [tilespmem:s20], [sflag:$0x7], $0x80, $0x38;
	[tilespmem:$0x10100] =	vst v63  }
0x303: {  	s19 =	sadd.s32 $0x60, s13;
	s20 =	simm.s32 $0xE670  }
0x304: {  	[hbm4b:s19+s3] =	stream.linear.scatter [tilespmem:s20], [sflag:$0x7], $0x80, $0x38;
	[tilespmem:$0x10100] =	vst v63  }
0x305: {  	s13 =	sadd.s32 $0x70, s13;
	s19 =	simm.s32 $0xE6F8  }
0x306: {  	[hbm4b:s13+s3] =	stream.linear.scatter [tilespmem:s19], [sflag:$0x7], $0x80, $0x38;
	[tilespmem:$0x10100] =	vst v63  }
0x307: {  	s20 =	simm.s32 $0xE780;
	s13 =	sadd.s32 s12, s9  }
0x308: {  	[hbm4b:s13+s3] =	stream.linear.scatter [tilespmem:s20], [sflag:$0x7], $0x80, $0x38;
	[tilespmem:$0x10100] =	vst v63  }
0x309: {  	s19 =	sadd.s32 $0x10, s13;
	s20 =	simm.s32 $0xE808  }
0x30a: {  	[hbm4b:s19+s3] =	stream.linear.scatter [tilespmem:s20], [sflag:$0x7], $0x80, $0x38;
	[tilespmem:$0x10100] =	vst v63  }
0x30b: {  	s19 =	sadd.s32 $0x20, s13;
	s20 =	simm.s32 $0xE890  }
0x30c: {  	[hbm4b:s19+s3] =	stream.linear.scatter [tilespmem:s20], [sflag:$0x7], $0x80, $0x38;
	[tilespmem:$0x10100] =	vst v63  }
0x30d: {  	s19 =	sadd.s32 $0x30, s13;
	s20 =	simm.s32 $0xE918  }
0x30e: {  	[hbm4b:s19+s3] =	stream.linear.scatter [tilespmem:s20], [sflag:$0x7], $0x80, $0x38;
	[tilespmem:$0x10100] =	vst v63  }
0x30f: {  	s19 =	sadd.s32 $0x40, s13;
	s20 =	simm.s32 $0xE9A0  }
0x310: {  	[hbm4b:s19+s3] =	stream.linear.scatter [tilespmem:s20], [sflag:$0x7], $0x80, $0x38;
	[tilespmem:$0x10100] =	vst v63  }
0x311: {  	s19 =	sadd.s32 $0x50, s13;
	s20 =	simm.s32 $0xEA28  }
0x312: {  	[hbm4b:s19+s3] =	stream.linear.scatter [tilespmem:s20], [sflag:$0x7], $0x80, $0x38;
	[tilespmem:$0x10100] =	vst v63  }
0x313: {  	s19 =	sadd.s32 $0x60, s13;
	s20 =	simm.s32 $0xEAB0  }
0x314: {  	[hbm4b:s19+s3] =	stream.linear.scatter [tilespmem:s20], [sflag:$0x7], $0x80, $0x38;
	[tilespmem:$0x10100] =	vst v63  }
0x315: {  	s13 =	sadd.s32 $0x70, s13;
	s20 =	simm.s32 $0xEB38  }
0x316: {  	[hbm4b:s13+s3] =	stream.linear.scatter [tilespmem:s20], [sflag:$0x7], $0x80, $0x38;
	[tilespmem:$0x10100] =	vst v63  }
0x317: {  	s18 =	simm.s32 $0xEBC0;
	s12 =	sadd.s32 s12, s10  }
0x318: {  	[hbm4b:s12+s3] =	stream.linear.scatter [tilespmem:s18], [sflag:$0x7], $0x80, $0x38;
	[tilespmem:$0x10100] =	vst v63  }
0x319: {  	s19 =	sadd.s32 $0x10, s12;
	s20 =	simm.s32 $0xEC48  }
0x31a: {  	[hbm4b:s19+s3] =	stream.linear.scatter [tilespmem:s20], [sflag:$0x7], $0x80, $0x38;
	[tilespmem:$0x10100] =	vst v63  }
0x31b: {  	s19 =	sadd.s32 $0x20, s12;
	s20 =	simm.s32 $0xECD0  }
0x31c: {  	[hbm4b:s19+s3] =	stream.linear.scatter [tilespmem:s20], [sflag:$0x7], $0x80, $0x38;
	[tilespmem:$0x10100] =	vst v63  }
0x31d: {  	s19 =	sadd.s32 $0x30, s12;
	s20 =	simm.s32 $0xED58  }
0x31e: {  	[hbm4b:s19+s3] =	stream.linear.scatter [tilespmem:s20], [sflag:$0x7], $0x80, $0x38;
	[tilespmem:$0x10100] =	vst v63  }
0x31f: {  	s19 =	sadd.s32 $0x40, s12;
	s20 =	simm.s32 $0xEDE0  }
0x320: {  	[hbm4b:s19+s3] =	stream.linear.scatter [tilespmem:s20], [sflag:$0x7], $0x80, $0x38;
	[tilespmem:$0x10100] =	vst v63  }
0x321: {  	s19 =	sadd.s32 $0x50, s12;
	s20 =	simm.s32 $0xEE68  }
0x322: {  	[hbm4b:s19+s3] =	stream.linear.scatter [tilespmem:s20], [sflag:$0x7], $0x80, $0x38;
	[tilespmem:$0x10100] =	vst v63  }
0x323: {  	s19 =	sadd.s32 $0x60, s12;
	s20 =	simm.s32 $0xEEF0  }
0x324: {  	[hbm4b:s19+s3] =	stream.linear.scatter [tilespmem:s20], [sflag:$0x7], $0x80, $0x38;
	[tilespmem:$0x10100] =	vst v63  }
0x325: {  	s2 =	sadd.s32 @!p1 $0x300, s2;
	s12 =	sadd.s32 $0x70, s12;
	s19 =	simm.s32 $0xEF78  }
0x326: {  	[hbm4b:s12+s3] =	stream.linear.scatter [tilespmem:s19], [sflag:$0x7], $0x80, $0x38;
	[tilespmem:$0x10100] =	vst v63  }
0x327: {  	s2 =	sand.u32 @!p1 $0xFF00, s2;
	s13 =	simm.s32 @!p1 $0x9D00;
	s12 =	simm.s32 @!p1 $0x80  }
0x328: {  	[tilespmem:s13], [sflag:$0x3] =	stream.indirect.gather @!p1 [hbm4b:s6+s12], $0x20, s2, s12, $0xb8;
	[tilespmem:$0x10100] =	vst v63  }
0x329: {  	_ =	swait.ge [sflag:s25], $0x1000  }
0x32a: {  	[sflag:s25] =	ssyncset.done $0x0  }
0x32b: {  	s12 =	simm.s32 @!p0 $0x8;
	[sflag:s25] =	ssyncadd.s32 $0xFFFFF000  }
0x32c: {  	_ =	swait.ge @!p0 [sflag:s12], $0x400  }
0x32d: {  	[sflag:s12] =	ssyncset.done @!p0 $0x0  }
0x32e: {  	[sflag:s12] =	ssyncadd.s32 @!p0 $0xFFFFFC00  }
0x32f: {  	_ =	swait.ge @!p0 [sflag:s12], $0x400  }
0x330: {  	[sflag:s12] =	ssyncset.done @!p0 $0x0  }
0x331: {  	[sflag:s12] =	ssyncadd.s32 @!p0 $0xFFFFFC00  }
0x332: {  	_ =	swait.ge @!p0 [sflag:s12], $0x400  }
0x333: {  	[sflag:s12] =	ssyncset.done @!p0 $0x0  }
0x334: {  	[sflag:s12] =	ssyncadd.s32 @!p0 $0xFFFFFC00  }
0x335: {  	s2 =	sor.u32 $0x3, s0;
	_ =	swait.ge @!p0 [sflag:s12], $0x400  }
0x336: {  	s20 =	sshll.u32 s2, $0x5;
	[sflag:s12] =	ssyncset.done @!p0 $0x0  }
0x337: {  	[sflag:s12] =	ssyncadd.s32 @!p0 $0xFFFFFC00;
	s12 =	sand.u32 $0x3FFFFFE0, s20  }
0x338: {  	s13 =	simm.s32 $0xADF0;
	v17 =	vld [tilespmem:s12+$0x6410]  }
0x339: {  	v18 =	vld [tilespmem:s13+$0xFFFFFF10]  }
0x33a: {  	v19 =	vld [tilespmem:s12+$0x6400]  }
0x33b: {  	v16 =	vimm.s32 $0x0;
	v20 =	vld [tilespmem:s13+$0xFFFFFF20]  }
0x33c: {  	v21 =	vadd.s32 v0, v16  }
0x33d: {  	v22 =	vadd.s32 v1, v16;
	_ =	sdelay $0x1  }
0x33e: {  	v18 =	vadd.f32 v19, v18  }
0x33f: {  	v17 =	vadd.f32 v17, v20  }
0x340: {  	[tilespmem:v21+s26+$0x0] =	vst.idx.msk $0xffff, v18  }
0x341: {  	[tilespmem:v22+s26+$0x0] =	vst.idx.msk $0xffff, v17  }
0x342: {  	v17 =	vld [tilespmem:s12+$0x6410]  }
0x343: {  	v18 =	vld [tilespmem:s12+$0x6400]  }
0x344: {  	v19 =	vld [tilespmem:s13+$0xFFFFFF30]  }
0x345: {  	v20 =	vld [tilespmem:s13+$0xFFFFFF40]  }
0x346: {  	v21 =	vadd.s32 v2, v16  }
0x347: {  	v22 =	vadd.s32 v3, v16;
	_ =	sdelay $0x1  }
0x348: {  	v18 =	vadd.f32 v18, v19  }
0x349: {  	v17 =	vadd.f32 v17, v20  }
0x34a: {  	[tilespmem:v21+s26+$0x0] =	vst.idx.msk $0xffff, v18  }
0x34b: {  	[tilespmem:v22+s26+$0x0] =	vst.idx.msk $0xffff, v17  }
0x34c: {  	v17 =	vld [tilespmem:s13+$0xFFFFFF60]  }
0x34d: {  	v18 =	vld [tilespmem:s12+$0x6400]  }
0x34e: {  	v19 =	vld [tilespmem:s13+$0xFFFFFF50]  }
0x34f: {  	v20 =	vld [tilespmem:s12+$0x6410]  }
0x350: {  	v21 =	vadd.s32 v4, v16  }
0x351: {  	v22 =	vadd.s32 v5, v16;
	_ =	sdelay $0x1  }
0x352: {  	v18 =	vadd.f32 v18, v19  }
0x353: {  	v17 =	vadd.f32 v20, v17  }
0x354: {  	[tilespmem:v21+s26+$0x0] =	vst.idx.msk $0xffff, v18  }
0x355: {  	[tilespmem:v22+s26+$0x0] =	vst.idx.msk $0xffff, v17  }
0x356: {  	v17 =	vld [tilespmem:s12+$0x6410]  }
0x357: {  	v18 =	vld [tilespmem:s12+$0x6400]  }
0x358: {  	v19 =	vld [tilespmem:s13+$0xFFFFFF70]  }
0x359: {  	v20 =	vld [tilespmem:s13+$0xFFFFFF80]  }
0x35a: {  	v21 =	vadd.s32 v6, v16  }
0x35b: {  	v22 =	vadd.s32 v7, v16;
	_ =	sdelay $0x1  }
0x35c: {  	v18 =	vadd.f32 v18, v19  }
0x35d: {  	v17 =	vadd.f32 v17, v20  }
0x35e: {  	[tilespmem:v21+s26+$0x0] =	vst.idx.msk $0xffff, v18  }
0x35f: {  	[tilespmem:v22+s26+$0x0] =	vst.idx.msk $0xffff, v17  }
0x360: {  	v17 =	vld [tilespmem:s13+$0xFFFFFFA0]  }
0x361: {  	v18 =	vld [tilespmem:s12+$0x6400]  }
0x362: {  	v19 =	vld [tilespmem:s13+$0xFFFFFF90]  }
0x363: {  	v20 =	vld [tilespmem:s12+$0x6410]  }
0x364: {  	v21 =	vadd.s32 v8, v16  }
0x365: {  	v22 =	vadd.s32 v9, v16;
	_ =	sdelay $0x1  }
0x366: {  	v18 =	vadd.f32 v18, v19  }
0x367: {  	v17 =	vadd.f32 v20, v17  }
0x368: {  	[tilespmem:v21+s26+$0x0] =	vst.idx.msk $0xffff, v18  }
0x369: {  	[tilespmem:v22+s26+$0x0] =	vst.idx.msk $0xffff, v17  }
0x36a: {  	v17 =	vld [tilespmem:s13+$0xFFFFFFC0]  }
0x36b: {  	v18 =	vld [tilespmem:s12+$0x6400]  }
0x36c: {  	v19 =	vld [tilespmem:s13+$0xFFFFFFB0]  }
0x36d: {  	v20 =	vld [tilespmem:s12+$0x6410]  }
0x36e: {  	v21 =	vadd.s32 v10, v16  }
0x36f: {  	v22 =	vadd.s32 v11, v16;
	_ =	sdelay $0x1  }
0x370: {  	v18 =	vadd.f32 v18, v19  }
0x371: {  	v17 =	vadd.f32 v20, v17  }
0x372: {  	[tilespmem:v21+s26+$0x0] =	vst.idx.msk $0xffff, v18  }
0x373: {  	[tilespmem:v22+s26+$0x0] =	vst.idx.msk $0xffff, v17  }
0x374: {  	v19 =	vld [tilespmem:s13+$0xFFFFFFD0]  }
0x375: {  	v20 =	vld [tilespmem:s12+$0x6400]  }
0x376: {  	v21 =	vld [tilespmem:s13+$0xFFFFFFE0]  }
0x377: {  	v22 =	vld [tilespmem:s12+$0x6410];
	_ =	sdelay $0x1  }
0x378: {  	v23 =	vadd.s32 v12, v16;
	s18 =	simm.s32 $0xADF0;
	s19 =	simm.s32 $0x0;
	v18 =	vadd.s32 $0x8, v16;
	v17 =	vadd.s32 v13, v16  }
.LBB2_9:
0x379: {  	v24 =	vadd.s32 v13, v18;
	s19 =	sadd.s32 $0x8, s19;
	s13 =	sadd.s32 $0x100, s13  }
0x37a: {  	p0 =	slt.u32 s19, $0x78  }
0x37b: {  	v19 =	vadd.f32 v20, v19;
	v20 =	vadd.f32 v22, v21;
	_ =	sdelay $0x1  }
0x37c: {  	[tilespmem:v23+s26+$0x0] =	vst.idx.msk $0xffff, v19  }
0x37d: {  	[tilespmem:v17+s26+$0x0] =	vst.idx.msk $0xffff, v20;
	v17 =	vmov v24  }
0x37e: {  	v19 =	vld [tilespmem:s12+$0x6410]  }
0x37f: {  	v20 =	vld [tilespmem:s18+$0x0]  }
0x380: {  	v21 =	vld [tilespmem:s18+$0xFFFFFFF0];
	s18 =	smov.u32 s13  }
0x381: {  	v22 =	vld [tilespmem:s12+$0x6400]  }
0x382: {  	v23 =	vadd.s32 v14, v16  }
0x383: {  	v24 =	vadd.s32 v15, v16;
	v16 =	vmov v18  }
0x384: {  	v19 =	vadd.f32 v19, v20;
	_ =	sdelay $0x1  }
0x385: {  	v20 =	vadd.f32 v22, v21;
	_ =	sdelay $0x1  }
0x386: {  	[tilespmem:v23+s26+$0x0] =	vst.idx.msk $0xffff, v20  }
0x387: {  	[tilespmem:v24+s26+$0x0] =	vst.idx.msk $0xffff, v19  }
0x388: {  	v19 =	vld [tilespmem:s12+$0x6410]  }
0x389: {  	v20 =	vld [tilespmem:s13+$0xFFFFFF10]  }
0x38a: {  	v21 =	vld [tilespmem:s12+$0x6400]  }
0x38b: {  	v22 =	vld [tilespmem:s13+$0xFFFFFF20]  }
0x38c: {  	v23 =	vadd.s32 v0, v18  }
0x38d: {  	v24 =	vadd.s32 v1, v18;
	_ =	sdelay $0x1  }
0x38e: {  	v20 =	vadd.f32 v21, v20  }
0x38f: {  	v19 =	vadd.f32 v19, v22  }
0x390: {  	[tilespmem:v23+s26+$0x0] =	vst.idx.msk $0xffff, v20  }
0x391: {  	[tilespmem:v24+s26+$0x0] =	vst.idx.msk $0xffff, v19  }
0x392: {  	v19 =	vld [tilespmem:s12+$0x6410]  }
0x393: {  	v20 =	vld [tilespmem:s13+$0xFFFFFF40]  }
0x394: {  	v21 =	vld [tilespmem:s12+$0x6400]  }
0x395: {  	v22 =	vld [tilespmem:s13+$0xFFFFFF30];
	_ =	sdelay $0x1  }
0x396: {  	v23 =	vadd.s32 v2, v18  }
0x397: {  	v19 =	vadd.f32 v19, v20;
	v20 =	vadd.s32 v3, v18;
	_ =	sdelay $0x1  }
0x398: {  	v21 =	vadd.f32 v21, v22;
	_ =	sdelay $0x1  }
0x399: {  	[tilespmem:v23+s26+$0x0] =	vst.idx.msk $0xffff, v21  }
0x39a: {  	[tilespmem:v20+s26+$0x0] =	vst.idx.msk $0xffff, v19  }
0x39b: {  	v19 =	vld [tilespmem:s13+$0xFFFFFF60]  }
0x39c: {  	v20 =	vld [tilespmem:s12+$0x6400]  }
0x39d: {  	v21 =	vld [tilespmem:s13+$0xFFFFFF50]  }
0x39e: {  	v22 =	vld [tilespmem:s12+$0x6410]  }
0x39f: {  	v23 =	vadd.s32 v4, v18  }
0x3a0: {  	v24 =	vadd.s32 v5, v18;
	_ =	sdelay $0x1  }
0x3a1: {  	v20 =	vadd.f32 v20, v21  }
0x3a2: {  	v19 =	vadd.f32 v22, v19  }
0x3a3: {  	[tilespmem:v23+s26+$0x0] =	vst.idx.msk $0xffff, v20  }
0x3a4: {  	[tilespmem:v24+s26+$0x0] =	vst.idx.msk $0xffff, v19  }
0x3a5: {  	v19 =	vld [tilespmem:s12+$0x6410]  }
0x3a6: {  	v20 =	vld [tilespmem:s12+$0x6400]  }
0x3a7: {  	v21 =	vld [tilespmem:s13+$0xFFFFFF70]  }
0x3a8: {  	v22 =	vld [tilespmem:s13+$0xFFFFFF80]  }
0x3a9: {  	v23 =	vadd.s32 v6, v18  }
0x3aa: {  	v24 =	vadd.s32 v7, v18;
	_ =	sdelay $0x1  }
0x3ab: {  	v20 =	vadd.f32 v20, v21  }
0x3ac: {  	v19 =	vadd.f32 v19, v22  }
0x3ad: {  	[tilespmem:v23+s26+$0x0] =	vst.idx.msk $0xffff, v20  }
0x3ae: {  	[tilespmem:v24+s26+$0x0] =	vst.idx.msk $0xffff, v19  }
0x3af: {  	v19 =	vld [tilespmem:s13+$0xFFFFFFA0]  }
0x3b0: {  	v20 =	vld [tilespmem:s12+$0x6400]  }
0x3b1: {  	v21 =	vld [tilespmem:s13+$0xFFFFFF90]  }
0x3b2: {  	v22 =	vld [tilespmem:s12+$0x6410]  }
0x3b3: {  	v23 =	vadd.s32 v8, v18  }
0x3b4: {  	v24 =	vadd.s32 v9, v18;
	_ =	sdelay $0x1  }
0x3b5: {  	v20 =	vadd.f32 v20, v21  }
0x3b6: {  	v19 =	vadd.f32 v22, v19  }
0x3b7: {  	[tilespmem:v23+s26+$0x0] =	vst.idx.msk $0xffff, v20  }
0x3b8: {  	[tilespmem:v24+s26+$0x0] =	vst.idx.msk $0xffff, v19  }
0x3b9: {  	v19 =	vld [tilespmem:s13+$0xFFFFFFC0]  }
0x3ba: {  	v20 =	vld [tilespmem:s12+$0x6400]  }
0x3bb: {  	v21 =	vld [tilespmem:s13+$0xFFFFFFB0]  }
0x3bc: {  	v22 =	vld [tilespmem:s12+$0x6410]  }
0x3bd: {  	v23 =	vadd.s32 v10, v18  }
0x3be: {  	v24 =	vadd.s32 v11, v18;
	_ =	sdelay $0x1  }
0x3bf: {  	v20 =	vadd.f32 v20, v21  }
0x3c0: {  	v19 =	vadd.f32 v22, v19  }
0x3c1: {  	[tilespmem:v23+s26+$0x0] =	vst.idx.msk $0xffff, v20  }
0x3c2: {  	[tilespmem:v24+s26+$0x0] =	vst.idx.msk $0xffff, v19  }
0x3c3: {  	v19 =	vld [tilespmem:s13+$0xFFFFFFD0]  }
.Ltmp5:
0x3c4: {  	v20 =	vld [tilespmem:s12+$0x6400];
	(pc) =	sbr.rel @p0 .LBB2_9-.Ltmp5, $3  }
0x3c5: {  	v21 =	vld [tilespmem:s13+$0xFFFFFFE0]  }
0x3c6: {  	v22 =	vld [tilespmem:s12+$0x6410];
	_ =	sdelay $0x1  }
0x3c7: {  	v18 =	vadd.s32 $0x8, v18;
	v23 =	vadd.s32 v12, v16  }
0x3c8: {  	_ =	sdelay $0x1  }
0x3c9: {  	v18 =	vadd.f32 v20, v19  }
0x3ca: {  	v61 =	vadd.f32 v22, v21  }
0x3cb: {  	[tilespmem:v23+s26+$0x0] =	vst.idx.msk $0xffff, v18  }
0x3cc: {  	[tilespmem:v17+s26+$0x0] =	vst.idx.msk $0xffff, v61  }
0x3cd: {  	v17 =	vld [tilespmem:s12+$0x6410]  }
0x3ce: {  	v18 =	vld [tilespmem:s18+$0xFFFFFFF0]  }
0x3cf: {  	v19 =	vld [tilespmem:s12+$0x6400]  }
0x3d0: {  	v62 =	vld [tilespmem:s18+$0x0]  }
0x3d1: {  	v63 =	vadd.s32 v14, v16  }
0x3d2: {  	v16 =	vadd.s32 v15, v16;
	_ =	sdelay $0x1  }
0x3d3: {  	s2 =	sshll.u32 s2, $0x11;
	v18 =	vadd.f32 v19, v18  }
0x3d4: {  	s2 =	sor.u32 s5, s2;
	v17 =	vadd.f32 v17, v62  }
0x3d5: {  	s2 =	sshrl.u32 s2, $0x3;
	[tilespmem:v63+s26+$0x0] =	vst.idx.msk $0xffff, v18  }
0x3d6: {  	s12 =	sadd.s32 s1, s2;
	[tilespmem:v16+s26+$0x0] =	vst.idx.msk $0xffff, v17  }
0x3d7: {  	[hbm4b:s12+s3] =	stream.linear.scatter [tilespmem:s26], [sflag:$0x8], $0x80, $0x38;
	[tilespmem:$0x10100] =	vst v63  }
0x3d8: {  	s20 =	simm.s32 $0xF088;
	s13 =	sadd.s32 $0x10, s12  }
0x3d9: {  	[hbm4b:s13+s3] =	stream.linear.scatter [tilespmem:s20], [sflag:$0x8], $0x80, $0x38;
	[tilespmem:$0x10100] =	vst v63  }
0x3da: {  	s19 =	sadd.s32 $0x20, s12;
	s20 =	simm.s32 $0xF110  }
0x3db: {  	[hbm4b:s19+s3] =	stream.linear.scatter [tilespmem:s20], [sflag:$0x8], $0x80, $0x38;
	[tilespmem:$0x10100] =	vst v63  }
0x3dc: {  	s19 =	sadd.s32 $0x30, s12;
	s20 =	simm.s32 $0xF198  }
0x3dd: {  	[hbm4b:s19+s3] =	stream.linear.scatter [tilespmem:s20], [sflag:$0x8], $0x80, $0x38;
	[tilespmem:$0x10100] =	vst v63  }
0x3de: {  	s19 =	sadd.s32 $0x40, s12;
	s20 =	simm.s32 $0xF220  }
0x3df: {  	[hbm4b:s19+s3] =	stream.linear.scatter [tilespmem:s20], [sflag:$0x8], $0x80, $0x38;
	[tilespmem:$0x10100] =	vst v63  }
0x3e0: {  	s19 =	sadd.s32 $0x50, s12;
	s20 =	simm.s32 $0xF2A8  }
0x3e1: {  	[hbm4b:s19+s3] =	stream.linear.scatter [tilespmem:s20], [sflag:$0x8], $0x80, $0x38;
	[tilespmem:$0x10100] =	vst v63  }
0x3e2: {  	s18 =	sadd.s32 $0x60, s12;
	s19 =	simm.s32 $0xF330  }
0x3e3: {  	[hbm4b:s18+s3] =	stream.linear.scatter [tilespmem:s19], [sflag:$0x8], $0x80, $0x38;
	[tilespmem:$0x10100] =	vst v63  }
0x3e4: {  	s12 =	sadd.s32 $0x70, s12;
	s20 =	simm.s32 $0xF3B8  }
0x3e5: {  	[hbm4b:s12+s3] =	stream.linear.scatter [tilespmem:s20], [sflag:$0x8], $0x80, $0x38;
	[tilespmem:$0x10100] =	vst v63  }
0x3e6: {  	s18 =	simm.s32 $0xF440;
	s12 =	sadd.s32 s2, s8  }
0x3e7: {  	[hbm4b:s12+s3] =	stream.linear.scatter [tilespmem:s18], [sflag:$0x8], $0x80, $0x38;
	[tilespmem:$0x10100] =	vst v63  }
0x3e8: {  	s20 =	simm.s32 $0xF4C8;
	s19 =	sadd.s32 $0x10, s12  }
0x3e9: {  	[hbm4b:s19+s3] =	stream.linear.scatter [tilespmem:s20], [sflag:$0x8], $0x80, $0x38;
	[tilespmem:$0x10100] =	vst v63  }
0x3ea: {  	s19 =	sadd.s32 $0x20, s12;
	s20 =	simm.s32 $0xF550  }
0x3eb: {  	[hbm4b:s19+s3] =	stream.linear.scatter [tilespmem:s20], [sflag:$0x8], $0x80, $0x38;
	[tilespmem:$0x10100] =	vst v63  }
0x3ec: {  	s19 =	sadd.s32 $0x30, s12;
	s20 =	simm.s32 $0xF5D8  }
0x3ed: {  	[hbm4b:s19+s3] =	stream.linear.scatter [tilespmem:s20], [sflag:$0x8], $0x80, $0x38;
	[tilespmem:$0x10100] =	vst v63  }
0x3ee: {  	s19 =	sadd.s32 $0x40, s12;
	s20 =	simm.s32 $0xF660  }
0x3ef: {  	[hbm4b:s19+s3] =	stream.linear.scatter [tilespmem:s20], [sflag:$0x8], $0x80, $0x38;
	[tilespmem:$0x10100] =	vst v63  }
0x3f0: {  	s19 =	sadd.s32 $0x50, s12;
	s20 =	simm.s32 $0xF6E8  }
0x3f1: {  	[hbm4b:s19+s3] =	stream.linear.scatter [tilespmem:s20], [sflag:$0x8], $0x80, $0x38;
	[tilespmem:$0x10100] =	vst v63  }
0x3f2: {  	s18 =	sadd.s32 $0x60, s12;
	s19 =	simm.s32 $0xF770  }
0x3f3: {  	[hbm4b:s18+s3] =	stream.linear.scatter [tilespmem:s19], [sflag:$0x8], $0x80, $0x38;
	[tilespmem:$0x10100] =	vst v63  }
0x3f4: {  	s12 =	sadd.s32 $0x70, s12;
	s20 =	simm.s32 $0xF7F8  }
0x3f5: {  	[hbm4b:s12+s3] =	stream.linear.scatter [tilespmem:s20], [sflag:$0x8], $0x80, $0x38;
	[tilespmem:$0x10100] =	vst v63  }
0x3f6: {  	s18 =	simm.s32 $0xF880;
	s12 =	sadd.s32 s2, s9  }
0x3f7: {  	[hbm4b:s12+s3] =	stream.linear.scatter [tilespmem:s18], [sflag:$0x8], $0x80, $0x38;
	[tilespmem:$0x10100] =	vst v63  }
0x3f8: {  	s20 =	simm.s32 $0xF908;
	s19 =	sadd.s32 $0x10, s12  }
0x3f9: {  	[hbm4b:s19+s3] =	stream.linear.scatter [tilespmem:s20], [sflag:$0x8], $0x80, $0x38;
	[tilespmem:$0x10100] =	vst v63  }
0x3fa: {  	s19 =	sadd.s32 $0x20, s12;
	s20 =	simm.s32 $0xF990  }
0x3fb: {  	[hbm4b:s19+s3] =	stream.linear.scatter [tilespmem:s20], [sflag:$0x8], $0x80, $0x38;
	[tilespmem:$0x10100] =	vst v63  }
0x3fc: {  	s19 =	sadd.s32 $0x30, s12;
	s20 =	simm.s32 $0xFA18  }
0x3fd: {  	[hbm4b:s19+s3] =	stream.linear.scatter [tilespmem:s20], [sflag:$0x8], $0x80, $0x38;
	[tilespmem:$0x10100] =	vst v63  }
0x3fe: {  	s19 =	sadd.s32 $0x40, s12;
	s20 =	simm.s32 $0xFAA0  }
0x3ff: {  	[hbm4b:s19+s3] =	stream.linear.scatter [tilespmem:s20], [sflag:$0x8], $0x80, $0x38;
	[tilespmem:$0x10100] =	vst v63  }
0x400: {  	s19 =	sadd.s32 $0x50, s12;
	s20 =	simm.s32 $0xFB28  }
0x401: {  	[hbm4b:s19+s3] =	stream.linear.scatter [tilespmem:s20], [sflag:$0x8], $0x80, $0x38;
	[tilespmem:$0x10100] =	vst v63  }
0x402: {  	s18 =	sadd.s32 $0x60, s12;
	s19 =	simm.s32 $0xFBB0  }
0x403: {  	[hbm4b:s18+s3] =	stream.linear.scatter [tilespmem:s19], [sflag:$0x8], $0x80, $0x38;
	[tilespmem:$0x10100] =	vst v63  }
0x404: {  	s12 =	sadd.s32 $0x70, s12;
	s20 =	simm.s32 $0xFC38  }
0x405: {  	[hbm4b:s12+s3] =	stream.linear.scatter [tilespmem:s20], [sflag:$0x8], $0x80, $0x38;
	[tilespmem:$0x10100] =	vst v63  }
0x406: {  	s2 =	sadd.s32 s2, s10;
	s18 =	simm.s32 $0xFCC0  }
0x407: {  	[hbm4b:s2+s3] =	stream.linear.scatter [tilespmem:s18], [sflag:$0x8], $0x80, $0x38;
	[tilespmem:$0x10100] =	vst v63  }
0x408: {  	s19 =	sadd.s32 $0x10, s2  }
0x409: {  	[hbm4b:s19+s3] =	stream.linear.scatter [tilespmem:s21], [sflag:$0x8], $0x80, $0x38;
	[tilespmem:$0x10100] =	vst v63  }
0x40a: {  	s20 =	sadd.s32 $0x20, s2  }
0x40b: {  	[hbm4b:s20+s3] =	stream.linear.scatter [tilespmem:s4], [sflag:$0x8], $0x80, $0x38;
	[tilespmem:$0x10100] =	vst v63  }
0x40c: {  	s13 =	sadd.s32 $0x30, s2  }
0x40d: {  	[hbm4b:s13+s3] =	stream.linear.scatter [tilespmem:s7], [sflag:$0x8], $0x80, $0x38;
	[tilespmem:$0x10100] =	vst v63  }
0x40e: {  	s18 =	sadd.s32 $0x40, s2  }
0x40f: {  	[hbm4b:s18+s3] =	stream.linear.scatter [tilespmem:s11], [sflag:$0x8], $0x80, $0x38;
	[tilespmem:$0x10100] =	vst v63  }
0x410: {  	s19 =	sadd.s32 $0x50, s2  }
0x411: {  	[hbm4b:s19+s3] =	stream.linear.scatter [tilespmem:s14], [sflag:$0x8], $0x80, $0x38;
	[tilespmem:$0x10100] =	vst v63  }
.Ltmp6:
0x412: {  	_ = 	snop;
	(pc) =	sbr.rel @p1 .LBB2_12-.Ltmp6, $4  }
0x413: {  	s20 =	sadd.s32 $0x60, s2  }
0x414: {  	[hbm4b:s20+s3] =	stream.linear.scatter [tilespmem:s22], [sflag:$0x8], $0x80, $0x38;
	[tilespmem:$0x10100] =	vst v63  }
0x415: {  	s2 =	sadd.s32 $0x70, s2  }
0x416: {  	[hbm4b:s2+s3] =	stream.linear.scatter [tilespmem:s28], [sflag:$0x8], $0x80, $0x38;
	[tilespmem:$0x10100] =	vst v63  }
.Ltmp7:
0x417: {  	(pc) =	sbr.rel .LBB2_2-.Ltmp7, $4  }
0x418: {  	s0 =	sshll.u32 s0, $0x7  }
0x419: {  	s0 =	sadd.s32 $0x380, s0  }
0x41a: {  	s2 =	simm.s32 $0xAD00;
	s31 =	sadd.s32 $0x1, s31;
	s0 =	sand.u32 $0xFF80, s0  }
0x41b: {  	[tilespmem:s2], [sflag:$0x4] =	stream.indirect.gather [hbm4b:s6+s16], $0x20, s0, s16, $0xb8;
	[tilespmem:$0x10100] =	vst v63  }
.LBB2_13:
0x41c: {  	_ =	sfence.sel $0x180000  }
0x41d: {  	[bflag:$0x0] =	sbarrier.arrive $0xFFFF  }
0x41e: {  	_ =	strace $0x90000047  }
0x41f: {  	s0 =	stileid.u32;
	[bflag:$0x2] =	sbarrier.arrive $0xFFFF  }
0x420: {  	p0 =	sne.s32 s0, $0x0;
	s0 =	rddreg [dreg:$0x3]  }
0x421: {  	s0 =	sadd.s32 @!p0 $0x100000, s0  }
0x422: {  	[sflag:s0] =	ssyncadd.tile.s32 @!p0 $0x1;
	_ =	shalt  }
.Lfunc_end2:
_tile_overlayer_lowered:
.L_overlay_start_2:
0x423: {  	(tag) =	ssettag $0x2  }
0x424: {  	s0 =	rddreg [dreg:$0x0];
	s2 =	stileid.u32  }
0x425: {  	s1 =	rddreg [dreg:$0x1];
	p0 =	sne.s32 s2, $0x0  }
0x426: {  	s3 =	rddreg [dreg:$0x2];
	[bflag:$0x3] =	sbarrier.arrive $0xFFFF;
	s2 =	simm.s32 @!p0 $0x1C09  }
0x427: {  	[timem:s3], [sflag:s2] =	dma.local @!p0 [hbm:s0], s1  }
0x428: {  	s0 =	simm.s32 @!p0 $0x9  }
0x429: {  	_ =	swait.ge @!p0 [sflag:s0], s1  }
0x42a: {  	s1 =	ssub.s32 @!p0 $0x0, s1;
	[sflag:s0] =	ssyncset.done @!p0 $0x0  }
0x42b: {  	[sflag:s0] =	ssyncadd.s32 @!p0 s1  }
0x42c: {  	[bflag:$0x3] =	sbarrier.arrive $0xFFFF  }
0x42d: {  	_ =	shalt  }

</sc_bundles>
